<compile_context>
chip_gen: v7x
topology: tpu7x:2x2x1
jax: 0.10.2.dev20260603
libtpu: 0.0.44.dev20260713+nightly
codegen_flags: <defaults>
</compile_context>

<pallas_src>
import functools

import jax
import jax.numpy as jnp
from jax import lax
from jax.experimental import pallas as pl
from jax.experimental.pallas import tpu as pltpu
from jax.experimental.pallas import tpu_sc as plsc

N = 10000
E = 320000
D = 128

NC = 2
NS = 16
K = 40
EPT = E // (NC * NS)
CH = EPT // K
NB = 5
NS_RING = 2 * NB
GROUPS = CH // NS_RING
GBYTES = K * D * 4
IBYTES = K * 4
RPT = 632
RPT_LAST = N - RPT * (NS - 1)
ZB = K
ZTAIL = RPT - (RPT // ZB) * ZB

MM_BLK = 2000


def _combine_mm_relu_kernel(p_ref, w_ref, o_ref):
    agg = p_ref[0] + p_ref[1]
    o_ref[...] = jnp.maximum(
        jnp.dot(agg, w_ref[...], preferred_element_type=jnp.float32), 0.0)


def _combine_mm_relu(partials, w):
    return pl.pallas_call(
        _combine_mm_relu_kernel,
        grid=(N // MM_BLK,),
        in_specs=[
            pl.BlockSpec((NC, MM_BLK, D), lambda i: (0, i, 0)),
            pl.BlockSpec((D, D), lambda i: (0, 0)),
        ],
        out_specs=pl.BlockSpec((MM_BLK, D), lambda i: (i, 0)),
        out_shape=jax.ShapeDtypeStruct((N, D), jnp.float32),
    )(partials, w)


_SC_MESH = plsc.VectorSubcoreMesh(
    core_axis_name="c", subcore_axis_name="s", num_cores=NC, num_subcores=NS)


@functools.partial(
    pl.kernel,
    out_type=jax.ShapeDtypeStruct((NC, N, D), jnp.float32),
    mesh=_SC_MESH,
    scratch_types=[
        pltpu.VMEM((NS_RING, K), jnp.int32),
        pltpu.VMEM((NB, K), jnp.int32),
        pltpu.VMEM((NB, K, D), jnp.float32),
        pltpu.VMEM_SHARED((N, D), jnp.float32),
        [pltpu.SemaphoreType.DMA] * NB,
        [pltpu.SemaphoreType.DMA] * NS_RING,
        pltpu.SemaphoreType.DMA,
    ],
)
def _segsum_sc(h_hbm, src_hbm, dst_hbm, out_hbm,
               src_v, dst_v, rows_v, acc_sh, slot_sems, src_sems, ssem):
    cid = lax.axis_index("c")
    sid = lax.axis_index("s")
    ebase = (cid * NS + sid) * EPT
    row_base = pl.multiple_of(sid * RPT, 8)
    nrows = jnp.where(sid == NS - 1, RPT_LAST, RPT)

    z16 = jnp.zeros((16,), jnp.float32)

    @pl.loop(0, ZB * (D // 16))
    def _(i):
        rows_v[0, i // (D // 16), pl.ds((i % (D // 16)) * 16, 16)] = z16

    @pl.loop(0, nrows // ZB)
    def _(r):
        pltpu.async_copy(
            rows_v.at[0],
            acc_sh.at[pl.ds(pl.multiple_of(row_base + r * ZB, 8), ZB)],
            ssem)

    @pl.when(sid < NS - 1)
    def _():
        pltpu.async_copy(
            rows_v.at[0, pl.ds(0, ZTAIL)],
            acc_sh.at[pl.ds(pl.multiple_of(row_base + (RPT // ZB) * ZB, 8),
                            ZTAIL)],
            ssem)

    @pl.loop(0, nrows // ZB)
    def _(r):
        pltpu.make_async_copy(
            rows_v.at[0], acc_sh.at[pl.ds(row_base, ZB)], ssem).wait()

    @pl.when(sid < NS - 1)
    def _():
        pltpu.make_async_copy(
            rows_v.at[0, pl.ds(0, ZTAIL)],
            acc_sh.at[pl.ds(row_base, ZTAIL)], ssem).wait()

    plsc.subcore_barrier()

    def _src_fill(c, s):
        pltpu.async_copy(
            src_hbm.at[pl.ds(ebase + c * K, K)], src_v.at[s], src_sems[s])

    def _src_wait(s):
        pltpu.make_async_copy(
            src_hbm.at[pl.ds(0, K)], src_v.at[s], src_sems[s]).wait()

    def _scatter_wait(b):
        pltpu.make_async_copy(
            rows_v.at[b], acc_sh.at[dst_v.at[b]], ssem).wait()

    for s in range(NS_RING):
        _src_fill(s, s)
    for c in range(NB):
        pltpu.async_copy(
            dst_hbm.at[pl.ds(ebase + c * K, K)], dst_v.at[c], slot_sems[c])
        _src_wait(c)
        pltpu.async_copy(h_hbm.at[src_v.at[c]], rows_v.at[c], slot_sems[c])

    @pl.loop(0, GROUPS)
    def _(g):
        for i in range(NS_RING):
            v = g * NS_RING + i
            b = i % NB
            bp = (b - 1) % NB
            sg = (i + NB - 1) % NS_RING
            sr = (i - 1) % NS_RING

            pltpu.make_async_copy(
                h_hbm.at[src_v.at[0]], rows_v.at[b], slot_sems[b]).wait()
            pltpu.make_async_copy(
                dst_hbm.at[pl.ds(0, K)], dst_v.at[b], slot_sems[b]).wait()

            if i == 0:
                pl.when(g > 0)(lambda: _scatter_wait(NB - 1))
            else:
                _scatter_wait(bp)

            pltpu.async_copy(
                rows_v.at[b], acc_sh.at[dst_v.at[b]], ssem, add=True)

            def _refill(v=v, bp=bp, sg=sg):
                pltpu.async_copy(
                    dst_hbm.at[pl.ds(ebase + (v + NB - 1) * K, K)],
                    dst_v.at[bp], slot_sems[bp])
                _src_wait(sg)
                pltpu.async_copy(
                    h_hbm.at[src_v.at[sg]], rows_v.at[bp], slot_sems[bp])

            if i == 0:
                pl.when(g > 0)(_refill)
            elif i <= NB:
                _refill()
            else:
                pl.when(g < GROUPS - 1)(_refill)

            def _src_refill(v=v, sr=sr):
                _src_fill_dyn = pltpu.async_copy(
                    src_hbm.at[pl.ds(ebase + (v + NS_RING - 1) * K, K)],
                    src_v.at[sr], src_sems[sr])

            if i == 0:
                pl.when(g > 0)(_src_refill)
            else:
                pl.when(g < GROUPS - 1)(_src_refill)

    _scatter_wait((CH - 1) % NB)

    plsc.subcore_barrier()

    @pl.when(sid < NS - 1)
    def _():
        pltpu.sync_copy(acc_sh.at[pl.ds(row_base, RPT)],
                        out_hbm.at[cid, pl.ds(row_base, RPT)])

    @pl.when(sid == NS - 1)
    def _():
        pltpu.sync_copy(acc_sh.at[pl.ds(row_base, RPT_LAST)],
                        out_hbm.at[cid, pl.ds(row_base, RPT_LAST)])


def _segment_sum_partials(h, src, dst):
    return _segsum_sc(h, src, dst)


def kernel(x, edge_index, hyper_edge_index, W1, W2):
    src, dst = edge_index[0], edge_index[1]
    hsrc, hdst = hyper_edge_index[0], hyper_edge_index[1]

    p1 = _segment_sum_partials(x, src, dst)
    x1 = _combine_mm_relu(p1, W1)
    p2 = _segment_sum_partials(x1, hsrc, hdst)
    return _combine_mm_relu(p2, W2)

# --- scband reference (transcript-rebuilt; emitter-appended) ---
"""Pipeline reference for scband-hyper-gcnbranch-83528523973328 (READ-ONLY COPY).

The authoritative reference and input builder live on the scoring server;
editing this copy changes nothing except your own understanding.
"""

import jax, jax.numpy as jnp
import numpy as np

N = 10000
E = 320000
D_IN = 128
D_EMB = 128


def setup_inputs(seed: int = 0) -> dict:
    key = jax.random.key(seed)
    k0, k1, k2, k3, k4 = jax.random.split(key, 5)
    x = jax.random.normal(k0, (N, D_IN), dtype=jnp.float32)
    edge_index = jax.random.randint(k1, (2, E), 0, N, dtype=jnp.int32)
    hyper_edge_index = jax.random.randint(k2, (2, E), 0, N, dtype=jnp.int32)
    W1 = jax.random.normal(k3, (D_IN, D_EMB), dtype=jnp.float32) * (1.0 / np.sqrt(D_IN))
    W2 = jax.random.normal(k4, (D_EMB, D_EMB), dtype=jnp.float32) * (1.0 / np.sqrt(D_EMB))
    return {"x": x, "edge_index": edge_index, "hyper_edge_index": hyper_edge_index, "W1": W1, "W2": W2}


def reference(x, edge_index, hyper_edge_index, W1, W2):
    # GraphConvolutionSparse: h = relu(A @ (x @ W1)); sparse A applied via gather + scatter-add
    src, dst = edge_index[0], edge_index[1]
    h = x @ W1
    msg = jnp.take(h, src, axis=0)
    agg = jax.ops.segment_sum(msg, dst, num_segments=N)
    x1 = jax.nn.relu(agg)
    # GraphConvolution with hyper_adj: out = relu(H @ (x1 @ W2))
    hsrc, hdst = hyper_edge_index[0], hyper_edge_index[1]
    h2 = x1 @ W2
    msg2 = jnp.take(h2, hsrc, axis=0)
    agg2 = jax.ops.segment_sum(msg2, hdst, num_segments=N)
    out = jax.nn.relu(agg2)
    return out

if __name__ == "__main__":
    import jax
    _d = setup_inputs()
    print(jax.jit(kernel)(*tuple(_d.values())))

</pallas_src>

<mosaic_0001>
#map = affine_map<(d0, d1) -> (0, 0)>
#map1 = affine_map<(d0, d1) -> (0)>
#map2 = affine_map<(d0, d1) -> (0, 0, 0)>
module attributes {stable_mosaic.version = 14 : i64} {
  func.func @_segsum_sc(%arg0: i32, %arg1: i32, %arg2: memref<10000x128xf32, #tpu.memory_space<hbm>>, %arg3: memref<320000xi32, #tpu.memory_space<hbm>>, %arg4: memref<320000xi32, #tpu.memory_space<hbm>>, %arg5: memref<2x10000x128xf32, #tpu.memory_space<hbm>>, %arg6: memref<10x40xi32, #tpu.memory_space<vmem>>, %arg7: memref<5x40xi32, #tpu.memory_space<vmem>>, %arg8: memref<5x40x128xf32, #tpu.memory_space<vmem>>, %arg9: memref<10000x128xf32, #tpu.memory_space<vmem_shared>>, %arg10: memref<!tpu.dma_semaphore, #tpu.memory_space<semaphore_mem>>, %arg11: memref<!tpu.dma_semaphore, #tpu.memory_space<semaphore_mem>>, %arg12: memref<!tpu.dma_semaphore, #tpu.memory_space<semaphore_mem>>, %arg13: memref<!tpu.dma_semaphore, #tpu.memory_space<semaphore_mem>>, %arg14: memref<!tpu.dma_semaphore, #tpu.memory_space<semaphore_mem>>, %arg15: memref<!tpu.dma_semaphore, #tpu.memory_space<semaphore_mem>>, %arg16: memref<!tpu.dma_semaphore, #tpu.memory_space<semaphore_mem>>, %arg17: memref<!tpu.dma_semaphore, #tpu.memory_space<semaphore_mem>>, %arg18: memref<!tpu.dma_semaphore, #tpu.memory_space<semaphore_mem>>, %arg19: memref<!tpu.dma_semaphore, #tpu.memory_space<semaphore_mem>>, %arg20: memref<!tpu.dma_semaphore, #tpu.memory_space<semaphore_mem>>, %arg21: memref<!tpu.dma_semaphore, #tpu.memory_space<semaphore_mem>>, %arg22: memref<!tpu.dma_semaphore, #tpu.memory_space<semaphore_mem>>, %arg23: memref<!tpu.dma_semaphore, #tpu.memory_space<semaphore_mem>>, %arg24: memref<!tpu.dma_semaphore, #tpu.memory_space<semaphore_mem>>, %arg25: memref<!tpu.dma_semaphore, #tpu.memory_space<semaphore_mem>>) attributes {dimension_semantics = [#tpu.dimension_semantics<core_parallel>, #tpu.dimension_semantics<subcore_parallel>], iteration_bounds = array<i64: 2, 16>, scalar_prefetch = 0 : i64, scratch_operands = 20 : i64, tpu.core_type = #tpu.core_type<sc_vector_subcore>, window_params = [{transform_indices = #map}, {transform_indices = #map1}, {transform_indices = #map1}, {transform_indices = #map2}]} {
    %mul3A = arith.constant 16 : i32
    %mul3A_0 = arith.muli %arg0, %mul3A : i32
    %add3A = arith.addi %mul3A_0, %arg1 : i32
    %mul3A_1 = arith.constant 10000 : i32
    %mul3A_2 = arith.muli %add3A, %mul3A_1 : i32
    %mul3A_3 = arith.constant 632 : i32
    %mul3A_4 = arith.muli %arg1, %mul3A_3 : i32
    %multiple_of3A = tpu.assume_multiple %mul3A_4, 8 : i32
    %eq3A = arith.constant 15 : i32
    %eq3A_5 = arith.cmpi eq, %arg1, %eq3A : i32
    %jit3A = arith.constant 520 : i32
    %jit3A_6 = arith.constant 632 : i32
    %select_n3A = arith.select %eq3A_5, %jit3A, %jit3A_6 : i32
    %broadcast_in_dim3A = arith.constant 0.000000e+00 : f32
    %broadcast_in_dim3A_7 = vector.broadcast %broadcast_in_dim3A : f32 to vector<16xf32>
    %scan3A = arith.constant 0 : i32
    %scan3A_8 = arith.constant 320 : i32
    %scan3A_9 = arith.addi %scan3A, %scan3A_8 : i32
    %scan3A_10 = arith.constant 1 : i32
    scf.for %scan3A_404 = %scan3A to %scan3A_9 step %scan3A_10  : i32 {
      %mul3A_405 = arith.constant 1 : i32
      %mul3A_406 = arith.muli %scan3A_404, %mul3A_405 : i32
      %add3A_407 = arith.constant 0 : i32
      %add3A_408 = arith.addi %add3A_407, %mul3A_406 : i32
      %jit3A_409 = arith.constant 8 : i32
      %div3A_410 = arith.divsi %add3A_408, %jit3A_409 : i32
      %sign3A_411 = arith.constant 0 : i32
      %sign3A_412 = arith.cmpi sgt, %add3A_408, %sign3A_411 : i32
      %sign3A_413 = arith.extui %sign3A_412 : i1 to i32
      %sign3A_414 = arith.constant 0 : i32
      %sign3A_415 = arith.cmpi slt, %add3A_408, %sign3A_414 : i32
      %sign3A_416 = arith.extui %sign3A_415 : i1 to i32
      %sign3A_417 = arith.subi %sign3A_413, %sign3A_416 : i32
      %sign3A_418 = arith.constant 0 : i32
      %sign3A_419 = arith.cmpi sgt, %jit3A_409, %sign3A_418 : i32
      %sign3A_420 = arith.extui %sign3A_419 : i1 to i32
      %sign3A_421 = arith.constant 0 : i32
      %sign3A_422 = arith.cmpi slt, %jit3A_409, %sign3A_421 : i32
      %sign3A_423 = arith.extui %sign3A_422 : i1 to i32
      %sign3A_424 = arith.subi %sign3A_420, %sign3A_423 : i32
      %ne3A_425 = arith.cmpi ne, %sign3A_417, %sign3A_424 : i32
      %rem3A_426 = arith.remsi %add3A_408, %jit3A_409 : i32
      %ne3A_427 = arith.constant 0 : i32
      %ne3A_428 = arith.cmpi ne, %rem3A_426, %ne3A_427 : i32
      %and3A_429 = arith.andi %ne3A_425, %ne3A_428 : i1
      %sub3A_430 = arith.constant 1 : i32
      %sub3A_431 = arith.subi %div3A_410, %sub3A_430 : i32
      %select_n3A_432 = arith.select %and3A_429, %sub3A_431, %div3A_410 : i32
      %jit3A_433 = arith.constant 8 : i32
      %eq3A_434 = arith.constant 0 : i32
      %eq3A_435 = arith.cmpi eq, %jit3A_433, %eq3A_434 : i32
      %jit3A_436 = arith.constant 1 : i32
      %select_n3A_437 = arith.select %eq3A_435, %jit3A_436, %jit3A_433 : i32
      %rem3A_438 = arith.remsi %add3A_408, %select_n3A_437 : i32
      %ne3A_439 = arith.constant 0 : i32
      %ne3A_440 = arith.cmpi ne, %rem3A_438, %ne3A_439 : i32
      %lt3A_441 = arith.constant 0 : i32
      %lt3A_442 = arith.cmpi slt, %rem3A_438, %lt3A_441 : i32
      %lt3A_443 = arith.constant 0 : i32
      %lt3A_444 = arith.cmpi slt, %select_n3A_437, %lt3A_443 : i32
      %ne3A_445 = arith.xori %lt3A_442, %lt3A_444 : i1
      %and3A_446 = arith.andi %ne3A_445, %ne3A_440 : i1
      %add3A_447 = arith.addi %rem3A_438, %select_n3A_437 : i32
      %select_n3A_448 = arith.select %and3A_446, %add3A_447, %rem3A_438 : i32
      %mul3A_449 = arith.constant 16 : i32
      %mul3A_450 = arith.muli %select_n3A_448, %mul3A_449 : i32
      %swap3A = arith.constant 0 : i32
      %swap3A_451 = arith.index_cast %swap3A : i32 to index
      %swap3A_452 = arith.index_cast %select_n3A_432 : i32 to index
      %swap3A_453 = arith.index_cast %mul3A_450 : i32 to index
      %swap3A_454 = tpu.vector_load %arg8[%swap3A_451, %swap3A_452, %swap3A_453] {strides = array<i32>} : memref<5x40x128xf32, #tpu.memory_space<vmem>>, vector<1x1x16xf32>,
      %swap3A_455 = vector.shape_cast %swap3A_454 : vector<1x1x16xf32> to vector<16xf32>
      %swap3A_456 = vector.shape_cast %broadcast_in_dim3A_7 : vector<16xf32> to vector<1x1x16xf32>
      tpu.vector_store %arg8[%swap3A_451, %swap3A_452, %swap3A_453], %swap3A_456 {strides = array<i32>} : memref<5x40x128xf32, #tpu.memory_space<vmem>>, vector<1x1x16xf32>,
    }
    %scan3A_11 = arith.constant 320 : i32
    %jit3A_12 = arith.constant 40 : i32
    %div3A = arith.divsi %select_n3A, %jit3A_12 : i32
    %sign3A = arith.constant 0 : i32
    %sign3A_13 = arith.cmpi sgt, %select_n3A, %sign3A : i32
    %sign3A_14 = arith.extui %sign3A_13 : i1 to i32
    %sign3A_15 = arith.constant 0 : i32
    %sign3A_16 = arith.cmpi slt, %select_n3A, %sign3A_15 : i32
    %sign3A_17 = arith.extui %sign3A_16 : i1 to i32
    %sign3A_18 = arith.subi %sign3A_14, %sign3A_17 : i32
    %sign3A_19 = arith.constant 0 : i32
    %sign3A_20 = arith.cmpi sgt, %jit3A_12, %sign3A_19 : i32
    %sign3A_21 = arith.extui %sign3A_20 : i1 to i32
    %sign3A_22 = arith.constant 0 : i32
    %sign3A_23 = arith.cmpi slt, %jit3A_12, %sign3A_22 : i32
    %sign3A_24 = arith.extui %sign3A_23 : i1 to i32
    %sign3A_25 = arith.subi %sign3A_21, %sign3A_24 : i32
    %ne3A = arith.cmpi ne, %sign3A_18, %sign3A_25 : i32
    %rem3A = arith.remsi %select_n3A, %jit3A_12 : i32
    %ne3A_26 = arith.constant 0 : i32
    %ne3A_27 = arith.cmpi ne, %rem3A, %ne3A_26 : i32
    %and3A = arith.andi %ne3A, %ne3A_27 : i1
    %sub3A = arith.constant 1 : i32
    %sub3A_28 = arith.subi %div3A, %sub3A : i32
    %select_n3A_29 = arith.select %and3A, %sub3A_28, %div3A : i32
    %sub3A_30 = arith.constant 0 : i32
    %sub3A_31 = arith.subi %select_n3A_29, %sub3A_30 : i32
    %sub3A_32 = arith.constant 1 : i32
    %sub3A_33 = arith.constant 1 : i32
    %sub3A_34 = arith.subi %sub3A_32, %sub3A_33 : i32
    %add3A_35 = arith.addi %sub3A_31, %sub3A_34 : i32
    %div3A_36 = arith.constant 1 : i32
    %div3A_37 = arith.divsi %add3A_35, %div3A_36 : i32
    %while3A = arith.constant 1 : i32
    %while3A_38 = arith.constant 0 : i32
    %while3A_39 = arith.constant 0 : i32
    %while3A_40 = arith.subi %div3A_37, %while3A_39 : i32
    %while3A_41 = arith.addi %while3A_39, %while3A_40 : i32
    %while3A_42 = arith.constant 1 : i32
    %while3A_43 = arith.divsi %while3A_40, %while3A_42 : i32
    %while3A_44 = arith.muli %while3A_43, %while3A_42 : i32
    %while3A_45 = arith.addi %while3A_39, %while3A_44 : i32
    %while3A_46 = arith.constant 1 : i32
    scf.for %while3A_404 = %while3A_39 to %while3A_45 step %while3A_46  : i32 {
      %mul3A_405 = arith.muli %while3A_404, %while3A : i32
      %add3A_406 = arith.addi %while3A_38, %mul3A_405 : i32
      %mul3A_407 = arith.constant 40 : i32
      %mul3A_408 = arith.muli %add3A_406, %mul3A_407 : i32
      %add3A_409 = arith.addi %multiple_of3A, %mul3A_408 : i32
      %multiple_of3A_410 = tpu.assume_multiple %add3A_409, 8 : i32
      %dma_start3A_411 = arith.constant 0 : i32
      %dma_start3A_412 = arith.constant 0 : i32
      %dma_start3A_413 = arith.constant 0 : i32
      %dma_start3A_414 = tpu.memref_slice %arg8[%dma_start3A_411, %dma_start3A_412, %dma_start3A_413] : memref<5x40x128xf32, #tpu.memory_space<vmem>> -> memref<1x40x128xf32, #tpu.memory_space<vmem>>
      %dma_start3A_415 = tpu.memref_squeeze %dma_start3A_414 : memref<1x40x128xf32, #tpu.memory_space<vmem>> -> memref<40x128xf32, #tpu.memory_space<vmem>>
      %dma_start3A_416 = arith.constant 0 : i32
      %dma_start3A_417 = tpu.memref_slice %arg9[%multiple_of3A_410, %dma_start3A_416] : memref<10000x128xf32, #tpu.memory_space<vmem_shared>> -> memref<40x128xf32, #tpu.memory_space<vmem_shared>>
      %dma_start3A_418 = arith.constant 0 : i32
      %dma_start3A_419 = tpu.memref_slice %arg9[%multiple_of3A_410, %dma_start3A_418] : memref<10000x128xf32, #tpu.memory_space<vmem_shared>> -> memref<40x128xf32, #tpu.memory_space<vmem_shared>>
      %dma_start3A_420 = arith.constant 0 : i32
      %dma_start3A_421 = arith.constant 0 : i32
      %dma_start3A_422 = tpu.memref_slice %arg8[%dma_start3A_411, %dma_start3A_420, %dma_start3A_421] : memref<5x40x128xf32, #tpu.memory_space<vmem>> -> memref<1x40x128xf32, #tpu.memory_space<vmem>>
      %dma_start3A_423 = tpu.memref_squeeze %dma_start3A_422 : memref<1x40x128xf32, #tpu.memory_space<vmem>> -> memref<40x128xf32, #tpu.memory_space<vmem>>
      tpu.enqueue_dma source(%dma_start3A_423 : memref<40x128xf32, #tpu.memory_space<vmem>>) target(%dma_start3A_419 : memref<40x128xf32, #tpu.memory_space<vmem_shared>>) target_semaphore(%arg25 : memref<!tpu.dma_semaphore, #tpu.memory_space<semaphore_mem>>)
    }
    %while3A_47 = arith.constant 1 : i32
    scf.for %while3A_404 = %while3A_45 to %while3A_41 step %while3A_47  : i32 {
      %mul3A_405 = arith.muli %while3A_404, %while3A : i32
      %add3A_406 = arith.addi %while3A_38, %mul3A_405 : i32
      %mul3A_407 = arith.constant 40 : i32
      %mul3A_408 = arith.muli %add3A_406, %mul3A_407 : i32
      %add3A_409 = arith.addi %multiple_of3A, %mul3A_408 : i32
      %multiple_of3A_410 = tpu.assume_multiple %add3A_409, 8 : i32
      %dma_start3A_411 = arith.constant 0 : i32
      %dma_start3A_412 = arith.constant 0 : i32
      %dma_start3A_413 = arith.constant 0 : i32
      %dma_start3A_414 = tpu.memref_slice %arg8[%dma_start3A_411, %dma_start3A_412, %dma_start3A_413] : memref<5x40x128xf32, #tpu.memory_space<vmem>> -> memref<1x40x128xf32, #tpu.memory_space<vmem>>
      %dma_start3A_415 = tpu.memref_squeeze %dma_start3A_414 : memref<1x40x128xf32, #tpu.memory_space<vmem>> -> memref<40x128xf32, #tpu.memory_space<vmem>>
      %dma_start3A_416 = arith.constant 0 : i32
      %dma_start3A_417 = tpu.memref_slice %arg9[%multiple_of3A_410, %dma_start3A_416] : memref<10000x128xf32, #tpu.memory_space<vmem_shared>> -> memref<40x128xf32, #tpu.memory_space<vmem_shared>>
      %dma_start3A_418 = arith.constant 0 : i32
      %dma_start3A_419 = tpu.memref_slice %arg9[%multiple_of3A_410, %dma_start3A_418] : memref<10000x128xf32, #tpu.memory_space<vmem_shared>> -> memref<40x128xf32, #tpu.memory_space<vmem_shared>>
      %dma_start3A_420 = arith.constant 0 : i32
      %dma_start3A_421 = arith.constant 0 : i32
      %dma_start3A_422 = tpu.memref_slice %arg8[%dma_start3A_411, %dma_start3A_420, %dma_start3A_421] : memref<5x40x128xf32, #tpu.memory_space<vmem>> -> memref<1x40x128xf32, #tpu.memory_space<vmem>>
      %dma_start3A_423 = tpu.memref_squeeze %dma_start3A_422 : memref<1x40x128xf32, #tpu.memory_space<vmem>> -> memref<40x128xf32, #tpu.memory_space<vmem>>
      tpu.enqueue_dma source(%dma_start3A_423 : memref<40x128xf32, #tpu.memory_space<vmem>>) target(%dma_start3A_419 : memref<40x128xf32, #tpu.memory_space<vmem_shared>>) target_semaphore(%arg25 : memref<!tpu.dma_semaphore, #tpu.memory_space<semaphore_mem>>)
    }
    %lt3A = arith.constant 15 : i32
    %lt3A_48 = arith.cmpi slt, %arg1, %lt3A : i32
    %convert_element_type3A = arith.extui %lt3A_48 : i1 to i32
    %cond3A = arith.constant 0 : i32
    %cond3A_49 = arith.cmpi ne, %convert_element_type3A, %cond3A : i32
    scf.if %cond3A_49 {
      %add3A_404 = arith.constant 600 : i32
      %add3A_405 = arith.addi %multiple_of3A, %add3A_404 : i32
      %multiple_of3A_406 = tpu.assume_multiple %add3A_405, 8 : i32
      %dma_start3A_407 = arith.constant 0 : i32
      %dma_start3A_408 = arith.constant 0 : i32
      %dma_start3A_409 = arith.constant 0 : i32
      %dma_start3A_410 = tpu.memref_slice %arg8[%dma_start3A_407, %dma_start3A_408, %dma_start3A_409] : memref<5x40x128xf32, #tpu.memory_space<vmem>> -> memref<1x32x128xf32, #tpu.memory_space<vmem>>
      %dma_start3A_411 = tpu.memref_squeeze %dma_start3A_410 : memref<1x32x128xf32, #tpu.memory_space<vmem>> -> memref<32x128xf32, #tpu.memory_space<vmem>>
      %dma_start3A_412 = arith.constant 0 : i32
      %dma_start3A_413 = tpu.memref_slice %arg9[%multiple_of3A_406, %dma_start3A_412] : memref<10000x128xf32, #tpu.memory_space<vmem_shared>> -> memref<32x128xf32, #tpu.memory_space<vmem_shared>>
      %dma_start3A_414 = arith.constant 0 : i32
      %dma_start3A_415 = tpu.memref_slice %arg9[%multiple_of3A_406, %dma_start3A_414] : memref<10000x128xf32, #tpu.memory_space<vmem_shared>> -> memref<32x128xf32, #tpu.memory_space<vmem_shared>>
      %dma_start3A_416 = arith.constant 0 : i32
      %dma_start3A_417 = arith.constant 0 : i32
      %dma_start3A_418 = tpu.memref_slice %arg8[%dma_start3A_407, %dma_start3A_416, %dma_start3A_417] : memref<5x40x128xf32, #tpu.memory_space<vmem>> -> memref<1x32x128xf32, #tpu.memory_space<vmem>>
      %dma_start3A_419 = tpu.memref_squeeze %dma_start3A_418 : memref<1x32x128xf32, #tpu.memory_space<vmem>> -> memref<32x128xf32, #tpu.memory_space<vmem>>
      tpu.enqueue_dma source(%dma_start3A_419 : memref<32x128xf32, #tpu.memory_space<vmem>>) target(%dma_start3A_415 : memref<32x128xf32, #tpu.memory_space<vmem_shared>>) target_semaphore(%arg25 : memref<!tpu.dma_semaphore, #tpu.memory_space<semaphore_mem>>)
    } else {
    }
    %jit3A_50 = arith.constant 40 : i32
    %div3A_51 = arith.divsi %select_n3A, %jit3A_50 : i32
    %sign3A_52 = arith.constant 0 : i32
    %sign3A_53 = arith.cmpi sgt, %select_n3A, %sign3A_52 : i32
    %sign3A_54 = arith.extui %sign3A_53 : i1 to i32
    %sign3A_55 = arith.constant 0 : i32
    %sign3A_56 = arith.cmpi slt, %select_n3A, %sign3A_55 : i32
    %sign3A_57 = arith.extui %sign3A_56 : i1 to i32
    %sign3A_58 = arith.subi %sign3A_54, %sign3A_57 : i32
    %sign3A_59 = arith.constant 0 : i32
    %sign3A_60 = arith.cmpi sgt, %jit3A_50, %sign3A_59 : i32
    %sign3A_61 = arith.extui %sign3A_60 : i1 to i32
    %sign3A_62 = arith.constant 0 : i32
    %sign3A_63 = arith.cmpi slt, %jit3A_50, %sign3A_62 : i32
    %sign3A_64 = arith.extui %sign3A_63 : i1 to i32
    %sign3A_65 = arith.subi %sign3A_61, %sign3A_64 : i32
    %ne3A_66 = arith.cmpi ne, %sign3A_58, %sign3A_65 : i32
    %rem3A_67 = arith.remsi %select_n3A, %jit3A_50 : i32
    %ne3A_68 = arith.constant 0 : i32
    %ne3A_69 = arith.cmpi ne, %rem3A_67, %ne3A_68 : i32
    %and3A_70 = arith.andi %ne3A_66, %ne3A_69 : i1
    %sub3A_71 = arith.constant 1 : i32
    %sub3A_72 = arith.subi %div3A_51, %sub3A_71 : i32
    %select_n3A_73 = arith.select %and3A_70, %sub3A_72, %div3A_51 : i32
    %sub3A_74 = arith.constant 0 : i32
    %sub3A_75 = arith.subi %select_n3A_73, %sub3A_74 : i32
    %sub3A_76 = arith.constant 1 : i32
    %sub3A_77 = arith.constant 1 : i32
    %sub3A_78 = arith.subi %sub3A_76, %sub3A_77 : i32
    %add3A_79 = arith.addi %sub3A_75, %sub3A_78 : i32
    %div3A_80 = arith.constant 1 : i32
    %div3A_81 = arith.divsi %add3A_79, %div3A_80 : i32
    %while3A_82 = arith.constant 1 : i32
    %while3A_83 = arith.constant 0 : i32
    %while3A_84 = arith.constant 0 : i32
    %while3A_85 = arith.subi %div3A_81, %while3A_84 : i32
    %while3A_86 = arith.addi %while3A_84, %while3A_85 : i32
    %while3A_87 = arith.constant 1 : i32
    %while3A_88 = arith.divsi %while3A_85, %while3A_87 : i32
    %while3A_89 = arith.muli %while3A_88, %while3A_87 : i32
    %while3A_90 = arith.addi %while3A_84, %while3A_89 : i32
    %while3A_91 = arith.constant 1 : i32
    scf.for %while3A_404 = %while3A_84 to %while3A_90 step %while3A_91  : i32 {
      %mul3A_405 = arith.muli %while3A_404, %while3A_82 : i32
      %add3A_406 = arith.addi %while3A_83, %mul3A_405 : i32
      %dma_wait3A_407 = arith.constant 0 : i32
      %dma_wait3A_408 = arith.constant 0 : i32
      %dma_wait3A_409 = arith.constant 0 : i32
      %dma_wait3A_410 = tpu.memref_slice %arg8[%dma_wait3A_407, %dma_wait3A_408, %dma_wait3A_409] : memref<5x40x128xf32, #tpu.memory_space<vmem>> -> memref<1x40x128xf32, #tpu.memory_space<vmem>>
      %dma_wait3A_411 = tpu.memref_squeeze %dma_wait3A_410 : memref<1x40x128xf32, #tpu.memory_space<vmem>> -> memref<40x128xf32, #tpu.memory_space<vmem>>
      %dma_wait3A_412 = arith.constant 0 : i32
      %dma_wait3A_413 = tpu.memref_slice %arg9[%multiple_of3A, %dma_wait3A_412] : memref<10000x128xf32, #tpu.memory_space<vmem_shared>> -> memref<40x128xf32, #tpu.memory_space<vmem_shared>>
      %dma_wait3A_414 = arith.constant 0 : i32
      %dma_wait3A_415 = tpu.memref_slice %arg9[%multiple_of3A, %dma_wait3A_414] : memref<10000x128xf32, #tpu.memory_space<vmem_shared>> -> memref<40x128xf32, #tpu.memory_space<vmem_shared>>
      %dma_wait3A_416 = arith.constant 0 : i32
      %dma_wait3A_417 = arith.constant 0 : i32
      %dma_wait3A_418 = tpu.memref_slice %arg8[%dma_wait3A_407, %dma_wait3A_416, %dma_wait3A_417] : memref<5x40x128xf32, #tpu.memory_space<vmem>> -> memref<1x40x128xf32, #tpu.memory_space<vmem>>
      %dma_wait3A_419 = tpu.memref_squeeze %dma_wait3A_418 : memref<1x40x128xf32, #tpu.memory_space<vmem>> -> memref<40x128xf32, #tpu.memory_space<vmem>>
      tpu.wait_dma2 semaphore(%arg25 : memref<!tpu.dma_semaphore, #tpu.memory_space<semaphore_mem>>) src(%dma_wait3A_419 : memref<40x128xf32, #tpu.memory_space<vmem>>) dst(%dma_wait3A_415 : memref<40x128xf32, #tpu.memory_space<vmem_shared>>)
    }
    %while3A_92 = arith.constant 1 : i32
    scf.for %while3A_404 = %while3A_90 to %while3A_86 step %while3A_92  : i32 {
      %mul3A_405 = arith.muli %while3A_404, %while3A_82 : i32
      %add3A_406 = arith.addi %while3A_83, %mul3A_405 : i32
      %dma_wait3A_407 = arith.constant 0 : i32
      %dma_wait3A_408 = arith.constant 0 : i32
      %dma_wait3A_409 = arith.constant 0 : i32
      %dma_wait3A_410 = tpu.memref_slice %arg8[%dma_wait3A_407, %dma_wait3A_408, %dma_wait3A_409] : memref<5x40x128xf32, #tpu.memory_space<vmem>> -> memref<1x40x128xf32, #tpu.memory_space<vmem>>
      %dma_wait3A_411 = tpu.memref_squeeze %dma_wait3A_410 : memref<1x40x128xf32, #tpu.memory_space<vmem>> -> memref<40x128xf32, #tpu.memory_space<vmem>>
      %dma_wait3A_412 = arith.constant 0 : i32
      %dma_wait3A_413 = tpu.memref_slice %arg9[%multiple_of3A, %dma_wait3A_412] : memref<10000x128xf32, #tpu.memory_space<vmem_shared>> -> memref<40x128xf32, #tpu.memory_space<vmem_shared>>
      %dma_wait3A_414 = arith.constant 0 : i32
      %dma_wait3A_415 = tpu.memref_slice %arg9[%multiple_of3A, %dma_wait3A_414] : memref<10000x128xf32, #tpu.memory_space<vmem_shared>> -> memref<40x128xf32, #tpu.memory_space<vmem_shared>>
      %dma_wait3A_416 = arith.constant 0 : i32
      %dma_wait3A_417 = arith.constant 0 : i32
      %dma_wait3A_418 = tpu.memref_slice %arg8[%dma_wait3A_407, %dma_wait3A_416, %dma_wait3A_417] : memref<5x40x128xf32, #tpu.memory_space<vmem>> -> memref<1x40x128xf32, #tpu.memory_space<vmem>>
      %dma_wait3A_419 = tpu.memref_squeeze %dma_wait3A_418 : memref<1x40x128xf32, #tpu.memory_space<vmem>> -> memref<40x128xf32, #tpu.memory_space<vmem>>
      tpu.wait_dma2 semaphore(%arg25 : memref<!tpu.dma_semaphore, #tpu.memory_space<semaphore_mem>>) src(%dma_wait3A_419 : memref<40x128xf32, #tpu.memory_space<vmem>>) dst(%dma_wait3A_415 : memref<40x128xf32, #tpu.memory_space<vmem_shared>>)
    }
    %lt3A_93 = arith.constant 15 : i32
    %lt3A_94 = arith.cmpi slt, %arg1, %lt3A_93 : i32
    %convert_element_type3A_95 = arith.extui %lt3A_94 : i1 to i32
    %cond3A_96 = arith.constant 0 : i32
    %cond3A_97 = arith.cmpi ne, %convert_element_type3A_95, %cond3A_96 : i32
    scf.if %cond3A_97 {
      %dma_wait3A_404 = arith.constant 0 : i32
      %dma_wait3A_405 = arith.constant 0 : i32
      %dma_wait3A_406 = arith.constant 0 : i32
      %dma_wait3A_407 = tpu.memref_slice %arg8[%dma_wait3A_404, %dma_wait3A_405, %dma_wait3A_406] : memref<5x40x128xf32, #tpu.memory_space<vmem>> -> memref<1x32x128xf32, #tpu.memory_space<vmem>>
      %dma_wait3A_408 = tpu.memref_squeeze %dma_wait3A_407 : memref<1x32x128xf32, #tpu.memory_space<vmem>> -> memref<32x128xf32, #tpu.memory_space<vmem>>
      %dma_wait3A_409 = arith.constant 0 : i32
      %dma_wait3A_410 = tpu.memref_slice %arg9[%multiple_of3A, %dma_wait3A_409] : memref<10000x128xf32, #tpu.memory_space<vmem_shared>> -> memref<32x128xf32, #tpu.memory_space<vmem_shared>>
      %dma_wait3A_411 = arith.constant 0 : i32
      %dma_wait3A_412 = tpu.memref_slice %arg9[%multiple_of3A, %dma_wait3A_411] : memref<10000x128xf32, #tpu.memory_space<vmem_shared>> -> memref<32x128xf32, #tpu.memory_space<vmem_shared>>
      %dma_wait3A_413 = arith.constant 0 : i32
      %dma_wait3A_414 = arith.constant 0 : i32
      %dma_wait3A_415 = tpu.memref_slice %arg8[%dma_wait3A_404, %dma_wait3A_413, %dma_wait3A_414] : memref<5x40x128xf32, #tpu.memory_space<vmem>> -> memref<1x32x128xf32, #tpu.memory_space<vmem>>
      %dma_wait3A_416 = tpu.memref_squeeze %dma_wait3A_415 : memref<1x32x128xf32, #tpu.memory_space<vmem>> -> memref<32x128xf32, #tpu.memory_space<vmem>>
      tpu.wait_dma2 semaphore(%arg25 : memref<!tpu.dma_semaphore, #tpu.memory_space<semaphore_mem>>) src(%dma_wait3A_416 : memref<32x128xf32, #tpu.memory_space<vmem>>) dst(%dma_wait3A_412 : memref<32x128xf32, #tpu.memory_space<vmem_shared>>)
    } else {
    }
    %barrier3A = arith.constant 0 : index
    tpu.barrier barrier_id(%barrier3A)
    %add3A_98 = arith.constant 0 : i32
    %add3A_99 = arith.addi %mul3A_2, %add3A_98 : i32
    %dma_start3A = arith.constant 0 : i32
    %dma_start3A_100 = arith.constant 0 : i32
    %dma_start3A_101 = tpu.memref_slice %arg6[%dma_start3A, %dma_start3A_100] : memref<10x40xi32, #tpu.memory_space<vmem>> -> memref<1x40xi32, #tpu.memory_space<vmem>>
    %dma_start3A_102 = tpu.memref_squeeze %dma_start3A_101 : memref<1x40xi32, #tpu.memory_space<vmem>> -> memref<40xi32, #tpu.memory_space<vmem>>
    %dma_start3A_103 = tpu.memref_slice %arg3[%add3A_99] : memref<320000xi32, #tpu.memory_space<hbm>> -> memref<40xi32, #tpu.memory_space<hbm>>
    %dma_start3A_104 = arith.constant 0 : i32
    %dma_start3A_105 = tpu.memref_slice %arg6[%dma_start3A, %dma_start3A_104] : memref<10x40xi32, #tpu.memory_space<vmem>> -> memref<1x40xi32, #tpu.memory_space<vmem>>
    %dma_start3A_106 = tpu.memref_squeeze %dma_start3A_105 : memref<1x40xi32, #tpu.memory_space<vmem>> -> memref<40xi32, #tpu.memory_space<vmem>>
    %dma_start3A_107 = tpu.memref_slice %arg3[%add3A_99] : memref<320000xi32, #tpu.memory_space<hbm>> -> memref<40xi32, #tpu.memory_space<hbm>>
    tpu.enqueue_dma source(%dma_start3A_107 : memref<40xi32, #tpu.memory_space<hbm>>) target(%dma_start3A_106 : memref<40xi32, #tpu.memory_space<vmem>>) target_semaphore(%arg15 : memref<!tpu.dma_semaphore, #tpu.memory_space<semaphore_mem>>)
    %add3A_108 = arith.constant 40 : i32
    %add3A_109 = arith.addi %mul3A_2, %add3A_108 : i32
    %dma_start3A_110 = arith.constant 1 : i32
    %dma_start3A_111 = arith.constant 0 : i32
    %dma_start3A_112 = tpu.memref_slice %arg6[%dma_start3A_110, %dma_start3A_111] : memref<10x40xi32, #tpu.memory_space<vmem>> -> memref<1x40xi32, #tpu.memory_space<vmem>>
    %dma_start3A_113 = tpu.memref_squeeze %dma_start3A_112 : memref<1x40xi32, #tpu.memory_space<vmem>> -> memref<40xi32, #tpu.memory_space<vmem>>
    %dma_start3A_114 = tpu.memref_slice %arg3[%add3A_109] : memref<320000xi32, #tpu.memory_space<hbm>> -> memref<40xi32, #tpu.memory_space<hbm>>
    %dma_start3A_115 = arith.constant 0 : i32
    %dma_start3A_116 = tpu.memref_slice %arg6[%dma_start3A_110, %dma_start3A_115] : memref<10x40xi32, #tpu.memory_space<vmem>> -> memref<1x40xi32, #tpu.memory_space<vmem>>
    %dma_start3A_117 = tpu.memref_squeeze %dma_start3A_116 : memref<1x40xi32, #tpu.memory_space<vmem>> -> memref<40xi32, #tpu.memory_space<vmem>>
    %dma_start3A_118 = tpu.memref_slice %arg3[%add3A_109] : memref<320000xi32, #tpu.memory_space<hbm>> -> memref<40xi32, #tpu.memory_space<hbm>>
    tpu.enqueue_dma source(%dma_start3A_118 : memref<40xi32, #tpu.memory_space<hbm>>) target(%dma_start3A_117 : memref<40xi32, #tpu.memory_space<vmem>>) target_semaphore(%arg16 : memref<!tpu.dma_semaphore, #tpu.memory_space<semaphore_mem>>)
    %add3A_119 = arith.constant 80 : i32
    %add3A_120 = arith.addi %mul3A_2, %add3A_119 : i32
    %dma_start3A_121 = arith.constant 2 : i32
    %dma_start3A_122 = arith.constant 0 : i32
    %dma_start3A_123 = tpu.memref_slice %arg6[%dma_start3A_121, %dma_start3A_122] : memref<10x40xi32, #tpu.memory_space<vmem>> -> memref<1x40xi32, #tpu.memory_space<vmem>>
    %dma_start3A_124 = tpu.memref_squeeze %dma_start3A_123 : memref<1x40xi32, #tpu.memory_space<vmem>> -> memref<40xi32, #tpu.memory_space<vmem>>
    %dma_start3A_125 = tpu.memref_slice %arg3[%add3A_120] : memref<320000xi32, #tpu.memory_space<hbm>> -> memref<40xi32, #tpu.memory_space<hbm>>
    %dma_start3A_126 = arith.constant 0 : i32
    %dma_start3A_127 = tpu.memref_slice %arg6[%dma_start3A_121, %dma_start3A_126] : memref<10x40xi32, #tpu.memory_space<vmem>> -> memref<1x40xi32, #tpu.memory_space<vmem>>
    %dma_start3A_128 = tpu.memref_squeeze %dma_start3A_127 : memref<1x40xi32, #tpu.memory_space<vmem>> -> memref<40xi32, #tpu.memory_space<vmem>>
    %dma_start3A_129 = tpu.memref_slice %arg3[%add3A_120] : memref<320000xi32, #tpu.memory_space<hbm>> -> memref<40xi32, #tpu.memory_space<hbm>>
    tpu.enqueue_dma source(%dma_start3A_129 : memref<40xi32, #tpu.memory_space<hbm>>) target(%dma_start3A_128 : memref<40xi32, #tpu.memory_space<vmem>>) target_semaphore(%arg17 : memref<!tpu.dma_semaphore, #tpu.memory_space<semaphore_mem>>)
    %add3A_130 = arith.constant 120 : i32
    %add3A_131 = arith.addi %mul3A_2, %add3A_130 : i32
    %dma_start3A_132 = arith.constant 3 : i32
    %dma_start3A_133 = arith.constant 0 : i32
    %dma_start3A_134 = tpu.memref_slice %arg6[%dma_start3A_132, %dma_start3A_133] : memref<10x40xi32, #tpu.memory_space<vmem>> -> memref<1x40xi32, #tpu.memory_space<vmem>>
    %dma_start3A_135 = tpu.memref_squeeze %dma_start3A_134 : memref<1x40xi32, #tpu.memory_space<vmem>> -> memref<40xi32, #tpu.memory_space<vmem>>
    %dma_start3A_136 = tpu.memref_slice %arg3[%add3A_131] : memref<320000xi32, #tpu.memory_space<hbm>> -> memref<40xi32, #tpu.memory_space<hbm>>
    %dma_start3A_137 = arith.constant 0 : i32
    %dma_start3A_138 = tpu.memref_slice %arg6[%dma_start3A_132, %dma_start3A_137] : memref<10x40xi32, #tpu.memory_space<vmem>> -> memref<1x40xi32, #tpu.memory_space<vmem>>
    %dma_start3A_139 = tpu.memref_squeeze %dma_start3A_138 : memref<1x40xi32, #tpu.memory_space<vmem>> -> memref<40xi32, #tpu.memory_space<vmem>>
    %dma_start3A_140 = tpu.memref_slice %arg3[%add3A_131] : memref<320000xi32, #tpu.memory_space<hbm>> -> memref<40xi32, #tpu.memory_space<hbm>>
    tpu.enqueue_dma source(%dma_start3A_140 : memref<40xi32, #tpu.memory_space<hbm>>) target(%dma_start3A_139 : memref<40xi32, #tpu.memory_space<vmem>>) target_semaphore(%arg18 : memref<!tpu.dma_semaphore, #tpu.memory_space<semaphore_mem>>)
    %add3A_141 = arith.constant 160 : i32
    %add3A_142 = arith.addi %mul3A_2, %add3A_141 : i32
    %dma_start3A_143 = arith.constant 4 : i32
    %dma_start3A_144 = arith.constant 0 : i32
    %dma_start3A_145 = tpu.memref_slice %arg6[%dma_start3A_143, %dma_start3A_144] : memref<10x40xi32, #tpu.memory_space<vmem>> -> memref<1x40xi32, #tpu.memory_space<vmem>>
    %dma_start3A_146 = tpu.memref_squeeze %dma_start3A_145 : memref<1x40xi32, #tpu.memory_space<vmem>> -> memref<40xi32, #tpu.memory_space<vmem>>
    %dma_start3A_147 = tpu.memref_slice %arg3[%add3A_142] : memref<320000xi32, #tpu.memory_space<hbm>> -> memref<40xi32, #tpu.memory_space<hbm>>
    %dma_start3A_148 = arith.constant 0 : i32
    %dma_start3A_149 = tpu.memref_slice %arg6[%dma_start3A_143, %dma_start3A_148] : memref<10x40xi32, #tpu.memory_space<vmem>> -> memref<1x40xi32, #tpu.memory_space<vmem>>
    %dma_start3A_150 = tpu.memref_squeeze %dma_start3A_149 : memref<1x40xi32, #tpu.memory_space<vmem>> -> memref<40xi32, #tpu.memory_space<vmem>>
    %dma_start3A_151 = tpu.memref_slice %arg3[%add3A_142] : memref<320000xi32, #tpu.memory_space<hbm>> -> memref<40xi32, #tpu.memory_space<hbm>>
    tpu.enqueue_dma source(%dma_start3A_151 : memref<40xi32, #tpu.memory_space<hbm>>) target(%dma_start3A_150 : memref<40xi32, #tpu.memory_space<vmem>>) target_semaphore(%arg19 : memref<!tpu.dma_semaphore, #tpu.memory_space<semaphore_mem>>)
    %add3A_152 = arith.constant 200 : i32
    %add3A_153 = arith.addi %mul3A_2, %add3A_152 : i32
    %dma_start3A_154 = arith.constant 5 : i32
    %dma_start3A_155 = arith.constant 0 : i32
    %dma_start3A_156 = tpu.memref_slice %arg6[%dma_start3A_154, %dma_start3A_155] : memref<10x40xi32, #tpu.memory_space<vmem>> -> memref<1x40xi32, #tpu.memory_space<vmem>>
    %dma_start3A_157 = tpu.memref_squeeze %dma_start3A_156 : memref<1x40xi32, #tpu.memory_space<vmem>> -> memref<40xi32, #tpu.memory_space<vmem>>
    %dma_start3A_158 = tpu.memref_slice %arg3[%add3A_153] : memref<320000xi32, #tpu.memory_space<hbm>> -> memref<40xi32, #tpu.memory_space<hbm>>
    %dma_start3A_159 = arith.constant 0 : i32
    %dma_start3A_160 = tpu.memref_slice %arg6[%dma_start3A_154, %dma_start3A_159] : memref<10x40xi32, #tpu.memory_space<vmem>> -> memref<1x40xi32, #tpu.memory_space<vmem>>
    %dma_start3A_161 = tpu.memref_squeeze %dma_start3A_160 : memref<1x40xi32, #tpu.memory_space<vmem>> -> memref<40xi32, #tpu.memory_space<vmem>>
    %dma_start3A_162 = tpu.memref_slice %arg3[%add3A_153] : memref<320000xi32, #tpu.memory_space<hbm>> -> memref<40xi32, #tpu.memory_space<hbm>>
    tpu.enqueue_dma source(%dma_start3A_162 : memref<40xi32, #tpu.memory_space<hbm>>) target(%dma_start3A_161 : memref<40xi32, #tpu.memory_space<vmem>>) target_semaphore(%arg20 : memref<!tpu.dma_semaphore, #tpu.memory_space<semaphore_mem>>)
    %add3A_163 = arith.constant 240 : i32
    %add3A_164 = arith.addi %mul3A_2, %add3A_163 : i32
    %dma_start3A_165 = arith.constant 6 : i32
    %dma_start3A_166 = arith.constant 0 : i32
    %dma_start3A_167 = tpu.memref_slice %arg6[%dma_start3A_165, %dma_start3A_166] : memref<10x40xi32, #tpu.memory_space<vmem>> -> memref<1x40xi32, #tpu.memory_space<vmem>>
    %dma_start3A_168 = tpu.memref_squeeze %dma_start3A_167 : memref<1x40xi32, #tpu.memory_space<vmem>> -> memref<40xi32, #tpu.memory_space<vmem>>
    %dma_start3A_169 = tpu.memref_slice %arg3[%add3A_164] : memref<320000xi32, #tpu.memory_space<hbm>> -> memref<40xi32, #tpu.memory_space<hbm>>
    %dma_start3A_170 = arith.constant 0 : i32
    %dma_start3A_171 = tpu.memref_slice %arg6[%dma_start3A_165, %dma_start3A_170] : memref<10x40xi32, #tpu.memory_space<vmem>> -> memref<1x40xi32, #tpu.memory_space<vmem>>
    %dma_start3A_172 = tpu.memref_squeeze %dma_start3A_171 : memref<1x40xi32, #tpu.memory_space<vmem>> -> memref<40xi32, #tpu.memory_space<vmem>>
    %dma_start3A_173 = tpu.memref_slice %arg3[%add3A_164] : memref<320000xi32, #tpu.memory_space<hbm>> -> memref<40xi32, #tpu.memory_space<hbm>>
    tpu.enqueue_dma source(%dma_start3A_173 : memref<40xi32, #tpu.memory_space<hbm>>) target(%dma_start3A_172 : memref<40xi32, #tpu.memory_space<vmem>>) target_semaphore(%arg21 : memref<!tpu.dma_semaphore, #tpu.memory_space<semaphore_mem>>)
    %add3A_174 = arith.constant 280 : i32
    %add3A_175 = arith.addi %mul3A_2, %add3A_174 : i32
    %dma_start3A_176 = arith.constant 7 : i32
    %dma_start3A_177 = arith.constant 0 : i32
    %dma_start3A_178 = tpu.memref_slice %arg6[%dma_start3A_176, %dma_start3A_177] : memref<10x40xi32, #tpu.memory_space<vmem>> -> memref<1x40xi32, #tpu.memory_space<vmem>>
    %dma_start3A_179 = tpu.memref_squeeze %dma_start3A_178 : memref<1x40xi32, #tpu.memory_space<vmem>> -> memref<40xi32, #tpu.memory_space<vmem>>
    %dma_start3A_180 = tpu.memref_slice %arg3[%add3A_175] : memref<320000xi32, #tpu.memory_space<hbm>> -> memref<40xi32, #tpu.memory_space<hbm>>
    %dma_start3A_181 = arith.constant 0 : i32
    %dma_start3A_182 = tpu.memref_slice %arg6[%dma_start3A_176, %dma_start3A_181] : memref<10x40xi32, #tpu.memory_space<vmem>> -> memref<1x40xi32, #tpu.memory_space<vmem>>
    %dma_start3A_183 = tpu.memref_squeeze %dma_start3A_182 : memref<1x40xi32, #tpu.memory_space<vmem>> -> memref<40xi32, #tpu.memory_space<vmem>>
    %dma_start3A_184 = tpu.memref_slice %arg3[%add3A_175] : memref<320000xi32, #tpu.memory_space<hbm>> -> memref<40xi32, #tpu.memory_space<hbm>>
    tpu.enqueue_dma source(%dma_start3A_184 : memref<40xi32, #tpu.memory_space<hbm>>) target(%dma_start3A_183 : memref<40xi32, #tpu.memory_space<vmem>>) target_semaphore(%arg22 : memref<!tpu.dma_semaphore, #tpu.memory_space<semaphore_mem>>)
    %add3A_185 = arith.constant 320 : i32
    %add3A_186 = arith.addi %mul3A_2, %add3A_185 : i32
    %dma_start3A_187 = arith.constant 8 : i32
    %dma_start3A_188 = arith.constant 0 : i32
    %dma_start3A_189 = tpu.memref_slice %arg6[%dma_start3A_187, %dma_start3A_188] : memref<10x40xi32, #tpu.memory_space<vmem>> -> memref<1x40xi32, #tpu.memory_space<vmem>>
    %dma_start3A_190 = tpu.memref_squeeze %dma_start3A_189 : memref<1x40xi32, #tpu.memory_space<vmem>> -> memref<40xi32, #tpu.memory_space<vmem>>
    %dma_start3A_191 = tpu.memref_slice %arg3[%add3A_186] : memref<320000xi32, #tpu.memory_space<hbm>> -> memref<40xi32, #tpu.memory_space<hbm>>
    %dma_start3A_192 = arith.constant 0 : i32
    %dma_start3A_193 = tpu.memref_slice %arg6[%dma_start3A_187, %dma_start3A_192] : memref<10x40xi32, #tpu.memory_space<vmem>> -> memref<1x40xi32, #tpu.memory_space<vmem>>
    %dma_start3A_194 = tpu.memref_squeeze %dma_start3A_193 : memref<1x40xi32, #tpu.memory_space<vmem>> -> memref<40xi32, #tpu.memory_space<vmem>>
    %dma_start3A_195 = tpu.memref_slice %arg3[%add3A_186] : memref<320000xi32, #tpu.memory_space<hbm>> -> memref<40xi32, #tpu.memory_space<hbm>>
    tpu.enqueue_dma source(%dma_start3A_195 : memref<40xi32, #tpu.memory_space<hbm>>) target(%dma_start3A_194 : memref<40xi32, #tpu.memory_space<vmem>>) target_semaphore(%arg23 : memref<!tpu.dma_semaphore, #tpu.memory_space<semaphore_mem>>)
    %add3A_196 = arith.constant 360 : i32
    %add3A_197 = arith.addi %mul3A_2, %add3A_196 : i32
    %dma_start3A_198 = arith.constant 9 : i32
    %dma_start3A_199 = arith.constant 0 : i32
    %dma_start3A_200 = tpu.memref_slice %arg6[%dma_start3A_198, %dma_start3A_199] : memref<10x40xi32, #tpu.memory_space<vmem>> -> memref<1x40xi32, #tpu.memory_space<vmem>>
    %dma_start3A_201 = tpu.memref_squeeze %dma_start3A_200 : memref<1x40xi32, #tpu.memory_space<vmem>> -> memref<40xi32, #tpu.memory_space<vmem>>
    %dma_start3A_202 = tpu.memref_slice %arg3[%add3A_197] : memref<320000xi32, #tpu.memory_space<hbm>> -> memref<40xi32, #tpu.memory_space<hbm>>
    %dma_start3A_203 = arith.constant 0 : i32
    %dma_start3A_204 = tpu.memref_slice %arg6[%dma_start3A_198, %dma_start3A_203] : memref<10x40xi32, #tpu.memory_space<vmem>> -> memref<1x40xi32, #tpu.memory_space<vmem>>
    %dma_start3A_205 = tpu.memref_squeeze %dma_start3A_204 : memref<1x40xi32, #tpu.memory_space<vmem>> -> memref<40xi32, #tpu.memory_space<vmem>>
    %dma_start3A_206 = tpu.memref_slice %arg3[%add3A_197] : memref<320000xi32, #tpu.memory_space<hbm>> -> memref<40xi32, #tpu.memory_space<hbm>>
    tpu.enqueue_dma source(%dma_start3A_206 : memref<40xi32, #tpu.memory_space<hbm>>) target(%dma_start3A_205 : memref<40xi32, #tpu.memory_space<vmem>>) target_semaphore(%arg24 : memref<!tpu.dma_semaphore, #tpu.memory_space<semaphore_mem>>)
    %add3A_207 = arith.constant 0 : i32
    %add3A_208 = arith.addi %mul3A_2, %add3A_207 : i32
    %dma_start3A_209 = arith.constant 0 : i32
    %dma_start3A_210 = arith.constant 0 : i32
    %dma_start3A_211 = tpu.memref_slice %arg7[%dma_start3A_209, %dma_start3A_210] : memref<5x40xi32, #tpu.memory_space<vmem>> -> memref<1x40xi32, #tpu.memory_space<vmem>>
    %dma_start3A_212 = tpu.memref_squeeze %dma_start3A_211 : memref<1x40xi32, #tpu.memory_space<vmem>> -> memref<40xi32, #tpu.memory_space<vmem>>
    %dma_start3A_213 = tpu.memref_slice %arg4[%add3A_208] : memref<320000xi32, #tpu.memory_space<hbm>> -> memref<40xi32, #tpu.memory_space<hbm>>
    %dma_start3A_214 = arith.constant 0 : i32
    %dma_start3A_215 = tpu.memref_slice %arg7[%dma_start3A_209, %dma_start3A_214] : memref<5x40xi32, #tpu.memory_space<vmem>> -> memref<1x40xi32, #tpu.memory_space<vmem>>
    %dma_start3A_216 = tpu.memref_squeeze %dma_start3A_215 : memref<1x40xi32, #tpu.memory_space<vmem>> -> memref<40xi32, #tpu.memory_space<vmem>>
    %dma_start3A_217 = tpu.memref_slice %arg4[%add3A_208] : memref<320000xi32, #tpu.memory_space<hbm>> -> memref<40xi32, #tpu.memory_space<hbm>>
    tpu.enqueue_dma source(%dma_start3A_217 : memref<40xi32, #tpu.memory_space<hbm>>) target(%dma_start3A_216 : memref<40xi32, #tpu.memory_space<vmem>>) target_semaphore(%arg10 : memref<!tpu.dma_semaphore, #tpu.memory_space<semaphore_mem>>)
    %dma_wait3A = arith.constant 0 : i32
    %dma_wait3A_218 = arith.constant 0 : i32
    %dma_wait3A_219 = tpu.memref_slice %arg6[%dma_wait3A, %dma_wait3A_218] : memref<10x40xi32, #tpu.memory_space<vmem>> -> memref<1x40xi32, #tpu.memory_space<vmem>>
    %dma_wait3A_220 = tpu.memref_squeeze %dma_wait3A_219 : memref<1x40xi32, #tpu.memory_space<vmem>> -> memref<40xi32, #tpu.memory_space<vmem>>
    %dma_wait3A_221 = arith.constant 0 : i32
    %dma_wait3A_222 = tpu.memref_slice %arg3[%dma_wait3A_221] : memref<320000xi32, #tpu.memory_space<hbm>> -> memref<40xi32, #tpu.memory_space<hbm>>
    %dma_wait3A_223 = arith.constant 0 : i32
    %dma_wait3A_224 = tpu.memref_slice %arg6[%dma_wait3A, %dma_wait3A_223] : memref<10x40xi32, #tpu.memory_space<vmem>> -> memref<1x40xi32, #tpu.memory_space<vmem>>
    %dma_wait3A_225 = tpu.memref_squeeze %dma_wait3A_224 : memref<1x40xi32, #tpu.memory_space<vmem>> -> memref<40xi32, #tpu.memory_space<vmem>>
    %dma_wait3A_226 = arith.constant 0 : i32
    %dma_wait3A_227 = tpu.memref_slice %arg3[%dma_wait3A_226] : memref<320000xi32, #tpu.memory_space<hbm>> -> memref<40xi32, #tpu.memory_space<hbm>>
    tpu.wait_dma2 semaphore(%arg15 : memref<!tpu.dma_semaphore, #tpu.memory_space<semaphore_mem>>) src(%dma_wait3A_227 : memref<40xi32, #tpu.memory_space<hbm>>) dst(%dma_wait3A_225 : memref<40xi32, #tpu.memory_space<vmem>>)
    %dma_start3A_228 = arith.constant 0 : i32
    %dma_start3A_229 = arith.constant 0 : i32
    %dma_start3A_230 = arith.constant 0 : i32
    %dma_start3A_231 = arith.constant 0 : i32
    %dma_start3A_232 = tpu.memref_slice %arg8[%dma_start3A_229, %dma_start3A_230, %dma_start3A_231] : memref<5x40x128xf32, #tpu.memory_space<vmem>> -> memref<1x40x128xf32, #tpu.memory_space<vmem>>
    %dma_start3A_233 = tpu.memref_squeeze %dma_start3A_232 : memref<1x40x128xf32, #tpu.memory_space<vmem>> -> memref<40x128xf32, #tpu.memory_space<vmem>>
    %dma_start3A_234 = arith.constant 0 : i32
    %dma_start3A_235 = tpu.memref_slice %arg6[%dma_start3A_228, %dma_start3A_234] : memref<10x40xi32, #tpu.memory_space<vmem>> -> memref<1x40xi32, #tpu.memory_space<vmem>>
    %dma_start3A_236 = tpu.memref_squeeze %dma_start3A_235 : memref<1x40xi32, #tpu.memory_space<vmem>> -> memref<40xi32, #tpu.memory_space<vmem>>
    %dma_start3A_237 = arith.constant 0 : i32
    %dma_start3A_238 = arith.constant 0 : i32
    %dma_start3A_239 = tpu.memref_slice %arg2[%dma_start3A_237, %dma_start3A_238] : memref<10000x128xf32, #tpu.memory_space<hbm>> -> memref<10000x128xf32, #tpu.memory_space<hbm>>
    tpu.enqueue_indirect_dma source(%dma_start3A_239 : memref<10000x128xf32, #tpu.memory_space<hbm>>) target(%dma_start3A_233 : memref<40x128xf32, #tpu.memory_space<vmem>>) offsets(%dma_start3A_236 : memref<40xi32, #tpu.memory_space<vmem>>) semaphore(%arg10 : memref<!tpu.dma_semaphore, #tpu.memory_space<semaphore_mem>>)
    %add3A_240 = arith.constant 40 : i32
    %add3A_241 = arith.addi %mul3A_2, %add3A_240 : i32
    %dma_start3A_242 = arith.constant 1 : i32
    %dma_start3A_243 = arith.constant 0 : i32
    %dma_start3A_244 = tpu.memref_slice %arg7[%dma_start3A_242, %dma_start3A_243] : memref<5x40xi32, #tpu.memory_space<vmem>> -> memref<1x40xi32, #tpu.memory_space<vmem>>
    %dma_start3A_245 = tpu.memref_squeeze %dma_start3A_244 : memref<1x40xi32, #tpu.memory_space<vmem>> -> memref<40xi32, #tpu.memory_space<vmem>>
    %dma_start3A_246 = tpu.memref_slice %arg4[%add3A_241] : memref<320000xi32, #tpu.memory_space<hbm>> -> memref<40xi32, #tpu.memory_space<hbm>>
    %dma_start3A_247 = arith.constant 0 : i32
    %dma_start3A_248 = tpu.memref_slice %arg7[%dma_start3A_242, %dma_start3A_247] : memref<5x40xi32, #tpu.memory_space<vmem>> -> memref<1x40xi32, #tpu.memory_space<vmem>>
    %dma_start3A_249 = tpu.memref_squeeze %dma_start3A_248 : memref<1x40xi32, #tpu.memory_space<vmem>> -> memref<40xi32, #tpu.memory_space<vmem>>
    %dma_start3A_250 = tpu.memref_slice %arg4[%add3A_241] : memref<320000xi32, #tpu.memory_space<hbm>> -> memref<40xi32, #tpu.memory_space<hbm>>
    tpu.enqueue_dma source(%dma_start3A_250 : memref<40xi32, #tpu.memory_space<hbm>>) target(%dma_start3A_249 : memref<40xi32, #tpu.memory_space<vmem>>) target_semaphore(%arg11 : memref<!tpu.dma_semaphore, #tpu.memory_space<semaphore_mem>>)
    %dma_wait3A_251 = arith.constant 1 : i32
    %dma_wait3A_252 = arith.constant 0 : i32
    %dma_wait3A_253 = tpu.memref_slice %arg6[%dma_wait3A_251, %dma_wait3A_252] : memref<10x40xi32, #tpu.memory_space<vmem>> -> memref<1x40xi32, #tpu.memory_space<vmem>>
    %dma_wait3A_254 = tpu.memref_squeeze %dma_wait3A_253 : memref<1x40xi32, #tpu.memory_space<vmem>> -> memref<40xi32, #tpu.memory_space<vmem>>
    %dma_wait3A_255 = arith.constant 0 : i32
    %dma_wait3A_256 = tpu.memref_slice %arg3[%dma_wait3A_255] : memref<320000xi32, #tpu.memory_space<hbm>> -> memref<40xi32, #tpu.memory_space<hbm>>
    %dma_wait3A_257 = arith.constant 0 : i32
    %dma_wait3A_258 = tpu.memref_slice %arg6[%dma_wait3A_251, %dma_wait3A_257] : memref<10x40xi32, #tpu.memory_space<vmem>> -> memref<1x40xi32, #tpu.memory_space<vmem>>
    %dma_wait3A_259 = tpu.memref_squeeze %dma_wait3A_258 : memref<1x40xi32, #tpu.memory_space<vmem>> -> memref<40xi32, #tpu.memory_space<vmem>>
    %dma_wait3A_260 = arith.constant 0 : i32
    %dma_wait3A_261 = tpu.memref_slice %arg3[%dma_wait3A_260] : memref<320000xi32, #tpu.memory_space<hbm>> -> memref<40xi32, #tpu.memory_space<hbm>>
    tpu.wait_dma2 semaphore(%arg16 : memref<!tpu.dma_semaphore, #tpu.memory_space<semaphore_mem>>) src(%dma_wait3A_261 : memref<40xi32, #tpu.memory_space<hbm>>) dst(%dma_wait3A_259 : memref<40xi32, #tpu.memory_space<vmem>>)
    %dma_start3A_262 = arith.constant 1 : i32
    %dma_start3A_263 = arith.constant 1 : i32
    %dma_start3A_264 = arith.constant 0 : i32
    %dma_start3A_265 = arith.constant 0 : i32
    %dma_start3A_266 = tpu.memref_slice %arg8[%dma_start3A_263, %dma_start3A_264, %dma_start3A_265] : memref<5x40x128xf32, #tpu.memory_space<vmem>> -> memref<1x40x128xf32, #tpu.memory_space<vmem>>
    %dma_start3A_267 = tpu.memref_squeeze %dma_start3A_266 : memref<1x40x128xf32, #tpu.memory_space<vmem>> -> memref<40x128xf32, #tpu.memory_space<vmem>>
    %dma_start3A_268 = arith.constant 0 : i32
    %dma_start3A_269 = tpu.memref_slice %arg6[%dma_start3A_262, %dma_start3A_268] : memref<10x40xi32, #tpu.memory_space<vmem>> -> memref<1x40xi32, #tpu.memory_space<vmem>>
    %dma_start3A_270 = tpu.memref_squeeze %dma_start3A_269 : memref<1x40xi32, #tpu.memory_space<vmem>> -> memref<40xi32, #tpu.memory_space<vmem>>
    %dma_start3A_271 = arith.constant 0 : i32
    %dma_start3A_272 = arith.constant 0 : i32
    %dma_start3A_273 = tpu.memref_slice %arg2[%dma_start3A_271, %dma_start3A_272] : memref<10000x128xf32, #tpu.memory_space<hbm>> -> memref<10000x128xf32, #tpu.memory_space<hbm>>
    tpu.enqueue_indirect_dma source(%dma_start3A_273 : memref<10000x128xf32, #tpu.memory_space<hbm>>) target(%dma_start3A_267 : memref<40x128xf32, #tpu.memory_space<vmem>>) offsets(%dma_start3A_270 : memref<40xi32, #tpu.memory_space<vmem>>) semaphore(%arg11 : memref<!tpu.dma_semaphore, #tpu.memory_space<semaphore_mem>>)
    %add3A_274 = arith.constant 80 : i32
    %add3A_275 = arith.addi %mul3A_2, %add3A_274 : i32
    %dma_start3A_276 = arith.constant 2 : i32
    %dma_start3A_277 = arith.constant 0 : i32
    %dma_start3A_278 = tpu.memref_slice %arg7[%dma_start3A_276, %dma_start3A_277] : memref<5x40xi32, #tpu.memory_space<vmem>> -> memref<1x40xi32, #tpu.memory_space<vmem>>
    %dma_start3A_279 = tpu.memref_squeeze %dma_start3A_278 : memref<1x40xi32, #tpu.memory_space<vmem>> -> memref<40xi32, #tpu.memory_space<vmem>>
    %dma_start3A_280 = tpu.memref_slice %arg4[%add3A_275] : memref<320000xi32, #tpu.memory_space<hbm>> -> memref<40xi32, #tpu.memory_space<hbm>>
    %dma_start3A_281 = arith.constant 0 : i32
    %dma_start3A_282 = tpu.memref_slice %arg7[%dma_start3A_276, %dma_start3A_281] : memref<5x40xi32, #tpu.memory_space<vmem>> -> memref<1x40xi32, #tpu.memory_space<vmem>>
    %dma_start3A_283 = tpu.memref_squeeze %dma_start3A_282 : memref<1x40xi32, #tpu.memory_space<vmem>> -> memref<40xi32, #tpu.memory_space<vmem>>
    %dma_start3A_284 = tpu.memref_slice %arg4[%add3A_275] : memref<320000xi32, #tpu.memory_space<hbm>> -> memref<40xi32, #tpu.memory_space<hbm>>
    tpu.enqueue_dma source(%dma_start3A_284 : memref<40xi32, #tpu.memory_space<hbm>>) target(%dma_start3A_283 : memref<40xi32, #tpu.memory_space<vmem>>) target_semaphore(%arg12 : memref<!tpu.dma_semaphore, #tpu.memory_space<semaphore_mem>>)
    %dma_wait3A_285 = arith.constant 2 : i32
    %dma_wait3A_286 = arith.constant 0 : i32
    %dma_wait3A_287 = tpu.memref_slice %arg6[%dma_wait3A_285, %dma_wait3A_286] : memref<10x40xi32, #tpu.memory_space<vmem>> -> memref<1x40xi32, #tpu.memory_space<vmem>>
    %dma_wait3A_288 = tpu.memref_squeeze %dma_wait3A_287 : memref<1x40xi32, #tpu.memory_space<vmem>> -> memref<40xi32, #tpu.memory_space<vmem>>
    %dma_wait3A_289 = arith.constant 0 : i32
    %dma_wait3A_290 = tpu.memref_slice %arg3[%dma_wait3A_289] : memref<320000xi32, #tpu.memory_space<hbm>> -> memref<40xi32, #tpu.memory_space<hbm>>
    %dma_wait3A_291 = arith.constant 0 : i32
    %dma_wait3A_292 = tpu.memref_slice %arg6[%dma_wait3A_285, %dma_wait3A_291] : memref<10x40xi32, #tpu.memory_space<vmem>> -> memref<1x40xi32, #tpu.memory_space<vmem>>
    %dma_wait3A_293 = tpu.memref_squeeze %dma_wait3A_292 : memref<1x40xi32, #tpu.memory_space<vmem>> -> memref<40xi32, #tpu.memory_space<vmem>>
    %dma_wait3A_294 = arith.constant 0 : i32
    %dma_wait3A_295 = tpu.memref_slice %arg3[%dma_wait3A_294] : memref<320000xi32, #tpu.memory_space<hbm>> -> memref<40xi32, #tpu.memory_space<hbm>>
    tpu.wait_dma2 semaphore(%arg17 : memref<!tpu.dma_semaphore, #tpu.memory_space<semaphore_mem>>) src(%dma_wait3A_295 : memref<40xi32, #tpu.memory_space<hbm>>) dst(%dma_wait3A_293 : memref<40xi32, #tpu.memory_space<vmem>>)
    %dma_start3A_296 = arith.constant 2 : i32
    %dma_start3A_297 = arith.constant 2 : i32
    %dma_start3A_298 = arith.constant 0 : i32
    %dma_start3A_299 = arith.constant 0 : i32
    %dma_start3A_300 = tpu.memref_slice %arg8[%dma_start3A_297, %dma_start3A_298, %dma_start3A_299] : memref<5x40x128xf32, #tpu.memory_space<vmem>> -> memref<1x40x128xf32, #tpu.memory_space<vmem>>
    %dma_start3A_301 = tpu.memref_squeeze %dma_start3A_300 : memref<1x40x128xf32, #tpu.memory_space<vmem>> -> memref<40x128xf32, #tpu.memory_space<vmem>>
    %dma_start3A_302 = arith.constant 0 : i32
    %dma_start3A_303 = tpu.memref_slice %arg6[%dma_start3A_296, %dma_start3A_302] : memref<10x40xi32, #tpu.memory_space<vmem>> -> memref<1x40xi32, #tpu.memory_space<vmem>>
    %dma_start3A_304 = tpu.memref_squeeze %dma_start3A_303 : memref<1x40xi32, #tpu.memory_space<vmem>> -> memref<40xi32, #tpu.memory_space<vmem>>
    %dma_start3A_305 = arith.constant 0 : i32
    %dma_start3A_306 = arith.constant 0 : i32
    %dma_start3A_307 = tpu.memref_slice %arg2[%dma_start3A_305, %dma_start3A_306] : memref<10000x128xf32, #tpu.memory_space<hbm>> -> memref<10000x128xf32, #tpu.memory_space<hbm>>
    tpu.enqueue_indirect_dma source(%dma_start3A_307 : memref<10000x128xf32, #tpu.memory_space<hbm>>) target(%dma_start3A_301 : memref<40x128xf32, #tpu.memory_space<vmem>>) offsets(%dma_start3A_304 : memref<40xi32, #tpu.memory_space<vmem>>) semaphore(%arg12 : memref<!tpu.dma_semaphore, #tpu.memory_space<semaphore_mem>>)
    %add3A_308 = arith.constant 120 : i32
    %add3A_309 = arith.addi %mul3A_2, %add3A_308 : i32
    %dma_start3A_310 = arith.constant 3 : i32
    %dma_start3A_311 = arith.constant 0 : i32
    %dma_start3A_312 = tpu.memref_slice %arg7[%dma_start3A_310, %dma_start3A_311] : memref<5x40xi32, #tpu.memory_space<vmem>> -> memref<1x40xi32, #tpu.memory_space<vmem>>
    %dma_start3A_313 = tpu.memref_squeeze %dma_start3A_312 : memref<1x40xi32, #tpu.memory_space<vmem>> -> memref<40xi32, #tpu.memory_space<vmem>>
    %dma_start3A_314 = tpu.memref_slice %arg4[%add3A_309] : memref<320000xi32, #tpu.memory_space<hbm>> -> memref<40xi32, #tpu.memory_space<hbm>>
    %dma_start3A_315 = arith.constant 0 : i32
    %dma_start3A_316 = tpu.memref_slice %arg7[%dma_start3A_310, %dma_start3A_315] : memref<5x40xi32, #tpu.memory_space<vmem>> -> memref<1x40xi32, #tpu.memory_space<vmem>>
    %dma_start3A_317 = tpu.memref_squeeze %dma_start3A_316 : memref<1x40xi32, #tpu.memory_space<vmem>> -> memref<40xi32, #tpu.memory_space<vmem>>
    %dma_start3A_318 = tpu.memref_slice %arg4[%add3A_309] : memref<320000xi32, #tpu.memory_space<hbm>> -> memref<40xi32, #tpu.memory_space<hbm>>
    tpu.enqueue_dma source(%dma_start3A_318 : memref<40xi32, #tpu.memory_space<hbm>>) target(%dma_start3A_317 : memref<40xi32, #tpu.memory_space<vmem>>) target_semaphore(%arg13 : memref<!tpu.dma_semaphore, #tpu.memory_space<semaphore_mem>>)
    %dma_wait3A_319 = arith.constant 3 : i32
    %dma_wait3A_320 = arith.constant 0 : i32
    %dma_wait3A_321 = tpu.memref_slice %arg6[%dma_wait3A_319, %dma_wait3A_320] : memref<10x40xi32, #tpu.memory_space<vmem>> -> memref<1x40xi32, #tpu.memory_space<vmem>>
    %dma_wait3A_322 = tpu.memref_squeeze %dma_wait3A_321 : memref<1x40xi32, #tpu.memory_space<vmem>> -> memref<40xi32, #tpu.memory_space<vmem>>
    %dma_wait3A_323 = arith.constant 0 : i32
    %dma_wait3A_324 = tpu.memref_slice %arg3[%dma_wait3A_323] : memref<320000xi32, #tpu.memory_space<hbm>> -> memref<40xi32, #tpu.memory_space<hbm>>
    %dma_wait3A_325 = arith.constant 0 : i32
    %dma_wait3A_326 = tpu.memref_slice %arg6[%dma_wait3A_319, %dma_wait3A_325] : memref<10x40xi32, #tpu.memory_space<vmem>> -> memref<1x40xi32, #tpu.memory_space<vmem>>
    %dma_wait3A_327 = tpu.memref_squeeze %dma_wait3A_326 : memref<1x40xi32, #tpu.memory_space<vmem>> -> memref<40xi32, #tpu.memory_space<vmem>>
    %dma_wait3A_328 = arith.constant 0 : i32
    %dma_wait3A_329 = tpu.memref_slice %arg3[%dma_wait3A_328] : memref<320000xi32, #tpu.memory_space<hbm>> -> memref<40xi32, #tpu.memory_space<hbm>>
    tpu.wait_dma2 semaphore(%arg18 : memref<!tpu.dma_semaphore, #tpu.memory_space<semaphore_mem>>) src(%dma_wait3A_329 : memref<40xi32, #tpu.memory_space<hbm>>) dst(%dma_wait3A_327 : memref<40xi32, #tpu.memory_space<vmem>>)
    %dma_start3A_330 = arith.constant 3 : i32
    %dma_start3A_331 = arith.constant 3 : i32
    %dma_start3A_332 = arith.constant 0 : i32
    %dma_start3A_333 = arith.constant 0 : i32
    %dma_start3A_334 = tpu.memref_slice %arg8[%dma_start3A_331, %dma_start3A_332, %dma_start3A_333] : memref<5x40x128xf32, #tpu.memory_space<vmem>> -> memref<1x40x128xf32, #tpu.memory_space<vmem>>
    %dma_start3A_335 = tpu.memref_squeeze %dma_start3A_334 : memref<1x40x128xf32, #tpu.memory_space<vmem>> -> memref<40x128xf32, #tpu.memory_space<vmem>>
    %dma_start3A_336 = arith.constant 0 : i32
    %dma_start3A_337 = tpu.memref_slice %arg6[%dma_start3A_330, %dma_start3A_336] : memref<10x40xi32, #tpu.memory_space<vmem>> -> memref<1x40xi32, #tpu.memory_space<vmem>>
    %dma_start3A_338 = tpu.memref_squeeze %dma_start3A_337 : memref<1x40xi32, #tpu.memory_space<vmem>> -> memref<40xi32, #tpu.memory_space<vmem>>
    %dma_start3A_339 = arith.constant 0 : i32
    %dma_start3A_340 = arith.constant 0 : i32
    %dma_start3A_341 = tpu.memref_slice %arg2[%dma_start3A_339, %dma_start3A_340] : memref<10000x128xf32, #tpu.memory_space<hbm>> -> memref<10000x128xf32, #tpu.memory_space<hbm>>
    tpu.enqueue_indirect_dma source(%dma_start3A_341 : memref<10000x128xf32, #tpu.memory_space<hbm>>) target(%dma_start3A_335 : memref<40x128xf32, #tpu.memory_space<vmem>>) offsets(%dma_start3A_338 : memref<40xi32, #tpu.memory_space<vmem>>) semaphore(%arg13 : memref<!tpu.dma_semaphore, #tpu.memory_space<semaphore_mem>>)
    %add3A_342 = arith.constant 160 : i32
    %add3A_343 = arith.addi %mul3A_2, %add3A_342 : i32
    %dma_start3A_344 = arith.constant 4 : i32
    %dma_start3A_345 = arith.constant 0 : i32
    %dma_start3A_346 = tpu.memref_slice %arg7[%dma_start3A_344, %dma_start3A_345] : memref<5x40xi32, #tpu.memory_space<vmem>> -> memref<1x40xi32, #tpu.memory_space<vmem>>
    %dma_start3A_347 = tpu.memref_squeeze %dma_start3A_346 : memref<1x40xi32, #tpu.memory_space<vmem>> -> memref<40xi32, #tpu.memory_space<vmem>>
    %dma_start3A_348 = tpu.memref_slice %arg4[%add3A_343] : memref<320000xi32, #tpu.memory_space<hbm>> -> memref<40xi32, #tpu.memory_space<hbm>>
    %dma_start3A_349 = arith.constant 0 : i32
    %dma_start3A_350 = tpu.memref_slice %arg7[%dma_start3A_344, %dma_start3A_349] : memref<5x40xi32, #tpu.memory_space<vmem>> -> memref<1x40xi32, #tpu.memory_space<vmem>>
    %dma_start3A_351 = tpu.memref_squeeze %dma_start3A_350 : memref<1x40xi32, #tpu.memory_space<vmem>> -> memref<40xi32, #tpu.memory_space<vmem>>
    %dma_start3A_352 = tpu.memref_slice %arg4[%add3A_343] : memref<320000xi32, #tpu.memory_space<hbm>> -> memref<40xi32, #tpu.memory_space<hbm>>
    tpu.enqueue_dma source(%dma_start3A_352 : memref<40xi32, #tpu.memory_space<hbm>>) target(%dma_start3A_351 : memref<40xi32, #tpu.memory_space<vmem>>) target_semaphore(%arg14 : memref<!tpu.dma_semaphore, #tpu.memory_space<semaphore_mem>>)
    %dma_wait3A_353 = arith.constant 4 : i32
    %dma_wait3A_354 = arith.constant 0 : i32
    %dma_wait3A_355 = tpu.memref_slice %arg6[%dma_wait3A_353, %dma_wait3A_354] : memref<10x40xi32, #tpu.memory_space<vmem>> -> memref<1x40xi32, #tpu.memory_space<vmem>>
    %dma_wait3A_356 = tpu.memref_squeeze %dma_wait3A_355 : memref<1x40xi32, #tpu.memory_space<vmem>> -> memref<40xi32, #tpu.memory_space<vmem>>
    %dma_wait3A_357 = arith.constant 0 : i32
    %dma_wait3A_358 = tpu.memref_slice %arg3[%dma_wait3A_357] : memref<320000xi32, #tpu.memory_space<hbm>> -> memref<40xi32, #tpu.memory_space<hbm>>
    %dma_wait3A_359 = arith.constant 0 : i32
    %dma_wait3A_360 = tpu.memref_slice %arg6[%dma_wait3A_353, %dma_wait3A_359] : memref<10x40xi32, #tpu.memory_space<vmem>> -> memref<1x40xi32, #tpu.memory_space<vmem>>
    %dma_wait3A_361 = tpu.memref_squeeze %dma_wait3A_360 : memref<1x40xi32, #tpu.memory_space<vmem>> -> memref<40xi32, #tpu.memory_space<vmem>>
    %dma_wait3A_362 = arith.constant 0 : i32
    %dma_wait3A_363 = tpu.memref_slice %arg3[%dma_wait3A_362] : memref<320000xi32, #tpu.memory_space<hbm>> -> memref<40xi32, #tpu.memory_space<hbm>>
    tpu.wait_dma2 semaphore(%arg19 : memref<!tpu.dma_semaphore, #tpu.memory_space<semaphore_mem>>) src(%dma_wait3A_363 : memref<40xi32, #tpu.memory_space<hbm>>) dst(%dma_wait3A_361 : memref<40xi32, #tpu.memory_space<vmem>>)
    %dma_start3A_364 = arith.constant 4 : i32
    %dma_start3A_365 = arith.constant 4 : i32
    %dma_start3A_366 = arith.constant 0 : i32
    %dma_start3A_367 = arith.constant 0 : i32
    %dma_start3A_368 = tpu.memref_slice %arg8[%dma_start3A_365, %dma_start3A_366, %dma_start3A_367] : memref<5x40x128xf32, #tpu.memory_space<vmem>> -> memref<1x40x128xf32, #tpu.memory_space<vmem>>
    %dma_start3A_369 = tpu.memref_squeeze %dma_start3A_368 : memref<1x40x128xf32, #tpu.memory_space<vmem>> -> memref<40x128xf32, #tpu.memory_space<vmem>>
    %dma_start3A_370 = arith.constant 0 : i32
    %dma_start3A_371 = tpu.memref_slice %arg6[%dma_start3A_364, %dma_start3A_370] : memref<10x40xi32, #tpu.memory_space<vmem>> -> memref<1x40xi32, #tpu.memory_space<vmem>>
    %dma_start3A_372 = tpu.memref_squeeze %dma_start3A_371 : memref<1x40xi32, #tpu.memory_space<vmem>> -> memref<40xi32, #tpu.memory_space<vmem>>
    %dma_start3A_373 = arith.constant 0 : i32
    %dma_start3A_374 = arith.constant 0 : i32
    %dma_start3A_375 = tpu.memref_slice %arg2[%dma_start3A_373, %dma_start3A_374] : memref<10000x128xf32, #tpu.memory_space<hbm>> -> memref<10000x128xf32, #tpu.memory_space<hbm>>
    tpu.enqueue_indirect_dma source(%dma_start3A_375 : memref<10000x128xf32, #tpu.memory_space<hbm>>) target(%dma_start3A_369 : memref<40x128xf32, #tpu.memory_space<vmem>>) offsets(%dma_start3A_372 : memref<40xi32, #tpu.memory_space<vmem>>) semaphore(%arg14 : memref<!tpu.dma_semaphore, #tpu.memory_space<semaphore_mem>>)
    %scan3A_376 = arith.constant 0 : i32
    %scan3A_377 = arith.constant 25 : i32
    %scan3A_378 = arith.addi %scan3A_376, %scan3A_377 : i32
    %scan3A_379 = arith.constant 1 : i32
    scf.for %scan3A_404 = %scan3A_376 to %scan3A_378 step %scan3A_379  : i32 {
      %mul3A_405 = arith.constant 1 : i32
      %mul3A_406 = arith.muli %scan3A_404, %mul3A_405 : i32
      %add3A_407 = arith.constant 0 : i32
      %add3A_408 = arith.addi %add3A_407, %mul3A_406 : i32
      %mul3A_409 = arith.constant 10 : i32
      %mul3A_410 = arith.muli %add3A_408, %mul3A_409 : i32
      %add3A_411 = arith.constant 0 : i32
      %add3A_412 = arith.addi %mul3A_410, %add3A_411 : i32
      %dma_wait3A_413 = arith.constant 0 : i32
      %dma_wait3A_414 = arith.constant 0 : i32
      %dma_wait3A_415 = arith.constant 0 : i32
      %dma_wait3A_416 = arith.constant 0 : i32
      %dma_wait3A_417 = tpu.memref_slice %arg8[%dma_wait3A_414, %dma_wait3A_415, %dma_wait3A_416] : memref<5x40x128xf32, #tpu.memory_space<vmem>> -> memref<1x40x128xf32, #tpu.memory_space<vmem>>
      %dma_wait3A_418 = tpu.memref_squeeze %dma_wait3A_417 : memref<1x40x128xf32, #tpu.memory_space<vmem>> -> memref<40x128xf32, #tpu.memory_space<vmem>>
      %dma_wait3A_419 = arith.constant 0 : i32
      %dma_wait3A_420 = tpu.memref_slice %arg6[%dma_wait3A_413, %dma_wait3A_419] : memref<10x40xi32, #tpu.memory_space<vmem>> -> memref<1x40xi32, #tpu.memory_space<vmem>>
      %dma_wait3A_421 = tpu.memref_squeeze %dma_wait3A_420 : memref<1x40xi32, #tpu.memory_space<vmem>> -> memref<40xi32, #tpu.memory_space<vmem>>
      %dma_wait3A_422 = arith.constant 0 : i32
      %dma_wait3A_423 = arith.constant 0 : i32
      %dma_wait3A_424 = tpu.memref_slice %arg2[%dma_wait3A_422, %dma_wait3A_423] : memref<10000x128xf32, #tpu.memory_space<hbm>> -> memref<10000x128xf32, #tpu.memory_space<hbm>>
      tpu.wait_indirect_dma semaphore(%arg10 : memref<!tpu.dma_semaphore, #tpu.memory_space<semaphore_mem>>) src(%dma_wait3A_424 : memref<10000x128xf32, #tpu.memory_space<hbm>>) dst(%dma_wait3A_418 : memref<40x128xf32, #tpu.memory_space<vmem>>)
      %dma_wait3A_425 = arith.constant 0 : i32
      %dma_wait3A_426 = arith.constant 0 : i32
      %dma_wait3A_427 = tpu.memref_slice %arg7[%dma_wait3A_425, %dma_wait3A_426] : memref<5x40xi32, #tpu.memory_space<vmem>> -> memref<1x40xi32, #tpu.memory_space<vmem>>
      %dma_wait3A_428 = tpu.memref_squeeze %dma_wait3A_427 : memref<1x40xi32, #tpu.memory_space<vmem>> -> memref<40xi32, #tpu.memory_space<vmem>>
      %dma_wait3A_429 = arith.constant 0 : i32
      %dma_wait3A_430 = tpu.memref_slice %arg4[%dma_wait3A_429] : memref<320000xi32, #tpu.memory_space<hbm>> -> memref<40xi32, #tpu.memory_space<hbm>>
      %dma_wait3A_431 = arith.constant 0 : i32
      %dma_wait3A_432 = tpu.memref_slice %arg7[%dma_wait3A_425, %dma_wait3A_431] : memref<5x40xi32, #tpu.memory_space<vmem>> -> memref<1x40xi32, #tpu.memory_space<vmem>>
      %dma_wait3A_433 = tpu.memref_squeeze %dma_wait3A_432 : memref<1x40xi32, #tpu.memory_space<vmem>> -> memref<40xi32, #tpu.memory_space<vmem>>
      %dma_wait3A_434 = arith.constant 0 : i32
      %dma_wait3A_435 = tpu.memref_slice %arg4[%dma_wait3A_434] : memref<320000xi32, #tpu.memory_space<hbm>> -> memref<40xi32, #tpu.memory_space<hbm>>
      tpu.wait_dma2 semaphore(%arg10 : memref<!tpu.dma_semaphore, #tpu.memory_space<semaphore_mem>>) src(%dma_wait3A_435 : memref<40xi32, #tpu.memory_space<hbm>>) dst(%dma_wait3A_433 : memref<40xi32, #tpu.memory_space<vmem>>)
      %gt3A = arith.constant 0 : i32
      %gt3A_436 = arith.cmpi sgt, %add3A_408, %gt3A : i32
      %convert_element_type3A_437 = arith.extui %gt3A_436 : i1 to i32
      %cond3A_438 = arith.constant 0 : i32
      %cond3A_439 = arith.cmpi ne, %convert_element_type3A_437, %cond3A_438 : i32
      scf.if %cond3A_439 {
        %dma_wait3A_1181 = arith.constant 4 : i32
        %dma_wait3A_1182 = arith.constant 4 : i32
        %dma_wait3A_1183 = arith.constant 0 : i32
        %dma_wait3A_1184 = arith.constant 0 : i32
        %dma_wait3A_1185 = tpu.memref_slice %arg8[%dma_wait3A_1181, %dma_wait3A_1183, %dma_wait3A_1184] : memref<5x40x128xf32, #tpu.memory_space<vmem>> -> memref<1x40x128xf32, #tpu.memory_space<vmem>>
        %dma_wait3A_1186 = tpu.memref_squeeze %dma_wait3A_1185 : memref<1x40x128xf32, #tpu.memory_space<vmem>> -> memref<40x128xf32, #tpu.memory_space<vmem>>
        %dma_wait3A_1187 = arith.constant 0 : i32
        %dma_wait3A_1188 = tpu.memref_slice %arg7[%dma_wait3A_1182, %dma_wait3A_1187] : memref<5x40xi32, #tpu.memory_space<vmem>> -> memref<1x40xi32, #tpu.memory_space<vmem>>
        %dma_wait3A_1189 = tpu.memref_squeeze %dma_wait3A_1188 : memref<1x40xi32, #tpu.memory_space<vmem>> -> memref<40xi32, #tpu.memory_space<vmem>>
        %dma_wait3A_1190 = arith.constant 0 : i32
        %dma_wait3A_1191 = arith.constant 0 : i32
        %dma_wait3A_1192 = tpu.memref_slice %arg9[%dma_wait3A_1190, %dma_wait3A_1191] : memref<10000x128xf32, #tpu.memory_space<vmem_shared>> -> memref<10000x128xf32, #tpu.memory_space<vmem_shared>>
        tpu.wait_indirect_dma semaphore(%arg25 : memref<!tpu.dma_semaphore, #tpu.memory_space<semaphore_mem>>) src(%dma_wait3A_1186 : memref<40x128xf32, #tpu.memory_space<vmem>>) dst(%dma_wait3A_1192 : memref<10000x128xf32, #tpu.memory_space<vmem_shared>>)
      } else {
      }
      %dma_start3A_440 = arith.constant 0 : i32
      %dma_start3A_441 = arith.constant 0 : i32
      %dma_start3A_442 = arith.constant 0 : i32
      %dma_start3A_443 = arith.constant 0 : i32
      %dma_start3A_444 = tpu.memref_slice %arg8[%dma_start3A_440, %dma_start3A_442, %dma_start3A_443] : memref<5x40x128xf32, #tpu.memory_space<vmem>> -> memref<1x40x128xf32, #tpu.memory_space<vmem>>
      %dma_start3A_445 = tpu.memref_squeeze %dma_start3A_444 : memref<1x40x128xf32, #tpu.memory_space<vmem>> -> memref<40x128xf32, #tpu.memory_space<vmem>>
      %dma_start3A_446 = arith.constant 0 : i32
      %dma_start3A_447 = tpu.memref_slice %arg7[%dma_start3A_441, %dma_start3A_446] : memref<5x40xi32, #tpu.memory_space<vmem>> -> memref<1x40xi32, #tpu.memory_space<vmem>>
      %dma_start3A_448 = tpu.memref_squeeze %dma_start3A_447 : memref<1x40xi32, #tpu.memory_space<vmem>> -> memref<40xi32, #tpu.memory_space<vmem>>
      %dma_start3A_449 = arith.constant 0 : i32
      %dma_start3A_450 = arith.constant 0 : i32
      %dma_start3A_451 = tpu.memref_slice %arg9[%dma_start3A_449, %dma_start3A_450] : memref<10000x128xf32, #tpu.memory_space<vmem_shared>> -> memref<10000x128xf32, #tpu.memory_space<vmem_shared>>
      tpu.enqueue_indirect_dma source(%dma_start3A_445 : memref<40x128xf32, #tpu.memory_space<vmem>>) target(%dma_start3A_451 : memref<10000x128xf32, #tpu.memory_space<vmem_shared>>) offsets(%dma_start3A_448 : memref<40xi32, #tpu.memory_space<vmem>>) semaphore(%arg25 : memref<!tpu.dma_semaphore, #tpu.memory_space<semaphore_mem>>) {add = true}
      %gt3A_452 = arith.constant 0 : i32
      %gt3A_453 = arith.cmpi sgt, %add3A_408, %gt3A_452 : i32
      %convert_element_type3A_454 = arith.extui %gt3A_453 : i1 to i32
      %cond3A_455 = arith.constant 0 : i32
      %cond3A_456 = arith.cmpi ne, %convert_element_type3A_454, %cond3A_455 : i32
      scf.if %cond3A_456 {
        %add3A_1181 = arith.constant 5 : i32
        %add3A_1182 = arith.addi %add3A_412, %add3A_1181 : i32
        %sub3A_1183 = arith.constant 1 : i32
        %sub3A_1184 = arith.subi %add3A_1182, %sub3A_1183 : i32
        %mul3A_1185 = arith.constant 40 : i32
        %mul3A_1186 = arith.muli %sub3A_1184, %mul3A_1185 : i32
        %add3A_1187 = arith.addi %mul3A_2, %mul3A_1186 : i32
        %dma_start3A_1188 = arith.constant 4 : i32
        %dma_start3A_1189 = arith.constant 0 : i32
        %dma_start3A_1190 = tpu.memref_slice %arg7[%dma_start3A_1188, %dma_start3A_1189] : memref<5x40xi32, #tpu.memory_space<vmem>> -> memref<1x40xi32, #tpu.memory_space<vmem>>
        %dma_start3A_1191 = tpu.memref_squeeze %dma_start3A_1190 : memref<1x40xi32, #tpu.memory_space<vmem>> -> memref<40xi32, #tpu.memory_space<vmem>>
        %dma_start3A_1192 = tpu.memref_slice %arg4[%add3A_1187] : memref<320000xi32, #tpu.memory_space<hbm>> -> memref<40xi32, #tpu.memory_space<hbm>>
        %dma_start3A_1193 = arith.constant 0 : i32
        %dma_start3A_1194 = tpu.memref_slice %arg7[%dma_start3A_1188, %dma_start3A_1193] : memref<5x40xi32, #tpu.memory_space<vmem>> -> memref<1x40xi32, #tpu.memory_space<vmem>>
        %dma_start3A_1195 = tpu.memref_squeeze %dma_start3A_1194 : memref<1x40xi32, #tpu.memory_space<vmem>> -> memref<40xi32, #tpu.memory_space<vmem>>
        %dma_start3A_1196 = tpu.memref_slice %arg4[%add3A_1187] : memref<320000xi32, #tpu.memory_space<hbm>> -> memref<40xi32, #tpu.memory_space<hbm>>
        tpu.enqueue_dma source(%dma_start3A_1196 : memref<40xi32, #tpu.memory_space<hbm>>) target(%dma_start3A_1195 : memref<40xi32, #tpu.memory_space<vmem>>) target_semaphore(%arg14 : memref<!tpu.dma_semaphore, #tpu.memory_space<semaphore_mem>>)
        %dma_wait3A_1197 = arith.constant 4 : i32
        %dma_wait3A_1198 = arith.constant 0 : i32
        %dma_wait3A_1199 = tpu.memref_slice %arg6[%dma_wait3A_1197, %dma_wait3A_1198] : memref<10x40xi32, #tpu.memory_space<vmem>> -> memref<1x40xi32, #tpu.memory_space<vmem>>
        %dma_wait3A_1200 = tpu.memref_squeeze %dma_wait3A_1199 : memref<1x40xi32, #tpu.memory_space<vmem>> -> memref<40xi32, #tpu.memory_space<vmem>>
        %dma_wait3A_1201 = arith.constant 0 : i32
        %dma_wait3A_1202 = tpu.memref_slice %arg3[%dma_wait3A_1201] : memref<320000xi32, #tpu.memory_space<hbm>> -> memref<40xi32, #tpu.memory_space<hbm>>
        %dma_wait3A_1203 = arith.constant 0 : i32
        %dma_wait3A_1204 = tpu.memref_slice %arg6[%dma_wait3A_1197, %dma_wait3A_1203] : memref<10x40xi32, #tpu.memory_space<vmem>> -> memref<1x40xi32, #tpu.memory_space<vmem>>
        %dma_wait3A_1205 = tpu.memref_squeeze %dma_wait3A_1204 : memref<1x40xi32, #tpu.memory_space<vmem>> -> memref<40xi32, #tpu.memory_space<vmem>>
        %dma_wait3A_1206 = arith.constant 0 : i32
        %dma_wait3A_1207 = tpu.memref_slice %arg3[%dma_wait3A_1206] : memref<320000xi32, #tpu.memory_space<hbm>> -> memref<40xi32, #tpu.memory_space<hbm>>
        tpu.wait_dma2 semaphore(%arg19 : memref<!tpu.dma_semaphore, #tpu.memory_space<semaphore_mem>>) src(%dma_wait3A_1207 : memref<40xi32, #tpu.memory_space<hbm>>) dst(%dma_wait3A_1205 : memref<40xi32, #tpu.memory_space<vmem>>)
        %dma_start3A_1208 = arith.constant 4 : i32
        %dma_start3A_1209 = arith.constant 4 : i32
        %dma_start3A_1210 = arith.constant 0 : i32
        %dma_start3A_1211 = arith.constant 0 : i32
        %dma_start3A_1212 = tpu.memref_slice %arg8[%dma_start3A_1209, %dma_start3A_1210, %dma_start3A_1211] : memref<5x40x128xf32, #tpu.memory_space<vmem>> -> memref<1x40x128xf32, #tpu.memory_space<vmem>>
        %dma_start3A_1213 = tpu.memref_squeeze %dma_start3A_1212 : memref<1x40x128xf32, #tpu.memory_space<vmem>> -> memref<40x128xf32, #tpu.memory_space<vmem>>
        %dma_start3A_1214 = arith.constant 0 : i32
        %dma_start3A_1215 = tpu.memref_slice %arg6[%dma_start3A_1208, %dma_start3A_1214] : memref<10x40xi32, #tpu.memory_space<vmem>> -> memref<1x40xi32, #tpu.memory_space<vmem>>
        %dma_start3A_1216 = tpu.memref_squeeze %dma_start3A_1215 : memref<1x40xi32, #tpu.memory_space<vmem>> -> memref<40xi32, #tpu.memory_space<vmem>>
        %dma_start3A_1217 = arith.constant 0 : i32
        %dma_start3A_1218 = arith.constant 0 : i32
        %dma_start3A_1219 = tpu.memref_slice %arg2[%dma_start3A_1217, %dma_start3A_1218] : memref<10000x128xf32, #tpu.memory_space<hbm>> -> memref<10000x128xf32, #tpu.memory_space<hbm>>
        tpu.enqueue_indirect_dma source(%dma_start3A_1219 : memref<10000x128xf32, #tpu.memory_space<hbm>>) target(%dma_start3A_1213 : memref<40x128xf32, #tpu.memory_space<vmem>>) offsets(%dma_start3A_1216 : memref<40xi32, #tpu.memory_space<vmem>>) semaphore(%arg14 : memref<!tpu.dma_semaphore, #tpu.memory_space<semaphore_mem>>)
      } else {
      }
      %gt3A_457 = arith.constant 0 : i32
      %gt3A_458 = arith.cmpi sgt, %add3A_408, %gt3A_457 : i32
      %convert_element_type3A_459 = arith.extui %gt3A_458 : i1 to i32
      %cond3A_460 = arith.constant 0 : i32
      %cond3A_461 = arith.cmpi ne, %convert_element_type3A_459, %cond3A_460 : i32
      scf.if %cond3A_461 {
        %add3A_1181 = arith.constant 10 : i32
        %add3A_1182 = arith.addi %add3A_412, %add3A_1181 : i32
        %sub3A_1183 = arith.constant 1 : i32
        %sub3A_1184 = arith.subi %add3A_1182, %sub3A_1183 : i32
        %mul3A_1185 = arith.constant 40 : i32
        %mul3A_1186 = arith.muli %sub3A_1184, %mul3A_1185 : i32
        %add3A_1187 = arith.addi %mul3A_2, %mul3A_1186 : i32
        %dma_start3A_1188 = arith.constant 9 : i32
        %dma_start3A_1189 = arith.constant 0 : i32
        %dma_start3A_1190 = tpu.memref_slice %arg6[%dma_start3A_1188, %dma_start3A_1189] : memref<10x40xi32, #tpu.memory_space<vmem>> -> memref<1x40xi32, #tpu.memory_space<vmem>>
        %dma_start3A_1191 = tpu.memref_squeeze %dma_start3A_1190 : memref<1x40xi32, #tpu.memory_space<vmem>> -> memref<40xi32, #tpu.memory_space<vmem>>
        %dma_start3A_1192 = tpu.memref_slice %arg3[%add3A_1187] : memref<320000xi32, #tpu.memory_space<hbm>> -> memref<40xi32, #tpu.memory_space<hbm>>
        %dma_start3A_1193 = arith.constant 0 : i32
        %dma_start3A_1194 = tpu.memref_slice %arg6[%dma_start3A_1188, %dma_start3A_1193] : memref<10x40xi32, #tpu.memory_space<vmem>> -> memref<1x40xi32, #tpu.memory_space<vmem>>
        %dma_start3A_1195 = tpu.memref_squeeze %dma_start3A_1194 : memref<1x40xi32, #tpu.memory_space<vmem>> -> memref<40xi32, #tpu.memory_space<vmem>>
        %dma_start3A_1196 = tpu.memref_slice %arg3[%add3A_1187] : memref<320000xi32, #tpu.memory_space<hbm>> -> memref<40xi32, #tpu.memory_space<hbm>>
        tpu.enqueue_dma source(%dma_start3A_1196 : memref<40xi32, #tpu.memory_space<hbm>>) target(%dma_start3A_1195 : memref<40xi32, #tpu.memory_space<vmem>>) target_semaphore(%arg24 : memref<!tpu.dma_semaphore, #tpu.memory_space<semaphore_mem>>)
      } else {
      }
      %mul3A_462 = arith.constant 10 : i32
      %mul3A_463 = arith.muli %add3A_408, %mul3A_462 : i32
      %add3A_464 = arith.constant 1 : i32
      %add3A_465 = arith.addi %mul3A_463, %add3A_464 : i32
      %dma_wait3A_466 = arith.constant 0 : i32
      %dma_wait3A_467 = arith.constant 1 : i32
      %dma_wait3A_468 = arith.constant 0 : i32
      %dma_wait3A_469 = arith.constant 0 : i32
      %dma_wait3A_470 = tpu.memref_slice %arg8[%dma_wait3A_467, %dma_wait3A_468, %dma_wait3A_469] : memref<5x40x128xf32, #tpu.memory_space<vmem>> -> memref<1x40x128xf32, #tpu.memory_space<vmem>>
      %dma_wait3A_471 = tpu.memref_squeeze %dma_wait3A_470 : memref<1x40x128xf32, #tpu.memory_space<vmem>> -> memref<40x128xf32, #tpu.memory_space<vmem>>
      %dma_wait3A_472 = arith.constant 0 : i32
      %dma_wait3A_473 = tpu.memref_slice %arg6[%dma_wait3A_466, %dma_wait3A_472] : memref<10x40xi32, #tpu.memory_space<vmem>> -> memref<1x40xi32, #tpu.memory_space<vmem>>
      %dma_wait3A_474 = tpu.memref_squeeze %dma_wait3A_473 : memref<1x40xi32, #tpu.memory_space<vmem>> -> memref<40xi32, #tpu.memory_space<vmem>>
      %dma_wait3A_475 = arith.constant 0 : i32
      %dma_wait3A_476 = arith.constant 0 : i32
      %dma_wait3A_477 = tpu.memref_slice %arg2[%dma_wait3A_475, %dma_wait3A_476] : memref<10000x128xf32, #tpu.memory_space<hbm>> -> memref<10000x128xf32, #tpu.memory_space<hbm>>
      tpu.wait_indirect_dma semaphore(%arg11 : memref<!tpu.dma_semaphore, #tpu.memory_space<semaphore_mem>>) src(%dma_wait3A_477 : memref<10000x128xf32, #tpu.memory_space<hbm>>) dst(%dma_wait3A_471 : memref<40x128xf32, #tpu.memory_space<vmem>>)
      %dma_wait3A_478 = arith.constant 1 : i32
      %dma_wait3A_479 = arith.constant 0 : i32
      %dma_wait3A_480 = tpu.memref_slice %arg7[%dma_wait3A_478, %dma_wait3A_479] : memref<5x40xi32, #tpu.memory_space<vmem>> -> memref<1x40xi32, #tpu.memory_space<vmem>>
      %dma_wait3A_481 = tpu.memref_squeeze %dma_wait3A_480 : memref<1x40xi32, #tpu.memory_space<vmem>> -> memref<40xi32, #tpu.memory_space<vmem>>
      %dma_wait3A_482 = arith.constant 0 : i32
      %dma_wait3A_483 = tpu.memref_slice %arg4[%dma_wait3A_482] : memref<320000xi32, #tpu.memory_space<hbm>> -> memref<40xi32, #tpu.memory_space<hbm>>
      %dma_wait3A_484 = arith.constant 0 : i32
      %dma_wait3A_485 = tpu.memref_slice %arg7[%dma_wait3A_478, %dma_wait3A_484] : memref<5x40xi32, #tpu.memory_space<vmem>> -> memref<1x40xi32, #tpu.memory_space<vmem>>
      %dma_wait3A_486 = tpu.memref_squeeze %dma_wait3A_485 : memref<1x40xi32, #tpu.memory_space<vmem>> -> memref<40xi32, #tpu.memory_space<vmem>>
      %dma_wait3A_487 = arith.constant 0 : i32
      %dma_wait3A_488 = tpu.memref_slice %arg4[%dma_wait3A_487] : memref<320000xi32, #tpu.memory_space<hbm>> -> memref<40xi32, #tpu.memory_space<hbm>>
      tpu.wait_dma2 semaphore(%arg11 : memref<!tpu.dma_semaphore, #tpu.memory_space<semaphore_mem>>) src(%dma_wait3A_488 : memref<40xi32, #tpu.memory_space<hbm>>) dst(%dma_wait3A_486 : memref<40xi32, #tpu.memory_space<vmem>>)
      %dma_wait3A_489 = arith.constant 0 : i32
      %dma_wait3A_490 = arith.constant 0 : i32
      %dma_wait3A_491 = arith.constant 0 : i32
      %dma_wait3A_492 = arith.constant 0 : i32
      %dma_wait3A_493 = tpu.memref_slice %arg8[%dma_wait3A_489, %dma_wait3A_491, %dma_wait3A_492] : memref<5x40x128xf32, #tpu.memory_space<vmem>> -> memref<1x40x128xf32, #tpu.memory_space<vmem>>
      %dma_wait3A_494 = tpu.memref_squeeze %dma_wait3A_493 : memref<1x40x128xf32, #tpu.memory_space<vmem>> -> memref<40x128xf32, #tpu.memory_space<vmem>>
      %dma_wait3A_495 = arith.constant 0 : i32
      %dma_wait3A_496 = tpu.memref_slice %arg7[%dma_wait3A_490, %dma_wait3A_495] : memref<5x40xi32, #tpu.memory_space<vmem>> -> memref<1x40xi32, #tpu.memory_space<vmem>>
      %dma_wait3A_497 = tpu.memref_squeeze %dma_wait3A_496 : memref<1x40xi32, #tpu.memory_space<vmem>> -> memref<40xi32, #tpu.memory_space<vmem>>
      %dma_wait3A_498 = arith.constant 0 : i32
      %dma_wait3A_499 = arith.constant 0 : i32
      %dma_wait3A_500 = tpu.memref_slice %arg9[%dma_wait3A_498, %dma_wait3A_499] : memref<10000x128xf32, #tpu.memory_space<vmem_shared>> -> memref<10000x128xf32, #tpu.memory_space<vmem_shared>>
      tpu.wait_indirect_dma semaphore(%arg25 : memref<!tpu.dma_semaphore, #tpu.memory_space<semaphore_mem>>) src(%dma_wait3A_494 : memref<40x128xf32, #tpu.memory_space<vmem>>) dst(%dma_wait3A_500 : memref<10000x128xf32, #tpu.memory_space<vmem_shared>>)
      %dma_start3A_501 = arith.constant 1 : i32
      %dma_start3A_502 = arith.constant 1 : i32
      %dma_start3A_503 = arith.constant 0 : i32
      %dma_start3A_504 = arith.constant 0 : i32
      %dma_start3A_505 = tpu.memref_slice %arg8[%dma_start3A_501, %dma_start3A_503, %dma_start3A_504] : memref<5x40x128xf32, #tpu.memory_space<vmem>> -> memref<1x40x128xf32, #tpu.memory_space<vmem>>
      %dma_start3A_506 = tpu.memref_squeeze %dma_start3A_505 : memref<1x40x128xf32, #tpu.memory_space<vmem>> -> memref<40x128xf32, #tpu.memory_space<vmem>>
      %dma_start3A_507 = arith.constant 0 : i32
      %dma_start3A_508 = tpu.memref_slice %arg7[%dma_start3A_502, %dma_start3A_507] : memref<5x40xi32, #tpu.memory_space<vmem>> -> memref<1x40xi32, #tpu.memory_space<vmem>>
      %dma_start3A_509 = tpu.memref_squeeze %dma_start3A_508 : memref<1x40xi32, #tpu.memory_space<vmem>> -> memref<40xi32, #tpu.memory_space<vmem>>
      %dma_start3A_510 = arith.constant 0 : i32
      %dma_start3A_511 = arith.constant 0 : i32
      %dma_start3A_512 = tpu.memref_slice %arg9[%dma_start3A_510, %dma_start3A_511] : memref<10000x128xf32, #tpu.memory_space<vmem_shared>> -> memref<10000x128xf32, #tpu.memory_space<vmem_shared>>
      tpu.enqueue_indirect_dma source(%dma_start3A_506 : memref<40x128xf32, #tpu.memory_space<vmem>>) target(%dma_start3A_512 : memref<10000x128xf32, #tpu.memory_space<vmem_shared>>) offsets(%dma_start3A_509 : memref<40xi32, #tpu.memory_space<vmem>>) semaphore(%arg25 : memref<!tpu.dma_semaphore, #tpu.memory_space<semaphore_mem>>) {add = true}
      %add3A_513 = arith.constant 5 : i32
      %add3A_514 = arith.addi %add3A_465, %add3A_513 : i32
      %sub3A_515 = arith.constant 1 : i32
      %sub3A_516 = arith.subi %add3A_514, %sub3A_515 : i32
      %mul3A_517 = arith.constant 40 : i32
      %mul3A_518 = arith.muli %sub3A_516, %mul3A_517 : i32
      %add3A_519 = arith.addi %mul3A_2, %mul3A_518 : i32
      %dma_start3A_520 = arith.constant 0 : i32
      %dma_start3A_521 = arith.constant 0 : i32
      %dma_start3A_522 = tpu.memref_slice %arg7[%dma_start3A_520, %dma_start3A_521] : memref<5x40xi32, #tpu.memory_space<vmem>> -> memref<1x40xi32, #tpu.memory_space<vmem>>
      %dma_start3A_523 = tpu.memref_squeeze %dma_start3A_522 : memref<1x40xi32, #tpu.memory_space<vmem>> -> memref<40xi32, #tpu.memory_space<vmem>>
      %dma_start3A_524 = tpu.memref_slice %arg4[%add3A_519] : memref<320000xi32, #tpu.memory_space<hbm>> -> memref<40xi32, #tpu.memory_space<hbm>>
      %dma_start3A_525 = arith.constant 0 : i32
      %dma_start3A_526 = tpu.memref_slice %arg7[%dma_start3A_520, %dma_start3A_525] : memref<5x40xi32, #tpu.memory_space<vmem>> -> memref<1x40xi32, #tpu.memory_space<vmem>>
      %dma_start3A_527 = tpu.memref_squeeze %dma_start3A_526 : memref<1x40xi32, #tpu.memory_space<vmem>> -> memref<40xi32, #tpu.memory_space<vmem>>
      %dma_start3A_528 = tpu.memref_slice %arg4[%add3A_519] : memref<320000xi32, #tpu.memory_space<hbm>> -> memref<40xi32, #tpu.memory_space<hbm>>
      tpu.enqueue_dma source(%dma_start3A_528 : memref<40xi32, #tpu.memory_space<hbm>>) target(%dma_start3A_527 : memref<40xi32, #tpu.memory_space<vmem>>) target_semaphore(%arg10 : memref<!tpu.dma_semaphore, #tpu.memory_space<semaphore_mem>>)
      %dma_wait3A_529 = arith.constant 5 : i32
      %dma_wait3A_530 = arith.constant 0 : i32
      %dma_wait3A_531 = tpu.memref_slice %arg6[%dma_wait3A_529, %dma_wait3A_530] : memref<10x40xi32, #tpu.memory_space<vmem>> -> memref<1x40xi32, #tpu.memory_space<vmem>>
      %dma_wait3A_532 = tpu.memref_squeeze %dma_wait3A_531 : memref<1x40xi32, #tpu.memory_space<vmem>> -> memref<40xi32, #tpu.memory_space<vmem>>
      %dma_wait3A_533 = arith.constant 0 : i32
      %dma_wait3A_534 = tpu.memref_slice %arg3[%dma_wait3A_533] : memref<320000xi32, #tpu.memory_space<hbm>> -> memref<40xi32, #tpu.memory_space<hbm>>
      %dma_wait3A_535 = arith.constant 0 : i32
      %dma_wait3A_536 = tpu.memref_slice %arg6[%dma_wait3A_529, %dma_wait3A_535] : memref<10x40xi32, #tpu.memory_space<vmem>> -> memref<1x40xi32, #tpu.memory_space<vmem>>
      %dma_wait3A_537 = tpu.memref_squeeze %dma_wait3A_536 : memref<1x40xi32, #tpu.memory_space<vmem>> -> memref<40xi32, #tpu.memory_space<vmem>>
      %dma_wait3A_538 = arith.constant 0 : i32
      %dma_wait3A_539 = tpu.memref_slice %arg3[%dma_wait3A_538] : memref<320000xi32, #tpu.memory_space<hbm>> -> memref<40xi32, #tpu.memory_space<hbm>>
      tpu.wait_dma2 semaphore(%arg20 : memref<!tpu.dma_semaphore, #tpu.memory_space<semaphore_mem>>) src(%dma_wait3A_539 : memref<40xi32, #tpu.memory_space<hbm>>) dst(%dma_wait3A_537 : memref<40xi32, #tpu.memory_space<vmem>>)
      %dma_start3A_540 = arith.constant 5 : i32
      %dma_start3A_541 = arith.constant 0 : i32
      %dma_start3A_542 = arith.constant 0 : i32
      %dma_start3A_543 = arith.constant 0 : i32
      %dma_start3A_544 = tpu.memref_slice %arg8[%dma_start3A_541, %dma_start3A_542, %dma_start3A_543] : memref<5x40x128xf32, #tpu.memory_space<vmem>> -> memref<1x40x128xf32, #tpu.memory_space<vmem>>
      %dma_start3A_545 = tpu.memref_squeeze %dma_start3A_544 : memref<1x40x128xf32, #tpu.memory_space<vmem>> -> memref<40x128xf32, #tpu.memory_space<vmem>>
      %dma_start3A_546 = arith.constant 0 : i32
      %dma_start3A_547 = tpu.memref_slice %arg6[%dma_start3A_540, %dma_start3A_546] : memref<10x40xi32, #tpu.memory_space<vmem>> -> memref<1x40xi32, #tpu.memory_space<vmem>>
      %dma_start3A_548 = tpu.memref_squeeze %dma_start3A_547 : memref<1x40xi32, #tpu.memory_space<vmem>> -> memref<40xi32, #tpu.memory_space<vmem>>
      %dma_start3A_549 = arith.constant 0 : i32
      %dma_start3A_550 = arith.constant 0 : i32
      %dma_start3A_551 = tpu.memref_slice %arg2[%dma_start3A_549, %dma_start3A_550] : memref<10000x128xf32, #tpu.memory_space<hbm>> -> memref<10000x128xf32, #tpu.memory_space<hbm>>
      tpu.enqueue_indirect_dma source(%dma_start3A_551 : memref<10000x128xf32, #tpu.memory_space<hbm>>) target(%dma_start3A_545 : memref<40x128xf32, #tpu.memory_space<vmem>>) offsets(%dma_start3A_548 : memref<40xi32, #tpu.memory_space<vmem>>) semaphore(%arg10 : memref<!tpu.dma_semaphore, #tpu.memory_space<semaphore_mem>>)
      %lt3A_552 = arith.constant 24 : i32
      %lt3A_553 = arith.cmpi slt, %add3A_408, %lt3A_552 : i32
      %convert_element_type3A_554 = arith.extui %lt3A_553 : i1 to i32
      %cond3A_555 = arith.constant 0 : i32
      %cond3A_556 = arith.cmpi ne, %convert_element_type3A_554, %cond3A_555 : i32
      scf.if %cond3A_556 {
        %add3A_1181 = arith.constant 10 : i32
        %add3A_1182 = arith.addi %add3A_465, %add3A_1181 : i32
        %sub3A_1183 = arith.constant 1 : i32
        %sub3A_1184 = arith.subi %add3A_1182, %sub3A_1183 : i32
        %mul3A_1185 = arith.constant 40 : i32
        %mul3A_1186 = arith.muli %sub3A_1184, %mul3A_1185 : i32
        %add3A_1187 = arith.addi %mul3A_2, %mul3A_1186 : i32
        %dma_start3A_1188 = arith.constant 0 : i32
        %dma_start3A_1189 = arith.constant 0 : i32
        %dma_start3A_1190 = tpu.memref_slice %arg6[%dma_start3A_1188, %dma_start3A_1189] : memref<10x40xi32, #tpu.memory_space<vmem>> -> memref<1x40xi32, #tpu.memory_space<vmem>>
        %dma_start3A_1191 = tpu.memref_squeeze %dma_start3A_1190 : memref<1x40xi32, #tpu.memory_space<vmem>> -> memref<40xi32, #tpu.memory_space<vmem>>
        %dma_start3A_1192 = tpu.memref_slice %arg3[%add3A_1187] : memref<320000xi32, #tpu.memory_space<hbm>> -> memref<40xi32, #tpu.memory_space<hbm>>
        %dma_start3A_1193 = arith.constant 0 : i32
        %dma_start3A_1194 = tpu.memref_slice %arg6[%dma_start3A_1188, %dma_start3A_1193] : memref<10x40xi32, #tpu.memory_space<vmem>> -> memref<1x40xi32, #tpu.memory_space<vmem>>
        %dma_start3A_1195 = tpu.memref_squeeze %dma_start3A_1194 : memref<1x40xi32, #tpu.memory_space<vmem>> -> memref<40xi32, #tpu.memory_space<vmem>>
        %dma_start3A_1196 = tpu.memref_slice %arg3[%add3A_1187] : memref<320000xi32, #tpu.memory_space<hbm>> -> memref<40xi32, #tpu.memory_space<hbm>>
        tpu.enqueue_dma source(%dma_start3A_1196 : memref<40xi32, #tpu.memory_space<hbm>>) target(%dma_start3A_1195 : memref<40xi32, #tpu.memory_space<vmem>>) target_semaphore(%arg15 : memref<!tpu.dma_semaphore, #tpu.memory_space<semaphore_mem>>)
      } else {
      }
      %mul3A_557 = arith.constant 10 : i32
      %mul3A_558 = arith.muli %add3A_408, %mul3A_557 : i32
      %add3A_559 = arith.constant 2 : i32
      %add3A_560 = arith.addi %mul3A_558, %add3A_559 : i32
      %dma_wait3A_561 = arith.constant 0 : i32
      %dma_wait3A_562 = arith.constant 2 : i32
      %dma_wait3A_563 = arith.constant 0 : i32
      %dma_wait3A_564 = arith.constant 0 : i32
      %dma_wait3A_565 = tpu.memref_slice %arg8[%dma_wait3A_562, %dma_wait3A_563, %dma_wait3A_564] : memref<5x40x128xf32, #tpu.memory_space<vmem>> -> memref<1x40x128xf32, #tpu.memory_space<vmem>>
      %dma_wait3A_566 = tpu.memref_squeeze %dma_wait3A_565 : memref<1x40x128xf32, #tpu.memory_space<vmem>> -> memref<40x128xf32, #tpu.memory_space<vmem>>
      %dma_wait3A_567 = arith.constant 0 : i32
      %dma_wait3A_568 = tpu.memref_slice %arg6[%dma_wait3A_561, %dma_wait3A_567] : memref<10x40xi32, #tpu.memory_space<vmem>> -> memref<1x40xi32, #tpu.memory_space<vmem>>
      %dma_wait3A_569 = tpu.memref_squeeze %dma_wait3A_568 : memref<1x40xi32, #tpu.memory_space<vmem>> -> memref<40xi32, #tpu.memory_space<vmem>>
      %dma_wait3A_570 = arith.constant 0 : i32
      %dma_wait3A_571 = arith.constant 0 : i32
      %dma_wait3A_572 = tpu.memref_slice %arg2[%dma_wait3A_570, %dma_wait3A_571] : memref<10000x128xf32, #tpu.memory_space<hbm>> -> memref<10000x128xf32, #tpu.memory_space<hbm>>
      tpu.wait_indirect_dma semaphore(%arg12 : memref<!tpu.dma_semaphore, #tpu.memory_space<semaphore_mem>>) src(%dma_wait3A_572 : memref<10000x128xf32, #tpu.memory_space<hbm>>) dst(%dma_wait3A_566 : memref<40x128xf32, #tpu.memory_space<vmem>>)
      %dma_wait3A_573 = arith.constant 2 : i32
      %dma_wait3A_574 = arith.constant 0 : i32
      %dma_wait3A_575 = tpu.memref_slice %arg7[%dma_wait3A_573, %dma_wait3A_574] : memref<5x40xi32, #tpu.memory_space<vmem>> -> memref<1x40xi32, #tpu.memory_space<vmem>>
      %dma_wait3A_576 = tpu.memref_squeeze %dma_wait3A_575 : memref<1x40xi32, #tpu.memory_space<vmem>> -> memref<40xi32, #tpu.memory_space<vmem>>
      %dma_wait3A_577 = arith.constant 0 : i32
      %dma_wait3A_578 = tpu.memref_slice %arg4[%dma_wait3A_577] : memref<320000xi32, #tpu.memory_space<hbm>> -> memref<40xi32, #tpu.memory_space<hbm>>
      %dma_wait3A_579 = arith.constant 0 : i32
      %dma_wait3A_580 = tpu.memref_slice %arg7[%dma_wait3A_573, %dma_wait3A_579] : memref<5x40xi32, #tpu.memory_space<vmem>> -> memref<1x40xi32, #tpu.memory_space<vmem>>
      %dma_wait3A_581 = tpu.memref_squeeze %dma_wait3A_580 : memref<1x40xi32, #tpu.memory_space<vmem>> -> memref<40xi32, #tpu.memory_space<vmem>>
      %dma_wait3A_582 = arith.constant 0 : i32
      %dma_wait3A_583 = tpu.memref_slice %arg4[%dma_wait3A_582] : memref<320000xi32, #tpu.memory_space<hbm>> -> memref<40xi32, #tpu.memory_space<hbm>>
      tpu.wait_dma2 semaphore(%arg12 : memref<!tpu.dma_semaphore, #tpu.memory_space<semaphore_mem>>) src(%dma_wait3A_583 : memref<40xi32, #tpu.memory_space<hbm>>) dst(%dma_wait3A_581 : memref<40xi32, #tpu.memory_space<vmem>>)
      %dma_wait3A_584 = arith.constant 1 : i32
      %dma_wait3A_585 = arith.constant 1 : i32
      %dma_wait3A_586 = arith.constant 0 : i32
      %dma_wait3A_587 = arith.constant 0 : i32
      %dma_wait3A_588 = tpu.memref_slice %arg8[%dma_wait3A_584, %dma_wait3A_586, %dma_wait3A_587] : memref<5x40x128xf32, #tpu.memory_space<vmem>> -> memref<1x40x128xf32, #tpu.memory_space<vmem>>
      %dma_wait3A_589 = tpu.memref_squeeze %dma_wait3A_588 : memref<1x40x128xf32, #tpu.memory_space<vmem>> -> memref<40x128xf32, #tpu.memory_space<vmem>>
      %dma_wait3A_590 = arith.constant 0 : i32
      %dma_wait3A_591 = tpu.memref_slice %arg7[%dma_wait3A_585, %dma_wait3A_590] : memref<5x40xi32, #tpu.memory_space<vmem>> -> memref<1x40xi32, #tpu.memory_space<vmem>>
      %dma_wait3A_592 = tpu.memref_squeeze %dma_wait3A_591 : memref<1x40xi32, #tpu.memory_space<vmem>> -> memref<40xi32, #tpu.memory_space<vmem>>
      %dma_wait3A_593 = arith.constant 0 : i32
      %dma_wait3A_594 = arith.constant 0 : i32
      %dma_wait3A_595 = tpu.memref_slice %arg9[%dma_wait3A_593, %dma_wait3A_594] : memref<10000x128xf32, #tpu.memory_space<vmem_shared>> -> memref<10000x128xf32, #tpu.memory_space<vmem_shared>>
      tpu.wait_indirect_dma semaphore(%arg25 : memref<!tpu.dma_semaphore, #tpu.memory_space<semaphore_mem>>) src(%dma_wait3A_589 : memref<40x128xf32, #tpu.memory_space<vmem>>) dst(%dma_wait3A_595 : memref<10000x128xf32, #tpu.memory_space<vmem_shared>>)
      %dma_start3A_596 = arith.constant 2 : i32
      %dma_start3A_597 = arith.constant 2 : i32
      %dma_start3A_598 = arith.constant 0 : i32
      %dma_start3A_599 = arith.constant 0 : i32
      %dma_start3A_600 = tpu.memref_slice %arg8[%dma_start3A_596, %dma_start3A_598, %dma_start3A_599] : memref<5x40x128xf32, #tpu.memory_space<vmem>> -> memref<1x40x128xf32, #tpu.memory_space<vmem>>
      %dma_start3A_601 = tpu.memref_squeeze %dma_start3A_600 : memref<1x40x128xf32, #tpu.memory_space<vmem>> -> memref<40x128xf32, #tpu.memory_space<vmem>>
      %dma_start3A_602 = arith.constant 0 : i32
      %dma_start3A_603 = tpu.memref_slice %arg7[%dma_start3A_597, %dma_start3A_602] : memref<5x40xi32, #tpu.memory_space<vmem>> -> memref<1x40xi32, #tpu.memory_space<vmem>>
      %dma_start3A_604 = tpu.memref_squeeze %dma_start3A_603 : memref<1x40xi32, #tpu.memory_space<vmem>> -> memref<40xi32, #tpu.memory_space<vmem>>
      %dma_start3A_605 = arith.constant 0 : i32
      %dma_start3A_606 = arith.constant 0 : i32
      %dma_start3A_607 = tpu.memref_slice %arg9[%dma_start3A_605, %dma_start3A_606] : memref<10000x128xf32, #tpu.memory_space<vmem_shared>> -> memref<10000x128xf32, #tpu.memory_space<vmem_shared>>
      tpu.enqueue_indirect_dma source(%dma_start3A_601 : memref<40x128xf32, #tpu.memory_space<vmem>>) target(%dma_start3A_607 : memref<10000x128xf32, #tpu.memory_space<vmem_shared>>) offsets(%dma_start3A_604 : memref<40xi32, #tpu.memory_space<vmem>>) semaphore(%arg25 : memref<!tpu.dma_semaphore, #tpu.memory_space<semaphore_mem>>) {add = true}
      %add3A_608 = arith.constant 5 : i32
      %add3A_609 = arith.addi %add3A_560, %add3A_608 : i32
      %sub3A_610 = arith.constant 1 : i32
      %sub3A_611 = arith.subi %add3A_609, %sub3A_610 : i32
      %mul3A_612 = arith.constant 40 : i32
      %mul3A_613 = arith.muli %sub3A_611, %mul3A_612 : i32
      %add3A_614 = arith.addi %mul3A_2, %mul3A_613 : i32
      %dma_start3A_615 = arith.constant 1 : i32
      %dma_start3A_616 = arith.constant 0 : i32
      %dma_start3A_617 = tpu.memref_slice %arg7[%dma_start3A_615, %dma_start3A_616] : memref<5x40xi32, #tpu.memory_space<vmem>> -> memref<1x40xi32, #tpu.memory_space<vmem>>
      %dma_start3A_618 = tpu.memref_squeeze %dma_start3A_617 : memref<1x40xi32, #tpu.memory_space<vmem>> -> memref<40xi32, #tpu.memory_space<vmem>>
      %dma_start3A_619 = tpu.memref_slice %arg4[%add3A_614] : memref<320000xi32, #tpu.memory_space<hbm>> -> memref<40xi32, #tpu.memory_space<hbm>>
      %dma_start3A_620 = arith.constant 0 : i32
      %dma_start3A_621 = tpu.memref_slice %arg7[%dma_start3A_615, %dma_start3A_620] : memref<5x40xi32, #tpu.memory_space<vmem>> -> memref<1x40xi32, #tpu.memory_space<vmem>>
      %dma_start3A_622 = tpu.memref_squeeze %dma_start3A_621 : memref<1x40xi32, #tpu.memory_space<vmem>> -> memref<40xi32, #tpu.memory_space<vmem>>
      %dma_start3A_623 = tpu.memref_slice %arg4[%add3A_614] : memref<320000xi32, #tpu.memory_space<hbm>> -> memref<40xi32, #tpu.memory_space<hbm>>
      tpu.enqueue_dma source(%dma_start3A_623 : memref<40xi32, #tpu.memory_space<hbm>>) target(%dma_start3A_622 : memref<40xi32, #tpu.memory_space<vmem>>) target_semaphore(%arg11 : memref<!tpu.dma_semaphore, #tpu.memory_space<semaphore_mem>>)
      %dma_wait3A_624 = arith.constant 6 : i32
      %dma_wait3A_625 = arith.constant 0 : i32
      %dma_wait3A_626 = tpu.memref_slice %arg6[%dma_wait3A_624, %dma_wait3A_625] : memref<10x40xi32, #tpu.memory_space<vmem>> -> memref<1x40xi32, #tpu.memory_space<vmem>>
      %dma_wait3A_627 = tpu.memref_squeeze %dma_wait3A_626 : memref<1x40xi32, #tpu.memory_space<vmem>> -> memref<40xi32, #tpu.memory_space<vmem>>
      %dma_wait3A_628 = arith.constant 0 : i32
      %dma_wait3A_629 = tpu.memref_slice %arg3[%dma_wait3A_628] : memref<320000xi32, #tpu.memory_space<hbm>> -> memref<40xi32, #tpu.memory_space<hbm>>
      %dma_wait3A_630 = arith.constant 0 : i32
      %dma_wait3A_631 = tpu.memref_slice %arg6[%dma_wait3A_624, %dma_wait3A_630] : memref<10x40xi32, #tpu.memory_space<vmem>> -> memref<1x40xi32, #tpu.memory_space<vmem>>
      %dma_wait3A_632 = tpu.memref_squeeze %dma_wait3A_631 : memref<1x40xi32, #tpu.memory_space<vmem>> -> memref<40xi32, #tpu.memory_space<vmem>>
      %dma_wait3A_633 = arith.constant 0 : i32
      %dma_wait3A_634 = tpu.memref_slice %arg3[%dma_wait3A_633] : memref<320000xi32, #tpu.memory_space<hbm>> -> memref<40xi32, #tpu.memory_space<hbm>>
      tpu.wait_dma2 semaphore(%arg21 : memref<!tpu.dma_semaphore, #tpu.memory_space<semaphore_mem>>) src(%dma_wait3A_634 : memref<40xi32, #tpu.memory_space<hbm>>) dst(%dma_wait3A_632 : memref<40xi32, #tpu.memory_space<vmem>>)
      %dma_start3A_635 = arith.constant 6 : i32
      %dma_start3A_636 = arith.constant 1 : i32
      %dma_start3A_637 = arith.constant 0 : i32
      %dma_start3A_638 = arith.constant 0 : i32
      %dma_start3A_639 = tpu.memref_slice %arg8[%dma_start3A_636, %dma_start3A_637, %dma_start3A_638] : memref<5x40x128xf32, #tpu.memory_space<vmem>> -> memref<1x40x128xf32, #tpu.memory_space<vmem>>
      %dma_start3A_640 = tpu.memref_squeeze %dma_start3A_639 : memref<1x40x128xf32, #tpu.memory_space<vmem>> -> memref<40x128xf32, #tpu.memory_space<vmem>>
      %dma_start3A_641 = arith.constant 0 : i32
      %dma_start3A_642 = tpu.memref_slice %arg6[%dma_start3A_635, %dma_start3A_641] : memref<10x40xi32, #tpu.memory_space<vmem>> -> memref<1x40xi32, #tpu.memory_space<vmem>>
      %dma_start3A_643 = tpu.memref_squeeze %dma_start3A_642 : memref<1x40xi32, #tpu.memory_space<vmem>> -> memref<40xi32, #tpu.memory_space<vmem>>
      %dma_start3A_644 = arith.constant 0 : i32
      %dma_start3A_645 = arith.constant 0 : i32
      %dma_start3A_646 = tpu.memref_slice %arg2[%dma_start3A_644, %dma_start3A_645] : memref<10000x128xf32, #tpu.memory_space<hbm>> -> memref<10000x128xf32, #tpu.memory_space<hbm>>
      tpu.enqueue_indirect_dma source(%dma_start3A_646 : memref<10000x128xf32, #tpu.memory_space<hbm>>) target(%dma_start3A_640 : memref<40x128xf32, #tpu.memory_space<vmem>>) offsets(%dma_start3A_643 : memref<40xi32, #tpu.memory_space<vmem>>) semaphore(%arg11 : memref<!tpu.dma_semaphore, #tpu.memory_space<semaphore_mem>>)
      %lt3A_647 = arith.constant 24 : i32
      %lt3A_648 = arith.cmpi slt, %add3A_408, %lt3A_647 : i32
      %convert_element_type3A_649 = arith.extui %lt3A_648 : i1 to i32
      %cond3A_650 = arith.constant 0 : i32
      %cond3A_651 = arith.cmpi ne, %convert_element_type3A_649, %cond3A_650 : i32
      scf.if %cond3A_651 {
        %add3A_1181 = arith.constant 10 : i32
        %add3A_1182 = arith.addi %add3A_560, %add3A_1181 : i32
        %sub3A_1183 = arith.constant 1 : i32
        %sub3A_1184 = arith.subi %add3A_1182, %sub3A_1183 : i32
        %mul3A_1185 = arith.constant 40 : i32
        %mul3A_1186 = arith.muli %sub3A_1184, %mul3A_1185 : i32
        %add3A_1187 = arith.addi %mul3A_2, %mul3A_1186 : i32
        %dma_start3A_1188 = arith.constant 1 : i32
        %dma_start3A_1189 = arith.constant 0 : i32
        %dma_start3A_1190 = tpu.memref_slice %arg6[%dma_start3A_1188, %dma_start3A_1189] : memref<10x40xi32, #tpu.memory_space<vmem>> -> memref<1x40xi32, #tpu.memory_space<vmem>>
        %dma_start3A_1191 = tpu.memref_squeeze %dma_start3A_1190 : memref<1x40xi32, #tpu.memory_space<vmem>> -> memref<40xi32, #tpu.memory_space<vmem>>
        %dma_start3A_1192 = tpu.memref_slice %arg3[%add3A_1187] : memref<320000xi32, #tpu.memory_space<hbm>> -> memref<40xi32, #tpu.memory_space<hbm>>
        %dma_start3A_1193 = arith.constant 0 : i32
        %dma_start3A_1194 = tpu.memref_slice %arg6[%dma_start3A_1188, %dma_start3A_1193] : memref<10x40xi32, #tpu.memory_space<vmem>> -> memref<1x40xi32, #tpu.memory_space<vmem>>
        %dma_start3A_1195 = tpu.memref_squeeze %dma_start3A_1194 : memref<1x40xi32, #tpu.memory_space<vmem>> -> memref<40xi32, #tpu.memory_space<vmem>>
        %dma_start3A_1196 = tpu.memref_slice %arg3[%add3A_1187] : memref<320000xi32, #tpu.memory_space<hbm>> -> memref<40xi32, #tpu.memory_space<hbm>>
        tpu.enqueue_dma source(%dma_start3A_1196 : memref<40xi32, #tpu.memory_space<hbm>>) target(%dma_start3A_1195 : memref<40xi32, #tpu.memory_space<vmem>>) target_semaphore(%arg16 : memref<!tpu.dma_semaphore, #tpu.memory_space<semaphore_mem>>)
      } else {
      }
      %mul3A_652 = arith.constant 10 : i32
      %mul3A_653 = arith.muli %add3A_408, %mul3A_652 : i32
      %add3A_654 = arith.constant 3 : i32
      %add3A_655 = arith.addi %mul3A_653, %add3A_654 : i32
      %dma_wait3A_656 = arith.constant 0 : i32
      %dma_wait3A_657 = arith.constant 3 : i32
      %dma_wait3A_658 = arith.constant 0 : i32
      %dma_wait3A_659 = arith.constant 0 : i32
      %dma_wait3A_660 = tpu.memref_slice %arg8[%dma_wait3A_657, %dma_wait3A_658, %dma_wait3A_659] : memref<5x40x128xf32, #tpu.memory_space<vmem>> -> memref<1x40x128xf32, #tpu.memory_space<vmem>>
      %dma_wait3A_661 = tpu.memref_squeeze %dma_wait3A_660 : memref<1x40x128xf32, #tpu.memory_space<vmem>> -> memref<40x128xf32, #tpu.memory_space<vmem>>
      %dma_wait3A_662 = arith.constant 0 : i32
      %dma_wait3A_663 = tpu.memref_slice %arg6[%dma_wait3A_656, %dma_wait3A_662] : memref<10x40xi32, #tpu.memory_space<vmem>> -> memref<1x40xi32, #tpu.memory_space<vmem>>
      %dma_wait3A_664 = tpu.memref_squeeze %dma_wait3A_663 : memref<1x40xi32, #tpu.memory_space<vmem>> -> memref<40xi32, #tpu.memory_space<vmem>>
      %dma_wait3A_665 = arith.constant 0 : i32
      %dma_wait3A_666 = arith.constant 0 : i32
      %dma_wait3A_667 = tpu.memref_slice %arg2[%dma_wait3A_665, %dma_wait3A_666] : memref<10000x128xf32, #tpu.memory_space<hbm>> -> memref<10000x128xf32, #tpu.memory_space<hbm>>
      tpu.wait_indirect_dma semaphore(%arg13 : memref<!tpu.dma_semaphore, #tpu.memory_space<semaphore_mem>>) src(%dma_wait3A_667 : memref<10000x128xf32, #tpu.memory_space<hbm>>) dst(%dma_wait3A_661 : memref<40x128xf32, #tpu.memory_space<vmem>>)
      %dma_wait3A_668 = arith.constant 3 : i32
      %dma_wait3A_669 = arith.constant 0 : i32
      %dma_wait3A_670 = tpu.memref_slice %arg7[%dma_wait3A_668, %dma_wait3A_669] : memref<5x40xi32, #tpu.memory_space<vmem>> -> memref<1x40xi32, #tpu.memory_space<vmem>>
      %dma_wait3A_671 = tpu.memref_squeeze %dma_wait3A_670 : memref<1x40xi32, #tpu.memory_space<vmem>> -> memref<40xi32, #tpu.memory_space<vmem>>
      %dma_wait3A_672 = arith.constant 0 : i32
      %dma_wait3A_673 = tpu.memref_slice %arg4[%dma_wait3A_672] : memref<320000xi32, #tpu.memory_space<hbm>> -> memref<40xi32, #tpu.memory_space<hbm>>
      %dma_wait3A_674 = arith.constant 0 : i32
      %dma_wait3A_675 = tpu.memref_slice %arg7[%dma_wait3A_668, %dma_wait3A_674] : memref<5x40xi32, #tpu.memory_space<vmem>> -> memref<1x40xi32, #tpu.memory_space<vmem>>
      %dma_wait3A_676 = tpu.memref_squeeze %dma_wait3A_675 : memref<1x40xi32, #tpu.memory_space<vmem>> -> memref<40xi32, #tpu.memory_space<vmem>>
      %dma_wait3A_677 = arith.constant 0 : i32
      %dma_wait3A_678 = tpu.memref_slice %arg4[%dma_wait3A_677] : memref<320000xi32, #tpu.memory_space<hbm>> -> memref<40xi32, #tpu.memory_space<hbm>>
      tpu.wait_dma2 semaphore(%arg13 : memref<!tpu.dma_semaphore, #tpu.memory_space<semaphore_mem>>) src(%dma_wait3A_678 : memref<40xi32, #tpu.memory_space<hbm>>) dst(%dma_wait3A_676 : memref<40xi32, #tpu.memory_space<vmem>>)
      %dma_wait3A_679 = arith.constant 2 : i32
      %dma_wait3A_680 = arith.constant 2 : i32
      %dma_wait3A_681 = arith.constant 0 : i32
      %dma_wait3A_682 = arith.constant 0 : i32
      %dma_wait3A_683 = tpu.memref_slice %arg8[%dma_wait3A_679, %dma_wait3A_681, %dma_wait3A_682] : memref<5x40x128xf32, #tpu.memory_space<vmem>> -> memref<1x40x128xf32, #tpu.memory_space<vmem>>
      %dma_wait3A_684 = tpu.memref_squeeze %dma_wait3A_683 : memref<1x40x128xf32, #tpu.memory_space<vmem>> -> memref<40x128xf32, #tpu.memory_space<vmem>>
      %dma_wait3A_685 = arith.constant 0 : i32
      %dma_wait3A_686 = tpu.memref_slice %arg7[%dma_wait3A_680, %dma_wait3A_685] : memref<5x40xi32, #tpu.memory_space<vmem>> -> memref<1x40xi32, #tpu.memory_space<vmem>>
      %dma_wait3A_687 = tpu.memref_squeeze %dma_wait3A_686 : memref<1x40xi32, #tpu.memory_space<vmem>> -> memref<40xi32, #tpu.memory_space<vmem>>
      %dma_wait3A_688 = arith.constant 0 : i32
      %dma_wait3A_689 = arith.constant 0 : i32
      %dma_wait3A_690 = tpu.memref_slice %arg9[%dma_wait3A_688, %dma_wait3A_689] : memref<10000x128xf32, #tpu.memory_space<vmem_shared>> -> memref<10000x128xf32, #tpu.memory_space<vmem_shared>>
      tpu.wait_indirect_dma semaphore(%arg25 : memref<!tpu.dma_semaphore, #tpu.memory_space<semaphore_mem>>) src(%dma_wait3A_684 : memref<40x128xf32, #tpu.memory_space<vmem>>) dst(%dma_wait3A_690 : memref<10000x128xf32, #tpu.memory_space<vmem_shared>>)
      %dma_start3A_691 = arith.constant 3 : i32
      %dma_start3A_692 = arith.constant 3 : i32
      %dma_start3A_693 = arith.constant 0 : i32
      %dma_start3A_694 = arith.constant 0 : i32
      %dma_start3A_695 = tpu.memref_slice %arg8[%dma_start3A_691, %dma_start3A_693, %dma_start3A_694] : memref<5x40x128xf32, #tpu.memory_space<vmem>> -> memref<1x40x128xf32, #tpu.memory_space<vmem>>
      %dma_start3A_696 = tpu.memref_squeeze %dma_start3A_695 : memref<1x40x128xf32, #tpu.memory_space<vmem>> -> memref<40x128xf32, #tpu.memory_space<vmem>>
      %dma_start3A_697 = arith.constant 0 : i32
      %dma_start3A_698 = tpu.memref_slice %arg7[%dma_start3A_692, %dma_start3A_697] : memref<5x40xi32, #tpu.memory_space<vmem>> -> memref<1x40xi32, #tpu.memory_space<vmem>>
      %dma_start3A_699 = tpu.memref_squeeze %dma_start3A_698 : memref<1x40xi32, #tpu.memory_space<vmem>> -> memref<40xi32, #tpu.memory_space<vmem>>
      %dma_start3A_700 = arith.constant 0 : i32
      %dma_start3A_701 = arith.constant 0 : i32
      %dma_start3A_702 = tpu.memref_slice %arg9[%dma_start3A_700, %dma_start3A_701] : memref<10000x128xf32, #tpu.memory_space<vmem_shared>> -> memref<10000x128xf32, #tpu.memory_space<vmem_shared>>
      tpu.enqueue_indirect_dma source(%dma_start3A_696 : memref<40x128xf32, #tpu.memory_space<vmem>>) target(%dma_start3A_702 : memref<10000x128xf32, #tpu.memory_space<vmem_shared>>) offsets(%dma_start3A_699 : memref<40xi32, #tpu.memory_space<vmem>>) semaphore(%arg25 : memref<!tpu.dma_semaphore, #tpu.memory_space<semaphore_mem>>) {add = true}
      %add3A_703 = arith.constant 5 : i32
      %add3A_704 = arith.addi %add3A_655, %add3A_703 : i32
      %sub3A_705 = arith.constant 1 : i32
      %sub3A_706 = arith.subi %add3A_704, %sub3A_705 : i32
      %mul3A_707 = arith.constant 40 : i32
      %mul3A_708 = arith.muli %sub3A_706, %mul3A_707 : i32
      %add3A_709 = arith.addi %mul3A_2, %mul3A_708 : i32
      %dma_start3A_710 = arith.constant 2 : i32
      %dma_start3A_711 = arith.constant 0 : i32
      %dma_start3A_712 = tpu.memref_slice %arg7[%dma_start3A_710, %dma_start3A_711] : memref<5x40xi32, #tpu.memory_space<vmem>> -> memref<1x40xi32, #tpu.memory_space<vmem>>
      %dma_start3A_713 = tpu.memref_squeeze %dma_start3A_712 : memref<1x40xi32, #tpu.memory_space<vmem>> -> memref<40xi32, #tpu.memory_space<vmem>>
      %dma_start3A_714 = tpu.memref_slice %arg4[%add3A_709] : memref<320000xi32, #tpu.memory_space<hbm>> -> memref<40xi32, #tpu.memory_space<hbm>>
      %dma_start3A_715 = arith.constant 0 : i32
      %dma_start3A_716 = tpu.memref_slice %arg7[%dma_start3A_710, %dma_start3A_715] : memref<5x40xi32, #tpu.memory_space<vmem>> -> memref<1x40xi32, #tpu.memory_space<vmem>>
      %dma_start3A_717 = tpu.memref_squeeze %dma_start3A_716 : memref<1x40xi32, #tpu.memory_space<vmem>> -> memref<40xi32, #tpu.memory_space<vmem>>
      %dma_start3A_718 = tpu.memref_slice %arg4[%add3A_709] : memref<320000xi32, #tpu.memory_space<hbm>> -> memref<40xi32, #tpu.memory_space<hbm>>
      tpu.enqueue_dma source(%dma_start3A_718 : memref<40xi32, #tpu.memory_space<hbm>>) target(%dma_start3A_717 : memref<40xi32, #tpu.memory_space<vmem>>) target_semaphore(%arg12 : memref<!tpu.dma_semaphore, #tpu.memory_space<semaphore_mem>>)
      %dma_wait3A_719 = arith.constant 7 : i32
      %dma_wait3A_720 = arith.constant 0 : i32
      %dma_wait3A_721 = tpu.memref_slice %arg6[%dma_wait3A_719, %dma_wait3A_720] : memref<10x40xi32, #tpu.memory_space<vmem>> -> memref<1x40xi32, #tpu.memory_space<vmem>>
      %dma_wait3A_722 = tpu.memref_squeeze %dma_wait3A_721 : memref<1x40xi32, #tpu.memory_space<vmem>> -> memref<40xi32, #tpu.memory_space<vmem>>
      %dma_wait3A_723 = arith.constant 0 : i32
      %dma_wait3A_724 = tpu.memref_slice %arg3[%dma_wait3A_723] : memref<320000xi32, #tpu.memory_space<hbm>> -> memref<40xi32, #tpu.memory_space<hbm>>
      %dma_wait3A_725 = arith.constant 0 : i32
      %dma_wait3A_726 = tpu.memref_slice %arg6[%dma_wait3A_719, %dma_wait3A_725] : memref<10x40xi32, #tpu.memory_space<vmem>> -> memref<1x40xi32, #tpu.memory_space<vmem>>
      %dma_wait3A_727 = tpu.memref_squeeze %dma_wait3A_726 : memref<1x40xi32, #tpu.memory_space<vmem>> -> memref<40xi32, #tpu.memory_space<vmem>>
      %dma_wait3A_728 = arith.constant 0 : i32
      %dma_wait3A_729 = tpu.memref_slice %arg3[%dma_wait3A_728] : memref<320000xi32, #tpu.memory_space<hbm>> -> memref<40xi32, #tpu.memory_space<hbm>>
      tpu.wait_dma2 semaphore(%arg22 : memref<!tpu.dma_semaphore, #tpu.memory_space<semaphore_mem>>) src(%dma_wait3A_729 : memref<40xi32, #tpu.memory_space<hbm>>) dst(%dma_wait3A_727 : memref<40xi32, #tpu.memory_space<vmem>>)
      %dma_start3A_730 = arith.constant 7 : i32
      %dma_start3A_731 = arith.constant 2 : i32
      %dma_start3A_732 = arith.constant 0 : i32
      %dma_start3A_733 = arith.constant 0 : i32
      %dma_start3A_734 = tpu.memref_slice %arg8[%dma_start3A_731, %dma_start3A_732, %dma_start3A_733] : memref<5x40x128xf32, #tpu.memory_space<vmem>> -> memref<1x40x128xf32, #tpu.memory_space<vmem>>
      %dma_start3A_735 = tpu.memref_squeeze %dma_start3A_734 : memref<1x40x128xf32, #tpu.memory_space<vmem>> -> memref<40x128xf32, #tpu.memory_space<vmem>>
      %dma_start3A_736 = arith.constant 0 : i32
      %dma_start3A_737 = tpu.memref_slice %arg6[%dma_start3A_730, %dma_start3A_736] : memref<10x40xi32, #tpu.memory_space<vmem>> -> memref<1x40xi32, #tpu.memory_space<vmem>>
      %dma_start3A_738 = tpu.memref_squeeze %dma_start3A_737 : memref<1x40xi32, #tpu.memory_space<vmem>> -> memref<40xi32, #tpu.memory_space<vmem>>
      %dma_start3A_739 = arith.constant 0 : i32
      %dma_start3A_740 = arith.constant 0 : i32
      %dma_start3A_741 = tpu.memref_slice %arg2[%dma_start3A_739, %dma_start3A_740] : memref<10000x128xf32, #tpu.memory_space<hbm>> -> memref<10000x128xf32, #tpu.memory_space<hbm>>
      tpu.enqueue_indirect_dma source(%dma_start3A_741 : memref<10000x128xf32, #tpu.memory_space<hbm>>) target(%dma_start3A_735 : memref<40x128xf32, #tpu.memory_space<vmem>>) offsets(%dma_start3A_738 : memref<40xi32, #tpu.memory_space<vmem>>) semaphore(%arg12 : memref<!tpu.dma_semaphore, #tpu.memory_space<semaphore_mem>>)
      %lt3A_742 = arith.constant 24 : i32
      %lt3A_743 = arith.cmpi slt, %add3A_408, %lt3A_742 : i32
      %convert_element_type3A_744 = arith.extui %lt3A_743 : i1 to i32
      %cond3A_745 = arith.constant 0 : i32
      %cond3A_746 = arith.cmpi ne, %convert_element_type3A_744, %cond3A_745 : i32
      scf.if %cond3A_746 {
        %add3A_1181 = arith.constant 10 : i32
        %add3A_1182 = arith.addi %add3A_655, %add3A_1181 : i32
        %sub3A_1183 = arith.constant 1 : i32
        %sub3A_1184 = arith.subi %add3A_1182, %sub3A_1183 : i32
        %mul3A_1185 = arith.constant 40 : i32
        %mul3A_1186 = arith.muli %sub3A_1184, %mul3A_1185 : i32
        %add3A_1187 = arith.addi %mul3A_2, %mul3A_1186 : i32
        %dma_start3A_1188 = arith.constant 2 : i32
        %dma_start3A_1189 = arith.constant 0 : i32
        %dma_start3A_1190 = tpu.memref_slice %arg6[%dma_start3A_1188, %dma_start3A_1189] : memref<10x40xi32, #tpu.memory_space<vmem>> -> memref<1x40xi32, #tpu.memory_space<vmem>>
        %dma_start3A_1191 = tpu.memref_squeeze %dma_start3A_1190 : memref<1x40xi32, #tpu.memory_space<vmem>> -> memref<40xi32, #tpu.memory_space<vmem>>
        %dma_start3A_1192 = tpu.memref_slice %arg3[%add3A_1187] : memref<320000xi32, #tpu.memory_space<hbm>> -> memref<40xi32, #tpu.memory_space<hbm>>
        %dma_start3A_1193 = arith.constant 0 : i32
        %dma_start3A_1194 = tpu.memref_slice %arg6[%dma_start3A_1188, %dma_start3A_1193] : memref<10x40xi32, #tpu.memory_space<vmem>> -> memref<1x40xi32, #tpu.memory_space<vmem>>
        %dma_start3A_1195 = tpu.memref_squeeze %dma_start3A_1194 : memref<1x40xi32, #tpu.memory_space<vmem>> -> memref<40xi32, #tpu.memory_space<vmem>>
        %dma_start3A_1196 = tpu.memref_slice %arg3[%add3A_1187] : memref<320000xi32, #tpu.memory_space<hbm>> -> memref<40xi32, #tpu.memory_space<hbm>>
        tpu.enqueue_dma source(%dma_start3A_1196 : memref<40xi32, #tpu.memory_space<hbm>>) target(%dma_start3A_1195 : memref<40xi32, #tpu.memory_space<vmem>>) target_semaphore(%arg17 : memref<!tpu.dma_semaphore, #tpu.memory_space<semaphore_mem>>)
      } else {
      }
      %mul3A_747 = arith.constant 10 : i32
      %mul3A_748 = arith.muli %add3A_408, %mul3A_747 : i32
      %add3A_749 = arith.constant 4 : i32
      %add3A_750 = arith.addi %mul3A_748, %add3A_749 : i32
      %dma_wait3A_751 = arith.constant 0 : i32
      %dma_wait3A_752 = arith.constant 4 : i32
      %dma_wait3A_753 = arith.constant 0 : i32
      %dma_wait3A_754 = arith.constant 0 : i32
      %dma_wait3A_755 = tpu.memref_slice %arg8[%dma_wait3A_752, %dma_wait3A_753, %dma_wait3A_754] : memref<5x40x128xf32, #tpu.memory_space<vmem>> -> memref<1x40x128xf32, #tpu.memory_space<vmem>>
      %dma_wait3A_756 = tpu.memref_squeeze %dma_wait3A_755 : memref<1x40x128xf32, #tpu.memory_space<vmem>> -> memref<40x128xf32, #tpu.memory_space<vmem>>
      %dma_wait3A_757 = arith.constant 0 : i32
      %dma_wait3A_758 = tpu.memref_slice %arg6[%dma_wait3A_751, %dma_wait3A_757] : memref<10x40xi32, #tpu.memory_space<vmem>> -> memref<1x40xi32, #tpu.memory_space<vmem>>
      %dma_wait3A_759 = tpu.memref_squeeze %dma_wait3A_758 : memref<1x40xi32, #tpu.memory_space<vmem>> -> memref<40xi32, #tpu.memory_space<vmem>>
      %dma_wait3A_760 = arith.constant 0 : i32
      %dma_wait3A_761 = arith.constant 0 : i32
      %dma_wait3A_762 = tpu.memref_slice %arg2[%dma_wait3A_760, %dma_wait3A_761] : memref<10000x128xf32, #tpu.memory_space<hbm>> -> memref<10000x128xf32, #tpu.memory_space<hbm>>
      tpu.wait_indirect_dma semaphore(%arg14 : memref<!tpu.dma_semaphore, #tpu.memory_space<semaphore_mem>>) src(%dma_wait3A_762 : memref<10000x128xf32, #tpu.memory_space<hbm>>) dst(%dma_wait3A_756 : memref<40x128xf32, #tpu.memory_space<vmem>>)
      %dma_wait3A_763 = arith.constant 4 : i32
      %dma_wait3A_764 = arith.constant 0 : i32
      %dma_wait3A_765 = tpu.memref_slice %arg7[%dma_wait3A_763, %dma_wait3A_764] : memref<5x40xi32, #tpu.memory_space<vmem>> -> memref<1x40xi32, #tpu.memory_space<vmem>>
      %dma_wait3A_766 = tpu.memref_squeeze %dma_wait3A_765 : memref<1x40xi32, #tpu.memory_space<vmem>> -> memref<40xi32, #tpu.memory_space<vmem>>
      %dma_wait3A_767 = arith.constant 0 : i32
      %dma_wait3A_768 = tpu.memref_slice %arg4[%dma_wait3A_767] : memref<320000xi32, #tpu.memory_space<hbm>> -> memref<40xi32, #tpu.memory_space<hbm>>
      %dma_wait3A_769 = arith.constant 0 : i32
      %dma_wait3A_770 = tpu.memref_slice %arg7[%dma_wait3A_763, %dma_wait3A_769] : memref<5x40xi32, #tpu.memory_space<vmem>> -> memref<1x40xi32, #tpu.memory_space<vmem>>
      %dma_wait3A_771 = tpu.memref_squeeze %dma_wait3A_770 : memref<1x40xi32, #tpu.memory_space<vmem>> -> memref<40xi32, #tpu.memory_space<vmem>>
      %dma_wait3A_772 = arith.constant 0 : i32
      %dma_wait3A_773 = tpu.memref_slice %arg4[%dma_wait3A_772] : memref<320000xi32, #tpu.memory_space<hbm>> -> memref<40xi32, #tpu.memory_space<hbm>>
      tpu.wait_dma2 semaphore(%arg14 : memref<!tpu.dma_semaphore, #tpu.memory_space<semaphore_mem>>) src(%dma_wait3A_773 : memref<40xi32, #tpu.memory_space<hbm>>) dst(%dma_wait3A_771 : memref<40xi32, #tpu.memory_space<vmem>>)
      %dma_wait3A_774 = arith.constant 3 : i32
      %dma_wait3A_775 = arith.constant 3 : i32
      %dma_wait3A_776 = arith.constant 0 : i32
      %dma_wait3A_777 = arith.constant 0 : i32
      %dma_wait3A_778 = tpu.memref_slice %arg8[%dma_wait3A_774, %dma_wait3A_776, %dma_wait3A_777] : memref<5x40x128xf32, #tpu.memory_space<vmem>> -> memref<1x40x128xf32, #tpu.memory_space<vmem>>
      %dma_wait3A_779 = tpu.memref_squeeze %dma_wait3A_778 : memref<1x40x128xf32, #tpu.memory_space<vmem>> -> memref<40x128xf32, #tpu.memory_space<vmem>>
      %dma_wait3A_780 = arith.constant 0 : i32
      %dma_wait3A_781 = tpu.memref_slice %arg7[%dma_wait3A_775, %dma_wait3A_780] : memref<5x40xi32, #tpu.memory_space<vmem>> -> memref<1x40xi32, #tpu.memory_space<vmem>>
      %dma_wait3A_782 = tpu.memref_squeeze %dma_wait3A_781 : memref<1x40xi32, #tpu.memory_space<vmem>> -> memref<40xi32, #tpu.memory_space<vmem>>
      %dma_wait3A_783 = arith.constant 0 : i32
      %dma_wait3A_784 = arith.constant 0 : i32
      %dma_wait3A_785 = tpu.memref_slice %arg9[%dma_wait3A_783, %dma_wait3A_784] : memref<10000x128xf32, #tpu.memory_space<vmem_shared>> -> memref<10000x128xf32, #tpu.memory_space<vmem_shared>>
      tpu.wait_indirect_dma semaphore(%arg25 : memref<!tpu.dma_semaphore, #tpu.memory_space<semaphore_mem>>) src(%dma_wait3A_779 : memref<40x128xf32, #tpu.memory_space<vmem>>) dst(%dma_wait3A_785 : memref<10000x128xf32, #tpu.memory_space<vmem_shared>>)
      %dma_start3A_786 = arith.constant 4 : i32
      %dma_start3A_787 = arith.constant 4 : i32
      %dma_start3A_788 = arith.constant 0 : i32
      %dma_start3A_789 = arith.constant 0 : i32
      %dma_start3A_790 = tpu.memref_slice %arg8[%dma_start3A_786, %dma_start3A_788, %dma_start3A_789] : memref<5x40x128xf32, #tpu.memory_space<vmem>> -> memref<1x40x128xf32, #tpu.memory_space<vmem>>
      %dma_start3A_791 = tpu.memref_squeeze %dma_start3A_790 : memref<1x40x128xf32, #tpu.memory_space<vmem>> -> memref<40x128xf32, #tpu.memory_space<vmem>>
      %dma_start3A_792 = arith.constant 0 : i32
      %dma_start3A_793 = tpu.memref_slice %arg7[%dma_start3A_787, %dma_start3A_792] : memref<5x40xi32, #tpu.memory_space<vmem>> -> memref<1x40xi32, #tpu.memory_space<vmem>>
      %dma_start3A_794 = tpu.memref_squeeze %dma_start3A_793 : memref<1x40xi32, #tpu.memory_space<vmem>> -> memref<40xi32, #tpu.memory_space<vmem>>
      %dma_start3A_795 = arith.constant 0 : i32
      %dma_start3A_796 = arith.constant 0 : i32
      %dma_start3A_797 = tpu.memref_slice %arg9[%dma_start3A_795, %dma_start3A_796] : memref<10000x128xf32, #tpu.memory_space<vmem_shared>> -> memref<10000x128xf32, #tpu.memory_space<vmem_shared>>
      tpu.enqueue_indirect_dma source(%dma_start3A_791 : memref<40x128xf32, #tpu.memory_space<vmem>>) target(%dma_start3A_797 : memref<10000x128xf32, #tpu.memory_space<vmem_shared>>) offsets(%dma_start3A_794 : memref<40xi32, #tpu.memory_space<vmem>>) semaphore(%arg25 : memref<!tpu.dma_semaphore, #tpu.memory_space<semaphore_mem>>) {add = true}
      %add3A_798 = arith.constant 5 : i32
      %add3A_799 = arith.addi %add3A_750, %add3A_798 : i32
      %sub3A_800 = arith.constant 1 : i32
      %sub3A_801 = arith.subi %add3A_799, %sub3A_800 : i32
      %mul3A_802 = arith.constant 40 : i32
      %mul3A_803 = arith.muli %sub3A_801, %mul3A_802 : i32
      %add3A_804 = arith.addi %mul3A_2, %mul3A_803 : i32
      %dma_start3A_805 = arith.constant 3 : i32
      %dma_start3A_806 = arith.constant 0 : i32
      %dma_start3A_807 = tpu.memref_slice %arg7[%dma_start3A_805, %dma_start3A_806] : memref<5x40xi32, #tpu.memory_space<vmem>> -> memref<1x40xi32, #tpu.memory_space<vmem>>
      %dma_start3A_808 = tpu.memref_squeeze %dma_start3A_807 : memref<1x40xi32, #tpu.memory_space<vmem>> -> memref<40xi32, #tpu.memory_space<vmem>>
      %dma_start3A_809 = tpu.memref_slice %arg4[%add3A_804] : memref<320000xi32, #tpu.memory_space<hbm>> -> memref<40xi32, #tpu.memory_space<hbm>>
      %dma_start3A_810 = arith.constant 0 : i32
      %dma_start3A_811 = tpu.memref_slice %arg7[%dma_start3A_805, %dma_start3A_810] : memref<5x40xi32, #tpu.memory_space<vmem>> -> memref<1x40xi32, #tpu.memory_space<vmem>>
      %dma_start3A_812 = tpu.memref_squeeze %dma_start3A_811 : memref<1x40xi32, #tpu.memory_space<vmem>> -> memref<40xi32, #tpu.memory_space<vmem>>
      %dma_start3A_813 = tpu.memref_slice %arg4[%add3A_804] : memref<320000xi32, #tpu.memory_space<hbm>> -> memref<40xi32, #tpu.memory_space<hbm>>
      tpu.enqueue_dma source(%dma_start3A_813 : memref<40xi32, #tpu.memory_space<hbm>>) target(%dma_start3A_812 : memref<40xi32, #tpu.memory_space<vmem>>) target_semaphore(%arg13 : memref<!tpu.dma_semaphore, #tpu.memory_space<semaphore_mem>>)
      %dma_wait3A_814 = arith.constant 8 : i32
      %dma_wait3A_815 = arith.constant 0 : i32
      %dma_wait3A_816 = tpu.memref_slice %arg6[%dma_wait3A_814, %dma_wait3A_815] : memref<10x40xi32, #tpu.memory_space<vmem>> -> memref<1x40xi32, #tpu.memory_space<vmem>>
      %dma_wait3A_817 = tpu.memref_squeeze %dma_wait3A_816 : memref<1x40xi32, #tpu.memory_space<vmem>> -> memref<40xi32, #tpu.memory_space<vmem>>
      %dma_wait3A_818 = arith.constant 0 : i32
      %dma_wait3A_819 = tpu.memref_slice %arg3[%dma_wait3A_818] : memref<320000xi32, #tpu.memory_space<hbm>> -> memref<40xi32, #tpu.memory_space<hbm>>
      %dma_wait3A_820 = arith.constant 0 : i32
      %dma_wait3A_821 = tpu.memref_slice %arg6[%dma_wait3A_814, %dma_wait3A_820] : memref<10x40xi32, #tpu.memory_space<vmem>> -> memref<1x40xi32, #tpu.memory_space<vmem>>
      %dma_wait3A_822 = tpu.memref_squeeze %dma_wait3A_821 : memref<1x40xi32, #tpu.memory_space<vmem>> -> memref<40xi32, #tpu.memory_space<vmem>>
      %dma_wait3A_823 = arith.constant 0 : i32
      %dma_wait3A_824 = tpu.memref_slice %arg3[%dma_wait3A_823] : memref<320000xi32, #tpu.memory_space<hbm>> -> memref<40xi32, #tpu.memory_space<hbm>>
      tpu.wait_dma2 semaphore(%arg23 : memref<!tpu.dma_semaphore, #tpu.memory_space<semaphore_mem>>) src(%dma_wait3A_824 : memref<40xi32, #tpu.memory_space<hbm>>) dst(%dma_wait3A_822 : memref<40xi32, #tpu.memory_space<vmem>>)
      %dma_start3A_825 = arith.constant 8 : i32
      %dma_start3A_826 = arith.constant 3 : i32
      %dma_start3A_827 = arith.constant 0 : i32
      %dma_start3A_828 = arith.constant 0 : i32
      %dma_start3A_829 = tpu.memref_slice %arg8[%dma_start3A_826, %dma_start3A_827, %dma_start3A_828] : memref<5x40x128xf32, #tpu.memory_space<vmem>> -> memref<1x40x128xf32, #tpu.memory_space<vmem>>
      %dma_start3A_830 = tpu.memref_squeeze %dma_start3A_829 : memref<1x40x128xf32, #tpu.memory_space<vmem>> -> memref<40x128xf32, #tpu.memory_space<vmem>>
      %dma_start3A_831 = arith.constant 0 : i32
      %dma_start3A_832 = tpu.memref_slice %arg6[%dma_start3A_825, %dma_start3A_831] : memref<10x40xi32, #tpu.memory_space<vmem>> -> memref<1x40xi32, #tpu.memory_space<vmem>>
      %dma_start3A_833 = tpu.memref_squeeze %dma_start3A_832 : memref<1x40xi32, #tpu.memory_space<vmem>> -> memref<40xi32, #tpu.memory_space<vmem>>
      %dma_start3A_834 = arith.constant 0 : i32
      %dma_start3A_835 = arith.constant 0 : i32
      %dma_start3A_836 = tpu.memref_slice %arg2[%dma_start3A_834, %dma_start3A_835] : memref<10000x128xf32, #tpu.memory_space<hbm>> -> memref<10000x128xf32, #tpu.memory_space<hbm>>
      tpu.enqueue_indirect_dma source(%dma_start3A_836 : memref<10000x128xf32, #tpu.memory_space<hbm>>) target(%dma_start3A_830 : memref<40x128xf32, #tpu.memory_space<vmem>>) offsets(%dma_start3A_833 : memref<40xi32, #tpu.memory_space<vmem>>) semaphore(%arg13 : memref<!tpu.dma_semaphore, #tpu.memory_space<semaphore_mem>>)
      %lt3A_837 = arith.constant 24 : i32
      %lt3A_838 = arith.cmpi slt, %add3A_408, %lt3A_837 : i32
      %convert_element_type3A_839 = arith.extui %lt3A_838 : i1 to i32
      %cond3A_840 = arith.constant 0 : i32
      %cond3A_841 = arith.cmpi ne, %convert_element_type3A_839, %cond3A_840 : i32
      scf.if %cond3A_841 {
        %add3A_1181 = arith.constant 10 : i32
        %add3A_1182 = arith.addi %add3A_750, %add3A_1181 : i32
        %sub3A_1183 = arith.constant 1 : i32
        %sub3A_1184 = arith.subi %add3A_1182, %sub3A_1183 : i32
        %mul3A_1185 = arith.constant 40 : i32
        %mul3A_1186 = arith.muli %sub3A_1184, %mul3A_1185 : i32
        %add3A_1187 = arith.addi %mul3A_2, %mul3A_1186 : i32
        %dma_start3A_1188 = arith.constant 3 : i32
        %dma_start3A_1189 = arith.constant 0 : i32
        %dma_start3A_1190 = tpu.memref_slice %arg6[%dma_start3A_1188, %dma_start3A_1189] : memref<10x40xi32, #tpu.memory_space<vmem>> -> memref<1x40xi32, #tpu.memory_space<vmem>>
        %dma_start3A_1191 = tpu.memref_squeeze %dma_start3A_1190 : memref<1x40xi32, #tpu.memory_space<vmem>> -> memref<40xi32, #tpu.memory_space<vmem>>
        %dma_start3A_1192 = tpu.memref_slice %arg3[%add3A_1187] : memref<320000xi32, #tpu.memory_space<hbm>> -> memref<40xi32, #tpu.memory_space<hbm>>
        %dma_start3A_1193 = arith.constant 0 : i32
        %dma_start3A_1194 = tpu.memref_slice %arg6[%dma_start3A_1188, %dma_start3A_1193] : memref<10x40xi32, #tpu.memory_space<vmem>> -> memref<1x40xi32, #tpu.memory_space<vmem>>
        %dma_start3A_1195 = tpu.memref_squeeze %dma_start3A_1194 : memref<1x40xi32, #tpu.memory_space<vmem>> -> memref<40xi32, #tpu.memory_space<vmem>>
        %dma_start3A_1196 = tpu.memref_slice %arg3[%add3A_1187] : memref<320000xi32, #tpu.memory_space<hbm>> -> memref<40xi32, #tpu.memory_space<hbm>>
        tpu.enqueue_dma source(%dma_start3A_1196 : memref<40xi32, #tpu.memory_space<hbm>>) target(%dma_start3A_1195 : memref<40xi32, #tpu.memory_space<vmem>>) target_semaphore(%arg18 : memref<!tpu.dma_semaphore, #tpu.memory_space<semaphore_mem>>)
      } else {
      }
      %mul3A_842 = arith.constant 10 : i32
      %mul3A_843 = arith.muli %add3A_408, %mul3A_842 : i32
      %add3A_844 = arith.constant 5 : i32
      %add3A_845 = arith.addi %mul3A_843, %add3A_844 : i32
      %dma_wait3A_846 = arith.constant 0 : i32
      %dma_wait3A_847 = arith.constant 0 : i32
      %dma_wait3A_848 = arith.constant 0 : i32
      %dma_wait3A_849 = arith.constant 0 : i32
      %dma_wait3A_850 = tpu.memref_slice %arg8[%dma_wait3A_847, %dma_wait3A_848, %dma_wait3A_849] : memref<5x40x128xf32, #tpu.memory_space<vmem>> -> memref<1x40x128xf32, #tpu.memory_space<vmem>>
      %dma_wait3A_851 = tpu.memref_squeeze %dma_wait3A_850 : memref<1x40x128xf32, #tpu.memory_space<vmem>> -> memref<40x128xf32, #tpu.memory_space<vmem>>
      %dma_wait3A_852 = arith.constant 0 : i32
      %dma_wait3A_853 = tpu.memref_slice %arg6[%dma_wait3A_846, %dma_wait3A_852] : memref<10x40xi32, #tpu.memory_space<vmem>> -> memref<1x40xi32, #tpu.memory_space<vmem>>
      %dma_wait3A_854 = tpu.memref_squeeze %dma_wait3A_853 : memref<1x40xi32, #tpu.memory_space<vmem>> -> memref<40xi32, #tpu.memory_space<vmem>>
      %dma_wait3A_855 = arith.constant 0 : i32
      %dma_wait3A_856 = arith.constant 0 : i32
      %dma_wait3A_857 = tpu.memref_slice %arg2[%dma_wait3A_855, %dma_wait3A_856] : memref<10000x128xf32, #tpu.memory_space<hbm>> -> memref<10000x128xf32, #tpu.memory_space<hbm>>
      tpu.wait_indirect_dma semaphore(%arg10 : memref<!tpu.dma_semaphore, #tpu.memory_space<semaphore_mem>>) src(%dma_wait3A_857 : memref<10000x128xf32, #tpu.memory_space<hbm>>) dst(%dma_wait3A_851 : memref<40x128xf32, #tpu.memory_space<vmem>>)
      %dma_wait3A_858 = arith.constant 0 : i32
      %dma_wait3A_859 = arith.constant 0 : i32
      %dma_wait3A_860 = tpu.memref_slice %arg7[%dma_wait3A_858, %dma_wait3A_859] : memref<5x40xi32, #tpu.memory_space<vmem>> -> memref<1x40xi32, #tpu.memory_space<vmem>>
      %dma_wait3A_861 = tpu.memref_squeeze %dma_wait3A_860 : memref<1x40xi32, #tpu.memory_space<vmem>> -> memref<40xi32, #tpu.memory_space<vmem>>
      %dma_wait3A_862 = arith.constant 0 : i32
      %dma_wait3A_863 = tpu.memref_slice %arg4[%dma_wait3A_862] : memref<320000xi32, #tpu.memory_space<hbm>> -> memref<40xi32, #tpu.memory_space<hbm>>
      %dma_wait3A_864 = arith.constant 0 : i32
      %dma_wait3A_865 = tpu.memref_slice %arg7[%dma_wait3A_858, %dma_wait3A_864] : memref<5x40xi32, #tpu.memory_space<vmem>> -> memref<1x40xi32, #tpu.memory_space<vmem>>
      %dma_wait3A_866 = tpu.memref_squeeze %dma_wait3A_865 : memref<1x40xi32, #tpu.memory_space<vmem>> -> memref<40xi32, #tpu.memory_space<vmem>>
      %dma_wait3A_867 = arith.constant 0 : i32
      %dma_wait3A_868 = tpu.memref_slice %arg4[%dma_wait3A_867] : memref<320000xi32, #tpu.memory_space<hbm>> -> memref<40xi32, #tpu.memory_space<hbm>>
      tpu.wait_dma2 semaphore(%arg10 : memref<!tpu.dma_semaphore, #tpu.memory_space<semaphore_mem>>) src(%dma_wait3A_868 : memref<40xi32, #tpu.memory_space<hbm>>) dst(%dma_wait3A_866 : memref<40xi32, #tpu.memory_space<vmem>>)
      %dma_wait3A_869 = arith.constant 4 : i32
      %dma_wait3A_870 = arith.constant 4 : i32
      %dma_wait3A_871 = arith.constant 0 : i32
      %dma_wait3A_872 = arith.constant 0 : i32
      %dma_wait3A_873 = tpu.memref_slice %arg8[%dma_wait3A_869, %dma_wait3A_871, %dma_wait3A_872] : memref<5x40x128xf32, #tpu.memory_space<vmem>> -> memref<1x40x128xf32, #tpu.memory_space<vmem>>
      %dma_wait3A_874 = tpu.memref_squeeze %dma_wait3A_873 : memref<1x40x128xf32, #tpu.memory_space<vmem>> -> memref<40x128xf32, #tpu.memory_space<vmem>>
      %dma_wait3A_875 = arith.constant 0 : i32
      %dma_wait3A_876 = tpu.memref_slice %arg7[%dma_wait3A_870, %dma_wait3A_875] : memref<5x40xi32, #tpu.memory_space<vmem>> -> memref<1x40xi32, #tpu.memory_space<vmem>>
      %dma_wait3A_877 = tpu.memref_squeeze %dma_wait3A_876 : memref<1x40xi32, #tpu.memory_space<vmem>> -> memref<40xi32, #tpu.memory_space<vmem>>
      %dma_wait3A_878 = arith.constant 0 : i32
      %dma_wait3A_879 = arith.constant 0 : i32
      %dma_wait3A_880 = tpu.memref_slice %arg9[%dma_wait3A_878, %dma_wait3A_879] : memref<10000x128xf32, #tpu.memory_space<vmem_shared>> -> memref<10000x128xf32, #tpu.memory_space<vmem_shared>>
      tpu.wait_indirect_dma semaphore(%arg25 : memref<!tpu.dma_semaphore, #tpu.memory_space<semaphore_mem>>) src(%dma_wait3A_874 : memref<40x128xf32, #tpu.memory_space<vmem>>) dst(%dma_wait3A_880 : memref<10000x128xf32, #tpu.memory_space<vmem_shared>>)
      %dma_start3A_881 = arith.constant 0 : i32
      %dma_start3A_882 = arith.constant 0 : i32
      %dma_start3A_883 = arith.constant 0 : i32
      %dma_start3A_884 = arith.constant 0 : i32
      %dma_start3A_885 = tpu.memref_slice %arg8[%dma_start3A_881, %dma_start3A_883, %dma_start3A_884] : memref<5x40x128xf32, #tpu.memory_space<vmem>> -> memref<1x40x128xf32, #tpu.memory_space<vmem>>
      %dma_start3A_886 = tpu.memref_squeeze %dma_start3A_885 : memref<1x40x128xf32, #tpu.memory_space<vmem>> -> memref<40x128xf32, #tpu.memory_space<vmem>>
      %dma_start3A_887 = arith.constant 0 : i32
      %dma_start3A_888 = tpu.memref_slice %arg7[%dma_start3A_882, %dma_start3A_887] : memref<5x40xi32, #tpu.memory_space<vmem>> -> memref<1x40xi32, #tpu.memory_space<vmem>>
      %dma_start3A_889 = tpu.memref_squeeze %dma_start3A_888 : memref<1x40xi32, #tpu.memory_space<vmem>> -> memref<40xi32, #tpu.memory_space<vmem>>
      %dma_start3A_890 = arith.constant 0 : i32
      %dma_start3A_891 = arith.constant 0 : i32
      %dma_start3A_892 = tpu.memref_slice %arg9[%dma_start3A_890, %dma_start3A_891] : memref<10000x128xf32, #tpu.memory_space<vmem_shared>> -> memref<10000x128xf32, #tpu.memory_space<vmem_shared>>
      tpu.enqueue_indirect_dma source(%dma_start3A_886 : memref<40x128xf32, #tpu.memory_space<vmem>>) target(%dma_start3A_892 : memref<10000x128xf32, #tpu.memory_space<vmem_shared>>) offsets(%dma_start3A_889 : memref<40xi32, #tpu.memory_space<vmem>>) semaphore(%arg25 : memref<!tpu.dma_semaphore, #tpu.memory_space<semaphore_mem>>) {add = true}
      %add3A_893 = arith.constant 5 : i32
      %add3A_894 = arith.addi %add3A_845, %add3A_893 : i32
      %sub3A_895 = arith.constant 1 : i32
      %sub3A_896 = arith.subi %add3A_894, %sub3A_895 : i32
      %mul3A_897 = arith.constant 40 : i32
      %mul3A_898 = arith.muli %sub3A_896, %mul3A_897 : i32
      %add3A_899 = arith.addi %mul3A_2, %mul3A_898 : i32
      %dma_start3A_900 = arith.constant 4 : i32
      %dma_start3A_901 = arith.constant 0 : i32
      %dma_start3A_902 = tpu.memref_slice %arg7[%dma_start3A_900, %dma_start3A_901] : memref<5x40xi32, #tpu.memory_space<vmem>> -> memref<1x40xi32, #tpu.memory_space<vmem>>
      %dma_start3A_903 = tpu.memref_squeeze %dma_start3A_902 : memref<1x40xi32, #tpu.memory_space<vmem>> -> memref<40xi32, #tpu.memory_space<vmem>>
      %dma_start3A_904 = tpu.memref_slice %arg4[%add3A_899] : memref<320000xi32, #tpu.memory_space<hbm>> -> memref<40xi32, #tpu.memory_space<hbm>>
      %dma_start3A_905 = arith.constant 0 : i32
      %dma_start3A_906 = tpu.memref_slice %arg7[%dma_start3A_900, %dma_start3A_905] : memref<5x40xi32, #tpu.memory_space<vmem>> -> memref<1x40xi32, #tpu.memory_space<vmem>>
      %dma_start3A_907 = tpu.memref_squeeze %dma_start3A_906 : memref<1x40xi32, #tpu.memory_space<vmem>> -> memref<40xi32, #tpu.memory_space<vmem>>
      %dma_start3A_908 = tpu.memref_slice %arg4[%add3A_899] : memref<320000xi32, #tpu.memory_space<hbm>> -> memref<40xi32, #tpu.memory_space<hbm>>
      tpu.enqueue_dma source(%dma_start3A_908 : memref<40xi32, #tpu.memory_space<hbm>>) target(%dma_start3A_907 : memref<40xi32, #tpu.memory_space<vmem>>) target_semaphore(%arg14 : memref<!tpu.dma_semaphore, #tpu.memory_space<semaphore_mem>>)
      %dma_wait3A_909 = arith.constant 9 : i32
      %dma_wait3A_910 = arith.constant 0 : i32
      %dma_wait3A_911 = tpu.memref_slice %arg6[%dma_wait3A_909, %dma_wait3A_910] : memref<10x40xi32, #tpu.memory_space<vmem>> -> memref<1x40xi32, #tpu.memory_space<vmem>>
      %dma_wait3A_912 = tpu.memref_squeeze %dma_wait3A_911 : memref<1x40xi32, #tpu.memory_space<vmem>> -> memref<40xi32, #tpu.memory_space<vmem>>
      %dma_wait3A_913 = arith.constant 0 : i32
      %dma_wait3A_914 = tpu.memref_slice %arg3[%dma_wait3A_913] : memref<320000xi32, #tpu.memory_space<hbm>> -> memref<40xi32, #tpu.memory_space<hbm>>
      %dma_wait3A_915 = arith.constant 0 : i32
      %dma_wait3A_916 = tpu.memref_slice %arg6[%dma_wait3A_909, %dma_wait3A_915] : memref<10x40xi32, #tpu.memory_space<vmem>> -> memref<1x40xi32, #tpu.memory_space<vmem>>
      %dma_wait3A_917 = tpu.memref_squeeze %dma_wait3A_916 : memref<1x40xi32, #tpu.memory_space<vmem>> -> memref<40xi32, #tpu.memory_space<vmem>>
      %dma_wait3A_918 = arith.constant 0 : i32
      %dma_wait3A_919 = tpu.memref_slice %arg3[%dma_wait3A_918] : memref<320000xi32, #tpu.memory_space<hbm>> -> memref<40xi32, #tpu.memory_space<hbm>>
      tpu.wait_dma2 semaphore(%arg24 : memref<!tpu.dma_semaphore, #tpu.memory_space<semaphore_mem>>) src(%dma_wait3A_919 : memref<40xi32, #tpu.memory_space<hbm>>) dst(%dma_wait3A_917 : memref<40xi32, #tpu.memory_space<vmem>>)
      %dma_start3A_920 = arith.constant 9 : i32
      %dma_start3A_921 = arith.constant 4 : i32
      %dma_start3A_922 = arith.constant 0 : i32
      %dma_start3A_923 = arith.constant 0 : i32
      %dma_start3A_924 = tpu.memref_slice %arg8[%dma_start3A_921, %dma_start3A_922, %dma_start3A_923] : memref<5x40x128xf32, #tpu.memory_space<vmem>> -> memref<1x40x128xf32, #tpu.memory_space<vmem>>
      %dma_start3A_925 = tpu.memref_squeeze %dma_start3A_924 : memref<1x40x128xf32, #tpu.memory_space<vmem>> -> memref<40x128xf32, #tpu.memory_space<vmem>>
      %dma_start3A_926 = arith.constant 0 : i32
      %dma_start3A_927 = tpu.memref_slice %arg6[%dma_start3A_920, %dma_start3A_926] : memref<10x40xi32, #tpu.memory_space<vmem>> -> memref<1x40xi32, #tpu.memory_space<vmem>>
      %dma_start3A_928 = tpu.memref_squeeze %dma_start3A_927 : memref<1x40xi32, #tpu.memory_space<vmem>> -> memref<40xi32, #tpu.memory_space<vmem>>
      %dma_start3A_929 = arith.constant 0 : i32
      %dma_start3A_930 = arith.constant 0 : i32
      %dma_start3A_931 = tpu.memref_slice %arg2[%dma_start3A_929, %dma_start3A_930] : memref<10000x128xf32, #tpu.memory_space<hbm>> -> memref<10000x128xf32, #tpu.memory_space<hbm>>
      tpu.enqueue_indirect_dma source(%dma_start3A_931 : memref<10000x128xf32, #tpu.memory_space<hbm>>) target(%dma_start3A_925 : memref<40x128xf32, #tpu.memory_space<vmem>>) offsets(%dma_start3A_928 : memref<40xi32, #tpu.memory_space<vmem>>) semaphore(%arg14 : memref<!tpu.dma_semaphore, #tpu.memory_space<semaphore_mem>>)
      %lt3A_932 = arith.constant 24 : i32
      %lt3A_933 = arith.cmpi slt, %add3A_408, %lt3A_932 : i32
      %convert_element_type3A_934 = arith.extui %lt3A_933 : i1 to i32
      %cond3A_935 = arith.constant 0 : i32
      %cond3A_936 = arith.cmpi ne, %convert_element_type3A_934, %cond3A_935 : i32
      scf.if %cond3A_936 {
        %add3A_1181 = arith.constant 10 : i32
        %add3A_1182 = arith.addi %add3A_845, %add3A_1181 : i32
        %sub3A_1183 = arith.constant 1 : i32
        %sub3A_1184 = arith.subi %add3A_1182, %sub3A_1183 : i32
        %mul3A_1185 = arith.constant 40 : i32
        %mul3A_1186 = arith.muli %sub3A_1184, %mul3A_1185 : i32
        %add3A_1187 = arith.addi %mul3A_2, %mul3A_1186 : i32
        %dma_start3A_1188 = arith.constant 4 : i32
        %dma_start3A_1189 = arith.constant 0 : i32
        %dma_start3A_1190 = tpu.memref_slice %arg6[%dma_start3A_1188, %dma_start3A_1189] : memref<10x40xi32, #tpu.memory_space<vmem>> -> memref<1x40xi32, #tpu.memory_space<vmem>>
        %dma_start3A_1191 = tpu.memref_squeeze %dma_start3A_1190 : memref<1x40xi32, #tpu.memory_space<vmem>> -> memref<40xi32, #tpu.memory_space<vmem>>
        %dma_start3A_1192 = tpu.memref_slice %arg3[%add3A_1187] : memref<320000xi32, #tpu.memory_space<hbm>> -> memref<40xi32, #tpu.memory_space<hbm>>
        %dma_start3A_1193 = arith.constant 0 : i32
        %dma_start3A_1194 = tpu.memref_slice %arg6[%dma_start3A_1188, %dma_start3A_1193] : memref<10x40xi32, #tpu.memory_space<vmem>> -> memref<1x40xi32, #tpu.memory_space<vmem>>
        %dma_start3A_1195 = tpu.memref_squeeze %dma_start3A_1194 : memref<1x40xi32, #tpu.memory_space<vmem>> -> memref<40xi32, #tpu.memory_space<vmem>>
        %dma_start3A_1196 = tpu.memref_slice %arg3[%add3A_1187] : memref<320000xi32, #tpu.memory_space<hbm>> -> memref<40xi32, #tpu.memory_space<hbm>>
        tpu.enqueue_dma source(%dma_start3A_1196 : memref<40xi32, #tpu.memory_space<hbm>>) target(%dma_start3A_1195 : memref<40xi32, #tpu.memory_space<vmem>>) target_semaphore(%arg19 : memref<!tpu.dma_semaphore, #tpu.memory_space<semaphore_mem>>)
      } else {
      }
      %mul3A_937 = arith.constant 10 : i32
      %mul3A_938 = arith.muli %add3A_408, %mul3A_937 : i32
      %add3A_939 = arith.constant 6 : i32
      %add3A_940 = arith.addi %mul3A_938, %add3A_939 : i32
      %dma_wait3A_941 = arith.constant 0 : i32
      %dma_wait3A_942 = arith.constant 1 : i32
      %dma_wait3A_943 = arith.constant 0 : i32
      %dma_wait3A_944 = arith.constant 0 : i32
      %dma_wait3A_945 = tpu.memref_slice %arg8[%dma_wait3A_942, %dma_wait3A_943, %dma_wait3A_944] : memref<5x40x128xf32, #tpu.memory_space<vmem>> -> memref<1x40x128xf32, #tpu.memory_space<vmem>>
      %dma_wait3A_946 = tpu.memref_squeeze %dma_wait3A_945 : memref<1x40x128xf32, #tpu.memory_space<vmem>> -> memref<40x128xf32, #tpu.memory_space<vmem>>
      %dma_wait3A_947 = arith.constant 0 : i32
      %dma_wait3A_948 = tpu.memref_slice %arg6[%dma_wait3A_941, %dma_wait3A_947] : memref<10x40xi32, #tpu.memory_space<vmem>> -> memref<1x40xi32, #tpu.memory_space<vmem>>
      %dma_wait3A_949 = tpu.memref_squeeze %dma_wait3A_948 : memref<1x40xi32, #tpu.memory_space<vmem>> -> memref<40xi32, #tpu.memory_space<vmem>>
      %dma_wait3A_950 = arith.constant 0 : i32
      %dma_wait3A_951 = arith.constant 0 : i32
      %dma_wait3A_952 = tpu.memref_slice %arg2[%dma_wait3A_950, %dma_wait3A_951] : memref<10000x128xf32, #tpu.memory_space<hbm>> -> memref<10000x128xf32, #tpu.memory_space<hbm>>
      tpu.wait_indirect_dma semaphore(%arg11 : memref<!tpu.dma_semaphore, #tpu.memory_space<semaphore_mem>>) src(%dma_wait3A_952 : memref<10000x128xf32, #tpu.memory_space<hbm>>) dst(%dma_wait3A_946 : memref<40x128xf32, #tpu.memory_space<vmem>>)
      %dma_wait3A_953 = arith.constant 1 : i32
      %dma_wait3A_954 = arith.constant 0 : i32
      %dma_wait3A_955 = tpu.memref_slice %arg7[%dma_wait3A_953, %dma_wait3A_954] : memref<5x40xi32, #tpu.memory_space<vmem>> -> memref<1x40xi32, #tpu.memory_space<vmem>>
      %dma_wait3A_956 = tpu.memref_squeeze %dma_wait3A_955 : memref<1x40xi32, #tpu.memory_space<vmem>> -> memref<40xi32, #tpu.memory_space<vmem>>
      %dma_wait3A_957 = arith.constant 0 : i32
      %dma_wait3A_958 = tpu.memref_slice %arg4[%dma_wait3A_957] : memref<320000xi32, #tpu.memory_space<hbm>> -> memref<40xi32, #tpu.memory_space<hbm>>
      %dma_wait3A_959 = arith.constant 0 : i32
      %dma_wait3A_960 = tpu.memref_slice %arg7[%dma_wait3A_953, %dma_wait3A_959] : memref<5x40xi32, #tpu.memory_space<vmem>> -> memref<1x40xi32, #tpu.memory_space<vmem>>
      %dma_wait3A_961 = tpu.memref_squeeze %dma_wait3A_960 : memref<1x40xi32, #tpu.memory_space<vmem>> -> memref<40xi32, #tpu.memory_space<vmem>>
      %dma_wait3A_962 = arith.constant 0 : i32
      %dma_wait3A_963 = tpu.memref_slice %arg4[%dma_wait3A_962] : memref<320000xi32, #tpu.memory_space<hbm>> -> memref<40xi32, #tpu.memory_space<hbm>>
      tpu.wait_dma2 semaphore(%arg11 : memref<!tpu.dma_semaphore, #tpu.memory_space<semaphore_mem>>) src(%dma_wait3A_963 : memref<40xi32, #tpu.memory_space<hbm>>) dst(%dma_wait3A_961 : memref<40xi32, #tpu.memory_space<vmem>>)
      %dma_wait3A_964 = arith.constant 0 : i32
      %dma_wait3A_965 = arith.constant 0 : i32
      %dma_wait3A_966 = arith.constant 0 : i32
      %dma_wait3A_967 = arith.constant 0 : i32
      %dma_wait3A_968 = tpu.memref_slice %arg8[%dma_wait3A_964, %dma_wait3A_966, %dma_wait3A_967] : memref<5x40x128xf32, #tpu.memory_space<vmem>> -> memref<1x40x128xf32, #tpu.memory_space<vmem>>
      %dma_wait3A_969 = tpu.memref_squeeze %dma_wait3A_968 : memref<1x40x128xf32, #tpu.memory_space<vmem>> -> memref<40x128xf32, #tpu.memory_space<vmem>>
      %dma_wait3A_970 = arith.constant 0 : i32
      %dma_wait3A_971 = tpu.memref_slice %arg7[%dma_wait3A_965, %dma_wait3A_970] : memref<5x40xi32, #tpu.memory_space<vmem>> -> memref<1x40xi32, #tpu.memory_space<vmem>>
      %dma_wait3A_972 = tpu.memref_squeeze %dma_wait3A_971 : memref<1x40xi32, #tpu.memory_space<vmem>> -> memref<40xi32, #tpu.memory_space<vmem>>
      %dma_wait3A_973 = arith.constant 0 : i32
      %dma_wait3A_974 = arith.constant 0 : i32
      %dma_wait3A_975 = tpu.memref_slice %arg9[%dma_wait3A_973, %dma_wait3A_974] : memref<10000x128xf32, #tpu.memory_space<vmem_shared>> -> memref<10000x128xf32, #tpu.memory_space<vmem_shared>>
      tpu.wait_indirect_dma semaphore(%arg25 : memref<!tpu.dma_semaphore, #tpu.memory_space<semaphore_mem>>) src(%dma_wait3A_969 : memref<40x128xf32, #tpu.memory_space<vmem>>) dst(%dma_wait3A_975 : memref<10000x128xf32, #tpu.memory_space<vmem_shared>>)
      %dma_start3A_976 = arith.constant 1 : i32
      %dma_start3A_977 = arith.constant 1 : i32
      %dma_start3A_978 = arith.constant 0 : i32
      %dma_start3A_979 = arith.constant 0 : i32
      %dma_start3A_980 = tpu.memref_slice %arg8[%dma_start3A_976, %dma_start3A_978, %dma_start3A_979] : memref<5x40x128xf32, #tpu.memory_space<vmem>> -> memref<1x40x128xf32, #tpu.memory_space<vmem>>
      %dma_start3A_981 = tpu.memref_squeeze %dma_start3A_980 : memref<1x40x128xf32, #tpu.memory_space<vmem>> -> memref<40x128xf32, #tpu.memory_space<vmem>>
      %dma_start3A_982 = arith.constant 0 : i32
      %dma_start3A_983 = tpu.memref_slice %arg7[%dma_start3A_977, %dma_start3A_982] : memref<5x40xi32, #tpu.memory_space<vmem>> -> memref<1x40xi32, #tpu.memory_space<vmem>>
      %dma_start3A_984 = tpu.memref_squeeze %dma_start3A_983 : memref<1x40xi32, #tpu.memory_space<vmem>> -> memref<40xi32, #tpu.memory_space<vmem>>
      %dma_start3A_985 = arith.constant 0 : i32
      %dma_start3A_986 = arith.constant 0 : i32
      %dma_start3A_987 = tpu.memref_slice %arg9[%dma_start3A_985, %dma_start3A_986] : memref<10000x128xf32, #tpu.memory_space<vmem_shared>> -> memref<10000x128xf32, #tpu.memory_space<vmem_shared>>
      tpu.enqueue_indirect_dma source(%dma_start3A_981 : memref<40x128xf32, #tpu.memory_space<vmem>>) target(%dma_start3A_987 : memref<10000x128xf32, #tpu.memory_space<vmem_shared>>) offsets(%dma_start3A_984 : memref<40xi32, #tpu.memory_space<vmem>>) semaphore(%arg25 : memref<!tpu.dma_semaphore, #tpu.memory_space<semaphore_mem>>) {add = true}
      %lt3A_988 = arith.constant 24 : i32
      %lt3A_989 = arith.cmpi slt, %add3A_408, %lt3A_988 : i32
      %convert_element_type3A_990 = arith.extui %lt3A_989 : i1 to i32
      %cond3A_991 = arith.constant 0 : i32
      %cond3A_992 = arith.cmpi ne, %convert_element_type3A_990, %cond3A_991 : i32
      scf.if %cond3A_992 {
        %add3A_1181 = arith.constant 5 : i32
        %add3A_1182 = arith.addi %add3A_940, %add3A_1181 : i32
        %sub3A_1183 = arith.constant 1 : i32
        %sub3A_1184 = arith.subi %add3A_1182, %sub3A_1183 : i32
        %mul3A_1185 = arith.constant 40 : i32
        %mul3A_1186 = arith.muli %sub3A_1184, %mul3A_1185 : i32
        %add3A_1187 = arith.addi %mul3A_2, %mul3A_1186 : i32
        %dma_start3A_1188 = arith.constant 0 : i32
        %dma_start3A_1189 = arith.constant 0 : i32
        %dma_start3A_1190 = tpu.memref_slice %arg7[%dma_start3A_1188, %dma_start3A_1189] : memref<5x40xi32, #tpu.memory_space<vmem>> -> memref<1x40xi32, #tpu.memory_space<vmem>>
        %dma_start3A_1191 = tpu.memref_squeeze %dma_start3A_1190 : memref<1x40xi32, #tpu.memory_space<vmem>> -> memref<40xi32, #tpu.memory_space<vmem>>
        %dma_start3A_1192 = tpu.memref_slice %arg4[%add3A_1187] : memref<320000xi32, #tpu.memory_space<hbm>> -> memref<40xi32, #tpu.memory_space<hbm>>
        %dma_start3A_1193 = arith.constant 0 : i32
        %dma_start3A_1194 = tpu.memref_slice %arg7[%dma_start3A_1188, %dma_start3A_1193] : memref<5x40xi32, #tpu.memory_space<vmem>> -> memref<1x40xi32, #tpu.memory_space<vmem>>
        %dma_start3A_1195 = tpu.memref_squeeze %dma_start3A_1194 : memref<1x40xi32, #tpu.memory_space<vmem>> -> memref<40xi32, #tpu.memory_space<vmem>>
        %dma_start3A_1196 = tpu.memref_slice %arg4[%add3A_1187] : memref<320000xi32, #tpu.memory_space<hbm>> -> memref<40xi32, #tpu.memory_space<hbm>>
        tpu.enqueue_dma source(%dma_start3A_1196 : memref<40xi32, #tpu.memory_space<hbm>>) target(%dma_start3A_1195 : memref<40xi32, #tpu.memory_space<vmem>>) target_semaphore(%arg10 : memref<!tpu.dma_semaphore, #tpu.memory_space<semaphore_mem>>)
        %dma_wait3A_1197 = arith.constant 0 : i32
        %dma_wait3A_1198 = arith.constant 0 : i32
        %dma_wait3A_1199 = tpu.memref_slice %arg6[%dma_wait3A_1197, %dma_wait3A_1198] : memref<10x40xi32, #tpu.memory_space<vmem>> -> memref<1x40xi32, #tpu.memory_space<vmem>>
        %dma_wait3A_1200 = tpu.memref_squeeze %dma_wait3A_1199 : memref<1x40xi32, #tpu.memory_space<vmem>> -> memref<40xi32, #tpu.memory_space<vmem>>
        %dma_wait3A_1201 = arith.constant 0 : i32
        %dma_wait3A_1202 = tpu.memref_slice %arg3[%dma_wait3A_1201] : memref<320000xi32, #tpu.memory_space<hbm>> -> memref<40xi32, #tpu.memory_space<hbm>>
        %dma_wait3A_1203 = arith.constant 0 : i32
        %dma_wait3A_1204 = tpu.memref_slice %arg6[%dma_wait3A_1197, %dma_wait3A_1203] : memref<10x40xi32, #tpu.memory_space<vmem>> -> memref<1x40xi32, #tpu.memory_space<vmem>>
        %dma_wait3A_1205 = tpu.memref_squeeze %dma_wait3A_1204 : memref<1x40xi32, #tpu.memory_space<vmem>> -> memref<40xi32, #tpu.memory_space<vmem>>
        %dma_wait3A_1206 = arith.constant 0 : i32
        %dma_wait3A_1207 = tpu.memref_slice %arg3[%dma_wait3A_1206] : memref<320000xi32, #tpu.memory_space<hbm>> -> memref<40xi32, #tpu.memory_space<hbm>>
        tpu.wait_dma2 semaphore(%arg15 : memref<!tpu.dma_semaphore, #tpu.memory_space<semaphore_mem>>) src(%dma_wait3A_1207 : memref<40xi32, #tpu.memory_space<hbm>>) dst(%dma_wait3A_1205 : memref<40xi32, #tpu.memory_space<vmem>>)
        %dma_start3A_1208 = arith.constant 0 : i32
        %dma_start3A_1209 = arith.constant 0 : i32
        %dma_start3A_1210 = arith.constant 0 : i32
        %dma_start3A_1211 = arith.constant 0 : i32
        %dma_start3A_1212 = tpu.memref_slice %arg8[%dma_start3A_1209, %dma_start3A_1210, %dma_start3A_1211] : memref<5x40x128xf32, #tpu.memory_space<vmem>> -> memref<1x40x128xf32, #tpu.memory_space<vmem>>
        %dma_start3A_1213 = tpu.memref_squeeze %dma_start3A_1212 : memref<1x40x128xf32, #tpu.memory_space<vmem>> -> memref<40x128xf32, #tpu.memory_space<vmem>>
        %dma_start3A_1214 = arith.constant 0 : i32
        %dma_start3A_1215 = tpu.memref_slice %arg6[%dma_start3A_1208, %dma_start3A_1214] : memref<10x40xi32, #tpu.memory_space<vmem>> -> memref<1x40xi32, #tpu.memory_space<vmem>>
        %dma_start3A_1216 = tpu.memref_squeeze %dma_start3A_1215 : memref<1x40xi32, #tpu.memory_space<vmem>> -> memref<40xi32, #tpu.memory_space<vmem>>
        %dma_start3A_1217 = arith.constant 0 : i32
        %dma_start3A_1218 = arith.constant 0 : i32
        %dma_start3A_1219 = tpu.memref_slice %arg2[%dma_start3A_1217, %dma_start3A_1218] : memref<10000x128xf32, #tpu.memory_space<hbm>> -> memref<10000x128xf32, #tpu.memory_space<hbm>>
        tpu.enqueue_indirect_dma source(%dma_start3A_1219 : memref<10000x128xf32, #tpu.memory_space<hbm>>) target(%dma_start3A_1213 : memref<40x128xf32, #tpu.memory_space<vmem>>) offsets(%dma_start3A_1216 : memref<40xi32, #tpu.memory_space<vmem>>) semaphore(%arg10 : memref<!tpu.dma_semaphore, #tpu.memory_space<semaphore_mem>>)
      } else {
      }
      %lt3A_993 = arith.constant 24 : i32
      %lt3A_994 = arith.cmpi slt, %add3A_408, %lt3A_993 : i32
      %convert_element_type3A_995 = arith.extui %lt3A_994 : i1 to i32
      %cond3A_996 = arith.constant 0 : i32
      %cond3A_997 = arith.cmpi ne, %convert_element_type3A_995, %cond3A_996 : i32
      scf.if %cond3A_997 {
        %add3A_1181 = arith.constant 10 : i32
        %add3A_1182 = arith.addi %add3A_940, %add3A_1181 : i32
        %sub3A_1183 = arith.constant 1 : i32
        %sub3A_1184 = arith.subi %add3A_1182, %sub3A_1183 : i32
        %mul3A_1185 = arith.constant 40 : i32
        %mul3A_1186 = arith.muli %sub3A_1184, %mul3A_1185 : i32
        %add3A_1187 = arith.addi %mul3A_2, %mul3A_1186 : i32
        %dma_start3A_1188 = arith.constant 5 : i32
        %dma_start3A_1189 = arith.constant 0 : i32
        %dma_start3A_1190 = tpu.memref_slice %arg6[%dma_start3A_1188, %dma_start3A_1189] : memref<10x40xi32, #tpu.memory_space<vmem>> -> memref<1x40xi32, #tpu.memory_space<vmem>>
        %dma_start3A_1191 = tpu.memref_squeeze %dma_start3A_1190 : memref<1x40xi32, #tpu.memory_space<vmem>> -> memref<40xi32, #tpu.memory_space<vmem>>
        %dma_start3A_1192 = tpu.memref_slice %arg3[%add3A_1187] : memref<320000xi32, #tpu.memory_space<hbm>> -> memref<40xi32, #tpu.memory_space<hbm>>
        %dma_start3A_1193 = arith.constant 0 : i32
        %dma_start3A_1194 = tpu.memref_slice %arg6[%dma_start3A_1188, %dma_start3A_1193] : memref<10x40xi32, #tpu.memory_space<vmem>> -> memref<1x40xi32, #tpu.memory_space<vmem>>
        %dma_start3A_1195 = tpu.memref_squeeze %dma_start3A_1194 : memref<1x40xi32, #tpu.memory_space<vmem>> -> memref<40xi32, #tpu.memory_space<vmem>>
        %dma_start3A_1196 = tpu.memref_slice %arg3[%add3A_1187] : memref<320000xi32, #tpu.memory_space<hbm>> -> memref<40xi32, #tpu.memory_space<hbm>>
        tpu.enqueue_dma source(%dma_start3A_1196 : memref<40xi32, #tpu.memory_space<hbm>>) target(%dma_start3A_1195 : memref<40xi32, #tpu.memory_space<vmem>>) target_semaphore(%arg20 : memref<!tpu.dma_semaphore, #tpu.memory_space<semaphore_mem>>)
      } else {
      }
      %mul3A_998 = arith.constant 10 : i32
      %mul3A_999 = arith.muli %add3A_408, %mul3A_998 : i32
      %add3A_1000 = arith.constant 7 : i32
      %add3A_1001 = arith.addi %mul3A_999, %add3A_1000 : i32
      %dma_wait3A_1002 = arith.constant 0 : i32
      %dma_wait3A_1003 = arith.constant 2 : i32
      %dma_wait3A_1004 = arith.constant 0 : i32
      %dma_wait3A_1005 = arith.constant 0 : i32
      %dma_wait3A_1006 = tpu.memref_slice %arg8[%dma_wait3A_1003, %dma_wait3A_1004, %dma_wait3A_1005] : memref<5x40x128xf32, #tpu.memory_space<vmem>> -> memref<1x40x128xf32, #tpu.memory_space<vmem>>
      %dma_wait3A_1007 = tpu.memref_squeeze %dma_wait3A_1006 : memref<1x40x128xf32, #tpu.memory_space<vmem>> -> memref<40x128xf32, #tpu.memory_space<vmem>>
      %dma_wait3A_1008 = arith.constant 0 : i32
      %dma_wait3A_1009 = tpu.memref_slice %arg6[%dma_wait3A_1002, %dma_wait3A_1008] : memref<10x40xi32, #tpu.memory_space<vmem>> -> memref<1x40xi32, #tpu.memory_space<vmem>>
      %dma_wait3A_1010 = tpu.memref_squeeze %dma_wait3A_1009 : memref<1x40xi32, #tpu.memory_space<vmem>> -> memref<40xi32, #tpu.memory_space<vmem>>
      %dma_wait3A_1011 = arith.constant 0 : i32
      %dma_wait3A_1012 = arith.constant 0 : i32
      %dma_wait3A_1013 = tpu.memref_slice %arg2[%dma_wait3A_1011, %dma_wait3A_1012] : memref<10000x128xf32, #tpu.memory_space<hbm>> -> memref<10000x128xf32, #tpu.memory_space<hbm>>
      tpu.wait_indirect_dma semaphore(%arg12 : memref<!tpu.dma_semaphore, #tpu.memory_space<semaphore_mem>>) src(%dma_wait3A_1013 : memref<10000x128xf32, #tpu.memory_space<hbm>>) dst(%dma_wait3A_1007 : memref<40x128xf32, #tpu.memory_space<vmem>>)
      %dma_wait3A_1014 = arith.constant 2 : i32
      %dma_wait3A_1015 = arith.constant 0 : i32
      %dma_wait3A_1016 = tpu.memref_slice %arg7[%dma_wait3A_1014, %dma_wait3A_1015] : memref<5x40xi32, #tpu.memory_space<vmem>> -> memref<1x40xi32, #tpu.memory_space<vmem>>
      %dma_wait3A_1017 = tpu.memref_squeeze %dma_wait3A_1016 : memref<1x40xi32, #tpu.memory_space<vmem>> -> memref<40xi32, #tpu.memory_space<vmem>>
      %dma_wait3A_1018 = arith.constant 0 : i32
      %dma_wait3A_1019 = tpu.memref_slice %arg4[%dma_wait3A_1018] : memref<320000xi32, #tpu.memory_space<hbm>> -> memref<40xi32, #tpu.memory_space<hbm>>
      %dma_wait3A_1020 = arith.constant 0 : i32
      %dma_wait3A_1021 = tpu.memref_slice %arg7[%dma_wait3A_1014, %dma_wait3A_1020] : memref<5x40xi32, #tpu.memory_space<vmem>> -> memref<1x40xi32, #tpu.memory_space<vmem>>
      %dma_wait3A_1022 = tpu.memref_squeeze %dma_wait3A_1021 : memref<1x40xi32, #tpu.memory_space<vmem>> -> memref<40xi32, #tpu.memory_space<vmem>>
      %dma_wait3A_1023 = arith.constant 0 : i32
      %dma_wait3A_1024 = tpu.memref_slice %arg4[%dma_wait3A_1023] : memref<320000xi32, #tpu.memory_space<hbm>> -> memref<40xi32, #tpu.memory_space<hbm>>
      tpu.wait_dma2 semaphore(%arg12 : memref<!tpu.dma_semaphore, #tpu.memory_space<semaphore_mem>>) src(%dma_wait3A_1024 : memref<40xi32, #tpu.memory_space<hbm>>) dst(%dma_wait3A_1022 : memref<40xi32, #tpu.memory_space<vmem>>)
      %dma_wait3A_1025 = arith.constant 1 : i32
      %dma_wait3A_1026 = arith.constant 1 : i32
      %dma_wait3A_1027 = arith.constant 0 : i32
      %dma_wait3A_1028 = arith.constant 0 : i32
      %dma_wait3A_1029 = tpu.memref_slice %arg8[%dma_wait3A_1025, %dma_wait3A_1027, %dma_wait3A_1028] : memref<5x40x128xf32, #tpu.memory_space<vmem>> -> memref<1x40x128xf32, #tpu.memory_space<vmem>>
      %dma_wait3A_1030 = tpu.memref_squeeze %dma_wait3A_1029 : memref<1x40x128xf32, #tpu.memory_space<vmem>> -> memref<40x128xf32, #tpu.memory_space<vmem>>
      %dma_wait3A_1031 = arith.constant 0 : i32
      %dma_wait3A_1032 = tpu.memref_slice %arg7[%dma_wait3A_1026, %dma_wait3A_1031] : memref<5x40xi32, #tpu.memory_space<vmem>> -> memref<1x40xi32, #tpu.memory_space<vmem>>
      %dma_wait3A_1033 = tpu.memref_squeeze %dma_wait3A_1032 : memref<1x40xi32, #tpu.memory_space<vmem>> -> memref<40xi32, #tpu.memory_space<vmem>>
      %dma_wait3A_1034 = arith.constant 0 : i32
      %dma_wait3A_1035 = arith.constant 0 : i32
      %dma_wait3A_1036 = tpu.memref_slice %arg9[%dma_wait3A_1034, %dma_wait3A_1035] : memref<10000x128xf32, #tpu.memory_space<vmem_shared>> -> memref<10000x128xf32, #tpu.memory_space<vmem_shared>>
      tpu.wait_indirect_dma semaphore(%arg25 : memref<!tpu.dma_semaphore, #tpu.memory_space<semaphore_mem>>) src(%dma_wait3A_1030 : memref<40x128xf32, #tpu.memory_space<vmem>>) dst(%dma_wait3A_1036 : memref<10000x128xf32, #tpu.memory_space<vmem_shared>>)
      %dma_start3A_1037 = arith.constant 2 : i32
      %dma_start3A_1038 = arith.constant 2 : i32
      %dma_start3A_1039 = arith.constant 0 : i32
      %dma_start3A_1040 = arith.constant 0 : i32
      %dma_start3A_1041 = tpu.memref_slice %arg8[%dma_start3A_1037, %dma_start3A_1039, %dma_start3A_1040] : memref<5x40x128xf32, #tpu.memory_space<vmem>> -> memref<1x40x128xf32, #tpu.memory_space<vmem>>
      %dma_start3A_1042 = tpu.memref_squeeze %dma_start3A_1041 : memref<1x40x128xf32, #tpu.memory_space<vmem>> -> memref<40x128xf32, #tpu.memory_space<vmem>>
      %dma_start3A_1043 = arith.constant 0 : i32
      %dma_start3A_1044 = tpu.memref_slice %arg7[%dma_start3A_1038, %dma_start3A_1043] : memref<5x40xi32, #tpu.memory_space<vmem>> -> memref<1x40xi32, #tpu.memory_space<vmem>>
      %dma_start3A_1045 = tpu.memref_squeeze %dma_start3A_1044 : memref<1x40xi32, #tpu.memory_space<vmem>> -> memref<40xi32, #tpu.memory_space<vmem>>
      %dma_start3A_1046 = arith.constant 0 : i32
      %dma_start3A_1047 = arith.constant 0 : i32
      %dma_start3A_1048 = tpu.memref_slice %arg9[%dma_start3A_1046, %dma_start3A_1047] : memref<10000x128xf32, #tpu.memory_space<vmem_shared>> -> memref<10000x128xf32, #tpu.memory_space<vmem_shared>>
      tpu.enqueue_indirect_dma source(%dma_start3A_1042 : memref<40x128xf32, #tpu.memory_space<vmem>>) target(%dma_start3A_1048 : memref<10000x128xf32, #tpu.memory_space<vmem_shared>>) offsets(%dma_start3A_1045 : memref<40xi32, #tpu.memory_space<vmem>>) semaphore(%arg25 : memref<!tpu.dma_semaphore, #tpu.memory_space<semaphore_mem>>) {add = true}
      %lt3A_1049 = arith.constant 24 : i32
      %lt3A_1050 = arith.cmpi slt, %add3A_408, %lt3A_1049 : i32
      %convert_element_type3A_1051 = arith.extui %lt3A_1050 : i1 to i32
      %cond3A_1052 = arith.constant 0 : i32
      %cond3A_1053 = arith.cmpi ne, %convert_element_type3A_1051, %cond3A_1052 : i32
      scf.if %cond3A_1053 {
        %add3A_1181 = arith.constant 5 : i32
        %add3A_1182 = arith.addi %add3A_1001, %add3A_1181 : i32
        %sub3A_1183 = arith.constant 1 : i32
        %sub3A_1184 = arith.subi %add3A_1182, %sub3A_1183 : i32
        %mul3A_1185 = arith.constant 40 : i32
        %mul3A_1186 = arith.muli %sub3A_1184, %mul3A_1185 : i32
        %add3A_1187 = arith.addi %mul3A_2, %mul3A_1186 : i32
        %dma_start3A_1188 = arith.constant 1 : i32
        %dma_start3A_1189 = arith.constant 0 : i32
        %dma_start3A_1190 = tpu.memref_slice %arg7[%dma_start3A_1188, %dma_start3A_1189] : memref<5x40xi32, #tpu.memory_space<vmem>> -> memref<1x40xi32, #tpu.memory_space<vmem>>
        %dma_start3A_1191 = tpu.memref_squeeze %dma_start3A_1190 : memref<1x40xi32, #tpu.memory_space<vmem>> -> memref<40xi32, #tpu.memory_space<vmem>>
        %dma_start3A_1192 = tpu.memref_slice %arg4[%add3A_1187] : memref<320000xi32, #tpu.memory_space<hbm>> -> memref<40xi32, #tpu.memory_space<hbm>>
        %dma_start3A_1193 = arith.constant 0 : i32
        %dma_start3A_1194 = tpu.memref_slice %arg7[%dma_start3A_1188, %dma_start3A_1193] : memref<5x40xi32, #tpu.memory_space<vmem>> -> memref<1x40xi32, #tpu.memory_space<vmem>>
        %dma_start3A_1195 = tpu.memref_squeeze %dma_start3A_1194 : memref<1x40xi32, #tpu.memory_space<vmem>> -> memref<40xi32, #tpu.memory_space<vmem>>
        %dma_start3A_1196 = tpu.memref_slice %arg4[%add3A_1187] : memref<320000xi32, #tpu.memory_space<hbm>> -> memref<40xi32, #tpu.memory_space<hbm>>
        tpu.enqueue_dma source(%dma_start3A_1196 : memref<40xi32, #tpu.memory_space<hbm>>) target(%dma_start3A_1195 : memref<40xi32, #tpu.memory_space<vmem>>) target_semaphore(%arg11 : memref<!tpu.dma_semaphore, #tpu.memory_space<semaphore_mem>>)
        %dma_wait3A_1197 = arith.constant 1 : i32
        %dma_wait3A_1198 = arith.constant 0 : i32
        %dma_wait3A_1199 = tpu.memref_slice %arg6[%dma_wait3A_1197, %dma_wait3A_1198] : memref<10x40xi32, #tpu.memory_space<vmem>> -> memref<1x40xi32, #tpu.memory_space<vmem>>
        %dma_wait3A_1200 = tpu.memref_squeeze %dma_wait3A_1199 : memref<1x40xi32, #tpu.memory_space<vmem>> -> memref<40xi32, #tpu.memory_space<vmem>>
        %dma_wait3A_1201 = arith.constant 0 : i32
        %dma_wait3A_1202 = tpu.memref_slice %arg3[%dma_wait3A_1201] : memref<320000xi32, #tpu.memory_space<hbm>> -> memref<40xi32, #tpu.memory_space<hbm>>
        %dma_wait3A_1203 = arith.constant 0 : i32
        %dma_wait3A_1204 = tpu.memref_slice %arg6[%dma_wait3A_1197, %dma_wait3A_1203] : memref<10x40xi32, #tpu.memory_space<vmem>> -> memref<1x40xi32, #tpu.memory_space<vmem>>
        %dma_wait3A_1205 = tpu.memref_squeeze %dma_wait3A_1204 : memref<1x40xi32, #tpu.memory_space<vmem>> -> memref<40xi32, #tpu.memory_space<vmem>>
        %dma_wait3A_1206 = arith.constant 0 : i32
        %dma_wait3A_1207 = tpu.memref_slice %arg3[%dma_wait3A_1206] : memref<320000xi32, #tpu.memory_space<hbm>> -> memref<40xi32, #tpu.memory_space<hbm>>
        tpu.wait_dma2 semaphore(%arg16 : memref<!tpu.dma_semaphore, #tpu.memory_space<semaphore_mem>>) src(%dma_wait3A_1207 : memref<40xi32, #tpu.memory_space<hbm>>) dst(%dma_wait3A_1205 : memref<40xi32, #tpu.memory_space<vmem>>)
        %dma_start3A_1208 = arith.constant 1 : i32
        %dma_start3A_1209 = arith.constant 1 : i32
        %dma_start3A_1210 = arith.constant 0 : i32
        %dma_start3A_1211 = arith.constant 0 : i32
        %dma_start3A_1212 = tpu.memref_slice %arg8[%dma_start3A_1209, %dma_start3A_1210, %dma_start3A_1211] : memref<5x40x128xf32, #tpu.memory_space<vmem>> -> memref<1x40x128xf32, #tpu.memory_space<vmem>>
        %dma_start3A_1213 = tpu.memref_squeeze %dma_start3A_1212 : memref<1x40x128xf32, #tpu.memory_space<vmem>> -> memref<40x128xf32, #tpu.memory_space<vmem>>
        %dma_start3A_1214 = arith.constant 0 : i32
        %dma_start3A_1215 = tpu.memref_slice %arg6[%dma_start3A_1208, %dma_start3A_1214] : memref<10x40xi32, #tpu.memory_space<vmem>> -> memref<1x40xi32, #tpu.memory_space<vmem>>
        %dma_start3A_1216 = tpu.memref_squeeze %dma_start3A_1215 : memref<1x40xi32, #tpu.memory_space<vmem>> -> memref<40xi32, #tpu.memory_space<vmem>>
        %dma_start3A_1217 = arith.constant 0 : i32
        %dma_start3A_1218 = arith.constant 0 : i32
        %dma_start3A_1219 = tpu.memref_slice %arg2[%dma_start3A_1217, %dma_start3A_1218] : memref<10000x128xf32, #tpu.memory_space<hbm>> -> memref<10000x128xf32, #tpu.memory_space<hbm>>
        tpu.enqueue_indirect_dma source(%dma_start3A_1219 : memref<10000x128xf32, #tpu.memory_space<hbm>>) target(%dma_start3A_1213 : memref<40x128xf32, #tpu.memory_space<vmem>>) offsets(%dma_start3A_1216 : memref<40xi32, #tpu.memory_space<vmem>>) semaphore(%arg11 : memref<!tpu.dma_semaphore, #tpu.memory_space<semaphore_mem>>)
      } else {
      }
      %lt3A_1054 = arith.constant 24 : i32
      %lt3A_1055 = arith.cmpi slt, %add3A_408, %lt3A_1054 : i32
      %convert_element_type3A_1056 = arith.extui %lt3A_1055 : i1 to i32
      %cond3A_1057 = arith.constant 0 : i32
      %cond3A_1058 = arith.cmpi ne, %convert_element_type3A_1056, %cond3A_1057 : i32
      scf.if %cond3A_1058 {
        %add3A_1181 = arith.constant 10 : i32
        %add3A_1182 = arith.addi %add3A_1001, %add3A_1181 : i32
        %sub3A_1183 = arith.constant 1 : i32
        %sub3A_1184 = arith.subi %add3A_1182, %sub3A_1183 : i32
        %mul3A_1185 = arith.constant 40 : i32
        %mul3A_1186 = arith.muli %sub3A_1184, %mul3A_1185 : i32
        %add3A_1187 = arith.addi %mul3A_2, %mul3A_1186 : i32
        %dma_start3A_1188 = arith.constant 6 : i32
        %dma_start3A_1189 = arith.constant 0 : i32
        %dma_start3A_1190 = tpu.memref_slice %arg6[%dma_start3A_1188, %dma_start3A_1189] : memref<10x40xi32, #tpu.memory_space<vmem>> -> memref<1x40xi32, #tpu.memory_space<vmem>>
        %dma_start3A_1191 = tpu.memref_squeeze %dma_start3A_1190 : memref<1x40xi32, #tpu.memory_space<vmem>> -> memref<40xi32, #tpu.memory_space<vmem>>
        %dma_start3A_1192 = tpu.memref_slice %arg3[%add3A_1187] : memref<320000xi32, #tpu.memory_space<hbm>> -> memref<40xi32, #tpu.memory_space<hbm>>
        %dma_start3A_1193 = arith.constant 0 : i32
        %dma_start3A_1194 = tpu.memref_slice %arg6[%dma_start3A_1188, %dma_start3A_1193] : memref<10x40xi32, #tpu.memory_space<vmem>> -> memref<1x40xi32, #tpu.memory_space<vmem>>
        %dma_start3A_1195 = tpu.memref_squeeze %dma_start3A_1194 : memref<1x40xi32, #tpu.memory_space<vmem>> -> memref<40xi32, #tpu.memory_space<vmem>>
        %dma_start3A_1196 = tpu.memref_slice %arg3[%add3A_1187] : memref<320000xi32, #tpu.memory_space<hbm>> -> memref<40xi32, #tpu.memory_space<hbm>>
        tpu.enqueue_dma source(%dma_start3A_1196 : memref<40xi32, #tpu.memory_space<hbm>>) target(%dma_start3A_1195 : memref<40xi32, #tpu.memory_space<vmem>>) target_semaphore(%arg21 : memref<!tpu.dma_semaphore, #tpu.memory_space<semaphore_mem>>)
      } else {
      }
      %mul3A_1059 = arith.constant 10 : i32
      %mul3A_1060 = arith.muli %add3A_408, %mul3A_1059 : i32
      %add3A_1061 = arith.constant 8 : i32
      %add3A_1062 = arith.addi %mul3A_1060, %add3A_1061 : i32
      %dma_wait3A_1063 = arith.constant 0 : i32
      %dma_wait3A_1064 = arith.constant 3 : i32
      %dma_wait3A_1065 = arith.constant 0 : i32
      %dma_wait3A_1066 = arith.constant 0 : i32
      %dma_wait3A_1067 = tpu.memref_slice %arg8[%dma_wait3A_1064, %dma_wait3A_1065, %dma_wait3A_1066] : memref<5x40x128xf32, #tpu.memory_space<vmem>> -> memref<1x40x128xf32, #tpu.memory_space<vmem>>
      %dma_wait3A_1068 = tpu.memref_squeeze %dma_wait3A_1067 : memref<1x40x128xf32, #tpu.memory_space<vmem>> -> memref<40x128xf32, #tpu.memory_space<vmem>>
      %dma_wait3A_1069 = arith.constant 0 : i32
      %dma_wait3A_1070 = tpu.memref_slice %arg6[%dma_wait3A_1063, %dma_wait3A_1069] : memref<10x40xi32, #tpu.memory_space<vmem>> -> memref<1x40xi32, #tpu.memory_space<vmem>>
      %dma_wait3A_1071 = tpu.memref_squeeze %dma_wait3A_1070 : memref<1x40xi32, #tpu.memory_space<vmem>> -> memref<40xi32, #tpu.memory_space<vmem>>
      %dma_wait3A_1072 = arith.constant 0 : i32
      %dma_wait3A_1073 = arith.constant 0 : i32
      %dma_wait3A_1074 = tpu.memref_slice %arg2[%dma_wait3A_1072, %dma_wait3A_1073] : memref<10000x128xf32, #tpu.memory_space<hbm>> -> memref<10000x128xf32, #tpu.memory_space<hbm>>
      tpu.wait_indirect_dma semaphore(%arg13 : memref<!tpu.dma_semaphore, #tpu.memory_space<semaphore_mem>>) src(%dma_wait3A_1074 : memref<10000x128xf32, #tpu.memory_space<hbm>>) dst(%dma_wait3A_1068 : memref<40x128xf32, #tpu.memory_space<vmem>>)
      %dma_wait3A_1075 = arith.constant 3 : i32
      %dma_wait3A_1076 = arith.constant 0 : i32
      %dma_wait3A_1077 = tpu.memref_slice %arg7[%dma_wait3A_1075, %dma_wait3A_1076] : memref<5x40xi32, #tpu.memory_space<vmem>> -> memref<1x40xi32, #tpu.memory_space<vmem>>
      %dma_wait3A_1078 = tpu.memref_squeeze %dma_wait3A_1077 : memref<1x40xi32, #tpu.memory_space<vmem>> -> memref<40xi32, #tpu.memory_space<vmem>>
      %dma_wait3A_1079 = arith.constant 0 : i32
      %dma_wait3A_1080 = tpu.memref_slice %arg4[%dma_wait3A_1079] : memref<320000xi32, #tpu.memory_space<hbm>> -> memref<40xi32, #tpu.memory_space<hbm>>
      %dma_wait3A_1081 = arith.constant 0 : i32
      %dma_wait3A_1082 = tpu.memref_slice %arg7[%dma_wait3A_1075, %dma_wait3A_1081] : memref<5x40xi32, #tpu.memory_space<vmem>> -> memref<1x40xi32, #tpu.memory_space<vmem>>
      %dma_wait3A_1083 = tpu.memref_squeeze %dma_wait3A_1082 : memref<1x40xi32, #tpu.memory_space<vmem>> -> memref<40xi32, #tpu.memory_space<vmem>>
      %dma_wait3A_1084 = arith.constant 0 : i32
      %dma_wait3A_1085 = tpu.memref_slice %arg4[%dma_wait3A_1084] : memref<320000xi32, #tpu.memory_space<hbm>> -> memref<40xi32, #tpu.memory_space<hbm>>
      tpu.wait_dma2 semaphore(%arg13 : memref<!tpu.dma_semaphore, #tpu.memory_space<semaphore_mem>>) src(%dma_wait3A_1085 : memref<40xi32, #tpu.memory_space<hbm>>) dst(%dma_wait3A_1083 : memref<40xi32, #tpu.memory_space<vmem>>)
      %dma_wait3A_1086 = arith.constant 2 : i32
      %dma_wait3A_1087 = arith.constant 2 : i32
      %dma_wait3A_1088 = arith.constant 0 : i32
      %dma_wait3A_1089 = arith.constant 0 : i32
      %dma_wait3A_1090 = tpu.memref_slice %arg8[%dma_wait3A_1086, %dma_wait3A_1088, %dma_wait3A_1089] : memref<5x40x128xf32, #tpu.memory_space<vmem>> -> memref<1x40x128xf32, #tpu.memory_space<vmem>>
      %dma_wait3A_1091 = tpu.memref_squeeze %dma_wait3A_1090 : memref<1x40x128xf32, #tpu.memory_space<vmem>> -> memref<40x128xf32, #tpu.memory_space<vmem>>
      %dma_wait3A_1092 = arith.constant 0 : i32
      %dma_wait3A_1093 = tpu.memref_slice %arg7[%dma_wait3A_1087, %dma_wait3A_1092] : memref<5x40xi32, #tpu.memory_space<vmem>> -> memref<1x40xi32, #tpu.memory_space<vmem>>
      %dma_wait3A_1094 = tpu.memref_squeeze %dma_wait3A_1093 : memref<1x40xi32, #tpu.memory_space<vmem>> -> memref<40xi32, #tpu.memory_space<vmem>>
      %dma_wait3A_1095 = arith.constant 0 : i32
      %dma_wait3A_1096 = arith.constant 0 : i32
      %dma_wait3A_1097 = tpu.memref_slice %arg9[%dma_wait3A_1095, %dma_wait3A_1096] : memref<10000x128xf32, #tpu.memory_space<vmem_shared>> -> memref<10000x128xf32, #tpu.memory_space<vmem_shared>>
      tpu.wait_indirect_dma semaphore(%arg25 : memref<!tpu.dma_semaphore, #tpu.memory_space<semaphore_mem>>) src(%dma_wait3A_1091 : memref<40x128xf32, #tpu.memory_space<vmem>>) dst(%dma_wait3A_1097 : memref<10000x128xf32, #tpu.memory_space<vmem_shared>>)
      %dma_start3A_1098 = arith.constant 3 : i32
      %dma_start3A_1099 = arith.constant 3 : i32
      %dma_start3A_1100 = arith.constant 0 : i32
      %dma_start3A_1101 = arith.constant 0 : i32
      %dma_start3A_1102 = tpu.memref_slice %arg8[%dma_start3A_1098, %dma_start3A_1100, %dma_start3A_1101] : memref<5x40x128xf32, #tpu.memory_space<vmem>> -> memref<1x40x128xf32, #tpu.memory_space<vmem>>
      %dma_start3A_1103 = tpu.memref_squeeze %dma_start3A_1102 : memref<1x40x128xf32, #tpu.memory_space<vmem>> -> memref<40x128xf32, #tpu.memory_space<vmem>>
      %dma_start3A_1104 = arith.constant 0 : i32
      %dma_start3A_1105 = tpu.memref_slice %arg7[%dma_start3A_1099, %dma_start3A_1104] : memref<5x40xi32, #tpu.memory_space<vmem>> -> memref<1x40xi32, #tpu.memory_space<vmem>>
      %dma_start3A_1106 = tpu.memref_squeeze %dma_start3A_1105 : memref<1x40xi32, #tpu.memory_space<vmem>> -> memref<40xi32, #tpu.memory_space<vmem>>
      %dma_start3A_1107 = arith.constant 0 : i32
      %dma_start3A_1108 = arith.constant 0 : i32
      %dma_start3A_1109 = tpu.memref_slice %arg9[%dma_start3A_1107, %dma_start3A_1108] : memref<10000x128xf32, #tpu.memory_space<vmem_shared>> -> memref<10000x128xf32, #tpu.memory_space<vmem_shared>>
      tpu.enqueue_indirect_dma source(%dma_start3A_1103 : memref<40x128xf32, #tpu.memory_space<vmem>>) target(%dma_start3A_1109 : memref<10000x128xf32, #tpu.memory_space<vmem_shared>>) offsets(%dma_start3A_1106 : memref<40xi32, #tpu.memory_space<vmem>>) semaphore(%arg25 : memref<!tpu.dma_semaphore, #tpu.memory_space<semaphore_mem>>) {add = true}
      %lt3A_1110 = arith.constant 24 : i32
      %lt3A_1111 = arith.cmpi slt, %add3A_408, %lt3A_1110 : i32
      %convert_element_type3A_1112 = arith.extui %lt3A_1111 : i1 to i32
      %cond3A_1113 = arith.constant 0 : i32
      %cond3A_1114 = arith.cmpi ne, %convert_element_type3A_1112, %cond3A_1113 : i32
      scf.if %cond3A_1114 {
        %add3A_1181 = arith.constant 5 : i32
        %add3A_1182 = arith.addi %add3A_1062, %add3A_1181 : i32
        %sub3A_1183 = arith.constant 1 : i32
        %sub3A_1184 = arith.subi %add3A_1182, %sub3A_1183 : i32
        %mul3A_1185 = arith.constant 40 : i32
        %mul3A_1186 = arith.muli %sub3A_1184, %mul3A_1185 : i32
        %add3A_1187 = arith.addi %mul3A_2, %mul3A_1186 : i32
        %dma_start3A_1188 = arith.constant 2 : i32
        %dma_start3A_1189 = arith.constant 0 : i32
        %dma_start3A_1190 = tpu.memref_slice %arg7[%dma_start3A_1188, %dma_start3A_1189] : memref<5x40xi32, #tpu.memory_space<vmem>> -> memref<1x40xi32, #tpu.memory_space<vmem>>
        %dma_start3A_1191 = tpu.memref_squeeze %dma_start3A_1190 : memref<1x40xi32, #tpu.memory_space<vmem>> -> memref<40xi32, #tpu.memory_space<vmem>>
        %dma_start3A_1192 = tpu.memref_slice %arg4[%add3A_1187] : memref<320000xi32, #tpu.memory_space<hbm>> -> memref<40xi32, #tpu.memory_space<hbm>>
        %dma_start3A_1193 = arith.constant 0 : i32
        %dma_start3A_1194 = tpu.memref_slice %arg7[%dma_start3A_1188, %dma_start3A_1193] : memref<5x40xi32, #tpu.memory_space<vmem>> -> memref<1x40xi32, #tpu.memory_space<vmem>>
        %dma_start3A_1195 = tpu.memref_squeeze %dma_start3A_1194 : memref<1x40xi32, #tpu.memory_space<vmem>> -> memref<40xi32, #tpu.memory_space<vmem>>
        %dma_start3A_1196 = tpu.memref_slice %arg4[%add3A_1187] : memref<320000xi32, #tpu.memory_space<hbm>> -> memref<40xi32, #tpu.memory_space<hbm>>
        tpu.enqueue_dma source(%dma_start3A_1196 : memref<40xi32, #tpu.memory_space<hbm>>) target(%dma_start3A_1195 : memref<40xi32, #tpu.memory_space<vmem>>) target_semaphore(%arg12 : memref<!tpu.dma_semaphore, #tpu.memory_space<semaphore_mem>>)
        %dma_wait3A_1197 = arith.constant 2 : i32
        %dma_wait3A_1198 = arith.constant 0 : i32
        %dma_wait3A_1199 = tpu.memref_slice %arg6[%dma_wait3A_1197, %dma_wait3A_1198] : memref<10x40xi32, #tpu.memory_space<vmem>> -> memref<1x40xi32, #tpu.memory_space<vmem>>
        %dma_wait3A_1200 = tpu.memref_squeeze %dma_wait3A_1199 : memref<1x40xi32, #tpu.memory_space<vmem>> -> memref<40xi32, #tpu.memory_space<vmem>>
        %dma_wait3A_1201 = arith.constant 0 : i32
        %dma_wait3A_1202 = tpu.memref_slice %arg3[%dma_wait3A_1201] : memref<320000xi32, #tpu.memory_space<hbm>> -> memref<40xi32, #tpu.memory_space<hbm>>
        %dma_wait3A_1203 = arith.constant 0 : i32
        %dma_wait3A_1204 = tpu.memref_slice %arg6[%dma_wait3A_1197, %dma_wait3A_1203] : memref<10x40xi32, #tpu.memory_space<vmem>> -> memref<1x40xi32, #tpu.memory_space<vmem>>
        %dma_wait3A_1205 = tpu.memref_squeeze %dma_wait3A_1204 : memref<1x40xi32, #tpu.memory_space<vmem>> -> memref<40xi32, #tpu.memory_space<vmem>>
        %dma_wait3A_1206 = arith.constant 0 : i32
        %dma_wait3A_1207 = tpu.memref_slice %arg3[%dma_wait3A_1206] : memref<320000xi32, #tpu.memory_space<hbm>> -> memref<40xi32, #tpu.memory_space<hbm>>
        tpu.wait_dma2 semaphore(%arg17 : memref<!tpu.dma_semaphore, #tpu.memory_space<semaphore_mem>>) src(%dma_wait3A_1207 : memref<40xi32, #tpu.memory_space<hbm>>) dst(%dma_wait3A_1205 : memref<40xi32, #tpu.memory_space<vmem>>)
        %dma_start3A_1208 = arith.constant 2 : i32
        %dma_start3A_1209 = arith.constant 2 : i32
        %dma_start3A_1210 = arith.constant 0 : i32
        %dma_start3A_1211 = arith.constant 0 : i32
        %dma_start3A_1212 = tpu.memref_slice %arg8[%dma_start3A_1209, %dma_start3A_1210, %dma_start3A_1211] : memref<5x40x128xf32, #tpu.memory_space<vmem>> -> memref<1x40x128xf32, #tpu.memory_space<vmem>>
        %dma_start3A_1213 = tpu.memref_squeeze %dma_start3A_1212 : memref<1x40x128xf32, #tpu.memory_space<vmem>> -> memref<40x128xf32, #tpu.memory_space<vmem>>
        %dma_start3A_1214 = arith.constant 0 : i32
        %dma_start3A_1215 = tpu.memref_slice %arg6[%dma_start3A_1208, %dma_start3A_1214] : memref<10x40xi32, #tpu.memory_space<vmem>> -> memref<1x40xi32, #tpu.memory_space<vmem>>
        %dma_start3A_1216 = tpu.memref_squeeze %dma_start3A_1215 : memref<1x40xi32, #tpu.memory_space<vmem>> -> memref<40xi32, #tpu.memory_space<vmem>>
        %dma_start3A_1217 = arith.constant 0 : i32
        %dma_start3A_1218 = arith.constant 0 : i32
        %dma_start3A_1219 = tpu.memref_slice %arg2[%dma_start3A_1217, %dma_start3A_1218] : memref<10000x128xf32, #tpu.memory_space<hbm>> -> memref<10000x128xf32, #tpu.memory_space<hbm>>
        tpu.enqueue_indirect_dma source(%dma_start3A_1219 : memref<10000x128xf32, #tpu.memory_space<hbm>>) target(%dma_start3A_1213 : memref<40x128xf32, #tpu.memory_space<vmem>>) offsets(%dma_start3A_1216 : memref<40xi32, #tpu.memory_space<vmem>>) semaphore(%arg12 : memref<!tpu.dma_semaphore, #tpu.memory_space<semaphore_mem>>)
      } else {
      }
      %lt3A_1115 = arith.constant 24 : i32
      %lt3A_1116 = arith.cmpi slt, %add3A_408, %lt3A_1115 : i32
      %convert_element_type3A_1117 = arith.extui %lt3A_1116 : i1 to i32
      %cond3A_1118 = arith.constant 0 : i32
      %cond3A_1119 = arith.cmpi ne, %convert_element_type3A_1117, %cond3A_1118 : i32
      scf.if %cond3A_1119 {
        %add3A_1181 = arith.constant 10 : i32
        %add3A_1182 = arith.addi %add3A_1062, %add3A_1181 : i32
        %sub3A_1183 = arith.constant 1 : i32
        %sub3A_1184 = arith.subi %add3A_1182, %sub3A_1183 : i32
        %mul3A_1185 = arith.constant 40 : i32
        %mul3A_1186 = arith.muli %sub3A_1184, %mul3A_1185 : i32
        %add3A_1187 = arith.addi %mul3A_2, %mul3A_1186 : i32
        %dma_start3A_1188 = arith.constant 7 : i32
        %dma_start3A_1189 = arith.constant 0 : i32
        %dma_start3A_1190 = tpu.memref_slice %arg6[%dma_start3A_1188, %dma_start3A_1189] : memref<10x40xi32, #tpu.memory_space<vmem>> -> memref<1x40xi32, #tpu.memory_space<vmem>>
        %dma_start3A_1191 = tpu.memref_squeeze %dma_start3A_1190 : memref<1x40xi32, #tpu.memory_space<vmem>> -> memref<40xi32, #tpu.memory_space<vmem>>
        %dma_start3A_1192 = tpu.memref_slice %arg3[%add3A_1187] : memref<320000xi32, #tpu.memory_space<hbm>> -> memref<40xi32, #tpu.memory_space<hbm>>
        %dma_start3A_1193 = arith.constant 0 : i32
        %dma_start3A_1194 = tpu.memref_slice %arg6[%dma_start3A_1188, %dma_start3A_1193] : memref<10x40xi32, #tpu.memory_space<vmem>> -> memref<1x40xi32, #tpu.memory_space<vmem>>
        %dma_start3A_1195 = tpu.memref_squeeze %dma_start3A_1194 : memref<1x40xi32, #tpu.memory_space<vmem>> -> memref<40xi32, #tpu.memory_space<vmem>>
        %dma_start3A_1196 = tpu.memref_slice %arg3[%add3A_1187] : memref<320000xi32, #tpu.memory_space<hbm>> -> memref<40xi32, #tpu.memory_space<hbm>>
        tpu.enqueue_dma source(%dma_start3A_1196 : memref<40xi32, #tpu.memory_space<hbm>>) target(%dma_start3A_1195 : memref<40xi32, #tpu.memory_space<vmem>>) target_semaphore(%arg22 : memref<!tpu.dma_semaphore, #tpu.memory_space<semaphore_mem>>)
      } else {
      }
      %mul3A_1120 = arith.constant 10 : i32
      %mul3A_1121 = arith.muli %add3A_408, %mul3A_1120 : i32
      %add3A_1122 = arith.constant 9 : i32
      %add3A_1123 = arith.addi %mul3A_1121, %add3A_1122 : i32
      %dma_wait3A_1124 = arith.constant 0 : i32
      %dma_wait3A_1125 = arith.constant 4 : i32
      %dma_wait3A_1126 = arith.constant 0 : i32
      %dma_wait3A_1127 = arith.constant 0 : i32
      %dma_wait3A_1128 = tpu.memref_slice %arg8[%dma_wait3A_1125, %dma_wait3A_1126, %dma_wait3A_1127] : memref<5x40x128xf32, #tpu.memory_space<vmem>> -> memref<1x40x128xf32, #tpu.memory_space<vmem>>
      %dma_wait3A_1129 = tpu.memref_squeeze %dma_wait3A_1128 : memref<1x40x128xf32, #tpu.memory_space<vmem>> -> memref<40x128xf32, #tpu.memory_space<vmem>>
      %dma_wait3A_1130 = arith.constant 0 : i32
      %dma_wait3A_1131 = tpu.memref_slice %arg6[%dma_wait3A_1124, %dma_wait3A_1130] : memref<10x40xi32, #tpu.memory_space<vmem>> -> memref<1x40xi32, #tpu.memory_space<vmem>>
      %dma_wait3A_1132 = tpu.memref_squeeze %dma_wait3A_1131 : memref<1x40xi32, #tpu.memory_space<vmem>> -> memref<40xi32, #tpu.memory_space<vmem>>
      %dma_wait3A_1133 = arith.constant 0 : i32
      %dma_wait3A_1134 = arith.constant 0 : i32
      %dma_wait3A_1135 = tpu.memref_slice %arg2[%dma_wait3A_1133, %dma_wait3A_1134] : memref<10000x128xf32, #tpu.memory_space<hbm>> -> memref<10000x128xf32, #tpu.memory_space<hbm>>
      tpu.wait_indirect_dma semaphore(%arg14 : memref<!tpu.dma_semaphore, #tpu.memory_space<semaphore_mem>>) src(%dma_wait3A_1135 : memref<10000x128xf32, #tpu.memory_space<hbm>>) dst(%dma_wait3A_1129 : memref<40x128xf32, #tpu.memory_space<vmem>>)
      %dma_wait3A_1136 = arith.constant 4 : i32
      %dma_wait3A_1137 = arith.constant 0 : i32
      %dma_wait3A_1138 = tpu.memref_slice %arg7[%dma_wait3A_1136, %dma_wait3A_1137] : memref<5x40xi32, #tpu.memory_space<vmem>> -> memref<1x40xi32, #tpu.memory_space<vmem>>
      %dma_wait3A_1139 = tpu.memref_squeeze %dma_wait3A_1138 : memref<1x40xi32, #tpu.memory_space<vmem>> -> memref<40xi32, #tpu.memory_space<vmem>>
      %dma_wait3A_1140 = arith.constant 0 : i32
      %dma_wait3A_1141 = tpu.memref_slice %arg4[%dma_wait3A_1140] : memref<320000xi32, #tpu.memory_space<hbm>> -> memref<40xi32, #tpu.memory_space<hbm>>
      %dma_wait3A_1142 = arith.constant 0 : i32
      %dma_wait3A_1143 = tpu.memref_slice %arg7[%dma_wait3A_1136, %dma_wait3A_1142] : memref<5x40xi32, #tpu.memory_space<vmem>> -> memref<1x40xi32, #tpu.memory_space<vmem>>
      %dma_wait3A_1144 = tpu.memref_squeeze %dma_wait3A_1143 : memref<1x40xi32, #tpu.memory_space<vmem>> -> memref<40xi32, #tpu.memory_space<vmem>>
      %dma_wait3A_1145 = arith.constant 0 : i32
      %dma_wait3A_1146 = tpu.memref_slice %arg4[%dma_wait3A_1145] : memref<320000xi32, #tpu.memory_space<hbm>> -> memref<40xi32, #tpu.memory_space<hbm>>
      tpu.wait_dma2 semaphore(%arg14 : memref<!tpu.dma_semaphore, #tpu.memory_space<semaphore_mem>>) src(%dma_wait3A_1146 : memref<40xi32, #tpu.memory_space<hbm>>) dst(%dma_wait3A_1144 : memref<40xi32, #tpu.memory_space<vmem>>)
      %dma_wait3A_1147 = arith.constant 3 : i32
      %dma_wait3A_1148 = arith.constant 3 : i32
      %dma_wait3A_1149 = arith.constant 0 : i32
      %dma_wait3A_1150 = arith.constant 0 : i32
      %dma_wait3A_1151 = tpu.memref_slice %arg8[%dma_wait3A_1147, %dma_wait3A_1149, %dma_wait3A_1150] : memref<5x40x128xf32, #tpu.memory_space<vmem>> -> memref<1x40x128xf32, #tpu.memory_space<vmem>>
      %dma_wait3A_1152 = tpu.memref_squeeze %dma_wait3A_1151 : memref<1x40x128xf32, #tpu.memory_space<vmem>> -> memref<40x128xf32, #tpu.memory_space<vmem>>
      %dma_wait3A_1153 = arith.constant 0 : i32
      %dma_wait3A_1154 = tpu.memref_slice %arg7[%dma_wait3A_1148, %dma_wait3A_1153] : memref<5x40xi32, #tpu.memory_space<vmem>> -> memref<1x40xi32, #tpu.memory_space<vmem>>
      %dma_wait3A_1155 = tpu.memref_squeeze %dma_wait3A_1154 : memref<1x40xi32, #tpu.memory_space<vmem>> -> memref<40xi32, #tpu.memory_space<vmem>>
      %dma_wait3A_1156 = arith.constant 0 : i32
      %dma_wait3A_1157 = arith.constant 0 : i32
      %dma_wait3A_1158 = tpu.memref_slice %arg9[%dma_wait3A_1156, %dma_wait3A_1157] : memref<10000x128xf32, #tpu.memory_space<vmem_shared>> -> memref<10000x128xf32, #tpu.memory_space<vmem_shared>>
      tpu.wait_indirect_dma semaphore(%arg25 : memref<!tpu.dma_semaphore, #tpu.memory_space<semaphore_mem>>) src(%dma_wait3A_1152 : memref<40x128xf32, #tpu.memory_space<vmem>>) dst(%dma_wait3A_1158 : memref<10000x128xf32, #tpu.memory_space<vmem_shared>>)
      %dma_start3A_1159 = arith.constant 4 : i32
      %dma_start3A_1160 = arith.constant 4 : i32
      %dma_start3A_1161 = arith.constant 0 : i32
      %dma_start3A_1162 = arith.constant 0 : i32
      %dma_start3A_1163 = tpu.memref_slice %arg8[%dma_start3A_1159, %dma_start3A_1161, %dma_start3A_1162] : memref<5x40x128xf32, #tpu.memory_space<vmem>> -> memref<1x40x128xf32, #tpu.memory_space<vmem>>
      %dma_start3A_1164 = tpu.memref_squeeze %dma_start3A_1163 : memref<1x40x128xf32, #tpu.memory_space<vmem>> -> memref<40x128xf32, #tpu.memory_space<vmem>>
      %dma_start3A_1165 = arith.constant 0 : i32
      %dma_start3A_1166 = tpu.memref_slice %arg7[%dma_start3A_1160, %dma_start3A_1165] : memref<5x40xi32, #tpu.memory_space<vmem>> -> memref<1x40xi32, #tpu.memory_space<vmem>>
      %dma_start3A_1167 = tpu.memref_squeeze %dma_start3A_1166 : memref<1x40xi32, #tpu.memory_space<vmem>> -> memref<40xi32, #tpu.memory_space<vmem>>
      %dma_start3A_1168 = arith.constant 0 : i32
      %dma_start3A_1169 = arith.constant 0 : i32
      %dma_start3A_1170 = tpu.memref_slice %arg9[%dma_start3A_1168, %dma_start3A_1169] : memref<10000x128xf32, #tpu.memory_space<vmem_shared>> -> memref<10000x128xf32, #tpu.memory_space<vmem_shared>>
      tpu.enqueue_indirect_dma source(%dma_start3A_1164 : memref<40x128xf32, #tpu.memory_space<vmem>>) target(%dma_start3A_1170 : memref<10000x128xf32, #tpu.memory_space<vmem_shared>>) offsets(%dma_start3A_1167 : memref<40xi32, #tpu.memory_space<vmem>>) semaphore(%arg25 : memref<!tpu.dma_semaphore, #tpu.memory_space<semaphore_mem>>) {add = true}
      %lt3A_1171 = arith.constant 24 : i32
      %lt3A_1172 = arith.cmpi slt, %add3A_408, %lt3A_1171 : i32
      %convert_element_type3A_1173 = arith.extui %lt3A_1172 : i1 to i32
      %cond3A_1174 = arith.constant 0 : i32
      %cond3A_1175 = arith.cmpi ne, %convert_element_type3A_1173, %cond3A_1174 : i32
      scf.if %cond3A_1175 {
        %add3A_1181 = arith.constant 5 : i32
        %add3A_1182 = arith.addi %add3A_1123, %add3A_1181 : i32
        %sub3A_1183 = arith.constant 1 : i32
        %sub3A_1184 = arith.subi %add3A_1182, %sub3A_1183 : i32
        %mul3A_1185 = arith.constant 40 : i32
        %mul3A_1186 = arith.muli %sub3A_1184, %mul3A_1185 : i32
        %add3A_1187 = arith.addi %mul3A_2, %mul3A_1186 : i32
        %dma_start3A_1188 = arith.constant 3 : i32
        %dma_start3A_1189 = arith.constant 0 : i32
        %dma_start3A_1190 = tpu.memref_slice %arg7[%dma_start3A_1188, %dma_start3A_1189] : memref<5x40xi32, #tpu.memory_space<vmem>> -> memref<1x40xi32, #tpu.memory_space<vmem>>
        %dma_start3A_1191 = tpu.memref_squeeze %dma_start3A_1190 : memref<1x40xi32, #tpu.memory_space<vmem>> -> memref<40xi32, #tpu.memory_space<vmem>>
        %dma_start3A_1192 = tpu.memref_slice %arg4[%add3A_1187] : memref<320000xi32, #tpu.memory_space<hbm>> -> memref<40xi32, #tpu.memory_space<hbm>>
        %dma_start3A_1193 = arith.constant 0 : i32
        %dma_start3A_1194 = tpu.memref_slice %arg7[%dma_start3A_1188, %dma_start3A_1193] : memref<5x40xi32, #tpu.memory_space<vmem>> -> memref<1x40xi32, #tpu.memory_space<vmem>>
        %dma_start3A_1195 = tpu.memref_squeeze %dma_start3A_1194 : memref<1x40xi32, #tpu.memory_space<vmem>> -> memref<40xi32, #tpu.memory_space<vmem>>
        %dma_start3A_1196 = tpu.memref_slice %arg4[%add3A_1187] : memref<320000xi32, #tpu.memory_space<hbm>> -> memref<40xi32, #tpu.memory_space<hbm>>
        tpu.enqueue_dma source(%dma_start3A_1196 : memref<40xi32, #tpu.memory_space<hbm>>) target(%dma_start3A_1195 : memref<40xi32, #tpu.memory_space<vmem>>) target_semaphore(%arg13 : memref<!tpu.dma_semaphore, #tpu.memory_space<semaphore_mem>>)
        %dma_wait3A_1197 = arith.constant 3 : i32
        %dma_wait3A_1198 = arith.constant 0 : i32
        %dma_wait3A_1199 = tpu.memref_slice %arg6[%dma_wait3A_1197, %dma_wait3A_1198] : memref<10x40xi32, #tpu.memory_space<vmem>> -> memref<1x40xi32, #tpu.memory_space<vmem>>
        %dma_wait3A_1200 = tpu.memref_squeeze %dma_wait3A_1199 : memref<1x40xi32, #tpu.memory_space<vmem>> -> memref<40xi32, #tpu.memory_space<vmem>>
        %dma_wait3A_1201 = arith.constant 0 : i32
        %dma_wait3A_1202 = tpu.memref_slice %arg3[%dma_wait3A_1201] : memref<320000xi32, #tpu.memory_space<hbm>> -> memref<40xi32, #tpu.memory_space<hbm>>
        %dma_wait3A_1203 = arith.constant 0 : i32
        %dma_wait3A_1204 = tpu.memref_slice %arg6[%dma_wait3A_1197, %dma_wait3A_1203] : memref<10x40xi32, #tpu.memory_space<vmem>> -> memref<1x40xi32, #tpu.memory_space<vmem>>
        %dma_wait3A_1205 = tpu.memref_squeeze %dma_wait3A_1204 : memref<1x40xi32, #tpu.memory_space<vmem>> -> memref<40xi32, #tpu.memory_space<vmem>>
        %dma_wait3A_1206 = arith.constant 0 : i32
        %dma_wait3A_1207 = tpu.memref_slice %arg3[%dma_wait3A_1206] : memref<320000xi32, #tpu.memory_space<hbm>> -> memref<40xi32, #tpu.memory_space<hbm>>
        tpu.wait_dma2 semaphore(%arg18 : memref<!tpu.dma_semaphore, #tpu.memory_space<semaphore_mem>>) src(%dma_wait3A_1207 : memref<40xi32, #tpu.memory_space<hbm>>) dst(%dma_wait3A_1205 : memref<40xi32, #tpu.memory_space<vmem>>)
        %dma_start3A_1208 = arith.constant 3 : i32
        %dma_start3A_1209 = arith.constant 3 : i32
        %dma_start3A_1210 = arith.constant 0 : i32
        %dma_start3A_1211 = arith.constant 0 : i32
        %dma_start3A_1212 = tpu.memref_slice %arg8[%dma_start3A_1209, %dma_start3A_1210, %dma_start3A_1211] : memref<5x40x128xf32, #tpu.memory_space<vmem>> -> memref<1x40x128xf32, #tpu.memory_space<vmem>>
        %dma_start3A_1213 = tpu.memref_squeeze %dma_start3A_1212 : memref<1x40x128xf32, #tpu.memory_space<vmem>> -> memref<40x128xf32, #tpu.memory_space<vmem>>
        %dma_start3A_1214 = arith.constant 0 : i32
        %dma_start3A_1215 = tpu.memref_slice %arg6[%dma_start3A_1208, %dma_start3A_1214] : memref<10x40xi32, #tpu.memory_space<vmem>> -> memref<1x40xi32, #tpu.memory_space<vmem>>
        %dma_start3A_1216 = tpu.memref_squeeze %dma_start3A_1215 : memref<1x40xi32, #tpu.memory_space<vmem>> -> memref<40xi32, #tpu.memory_space<vmem>>
        %dma_start3A_1217 = arith.constant 0 : i32
        %dma_start3A_1218 = arith.constant 0 : i32
        %dma_start3A_1219 = tpu.memref_slice %arg2[%dma_start3A_1217, %dma_start3A_1218] : memref<10000x128xf32, #tpu.memory_space<hbm>> -> memref<10000x128xf32, #tpu.memory_space<hbm>>
        tpu.enqueue_indirect_dma source(%dma_start3A_1219 : memref<10000x128xf32, #tpu.memory_space<hbm>>) target(%dma_start3A_1213 : memref<40x128xf32, #tpu.memory_space<vmem>>) offsets(%dma_start3A_1216 : memref<40xi32, #tpu.memory_space<vmem>>) semaphore(%arg13 : memref<!tpu.dma_semaphore, #tpu.memory_space<semaphore_mem>>)
      } else {
      }
      %lt3A_1176 = arith.constant 24 : i32
      %lt3A_1177 = arith.cmpi slt, %add3A_408, %lt3A_1176 : i32
      %convert_element_type3A_1178 = arith.extui %lt3A_1177 : i1 to i32
      %cond3A_1179 = arith.constant 0 : i32
      %cond3A_1180 = arith.cmpi ne, %convert_element_type3A_1178, %cond3A_1179 : i32
      scf.if %cond3A_1180 {
        %add3A_1181 = arith.constant 10 : i32
        %add3A_1182 = arith.addi %add3A_1123, %add3A_1181 : i32
        %sub3A_1183 = arith.constant 1 : i32
        %sub3A_1184 = arith.subi %add3A_1182, %sub3A_1183 : i32
        %mul3A_1185 = arith.constant 40 : i32
        %mul3A_1186 = arith.muli %sub3A_1184, %mul3A_1185 : i32
        %add3A_1187 = arith.addi %mul3A_2, %mul3A_1186 : i32
        %dma_start3A_1188 = arith.constant 8 : i32
        %dma_start3A_1189 = arith.constant 0 : i32
        %dma_start3A_1190 = tpu.memref_slice %arg6[%dma_start3A_1188, %dma_start3A_1189] : memref<10x40xi32, #tpu.memory_space<vmem>> -> memref<1x40xi32, #tpu.memory_space<vmem>>
        %dma_start3A_1191 = tpu.memref_squeeze %dma_start3A_1190 : memref<1x40xi32, #tpu.memory_space<vmem>> -> memref<40xi32, #tpu.memory_space<vmem>>
        %dma_start3A_1192 = tpu.memref_slice %arg3[%add3A_1187] : memref<320000xi32, #tpu.memory_space<hbm>> -> memref<40xi32, #tpu.memory_space<hbm>>
        %dma_start3A_1193 = arith.constant 0 : i32
        %dma_start3A_1194 = tpu.memref_slice %arg6[%dma_start3A_1188, %dma_start3A_1193] : memref<10x40xi32, #tpu.memory_space<vmem>> -> memref<1x40xi32, #tpu.memory_space<vmem>>
        %dma_start3A_1195 = tpu.memref_squeeze %dma_start3A_1194 : memref<1x40xi32, #tpu.memory_space<vmem>> -> memref<40xi32, #tpu.memory_space<vmem>>
        %dma_start3A_1196 = tpu.memref_slice %arg3[%add3A_1187] : memref<320000xi32, #tpu.memory_space<hbm>> -> memref<40xi32, #tpu.memory_space<hbm>>
        tpu.enqueue_dma source(%dma_start3A_1196 : memref<40xi32, #tpu.memory_space<hbm>>) target(%dma_start3A_1195 : memref<40xi32, #tpu.memory_space<vmem>>) target_semaphore(%arg23 : memref<!tpu.dma_semaphore, #tpu.memory_space<semaphore_mem>>)
      } else {
      }
    }
    %scan3A_380 = arith.constant 25 : i32
    %dma_wait3A_381 = arith.constant 4 : i32
    %dma_wait3A_382 = arith.constant 4 : i32
    %dma_wait3A_383 = arith.constant 0 : i32
    %dma_wait3A_384 = arith.constant 0 : i32
    %dma_wait3A_385 = tpu.memref_slice %arg8[%dma_wait3A_381, %dma_wait3A_383, %dma_wait3A_384] : memref<5x40x128xf32, #tpu.memory_space<vmem>> -> memref<1x40x128xf32, #tpu.memory_space<vmem>>
    %dma_wait3A_386 = tpu.memref_squeeze %dma_wait3A_385 : memref<1x40x128xf32, #tpu.memory_space<vmem>> -> memref<40x128xf32, #tpu.memory_space<vmem>>
    %dma_wait3A_387 = arith.constant 0 : i32
    %dma_wait3A_388 = tpu.memref_slice %arg7[%dma_wait3A_382, %dma_wait3A_387] : memref<5x40xi32, #tpu.memory_space<vmem>> -> memref<1x40xi32, #tpu.memory_space<vmem>>
    %dma_wait3A_389 = tpu.memref_squeeze %dma_wait3A_388 : memref<1x40xi32, #tpu.memory_space<vmem>> -> memref<40xi32, #tpu.memory_space<vmem>>
    %dma_wait3A_390 = arith.constant 0 : i32
    %dma_wait3A_391 = arith.constant 0 : i32
    %dma_wait3A_392 = tpu.memref_slice %arg9[%dma_wait3A_390, %dma_wait3A_391] : memref<10000x128xf32, #tpu.memory_space<vmem_shared>> -> memref<10000x128xf32, #tpu.memory_space<vmem_shared>>
    tpu.wait_indirect_dma semaphore(%arg25 : memref<!tpu.dma_semaphore, #tpu.memory_space<semaphore_mem>>) src(%dma_wait3A_386 : memref<40x128xf32, #tpu.memory_space<vmem>>) dst(%dma_wait3A_392 : memref<10000x128xf32, #tpu.memory_space<vmem_shared>>)
    %barrier3A_393 = arith.constant 0 : index
    tpu.barrier barrier_id(%barrier3A_393)
    %lt3A_394 = arith.constant 15 : i32
    %lt3A_395 = arith.cmpi slt, %arg1, %lt3A_394 : i32
    %convert_element_type3A_396 = arith.extui %lt3A_395 : i1 to i32
    %cond3A_397 = arith.constant 0 : i32
    %cond3A_398 = arith.cmpi ne, %convert_element_type3A_396, %cond3A_397 : i32
    scf.if %cond3A_398 {
      "tpu.region"() ({
        %run_scoped3A = tpu.sem_alloc : memref<!tpu.dma_semaphore, #tpu.memory_space<semaphore_mem>>
        %dma_start3A_404 = arith.constant 0 : i32
        %dma_start3A_405 = tpu.memref_slice %arg5[%arg0, %multiple_of3A, %dma_start3A_404] : memref<2x10000x128xf32, #tpu.memory_space<hbm>> -> memref<1x632x128xf32, #tpu.memory_space<hbm>>
        %dma_start3A_406 = tpu.memref_squeeze %dma_start3A_405 : memref<1x632x128xf32, #tpu.memory_space<hbm>> -> memref<632x128xf32, #tpu.memory_space<hbm>>
        %dma_start3A_407 = arith.constant 0 : i32
        %dma_start3A_408 = tpu.memref_slice %arg9[%multiple_of3A, %dma_start3A_407] : memref<10000x128xf32, #tpu.memory_space<vmem_shared>> -> memref<632x128xf32, #tpu.memory_space<vmem_shared>>
        tpu.enqueue_dma source(%dma_start3A_408 : memref<632x128xf32, #tpu.memory_space<vmem_shared>>) target(%dma_start3A_406 : memref<632x128xf32, #tpu.memory_space<hbm>>) target_semaphore(%run_scoped3A : memref<!tpu.dma_semaphore, #tpu.memory_space<semaphore_mem>>)
        %dma_wait3A_409 = arith.constant 0 : i32
        %dma_wait3A_410 = tpu.memref_slice %arg5[%arg0, %multiple_of3A, %dma_wait3A_409] : memref<2x10000x128xf32, #tpu.memory_space<hbm>> -> memref<1x632x128xf32, #tpu.memory_space<hbm>>
        %dma_wait3A_411 = tpu.memref_squeeze %dma_wait3A_410 : memref<1x632x128xf32, #tpu.memory_space<hbm>> -> memref<632x128xf32, #tpu.memory_space<hbm>>
        %dma_wait3A_412 = arith.constant 0 : i32
        %dma_wait3A_413 = tpu.memref_slice %arg9[%multiple_of3A, %dma_wait3A_412] : memref<10000x128xf32, #tpu.memory_space<vmem_shared>> -> memref<632x128xf32, #tpu.memory_space<vmem_shared>>
        tpu.wait_dma2 semaphore(%run_scoped3A : memref<!tpu.dma_semaphore, #tpu.memory_space<semaphore_mem>>) src(%dma_wait3A_413 : memref<632x128xf32, #tpu.memory_space<vmem_shared>>) dst(%dma_wait3A_411 : memref<632x128xf32, #tpu.memory_space<hbm>>)
        tpu.yield
      }) : () -> ()
    } else {
    }
    %eq3A_399 = arith.constant 15 : i32
    %eq3A_400 = arith.cmpi eq, %arg1, %eq3A_399 : i32
    %convert_element_type3A_401 = arith.extui %eq3A_400 : i1 to i32
    %cond3A_402 = arith.constant 0 : i32
    %cond3A_403 = arith.cmpi ne, %convert_element_type3A_401, %cond3A_402 : i32
    scf.if %cond3A_403 {
      "tpu.region"() ({
        %run_scoped3A = tpu.sem_alloc : memref<!tpu.dma_semaphore, #tpu.memory_space<semaphore_mem>>
        %dma_start3A_404 = arith.constant 0 : i32
        %dma_start3A_405 = tpu.memref_slice %arg5[%arg0, %multiple_of3A, %dma_start3A_404] : memref<2x10000x128xf32, #tpu.memory_space<hbm>> -> memref<1x520x128xf32, #tpu.memory_space<hbm>>
        %dma_start3A_406 = tpu.memref_squeeze %dma_start3A_405 : memref<1x520x128xf32, #tpu.memory_space<hbm>> -> memref<520x128xf32, #tpu.memory_space<hbm>>
        %dma_start3A_407 = arith.constant 0 : i32
        %dma_start3A_408 = tpu.memref_slice %arg9[%multiple_of3A, %dma_start3A_407] : memref<10000x128xf32, #tpu.memory_space<vmem_shared>> -> memref<520x128xf32, #tpu.memory_space<vmem_shared>>
        tpu.enqueue_dma source(%dma_start3A_408 : memref<520x128xf32, #tpu.memory_space<vmem_shared>>) target(%dma_start3A_406 : memref<520x128xf32, #tpu.memory_space<hbm>>) target_semaphore(%run_scoped3A : memref<!tpu.dma_semaphore, #tpu.memory_space<semaphore_mem>>)
        %dma_wait3A_409 = arith.constant 0 : i32
        %dma_wait3A_410 = tpu.memref_slice %arg5[%arg0, %multiple_of3A, %dma_wait3A_409] : memref<2x10000x128xf32, #tpu.memory_space<hbm>> -> memref<1x520x128xf32, #tpu.memory_space<hbm>>
        %dma_wait3A_411 = tpu.memref_squeeze %dma_wait3A_410 : memref<1x520x128xf32, #tpu.memory_space<hbm>> -> memref<520x128xf32, #tpu.memory_space<hbm>>
        %dma_wait3A_412 = arith.constant 0 : i32
        %dma_wait3A_413 = tpu.memref_slice %arg9[%multiple_of3A, %dma_wait3A_412] : memref<10000x128xf32, #tpu.memory_space<vmem_shared>> -> memref<520x128xf32, #tpu.memory_space<vmem_shared>>
        tpu.wait_dma2 semaphore(%run_scoped3A : memref<!tpu.dma_semaphore, #tpu.memory_space<semaphore_mem>>) src(%dma_wait3A_413 : memref<520x128xf32, #tpu.memory_space<vmem_shared>>) dst(%dma_wait3A_411 : memref<520x128xf32, #tpu.memory_space<hbm>>)
        tpu.yield
      }) : () -> ()
    } else {
    }
    return
  }
}

#map = affine_map<(d0, d1) -> (0, 0)>
#map1 = affine_map<(d0, d1) -> (0)>
#map2 = affine_map<(d0, d1) -> (0, 0, 0)>
module attributes {stable_mosaic.version = 14 : i64} {
  func.func @_segsum_sc(%arg0: i32, %arg1: i32, %arg2: memref<10000x128xf32, #tpu.memory_space<hbm>>, %arg3: memref<320000xi32, #tpu.memory_space<hbm>>, %arg4: memref<320000xi32, #tpu.memory_space<hbm>>, %arg5: memref<2x10000x128xf32, #tpu.memory_space<hbm>>, %arg6: memref<10x40xi32, #tpu.memory_space<vmem>>, %arg7: memref<5x40xi32, #tpu.memory_space<vmem>>, %arg8: memref<5x40x128xf32, #tpu.memory_space<vmem>>, %arg9: memref<10000x128xf32, #tpu.memory_space<vmem_shared>>, %arg10: memref<!tpu.dma_semaphore, #tpu.memory_space<semaphore_mem>>, %arg11: memref<!tpu.dma_semaphore, #tpu.memory_space<semaphore_mem>>, %arg12: memref<!tpu.dma_semaphore, #tpu.memory_space<semaphore_mem>>, %arg13: memref<!tpu.dma_semaphore, #tpu.memory_space<semaphore_mem>>, %arg14: memref<!tpu.dma_semaphore, #tpu.memory_space<semaphore_mem>>, %arg15: memref<!tpu.dma_semaphore, #tpu.memory_space<semaphore_mem>>, %arg16: memref<!tpu.dma_semaphore, #tpu.memory_space<semaphore_mem>>, %arg17: memref<!tpu.dma_semaphore, #tpu.memory_space<semaphore_mem>>, %arg18: memref<!tpu.dma_semaphore, #tpu.memory_space<semaphore_mem>>, %arg19: memref<!tpu.dma_semaphore, #tpu.memory_space<semaphore_mem>>, %arg20: memref<!tpu.dma_semaphore, #tpu.memory_space<semaphore_mem>>, %arg21: memref<!tpu.dma_semaphore, #tpu.memory_space<semaphore_mem>>, %arg22: memref<!tpu.dma_semaphore, #tpu.memory_space<semaphore_mem>>, %arg23: memref<!tpu.dma_semaphore, #tpu.memory_space<semaphore_mem>>, %arg24: memref<!tpu.dma_semaphore, #tpu.memory_space<semaphore_mem>>, %arg25: memref<!tpu.dma_semaphore, #tpu.memory_space<semaphore_mem>>) attributes {dimension_semantics = [#tpu.dimension_semantics<core_parallel>, #tpu.dimension_semantics<subcore_parallel>], iteration_bounds = array<i64: 2, 16>, scalar_prefetch = 0 : i64, scratch_operands = 20 : i64, tpu.core_type = #tpu.core_type<sc_vector_subcore>, window_params = [{transform_indices = #map}, {transform_indices = #map1}, {transform_indices = #map1}, {transform_indices = #map2}]} {
    %mul3A = arith.constant 16 : i32
    %mul3A_0 = arith.muli %arg0, %mul3A : i32
    %add3A = arith.addi %mul3A_0, %arg1 : i32
    %mul3A_1 = arith.constant 10000 : i32
    %mul3A_2 = arith.muli %add3A, %mul3A_1 : i32
    %mul3A_3 = arith.constant 632 : i32
    %mul3A_4 = arith.muli %arg1, %mul3A_3 : i32
    %multiple_of3A = tpu.assume_multiple %mul3A_4, 8 : i32
    %eq3A = arith.constant 15 : i32
    %eq3A_5 = arith.cmpi eq, %arg1, %eq3A : i32
    %jit3A = arith.constant 520 : i32
    %jit3A_6 = arith.constant 632 : i32
    %select_n3A = arith.select %eq3A_5, %jit3A, %jit3A_6 : i32
    %broadcast_in_dim3A = arith.constant 0.000000e+00 : f32
    %broadcast_in_dim3A_7 = vector.broadcast %broadcast_in_dim3A : f32 to vector<16xf32>
    %scan3A = arith.constant 0 : i32
    %scan3A_8 = arith.constant 320 : i32
    %scan3A_9 = arith.addi %scan3A, %scan3A_8 : i32
    %scan3A_10 = arith.constant 1 : i32
    scf.for %scan3A_404 = %scan3A to %scan3A_9 step %scan3A_10  : i32 {
      %mul3A_405 = arith.constant 1 : i32
      %mul3A_406 = arith.muli %scan3A_404, %mul3A_405 : i32
      %add3A_407 = arith.constant 0 : i32
      %add3A_408 = arith.addi %add3A_407, %mul3A_406 : i32
      %jit3A_409 = arith.constant 8 : i32
      %div3A_410 = arith.divsi %add3A_408, %jit3A_409 : i32
      %sign3A_411 = arith.constant 0 : i32
      %sign3A_412 = arith.cmpi sgt, %add3A_408, %sign3A_411 : i32
      %sign3A_413 = arith.extui %sign3A_412 : i1 to i32
      %sign3A_414 = arith.constant 0 : i32
      %sign3A_415 = arith.cmpi slt, %add3A_408, %sign3A_414 : i32
      %sign3A_416 = arith.extui %sign3A_415 : i1 to i32
      %sign3A_417 = arith.subi %sign3A_413, %sign3A_416 : i32
      %sign3A_418 = arith.constant 0 : i32
      %sign3A_419 = arith.cmpi sgt, %jit3A_409, %sign3A_418 : i32
      %sign3A_420 = arith.extui %sign3A_419 : i1 to i32
      %sign3A_421 = arith.constant 0 : i32
      %sign3A_422 = arith.cmpi slt, %jit3A_409, %sign3A_421 : i32
      %sign3A_423 = arith.extui %sign3A_422 : i1 to i32
      %sign3A_424 = arith.subi %sign3A_420, %sign3A_423 : i32
      %ne3A_425 = arith.cmpi ne, %sign3A_417, %sign3A_424 : i32
      %rem3A_426 = arith.remsi %add3A_408, %jit3A_409 : i32
      %ne3A_427 = arith.constant 0 : i32
      %ne3A_428 = arith.cmpi ne, %rem3A_426, %ne3A_427 : i32
      %and3A_429 = arith.andi %ne3A_425, %ne3A_428 : i1
      %sub3A_430 = arith.constant 1 : i32
      %sub3A_431 = arith.subi %div3A_410, %sub3A_430 : i32
      %select_n3A_432 = arith.select %and3A_429, %sub3A_431, %div3A_410 : i32
      %jit3A_433 = arith.constant 8 : i32
      %eq3A_434 = arith.constant 0 : i32
      %eq3A_435 = arith.cmpi eq, %jit3A_433, %eq3A_434 : i32
      %jit3A_436 = arith.constant 1 : i32
      %select_n3A_437 = arith.select %eq3A_435, %jit3A_436, %jit3A_433 : i32
      %rem3A_438 = arith.remsi %add3A_408, %select_n3A_437 : i32
      %ne3A_439 = arith.constant 0 : i32
      %ne3A_440 = arith.cmpi ne, %rem3A_438, %ne3A_439 : i32
      %lt3A_441 = arith.constant 0 : i32
      %lt3A_442 = arith.cmpi slt, %rem3A_438, %lt3A_441 : i32
      %lt3A_443 = arith.constant 0 : i32
      %lt3A_444 = arith.cmpi slt, %select_n3A_437, %lt3A_443 : i32
      %ne3A_445 = arith.xori %lt3A_442, %lt3A_444 : i1
      %and3A_446 = arith.andi %ne3A_445, %ne3A_440 : i1
      %add3A_447 = arith.addi %rem3A_438, %select_n3A_437 : i32
      %select_n3A_448 = arith.select %and3A_446, %add3A_447, %rem3A_438 : i32
      %mul3A_449 = arith.constant 16 : i32
      %mul3A_450 = arith.muli %select_n3A_448, %mul3A_449 : i32
      %swap3A = arith.constant 0 : i32
      %swap3A_451 = arith.index_cast %swap3A : i32 to index
      %swap3A_452 = arith.index_cast %select_n3A_432 : i32 to index
      %swap3A_453 = arith.index_cast %mul3A_450 : i32 to index
      %swap3A_454 = tpu.vector_load %arg8[%swap3A_451, %swap3A_452, %swap3A_453] {strides = array<i32>} : memref<5x40x128xf32, #tpu.memory_space<vmem>>, vector<1x1x16xf32>,
      %swap3A_455 = vector.shape_cast %swap3A_454 : vector<1x1x16xf32> to vector<16xf32>
      %swap3A_456 = vector.shape_cast %broadcast_in_dim3A_7 : vector<16xf32> to vector<1x1x16xf32>
      tpu.vector_store %arg8[%swap3A_451, %swap3A_452, %swap3A_453], %swap3A_456 {strides = array<i32>} : memref<5x40x128xf32, #tpu.memory_space<vmem>>, vector<1x1x16xf32>,
    }
    %scan3A_11 = arith.constant 320 : i32
    %jit3A_12 = arith.constant 40 : i32
    %div3A = arith.divsi %select_n3A, %jit3A_12 : i32
    %sign3A = arith.constant 0 : i32
    %sign3A_13 = arith.cmpi sgt, %select_n3A, %sign3A : i32
    %sign3A_14 = arith.extui %sign3A_13 : i1 to i32
    %sign3A_15 = arith.constant 0 : i32
    %sign3A_16 = arith.cmpi slt, %select_n3A, %sign3A_15 : i32
    %sign3A_17 = arith.extui %sign3A_16 : i1 to i32
    %sign3A_18 = arith.subi %sign3A_14, %sign3A_17 : i32
    %sign3A_19 = arith.constant 0 : i32
    %sign3A_20 = arith.cmpi sgt, %jit3A_12, %sign3A_19 : i32
    %sign3A_21 = arith.extui %sign3A_20 : i1 to i32
    %sign3A_22 = arith.constant 0 : i32
    %sign3A_23 = arith.cmpi slt, %jit3A_12, %sign3A_22 : i32
    %sign3A_24 = arith.extui %sign3A_23 : i1 to i32
    %sign3A_25 = arith.subi %sign3A_21, %sign3A_24 : i32
    %ne3A = arith.cmpi ne, %sign3A_18, %sign3A_25 : i32
    %rem3A = arith.remsi %select_n3A, %jit3A_12 : i32
    %ne3A_26 = arith.constant 0 : i32
    %ne3A_27 = arith.cmpi ne, %rem3A, %ne3A_26 : i32
    %and3A = arith.andi %ne3A, %ne3A_27 : i1
    %sub3A = arith.constant 1 : i32
    %sub3A_28 = arith.subi %div3A, %sub3A : i32
    %select_n3A_29 = arith.select %and3A, %sub3A_28, %div3A : i32
    %sub3A_30 = arith.constant 0 : i32
    %sub3A_31 = arith.subi %select_n3A_29, %sub3A_30 : i32
    %sub3A_32 = arith.constant 1 : i32
    %sub3A_33 = arith.constant 1 : i32
    %sub3A_34 = arith.subi %sub3A_32, %sub3A_33 : i32
    %add3A_35 = arith.addi %sub3A_31, %sub3A_34 : i32
    %div3A_36 = arith.constant 1 : i32
    %div3A_37 = arith.divsi %add3A_35, %div3A_36 : i32
    %while3A = arith.constant 1 : i32
    %while3A_38 = arith.constant 0 : i32
    %while3A_39 = arith.constant 0 : i32
    %while3A_40 = arith.subi %div3A_37, %while3A_39 : i32
    %while3A_41 = arith.addi %while3A_39, %while3A_40 : i32
    %while3A_42 = arith.constant 1 : i32
    %while3A_43 = arith.divsi %while3A_40, %while3A_42 : i32
    %while3A_44 = arith.muli %while3A_43, %while3A_42 : i32
    %while3A_45 = arith.addi %while3A_39, %while3A_44 : i32
    %while3A_46 = arith.constant 1 : i32
    scf.for %while3A_404 = %while3A_39 to %while3A_45 step %while3A_46  : i32 {
      %mul3A_405 = arith.muli %while3A_404, %while3A : i32
      %add3A_406 = arith.addi %while3A_38, %mul3A_405 : i32
      %mul3A_407 = arith.constant 40 : i32
      %mul3A_408 = arith.muli %add3A_406, %mul3A_407 : i32
      %add3A_409 = arith.addi %multiple_of3A, %mul3A_408 : i32
      %multiple_of3A_410 = tpu.assume_multiple %add3A_409, 8 : i32
      %dma_start3A_411 = arith.constant 0 : i32
      %dma_start3A_412 = arith.constant 0 : i32
      %dma_start3A_413 = arith.constant 0 : i32
      %dma_start3A_414 = tpu.memref_slice %arg8[%dma_start3A_411, %dma_start3A_412, %dma_start3A_413] : memref<5x40x128xf32, #tpu.memory_space<vmem>> -> memref<1x40x128xf32, #tpu.memory_space<vmem>>
      %dma_start3A_415 = tpu.memref_squeeze %dma_start3A_414 : memref<1x40x128xf32, #tpu.memory_space<vmem>> -> memref<40x128xf32, #tpu.memory_space<vmem>>
      %dma_start3A_416 = arith.constant 0 : i32
      %dma_start3A_417 = tpu.memref_slice %arg9[%multiple_of3A_410, %dma_start3A_416] : memref<10000x128xf32, #tpu.memory_space<vmem_shared>> -> memref<40x128xf32, #tpu.memory_space<vmem_shared>>
      %dma_start3A_418 = arith.constant 0 : i32
      %dma_start3A_419 = tpu.memref_slice %arg9[%multiple_of3A_410, %dma_start3A_418] : memref<10000x128xf32, #tpu.memory_space<vmem_shared>> -> memref<40x128xf32, #tpu.memory_space<vmem_shared>>
      %dma_start3A_420 = arith.constant 0 : i32
      %dma_start3A_421 = arith.constant 0 : i32
      %dma_start3A_422 = tpu.memref_slice %arg8[%dma_start3A_411, %dma_start3A_420, %dma_start3A_421] : memref<5x40x128xf32, #tpu.memory_space<vmem>> -> memref<1x40x128xf32, #tpu.memory_space<vmem>>
      %dma_start3A_423 = tpu.memref_squeeze %dma_start3A_422 : memref<1x40x128xf32, #tpu.memory_space<vmem>> -> memref<40x128xf32, #tpu.memory_space<vmem>>
      tpu.enqueue_dma source(%dma_start3A_423 : memref<40x128xf32, #tpu.memory_space<vmem>>) target(%dma_start3A_419 : memref<40x128xf32, #tpu.memory_space<vmem_shared>>) target_semaphore(%arg25 : memref<!tpu.dma_semaphore, #tpu.memory_space<semaphore_mem>>)
    }
    %while3A_47 = arith.constant 1 : i32
    scf.for %while3A_404 = %while3A_45 to %while3A_41 step %while3A_47  : i32 {
      %mul3A_405 = arith.muli %while3A_404, %while3A : i32
      %add3A_406 = arith.addi %while3A_38, %mul3A_405 : i32
      %mul3A_407 = arith.constant 40 : i32
      %mul3A_408 = arith.muli %add3A_406, %mul3A_407 : i32
      %add3A_409 = arith.addi %multiple_of3A, %mul3A_408 : i32
      %multiple_of3A_410 = tpu.assume_multiple %add3A_409, 8 : i32
      %dma_start3A_411 = arith.constant 0 : i32
      %dma_start3A_412 = arith.constant 0 : i32
      %dma_start3A_413 = arith.constant 0 : i32
      %dma_start3A_414 = tpu.memref_slice %arg8[%dma_start3A_411, %dma_start3A_412, %dma_start3A_413] : memref<5x40x128xf32, #tpu.memory_space<vmem>> -> memref<1x40x128xf32, #tpu.memory_space<vmem>>
      %dma_start3A_415 = tpu.memref_squeeze %dma_start3A_414 : memref<1x40x128xf32, #tpu.memory_space<vmem>> -> memref<40x128xf32, #tpu.memory_space<vmem>>
      %dma_start3A_416 = arith.constant 0 : i32
      %dma_start3A_417 = tpu.memref_slice %arg9[%multiple_of3A_410, %dma_start3A_416] : memref<10000x128xf32, #tpu.memory_space<vmem_shared>> -> memref<40x128xf32, #tpu.memory_space<vmem_shared>>
      %dma_start3A_418 = arith.constant 0 : i32
      %dma_start3A_419 = tpu.memref_slice %arg9[%multiple_of3A_410, %dma_start3A_418] : memref<10000x128xf32, #tpu.memory_space<vmem_shared>> -> memref<40x128xf32, #tpu.memory_space<vmem_shared>>
      %dma_start3A_420 = arith.constant 0 : i32
      %dma_start3A_421 = arith.constant 0 : i32
      %dma_start3A_422 = tpu.memref_slice %arg8[%dma_start3A_411, %dma_start3A_420, %dma_start3A_421] : memref<5x40x128xf32, #tpu.memory_space<vmem>> -> memref<1x40x128xf32, #tpu.memory_space<vmem>>
      %dma_start3A_423 = tpu.memref_squeeze %dma_start3A_422 : memref<1x40x128xf32, #tpu.memory_space<vmem>> -> memref<40x128xf32, #tpu.memory_space<vmem>>
      tpu.enqueue_dma source(%dma_start3A_423 : memref<40x128xf32, #tpu.memory_space<vmem>>) target(%dma_start3A_419 : memref<40x128xf32, #tpu.memory_space<vmem_shared>>) target_semaphore(%arg25 : memref<!tpu.dma_semaphore, #tpu.memory_space<semaphore_mem>>)
    }
    %lt3A = arith.constant 15 : i32
    %lt3A_48 = arith.cmpi slt, %arg1, %lt3A : i32
    %convert_element_type3A = arith.extui %lt3A_48 : i1 to i32
    %cond3A = arith.constant 0 : i32
    %cond3A_49 = arith.cmpi ne, %convert_element_type3A, %cond3A : i32
    scf.if %cond3A_49 {
      %add3A_404 = arith.constant 600 : i32
      %add3A_405 = arith.addi %multiple_of3A, %add3A_404 : i32
      %multiple_of3A_406 = tpu.assume_multiple %add3A_405, 8 : i32
      %dma_start3A_407 = arith.constant 0 : i32
      %dma_start3A_408 = arith.constant 0 : i32
      %dma_start3A_409 = arith.constant 0 : i32
      %dma_start3A_410 = tpu.memref_slice %arg8[%dma_start3A_407, %dma_start3A_408, %dma_start3A_409] : memref<5x40x128xf32, #tpu.memory_space<vmem>> -> memref<1x32x128xf32, #tpu.memory_space<vmem>>
      %dma_start3A_411 = tpu.memref_squeeze %dma_start3A_410 : memref<1x32x128xf32, #tpu.memory_space<vmem>> -> memref<32x128xf32, #tpu.memory_space<vmem>>
      %dma_start3A_412 = arith.constant 0 : i32
      %dma_start3A_413 = tpu.memref_slice %arg9[%multiple_of3A_406, %dma_start3A_412] : memref<10000x128xf32, #tpu.memory_space<vmem_shared>> -> memref<32x128xf32, #tpu.memory_space<vmem_shared>>
      %dma_start3A_414 = arith.constant 0 : i32
      %dma_start3A_415 = tpu.memref_slice %arg9[%multiple_of3A_406, %dma_start3A_414] : memref<10000x128xf32, #tpu.memory_space<vmem_shared>> -> memref<32x128xf32, #tpu.memory_space<vmem_shared>>
      %dma_start3A_416 = arith.constant 0 : i32
      %dma_start3A_417 = arith.constant 0 : i32
      %dma_start3A_418 = tpu.memref_slice %arg8[%dma_start3A_407, %dma_start3A_416, %dma_start3A_417] : memref<5x40x128xf32, #tpu.memory_space<vmem>> -> memref<1x32x128xf32, #tpu.memory_space<vmem>>
      %dma_start3A_419 = tpu.memref_squeeze %dma_start3A_418 : memref<1x32x128xf32, #tpu.memory_space<vmem>> -> memref<32x128xf32, #tpu.memory_space<vmem>>
      tpu.enqueue_dma source(%dma_start3A_419 : memref<32x128xf32, #tpu.memory_space<vmem>>) target(%dma_start3A_415 : memref<32x128xf32, #tpu.memory_space<vmem_shared>>) target_semaphore(%arg25 : memref<!tpu.dma_semaphore, #tpu.memory_space<semaphore_mem>>)
    } else {
    }
    %jit3A_50 = arith.constant 40 : i32
    %div3A_51 = arith.divsi %select_n3A, %jit3A_50 : i32
    %sign3A_52 = arith.constant 0 : i32
    %sign3A_53 = arith.cmpi sgt, %select_n3A, %sign3A_52 : i32
    %sign3A_54 = arith.extui %sign3A_53 : i1 to i32
    %sign3A_55 = arith.constant 0 : i32
    %sign3A_56 = arith.cmpi slt, %select_n3A, %sign3A_55 : i32
    %sign3A_57 = arith.extui %sign3A_56 : i1 to i32
    %sign3A_58 = arith.subi %sign3A_54, %sign3A_57 : i32
    %sign3A_59 = arith.constant 0 : i32
    %sign3A_60 = arith.cmpi sgt, %jit3A_50, %sign3A_59 : i32
    %sign3A_61 = arith.extui %sign3A_60 : i1 to i32
    %sign3A_62 = arith.constant 0 : i32
    %sign3A_63 = arith.cmpi slt, %jit3A_50, %sign3A_62 : i32
    %sign3A_64 = arith.extui %sign3A_63 : i1 to i32
    %sign3A_65 = arith.subi %sign3A_61, %sign3A_64 : i32
    %ne3A_66 = arith.cmpi ne, %sign3A_58, %sign3A_65 : i32
    %rem3A_67 = arith.remsi %select_n3A, %jit3A_50 : i32
    %ne3A_68 = arith.constant 0 : i32
    %ne3A_69 = arith.cmpi ne, %rem3A_67, %ne3A_68 : i32
    %and3A_70 = arith.andi %ne3A_66, %ne3A_69 : i1
    %sub3A_71 = arith.constant 1 : i32
    %sub3A_72 = arith.subi %div3A_51, %sub3A_71 : i32
    %select_n3A_73 = arith.select %and3A_70, %sub3A_72, %div3A_51 : i32
    %sub3A_74 = arith.constant 0 : i32
    %sub3A_75 = arith.subi %select_n3A_73, %sub3A_74 : i32
    %sub3A_76 = arith.constant 1 : i32
    %sub3A_77 = arith.constant 1 : i32
    %sub3A_78 = arith.subi %sub3A_76, %sub3A_77 : i32
    %add3A_79 = arith.addi %sub3A_75, %sub3A_78 : i32
    %div3A_80 = arith.constant 1 : i32
    %div3A_81 = arith.divsi %add3A_79, %div3A_80 : i32
    %while3A_82 = arith.constant 1 : i32
    %while3A_83 = arith.constant 0 : i32
    %while3A_84 = arith.constant 0 : i32
    %while3A_85 = arith.subi %div3A_81, %while3A_84 : i32
    %while3A_86 = arith.addi %while3A_84, %while3A_85 : i32
    %while3A_87 = arith.constant 1 : i32
    %while3A_88 = arith.divsi %while3A_85, %while3A_87 : i32
    %while3A_89 = arith.muli %while3A_88, %while3A_87 : i32
    %while3A_90 = arith.addi %while3A_84, %while3A_89 : i32
    %while3A_91 = arith.constant 1 : i32
    scf.for %while3A_404 = %while3A_84 to %while3A_90 step %while3A_91  : i32 {
      %mul3A_405 = arith.muli %while3A_404, %while3A_82 : i32
      %add3A_406 = arith.addi %while3A_83, %mul3A_405 : i32
      %dma_wait3A_407 = arith.constant 0 : i32
      %dma_wait3A_408 = arith.constant 0 : i32
      %dma_wait3A_409 = arith.constant 0 : i32
      %dma_wait3A_410 = tpu.memref_slice %arg8[%dma_wait3A_407, %dma_wait3A_408, %dma_wait3A_409] : memref<5x40x128xf32, #tpu.memory_space<vmem>> -> memref<1x40x128xf32, #tpu.memory_space<vmem>>
      %dma_wait3A_411 = tpu.memref_squeeze %dma_wait3A_410 : memref<1x40x128xf32, #tpu.memory_space<vmem>> -> memref<40x128xf32, #tpu.memory_space<vmem>>
      %dma_wait3A_412 = arith.constant 0 : i32
      %dma_wait3A_413 = tpu.memref_slice %arg9[%multiple_of3A, %dma_wait3A_412] : memref<10000x128xf32, #tpu.memory_space<vmem_shared>> -> memref<40x128xf32, #tpu.memory_space<vmem_shared>>
      %dma_wait3A_414 = arith.constant 0 : i32
      %dma_wait3A_415 = tpu.memref_slice %arg9[%multiple_of3A, %dma_wait3A_414] : memref<10000x128xf32, #tpu.memory_space<vmem_shared>> -> memref<40x128xf32, #tpu.memory_space<vmem_shared>>
      %dma_wait3A_416 = arith.constant 0 : i32
      %dma_wait3A_417 = arith.constant 0 : i32
      %dma_wait3A_418 = tpu.memref_slice %arg8[%dma_wait3A_407, %dma_wait3A_416, %dma_wait3A_417] : memref<5x40x128xf32, #tpu.memory_space<vmem>> -> memref<1x40x128xf32, #tpu.memory_space<vmem>>
      %dma_wait3A_419 = tpu.memref_squeeze %dma_wait3A_418 : memref<1x40x128xf32, #tpu.memory_space<vmem>> -> memref<40x128xf32, #tpu.memory_space<vmem>>
      tpu.wait_dma2 semaphore(%arg25 : memref<!tpu.dma_semaphore, #tpu.memory_space<semaphore_mem>>) src(%dma_wait3A_419 : memref<40x128xf32, #tpu.memory_space<vmem>>) dst(%dma_wait3A_415 : memref<40x128xf32, #tpu.memory_space<vmem_shared>>)
    }
    %while3A_92 = arith.constant 1 : i32
    scf.for %while3A_404 = %while3A_90 to %while3A_86 step %while3A_92  : i32 {
      %mul3A_405 = arith.muli %while3A_404, %while3A_82 : i32
      %add3A_406 = arith.addi %while3A_83, %mul3A_405 : i32
      %dma_wait3A_407 = arith.constant 0 : i32
      %dma_wait3A_408 = arith.constant 0 : i32
      %dma_wait3A_409 = arith.constant 0 : i32
      %dma_wait3A_410 = tpu.memref_slice %arg8[%dma_wait3A_407, %dma_wait3A_408, %dma_wait3A_409] : memref<5x40x128xf32, #tpu.memory_space<vmem>> -> memref<1x40x128xf32, #tpu.memory_space<vmem>>
      %dma_wait3A_411 = tpu.memref_squeeze %dma_wait3A_410 : memref<1x40x128xf32, #tpu.memory_space<vmem>> -> memref<40x128xf32, #tpu.memory_space<vmem>>
      %dma_wait3A_412 = arith.constant 0 : i32
      %dma_wait3A_413 = tpu.memref_slice %arg9[%multiple_of3A, %dma_wait3A_412] : memref<10000x128xf32, #tpu.memory_space<vmem_shared>> -> memref<40x128xf32, #tpu.memory_space<vmem_shared>>
      %dma_wait3A_414 = arith.constant 0 : i32
      %dma_wait3A_415 = tpu.memref_slice %arg9[%multiple_of3A, %dma_wait3A_414] : memref<10000x128xf32, #tpu.memory_space<vmem_shared>> -> memref<40x128xf32, #tpu.memory_space<vmem_shared>>
      %dma_wait3A_416 = arith.constant 0 : i32
      %dma_wait3A_417 = arith.constant 0 : i32
      %dma_wait3A_418 = tpu.memref_slice %arg8[%dma_wait3A_407, %dma_wait3A_416, %dma_wait3A_417] : memref<5x40x128xf32, #tpu.memory_space<vmem>> -> memref<1x40x128xf32, #tpu.memory_space<vmem>>
      %dma_wait3A_419 = tpu.memref_squeeze %dma_wait3A_418 : memref<1x40x128xf32, #tpu.memory_space<vmem>> -> memref<40x128xf32, #tpu.memory_space<vmem>>
      tpu.wait_dma2 semaphore(%arg25 : memref<!tpu.dma_semaphore, #tpu.memory_space<semaphore_mem>>) src(%dma_wait3A_419 : memref<40x128xf32, #tpu.memory_space<vmem>>) dst(%dma_wait3A_415 : memref<40x128xf32, #tpu.memory_space<vmem_shared>>)
    }
    %lt3A_93 = arith.constant 15 : i32
    %lt3A_94 = arith.cmpi slt, %arg1, %lt3A_93 : i32
    %convert_element_type3A_95 = arith.extui %lt3A_94 : i1 to i32
    %cond3A_96 = arith.constant 0 : i32
    %cond3A_97 = arith.cmpi ne, %convert_element_type3A_95, %cond3A_96 : i32
    scf.if %cond3A_97 {
      %dma_wait3A_404 = arith.constant 0 : i32
      %dma_wait3A_405 = arith.constant 0 : i32
      %dma_wait3A_406 = arith.constant 0 : i32
      %dma_wait3A_407 = tpu.memref_slice %arg8[%dma_wait3A_404, %dma_wait3A_405, %dma_wait3A_406] : memref<5x40x128xf32, #tpu.memory_space<vmem>> -> memref<1x32x128xf32, #tpu.memory_space<vmem>>
      %dma_wait3A_408 = tpu.memref_squeeze %dma_wait3A_407 : memref<1x32x128xf32, #tpu.memory_space<vmem>> -> memref<32x128xf32, #tpu.memory_space<vmem>>
      %dma_wait3A_409 = arith.constant 0 : i32
      %dma_wait3A_410 = tpu.memref_slice %arg9[%multiple_of3A, %dma_wait3A_409] : memref<10000x128xf32, #tpu.memory_space<vmem_shared>> -> memref<32x128xf32, #tpu.memory_space<vmem_shared>>
      %dma_wait3A_411 = arith.constant 0 : i32
      %dma_wait3A_412 = tpu.memref_slice %arg9[%multiple_of3A, %dma_wait3A_411] : memref<10000x128xf32, #tpu.memory_space<vmem_shared>> -> memref<32x128xf32, #tpu.memory_space<vmem_shared>>
      %dma_wait3A_413 = arith.constant 0 : i32
      %dma_wait3A_414 = arith.constant 0 : i32
      %dma_wait3A_415 = tpu.memref_slice %arg8[%dma_wait3A_404, %dma_wait3A_413, %dma_wait3A_414] : memref<5x40x128xf32, #tpu.memory_space<vmem>> -> memref<1x32x128xf32, #tpu.memory_space<vmem>>
      %dma_wait3A_416 = tpu.memref_squeeze %dma_wait3A_415 : memref<1x32x128xf32, #tpu.memory_space<vmem>> -> memref<32x128xf32, #tpu.memory_space<vmem>>
      tpu.wait_dma2 semaphore(%arg25 : memref<!tpu.dma_semaphore, #tpu.memory_space<semaphore_mem>>) src(%dma_wait3A_416 : memref<32x128xf32, #tpu.memory_space<vmem>>) dst(%dma_wait3A_412 : memref<32x128xf32, #tpu.memory_space<vmem_shared>>)
    } else {
    }
    %barrier3A = arith.constant 0 : index
    tpu.barrier barrier_id(%barrier3A)
    %add3A_98 = arith.constant 0 : i32
    %add3A_99 = arith.addi %mul3A_2, %add3A_98 : i32
    %dma_start3A = arith.constant 0 : i32
    %dma_start3A_100 = arith.constant 0 : i32
    %dma_start3A_101 = tpu.memref_slice %arg6[%dma_start3A, %dma_start3A_100] : memref<10x40xi32, #tpu.memory_space<vmem>> -> memref<1x40xi32, #tpu.memory_space<vmem>>
    %dma_start3A_102 = tpu.memref_squeeze %dma_start3A_101 : memref<1x40xi32, #tpu.memory_space<vmem>> -> memref<40xi32, #tpu.memory_space<vmem>>
    %dma_start3A_103 = tpu.memref_slice %arg3[%add3A_99] : memref<320000xi32, #tpu.memory_space<hbm>> -> memref<40xi32, #tpu.memory_space<hbm>>
    %dma_start3A_104 = arith.constant 0 : i32
    %dma_start3A_105 = tpu.memref_slice %arg6[%dma_start3A, %dma_start3A_104] : memref<10x40xi32, #tpu.memory_space<vmem>> -> memref<1x40xi32, #tpu.memory_space<vmem>>
    %dma_start3A_106 = tpu.memref_squeeze %dma_start3A_105 : memref<1x40xi32, #tpu.memory_space<vmem>> -> memref<40xi32, #tpu.memory_space<vmem>>
    %dma_start3A_107 = tpu.memref_slice %arg3[%add3A_99] : memref<320000xi32, #tpu.memory_space<hbm>> -> memref<40xi32, #tpu.memory_space<hbm>>
    tpu.enqueue_dma source(%dma_start3A_107 : memref<40xi32, #tpu.memory_space<hbm>>) target(%dma_start3A_106 : memref<40xi32, #tpu.memory_space<vmem>>) target_semaphore(%arg15 : memref<!tpu.dma_semaphore, #tpu.memory_space<semaphore_mem>>)
    %add3A_108 = arith.constant 40 : i32
    %add3A_109 = arith.addi %mul3A_2, %add3A_108 : i32
    %dma_start3A_110 = arith.constant 1 : i32
    %dma_start3A_111 = arith.constant 0 : i32
    %dma_start3A_112 = tpu.memref_slice %arg6[%dma_start3A_110, %dma_start3A_111] : memref<10x40xi32, #tpu.memory_space<vmem>> -> memref<1x40xi32, #tpu.memory_space<vmem>>
    %dma_start3A_113 = tpu.memref_squeeze %dma_start3A_112 : memref<1x40xi32, #tpu.memory_space<vmem>> -> memref<40xi32, #tpu.memory_space<vmem>>
    %dma_start3A_114 = tpu.memref_slice %arg3[%add3A_109] : memref<320000xi32, #tpu.memory_space<hbm>> -> memref<40xi32, #tpu.memory_space<hbm>>
    %dma_start3A_115 = arith.constant 0 : i32
    %dma_start3A_116 = tpu.memref_slice %arg6[%dma_start3A_110, %dma_start3A_115] : memref<10x40xi32, #tpu.memory_space<vmem>> -> memref<1x40xi32, #tpu.memory_space<vmem>>
    %dma_start3A_117 = tpu.memref_squeeze %dma_start3A_116 : memref<1x40xi32, #tpu.memory_space<vmem>> -> memref<40xi32, #tpu.memory_space<vmem>>
    %dma_start3A_118 = tpu.memref_slice %arg3[%add3A_109] : memref<320000xi32, #tpu.memory_space<hbm>> -> memref<40xi32, #tpu.memory_space<hbm>>
    tpu.enqueue_dma source(%dma_start3A_118 : memref<40xi32, #tpu.memory_space<hbm>>) target(%dma_start3A_117 : memref<40xi32, #tpu.memory_space<vmem>>) target_semaphore(%arg16 : memref<!tpu.dma_semaphore, #tpu.memory_space<semaphore_mem>>)
    %add3A_119 = arith.constant 80 : i32
    %add3A_120 = arith.addi %mul3A_2, %add3A_119 : i32
    %dma_start3A_121 = arith.constant 2 : i32
    %dma_start3A_122 = arith.constant 0 : i32
    %dma_start3A_123 = tpu.memref_slice %arg6[%dma_start3A_121, %dma_start3A_122] : memref<10x40xi32, #tpu.memory_space<vmem>> -> memref<1x40xi32, #tpu.memory_space<vmem>>
    %dma_start3A_124 = tpu.memref_squeeze %dma_start3A_123 : memref<1x40xi32, #tpu.memory_space<vmem>> -> memref<40xi32, #tpu.memory_space<vmem>>
    %dma_start3A_125 = tpu.memref_slice %arg3[%add3A_120] : memref<320000xi32, #tpu.memory_space<hbm>> -> memref<40xi32, #tpu.memory_space<hbm>>
    %dma_start3A_126 = arith.constant 0 : i32
    %dma_start3A_127 = tpu.memref_slice %arg6[%dma_start3A_121, %dma_start3A_126] : memref<10x40xi32, #tpu.memory_space<vmem>> -> memref<1x40xi32, #tpu.memory_space<vmem>>
    %dma_start3A_128 = tpu.memref_squeeze %dma_start3A_127 : memref<1x40xi32, #tpu.memory_space<vmem>> -> memref<40xi32, #tpu.memory_space<vmem>>
    %dma_start3A_129 = tpu.memref_slice %arg3[%add3A_120] : memref<320000xi32, #tpu.memory_space<hbm>> -> memref<40xi32, #tpu.memory_space<hbm>>
    tpu.enqueue_dma source(%dma_start3A_129 : memref<40xi32, #tpu.memory_space<hbm>>) target(%dma_start3A_128 : memref<40xi32, #tpu.memory_space<vmem>>) target_semaphore(%arg17 : memref<!tpu.dma_semaphore, #tpu.memory_space<semaphore_mem>>)
    %add3A_130 = arith.constant 120 : i32
    %add3A_131 = arith.addi %mul3A_2, %add3A_130 : i32
    %dma_start3A_132 = arith.constant 3 : i32
    %dma_start3A_133 = arith.constant 0 : i32
    %dma_start3A_134 = tpu.memref_slice %arg6[%dma_start3A_132, %dma_start3A_133] : memref<10x40xi32, #tpu.memory_space<vmem>> -> memref<1x40xi32, #tpu.memory_space<vmem>>
    %dma_start3A_135 = tpu.memref_squeeze %dma_start3A_134 : memref<1x40xi32, #tpu.memory_space<vmem>> -> memref<40xi32, #tpu.memory_space<vmem>>
    %dma_start3A_136 = tpu.memref_slice %arg3[%add3A_131] : memref<320000xi32, #tpu.memory_space<hbm>> -> memref<40xi32, #tpu.memory_space<hbm>>
    %dma_start3A_137 = arith.constant 0 : i32
    %dma_start3A_138 = tpu.memref_slice %arg6[%dma_start3A_132, %dma_start3A_137] : memref<10x40xi32, #tpu.memory_space<vmem>> -> memref<1x40xi32, #tpu.memory_space<vmem>>
    %dma_start3A_139 = tpu.memref_squeeze %dma_start3A_138 : memref<1x40xi32, #tpu.memory_space<vmem>> -> memref<40xi32, #tpu.memory_space<vmem>>
    %dma_start3A_140 = tpu.memref_slice %arg3[%add3A_131] : memref<320000xi32, #tpu.memory_space<hbm>> -> memref<40xi32, #tpu.memory_space<hbm>>
    tpu.enqueue_dma source(%dma_start3A_140 : memref<40xi32, #tpu.memory_space<hbm>>) target(%dma_start3A_139 : memref<40xi32, #tpu.memory_space<vmem>>) target_semaphore(%arg18 : memref<!tpu.dma_semaphore, #tpu.memory_space<semaphore_mem>>)
    %add3A_141 = arith.constant 160 : i32
    %add3A_142 = arith.addi %mul3A_2, %add3A_141 : i32
    %dma_start3A_143 = arith.constant 4 : i32
    %dma_start3A_144 = arith.constant 0 : i32
    %dma_start3A_145 = tpu.memref_slice %arg6[%dma_start3A_143, %dma_start3A_144] : memref<10x40xi32, #tpu.memory_space<vmem>> -> memref<1x40xi32, #tpu.memory_space<vmem>>
    %dma_start3A_146 = tpu.memref_squeeze %dma_start3A_145 : memref<1x40xi32, #tpu.memory_space<vmem>> -> memref<40xi32, #tpu.memory_space<vmem>>
    %dma_start3A_147 = tpu.memref_slice %arg3[%add3A_142] : memref<320000xi32, #tpu.memory_space<hbm>> -> memref<40xi32, #tpu.memory_space<hbm>>
    %dma_start3A_148 = arith.constant 0 : i32
    %dma_start3A_149 = tpu.memref_slice %arg6[%dma_start3A_143, %dma_start3A_148] : memref<10x40xi32, #tpu.memory_space<vmem>> -> memref<1x40xi32, #tpu.memory_space<vmem>>
    %dma_start3A_150 = tpu.memref_squeeze %dma_start3A_149 : memref<1x40xi32, #tpu.memory_space<vmem>> -> memref<40xi32, #tpu.memory_space<vmem>>
    %dma_start3A_151 = tpu.memref_slice %arg3[%add3A_142] : memref<320000xi32, #tpu.memory_space<hbm>> -> memref<40xi32, #tpu.memory_space<hbm>>
    tpu.enqueue_dma source(%dma_start3A_151 : memref<40xi32, #tpu.memory_space<hbm>>) target(%dma_start3A_150 : memref<40xi32, #tpu.memory_space<vmem>>) target_semaphore(%arg19 : memref<!tpu.dma_semaphore, #tpu.memory_space<semaphore_mem>>)
    %add3A_152 = arith.constant 200 : i32
    %add3A_153 = arith.addi %mul3A_2, %add3A_152 : i32
    %dma_start3A_154 = arith.constant 5 : i32
    %dma_start3A_155 = arith.constant 0 : i32
    %dma_start3A_156 = tpu.memref_slice %arg6[%dma_start3A_154, %dma_start3A_155] : memref<10x40xi32, #tpu.memory_space<vmem>> -> memref<1x40xi32, #tpu.memory_space<vmem>>
    %dma_start3A_157 = tpu.memref_squeeze %dma_start3A_156 : memref<1x40xi32, #tpu.memory_space<vmem>> -> memref<40xi32, #tpu.memory_space<vmem>>
    %dma_start3A_158 = tpu.memref_slice %arg3[%add3A_153] : memref<320000xi32, #tpu.memory_space<hbm>> -> memref<40xi32, #tpu.memory_space<hbm>>
    %dma_start3A_159 = arith.constant 0 : i32
    %dma_start3A_160 = tpu.memref_slice %arg6[%dma_start3A_154, %dma_start3A_159] : memref<10x40xi32, #tpu.memory_space<vmem>> -> memref<1x40xi32, #tpu.memory_space<vmem>>
    %dma_start3A_161 = tpu.memref_squeeze %dma_start3A_160 : memref<1x40xi32, #tpu.memory_space<vmem>> -> memref<40xi32, #tpu.memory_space<vmem>>
    %dma_start3A_162 = tpu.memref_slice %arg3[%add3A_153] : memref<320000xi32, #tpu.memory_space<hbm>> -> memref<40xi32, #tpu.memory_space<hbm>>
    tpu.enqueue_dma source(%dma_start3A_162 : memref<40xi32, #tpu.memory_space<hbm>>) target(%dma_start3A_161 : memref<40xi32, #tpu.memory_space<vmem>>) target_semaphore(%arg20 : memref<!tpu.dma_semaphore, #tpu.memory_space<semaphore_mem>>)
    %add3A_163 = arith.constant 240 : i32
    %add3A_164 = arith.addi %mul3A_2, %add3A_163 : i32
    %dma_start3A_165 = arith.constant 6 : i32
    %dma_start3A_166 = arith.constant 0 : i32
    %dma_start3A_167 = tpu.memref_slice %arg6[%dma_start3A_165, %dma_start3A_166] : memref<10x40xi32, #tpu.memory_space<vmem>> -> memref<1x40xi32, #tpu.memory_space<vmem>>
    %dma_start3A_168 = tpu.memref_squeeze %dma_start3A_167 : memref<1x40xi32, #tpu.memory_space<vmem>> -> memref<40xi32, #tpu.memory_space<vmem>>
    %dma_start3A_169 = tpu.memref_slice %arg3[%add3A_164] : memref<320000xi32, #tpu.memory_space<hbm>> -> memref<40xi32, #tpu.memory_space<hbm>>
    %dma_start3A_170 = arith.constant 0 : i32
    %dma_start3A_171 = tpu.memref_slice %arg6[%dma_start3A_165, %dma_start3A_170] : memref<10x40xi32, #tpu.memory_space<vmem>> -> memref<1x40xi32, #tpu.memory_space<vmem>>
    %dma_start3A_172 = tpu.memref_squeeze %dma_start3A_171 : memref<1x40xi32, #tpu.memory_space<vmem>> -> memref<40xi32, #tpu.memory_space<vmem>>
    %dma_start3A_173 = tpu.memref_slice %arg3[%add3A_164] : memref<320000xi32, #tpu.memory_space<hbm>> -> memref<40xi32, #tpu.memory_space<hbm>>
    tpu.enqueue_dma source(%dma_start3A_173 : memref<40xi32, #tpu.memory_space<hbm>>) target(%dma_start3A_172 : memref<40xi32, #tpu.memory_space<vmem>>) target_semaphore(%arg21 : memref<!tpu.dma_semaphore, #tpu.memory_space<semaphore_mem>>)
    %add3A_174 = arith.constant 280 : i32
    %add3A_175 = arith.addi %mul3A_2, %add3A_174 : i32
    %dma_start3A_176 = arith.constant 7 : i32
    %dma_start3A_177 = arith.constant 0 : i32
    %dma_start3A_178 = tpu.memref_slice %arg6[%dma_start3A_176, %dma_start3A_177] : memref<10x40xi32, #tpu.memory_space<vmem>> -> memref<1x40xi32, #tpu.memory_space<vmem>>
    %dma_start3A_179 = tpu.memref_squeeze %dma_start3A_178 : memref<1x40xi32, #tpu.memory_space<vmem>> -> memref<40xi32, #tpu.memory_space<vmem>>
    %dma_start3A_180 = tpu.memref_slice %arg3[%add3A_175] : memref<320000xi32, #tpu.memory_space<hbm>> -> memref<40xi32, #tpu.memory_space<hbm>>
    %dma_start3A_181 = arith.constant 0 : i32
    %dma_start3A_182 = tpu.memref_slice %arg6[%dma_start3A_176, %dma_start3A_181] : memref<10x40xi32, #tpu.memory_space<vmem>> -> memref<1x40xi32, #tpu.memory_space<vmem>>
    %dma_start3A_183 = tpu.memref_squeeze %dma_start3A_182 : memref<1x40xi32, #tpu.memory_space<vmem>> -> memref<40xi32, #tpu.memory_space<vmem>>
    %dma_start3A_184 = tpu.memref_slice %arg3[%add3A_175] : memref<320000xi32, #tpu.memory_space<hbm>> -> memref<40xi32, #tpu.memory_space<hbm>>
    tpu.enqueue_dma source(%dma_start3A_184 : memref<40xi32, #tpu.memory_space<hbm>>) target(%dma_start3A_183 : memref<40xi32, #tpu.memory_space<vmem>>) target_semaphore(%arg22 : memref<!tpu.dma_semaphore, #tpu.memory_space<semaphore_mem>>)
    %add3A_185 = arith.constant 320 : i32
    %add3A_186 = arith.addi %mul3A_2, %add3A_185 : i32
    %dma_start3A_187 = arith.constant 8 : i32
    %dma_start3A_188 = arith.constant 0 : i32
    %dma_start3A_189 = tpu.memref_slice %arg6[%dma_start3A_187, %dma_start3A_188] : memref<10x40xi32, #tpu.memory_space<vmem>> -> memref<1x40xi32, #tpu.memory_space<vmem>>
    %dma_start3A_190 = tpu.memref_squeeze %dma_start3A_189 : memref<1x40xi32, #tpu.memory_space<vmem>> -> memref<40xi32, #tpu.memory_space<vmem>>
    %dma_start3A_191 = tpu.memref_slice %arg3[%add3A_186] : memref<320000xi32, #tpu.memory_space<hbm>> -> memref<40xi32, #tpu.memory_space<hbm>>
    %dma_start3A_192 = arith.constant 0 : i32
    %dma_start3A_193 = tpu.memref_slice %arg6[%dma_start3A_187, %dma_start3A_192] : memref<10x40xi32, #tpu.memory_space<vmem>> -> memref<1x40xi32, #tpu.memory_space<vmem>>
    %dma_start3A_194 = tpu.memref_squeeze %dma_start3A_193 : memref<1x40xi32, #tpu.memory_space<vmem>> -> memref<40xi32, #tpu.memory_space<vmem>>
    %dma_start3A_195 = tpu.memref_slice %arg3[%add3A_186] : memref<320000xi32, #tpu.memory_space<hbm>> -> memref<40xi32, #tpu.memory_space<hbm>>
    tpu.enqueue_dma source(%dma_start3A_195 : memref<40xi32, #tpu.memory_space<hbm>>) target(%dma_start3A_194 : memref<40xi32, #tpu.memory_space<vmem>>) target_semaphore(%arg23 : memref<!tpu.dma_semaphore, #tpu.memory_space<semaphore_mem>>)
    %add3A_196 = arith.constant 360 : i32
    %add3A_197 = arith.addi %mul3A_2, %add3A_196 : i32
    %dma_start3A_198 = arith.constant 9 : i32
    %dma_start3A_199 = arith.constant 0 : i32
    %dma_start3A_200 = tpu.memref_slice %arg6[%dma_start3A_198, %dma_start3A_199] : memref<10x40xi32, #tpu.memory_space<vmem>> -> memref<1x40xi32, #tpu.memory_space<vmem>>
    %dma_start3A_201 = tpu.memref_squeeze %dma_start3A_200 : memref<1x40xi32, #tpu.memory_space<vmem>> -> memref<40xi32, #tpu.memory_space<vmem>>
    %dma_start3A_202 = tpu.memref_slice %arg3[%add3A_197] : memref<320000xi32, #tpu.memory_space<hbm>> -> memref<40xi32, #tpu.memory_space<hbm>>
    %dma_start3A_203 = arith.constant 0 : i32
    %dma_start3A_204 = tpu.memref_slice %arg6[%dma_start3A_198, %dma_start3A_203] : memref<10x40xi32, #tpu.memory_space<vmem>> -> memref<1x40xi32, #tpu.memory_space<vmem>>
    %dma_start3A_205 = tpu.memref_squeeze %dma_start3A_204 : memref<1x40xi32, #tpu.memory_space<vmem>> -> memref<40xi32, #tpu.memory_space<vmem>>
    %dma_start3A_206 = tpu.memref_slice %arg3[%add3A_197] : memref<320000xi32, #tpu.memory_space<hbm>> -> memref<40xi32, #tpu.memory_space<hbm>>
    tpu.enqueue_dma source(%dma_start3A_206 : memref<40xi32, #tpu.memory_space<hbm>>) target(%dma_start3A_205 : memref<40xi32, #tpu.memory_space<vmem>>) target_semaphore(%arg24 : memref<!tpu.dma_semaphore, #tpu.memory_space<semaphore_mem>>)
    %add3A_207 = arith.constant 0 : i32
    %add3A_208 = arith.addi %mul3A_2, %add3A_207 : i32
    %dma_start3A_209 = arith.constant 0 : i32
    %dma_start3A_210 = arith.constant 0 : i32
    %dma_start3A_211 = tpu.memref_slice %arg7[%dma_start3A_209, %dma_start3A_210] : memref<5x40xi32, #tpu.memory_space<vmem>> -> memref<1x40xi32, #tpu.memory_space<vmem>>
    %dma_start3A_212 = tpu.memref_squeeze %dma_start3A_211 : memref<1x40xi32, #tpu.memory_space<vmem>> -> memref<40xi32, #tpu.memory_space<vmem>>
    %dma_start3A_213 = tpu.memref_slice %arg4[%add3A_208] : memref<320000xi32, #tpu.memory_space<hbm>> -> memref<40xi32, #tpu.memory_space<hbm>>
    %dma_start3A_214 = arith.constant 0 : i32
    %dma_start3A_215 = tpu.memref_slice %arg7[%dma_start3A_209, %dma_start3A_214] : memref<5x40xi32, #tpu.memory_space<vmem>> -> memref<1x40xi32, #tpu.memory_space<vmem>>
    %dma_start3A_216 = tpu.memref_squeeze %dma_start3A_215 : memref<1x40xi32, #tpu.memory_space<vmem>> -> memref<40xi32, #tpu.memory_space<vmem>>
    %dma_start3A_217 = tpu.memref_slice %arg4[%add3A_208] : memref<320000xi32, #tpu.memory_space<hbm>> -> memref<40xi32, #tpu.memory_space<hbm>>
    tpu.enqueue_dma source(%dma_start3A_217 : memref<40xi32, #tpu.memory_space<hbm>>) target(%dma_start3A_216 : memref<40xi32, #tpu.memory_space<vmem>>) target_semaphore(%arg10 : memref<!tpu.dma_semaphore, #tpu.memory_space<semaphore_mem>>)
    %dma_wait3A = arith.constant 0 : i32
    %dma_wait3A_218 = arith.constant 0 : i32
    %dma_wait3A_219 = tpu.memref_slice %arg6[%dma_wait3A, %dma_wait3A_218] : memref<10x40xi32, #tpu.memory_space<vmem>> -> memref<1x40xi32, #tpu.memory_space<vmem>>
    %dma_wait3A_220 = tpu.memref_squeeze %dma_wait3A_219 : memref<1x40xi32, #tpu.memory_space<vmem>> -> memref<40xi32, #tpu.memory_space<vmem>>
    %dma_wait3A_221 = arith.constant 0 : i32
    %dma_wait3A_222 = tpu.memref_slice %arg3[%dma_wait3A_221] : memref<320000xi32, #tpu.memory_space<hbm>> -> memref<40xi32, #tpu.memory_space<hbm>>
    %dma_wait3A_223 = arith.constant 0 : i32
    %dma_wait3A_224 = tpu.memref_slice %arg6[%dma_wait3A, %dma_wait3A_223] : memref<10x40xi32, #tpu.memory_space<vmem>> -> memref<1x40xi32, #tpu.memory_space<vmem>>
    %dma_wait3A_225 = tpu.memref_squeeze %dma_wait3A_224 : memref<1x40xi32, #tpu.memory_space<vmem>> -> memref<40xi32, #tpu.memory_space<vmem>>
    %dma_wait3A_226 = arith.constant 0 : i32
    %dma_wait3A_227 = tpu.memref_slice %arg3[%dma_wait3A_226] : memref<320000xi32, #tpu.memory_space<hbm>> -> memref<40xi32, #tpu.memory_space<hbm>>
    tpu.wait_dma2 semaphore(%arg15 : memref<!tpu.dma_semaphore, #tpu.memory_space<semaphore_mem>>) src(%dma_wait3A_227 : memref<40xi32, #tpu.memory_space<hbm>>) dst(%dma_wait3A_225 : memref<40xi32, #tpu.memory_space<vmem>>)
    %dma_start3A_228 = arith.constant 0 : i32
    %dma_start3A_229 = arith.constant 0 : i32
    %dma_start3A_230 = arith.constant 0 : i32
    %dma_start3A_231 = arith.constant 0 : i32
    %dma_start3A_232 = tpu.memref_slice %arg8[%dma_start3A_229, %dma_start3A_230, %dma_start3A_231] : memref<5x40x128xf32, #tpu.memory_space<vmem>> -> memref<1x40x128xf32, #tpu.memory_space<vmem>>
    %dma_start3A_233 = tpu.memref_squeeze %dma_start3A_232 : memref<1x40x128xf32, #tpu.memory_space<vmem>> -> memref<40x128xf32, #tpu.memory_space<vmem>>
    %dma_start3A_234 = arith.constant 0 : i32
    %dma_start3A_235 = tpu.memref_slice %arg6[%dma_start3A_228, %dma_start3A_234] : memref<10x40xi32, #tpu.memory_space<vmem>> -> memref<1x40xi32, #tpu.memory_space<vmem>>
    %dma_start3A_236 = tpu.memref_squeeze %dma_start3A_235 : memref<1x40xi32, #tpu.memory_space<vmem>> -> memref<40xi32, #tpu.memory_space<vmem>>
    %dma_start3A_237 = arith.constant 0 : i32
    %dma_start3A_238 = arith.constant 0 : i32
    %dma_start3A_239 = tpu.memref_slice %arg2[%dma_start3A_237, %dma_start3A_238] : memref<10000x128xf32, #tpu.memory_space<hbm>> -> memref<10000x128xf32, #tpu.memory_space<hbm>>
    tpu.enqueue_indirect_dma source(%dma_start3A_239 : memref<10000x128xf32, #tpu.memory_space<hbm>>) target(%dma_start3A_233 : memref<40x128xf32, #tpu.memory_space<vmem>>) offsets(%dma_start3A_236 : memref<40xi32, #tpu.memory_space<vmem>>) semaphore(%arg10 : memref<!tpu.dma_semaphore, #tpu.memory_space<semaphore_mem>>)
    %add3A_240 = arith.constant 40 : i32
    %add3A_241 = arith.addi %mul3A_2, %add3A_240 : i32
    %dma_start3A_242 = arith.constant 1 : i32
    %dma_start3A_243 = arith.constant 0 : i32
    %dma_start3A_244 = tpu.memref_slice %arg7[%dma_start3A_242, %dma_start3A_243] : memref<5x40xi32, #tpu.memory_space<vmem>> -> memref<1x40xi32, #tpu.memory_space<vmem>>
    %dma_start3A_245 = tpu.memref_squeeze %dma_start3A_244 : memref<1x40xi32, #tpu.memory_space<vmem>> -> memref<40xi32, #tpu.memory_space<vmem>>
    %dma_start3A_246 = tpu.memref_slice %arg4[%add3A_241] : memref<320000xi32, #tpu.memory_space<hbm>> -> memref<40xi32, #tpu.memory_space<hbm>>
    %dma_start3A_247 = arith.constant 0 : i32
    %dma_start3A_248 = tpu.memref_slice %arg7[%dma_start3A_242, %dma_start3A_247] : memref<5x40xi32, #tpu.memory_space<vmem>> -> memref<1x40xi32, #tpu.memory_space<vmem>>
    %dma_start3A_249 = tpu.memref_squeeze %dma_start3A_248 : memref<1x40xi32, #tpu.memory_space<vmem>> -> memref<40xi32, #tpu.memory_space<vmem>>
    %dma_start3A_250 = tpu.memref_slice %arg4[%add3A_241] : memref<320000xi32, #tpu.memory_space<hbm>> -> memref<40xi32, #tpu.memory_space<hbm>>
    tpu.enqueue_dma source(%dma_start3A_250 : memref<40xi32, #tpu.memory_space<hbm>>) target(%dma_start3A_249 : memref<40xi32, #tpu.memory_space<vmem>>) target_semaphore(%arg11 : memref<!tpu.dma_semaphore, #tpu.memory_space<semaphore_mem>>)
    %dma_wait3A_251 = arith.constant 1 : i32
    %dma_wait3A_252 = arith.constant 0 : i32
    %dma_wait3A_253 = tpu.memref_slice %arg6[%dma_wait3A_251, %dma_wait3A_252] : memref<10x40xi32, #tpu.memory_space<vmem>> -> memref<1x40xi32, #tpu.memory_space<vmem>>
    %dma_wait3A_254 = tpu.memref_squeeze %dma_wait3A_253 : memref<1x40xi32, #tpu.memory_space<vmem>> -> memref<40xi32, #tpu.memory_space<vmem>>
    %dma_wait3A_255 = arith.constant 0 : i32
    %dma_wait3A_256 = tpu.memref_slice %arg3[%dma_wait3A_255] : memref<320000xi32, #tpu.memory_space<hbm>> -> memref<40xi32, #tpu.memory_space<hbm>>
    %dma_wait3A_257 = arith.constant 0 : i32
    %dma_wait3A_258 = tpu.memref_slice %arg6[%dma_wait3A_251, %dma_wait3A_257] : memref<10x40xi32, #tpu.memory_space<vmem>> -> memref<1x40xi32, #tpu.memory_space<vmem>>
    %dma_wait3A_259 = tpu.memref_squeeze %dma_wait3A_258 : memref<1x40xi32, #tpu.memory_space<vmem>> -> memref<40xi32, #tpu.memory_space<vmem>>
    %dma_wait3A_260 = arith.constant 0 : i32
    %dma_wait3A_261 = tpu.memref_slice %arg3[%dma_wait3A_260] : memref<320000xi32, #tpu.memory_space<hbm>> -> memref<40xi32, #tpu.memory_space<hbm>>
    tpu.wait_dma2 semaphore(%arg16 : memref<!tpu.dma_semaphore, #tpu.memory_space<semaphore_mem>>) src(%dma_wait3A_261 : memref<40xi32, #tpu.memory_space<hbm>>) dst(%dma_wait3A_259 : memref<40xi32, #tpu.memory_space<vmem>>)
    %dma_start3A_262 = arith.constant 1 : i32
    %dma_start3A_263 = arith.constant 1 : i32
    %dma_start3A_264 = arith.constant 0 : i32
    %dma_start3A_265 = arith.constant 0 : i32
    %dma_start3A_266 = tpu.memref_slice %arg8[%dma_start3A_263, %dma_start3A_264, %dma_start3A_265] : memref<5x40x128xf32, #tpu.memory_space<vmem>> -> memref<1x40x128xf32, #tpu.memory_space<vmem>>
    %dma_start3A_267 = tpu.memref_squeeze %dma_start3A_266 : memref<1x40x128xf32, #tpu.memory_space<vmem>> -> memref<40x128xf32, #tpu.memory_space<vmem>>
    %dma_start3A_268 = arith.constant 0 : i32
    %dma_start3A_269 = tpu.memref_slice %arg6[%dma_start3A_262, %dma_start3A_268] : memref<10x40xi32, #tpu.memory_space<vmem>> -> memref<1x40xi32, #tpu.memory_space<vmem>>
    %dma_start3A_270 = tpu.memref_squeeze %dma_start3A_269 : memref<1x40xi32, #tpu.memory_space<vmem>> -> memref<40xi32, #tpu.memory_space<vmem>>
    %dma_start3A_271 = arith.constant 0 : i32
    %dma_start3A_272 = arith.constant 0 : i32
    %dma_start3A_273 = tpu.memref_slice %arg2[%dma_start3A_271, %dma_start3A_272] : memref<10000x128xf32, #tpu.memory_space<hbm>> -> memref<10000x128xf32, #tpu.memory_space<hbm>>
    tpu.enqueue_indirect_dma source(%dma_start3A_273 : memref<10000x128xf32, #tpu.memory_space<hbm>>) target(%dma_start3A_267 : memref<40x128xf32, #tpu.memory_space<vmem>>) offsets(%dma_start3A_270 : memref<40xi32, #tpu.memory_space<vmem>>) semaphore(%arg11 : memref<!tpu.dma_semaphore, #tpu.memory_space<semaphore_mem>>)
    %add3A_274 = arith.constant 80 : i32
    %add3A_275 = arith.addi %mul3A_2, %add3A_274 : i32
    %dma_start3A_276 = arith.constant 2 : i32
    %dma_start3A_277 = arith.constant 0 : i32
    %dma_start3A_278 = tpu.memref_slice %arg7[%dma_start3A_276, %dma_start3A_277] : memref<5x40xi32, #tpu.memory_space<vmem>> -> memref<1x40xi32, #tpu.memory_space<vmem>>
    %dma_start3A_279 = tpu.memref_squeeze %dma_start3A_278 : memref<1x40xi32, #tpu.memory_space<vmem>> -> memref<40xi32, #tpu.memory_space<vmem>>
    %dma_start3A_280 = tpu.memref_slice %arg4[%add3A_275] : memref<320000xi32, #tpu.memory_space<hbm>> -> memref<40xi32, #tpu.memory_space<hbm>>
    %dma_start3A_281 = arith.constant 0 : i32
    %dma_start3A_282 = tpu.memref_slice %arg7[%dma_start3A_276, %dma_start3A_281] : memref<5x40xi32, #tpu.memory_space<vmem>> -> memref<1x40xi32, #tpu.memory_space<vmem>>
    %dma_start3A_283 = tpu.memref_squeeze %dma_start3A_282 : memref<1x40xi32, #tpu.memory_space<vmem>> -> memref<40xi32, #tpu.memory_space<vmem>>
    %dma_start3A_284 = tpu.memref_slice %arg4[%add3A_275] : memref<320000xi32, #tpu.memory_space<hbm>> -> memref<40xi32, #tpu.memory_space<hbm>>
    tpu.enqueue_dma source(%dma_start3A_284 : memref<40xi32, #tpu.memory_space<hbm>>) target(%dma_start3A_283 : memref<40xi32, #tpu.memory_space<vmem>>) target_semaphore(%arg12 : memref<!tpu.dma_semaphore, #tpu.memory_space<semaphore_mem>>)
    %dma_wait3A_285 = arith.constant 2 : i32
    %dma_wait3A_286 = arith.constant 0 : i32
    %dma_wait3A_287 = tpu.memref_slice %arg6[%dma_wait3A_285, %dma_wait3A_286] : memref<10x40xi32, #tpu.memory_space<vmem>> -> memref<1x40xi32, #tpu.memory_space<vmem>>
    %dma_wait3A_288 = tpu.memref_squeeze %dma_wait3A_287 : memref<1x40xi32, #tpu.memory_space<vmem>> -> memref<40xi32, #tpu.memory_space<vmem>>
    %dma_wait3A_289 = arith.constant 0 : i32
    %dma_wait3A_290 = tpu.memref_slice %arg3[%dma_wait3A_289] : memref<320000xi32, #tpu.memory_space<hbm>> -> memref<40xi32, #tpu.memory_space<hbm>>
    %dma_wait3A_291 = arith.constant 0 : i32
    %dma_wait3A_292 = tpu.memref_slice %arg6[%dma_wait3A_285, %dma_wait3A_291] : memref<10x40xi32, #tpu.memory_space<vmem>> -> memref<1x40xi32, #tpu.memory_space<vmem>>
    %dma_wait3A_293 = tpu.memref_squeeze %dma_wait3A_292 : memref<1x40xi32, #tpu.memory_space<vmem>> -> memref<40xi32, #tpu.memory_space<vmem>>
    %dma_wait3A_294 = arith.constant 0 : i32
    %dma_wait3A_295 = tpu.memref_slice %arg3[%dma_wait3A_294] : memref<320000xi32, #tpu.memory_space<hbm>> -> memref<40xi32, #tpu.memory_space<hbm>>
    tpu.wait_dma2 semaphore(%arg17 : memref<!tpu.dma_semaphore, #tpu.memory_space<semaphore_mem>>) src(%dma_wait3A_295 : memref<40xi32, #tpu.memory_space<hbm>>) dst(%dma_wait3A_293 : memref<40xi32, #tpu.memory_space<vmem>>)
    %dma_start3A_296 = arith.constant 2 : i32
    %dma_start3A_297 = arith.constant 2 : i32
    %dma_start3A_298 = arith.constant 0 : i32
    %dma_start3A_299 = arith.constant 0 : i32
    %dma_start3A_300 = tpu.memref_slice %arg8[%dma_start3A_297, %dma_start3A_298, %dma_start3A_299] : memref<5x40x128xf32, #tpu.memory_space<vmem>> -> memref<1x40x128xf32, #tpu.memory_space<vmem>>
    %dma_start3A_301 = tpu.memref_squeeze %dma_start3A_300 : memref<1x40x128xf32, #tpu.memory_space<vmem>> -> memref<40x128xf32, #tpu.memory_space<vmem>>
    %dma_start3A_302 = arith.constant 0 : i32
    %dma_start3A_303 = tpu.memref_slice %arg6[%dma_start3A_296, %dma_start3A_302] : memref<10x40xi32, #tpu.memory_space<vmem>> -> memref<1x40xi32, #tpu.memory_space<vmem>>
    %dma_start3A_304 = tpu.memref_squeeze %dma_start3A_303 : memref<1x40xi32, #tpu.memory_space<vmem>> -> memref<40xi32, #tpu.memory_space<vmem>>
    %dma_start3A_305 = arith.constant 0 : i32
    %dma_start3A_306 = arith.constant 0 : i32
    %dma_start3A_307 = tpu.memref_slice %arg2[%dma_start3A_305, %dma_start3A_306] : memref<10000x128xf32, #tpu.memory_space<hbm>> -> memref<10000x128xf32, #tpu.memory_space<hbm>>
    tpu.enqueue_indirect_dma source(%dma_start3A_307 : memref<10000x128xf32, #tpu.memory_space<hbm>>) target(%dma_start3A_301 : memref<40x128xf32, #tpu.memory_space<vmem>>) offsets(%dma_start3A_304 : memref<40xi32, #tpu.memory_space<vmem>>) semaphore(%arg12 : memref<!tpu.dma_semaphore, #tpu.memory_space<semaphore_mem>>)
    %add3A_308 = arith.constant 120 : i32
    %add3A_309 = arith.addi %mul3A_2, %add3A_308 : i32
    %dma_start3A_310 = arith.constant 3 : i32
    %dma_start3A_311 = arith.constant 0 : i32
    %dma_start3A_312 = tpu.memref_slice %arg7[%dma_start3A_310, %dma_start3A_311] : memref<5x40xi32, #tpu.memory_space<vmem>> -> memref<1x40xi32, #tpu.memory_space<vmem>>
    %dma_start3A_313 = tpu.memref_squeeze %dma_start3A_312 : memref<1x40xi32, #tpu.memory_space<vmem>> -> memref<40xi32, #tpu.memory_space<vmem>>
    %dma_start3A_314 = tpu.memref_slice %arg4[%add3A_309] : memref<320000xi32, #tpu.memory_space<hbm>> -> memref<40xi32, #tpu.memory_space<hbm>>
    %dma_start3A_315 = arith.constant 0 : i32
    %dma_start3A_316 = tpu.memref_slice %arg7[%dma_start3A_310, %dma_start3A_315] : memref<5x40xi32, #tpu.memory_space<vmem>> -> memref<1x40xi32, #tpu.memory_space<vmem>>
    %dma_start3A_317 = tpu.memref_squeeze %dma_start3A_316 : memref<1x40xi32, #tpu.memory_space<vmem>> -> memref<40xi32, #tpu.memory_space<vmem>>
    %dma_start3A_318 = tpu.memref_slice %arg4[%add3A_309] : memref<320000xi32, #tpu.memory_space<hbm>> -> memref<40xi32, #tpu.memory_space<hbm>>
    tpu.enqueue_dma source(%dma_start3A_318 : memref<40xi32, #tpu.memory_space<hbm>>) target(%dma_start3A_317 : memref<40xi32, #tpu.memory_space<vmem>>) target_semaphore(%arg13 : memref<!tpu.dma_semaphore, #tpu.memory_space<semaphore_mem>>)
    %dma_wait3A_319 = arith.constant 3 : i32
    %dma_wait3A_320 = arith.constant 0 : i32
    %dma_wait3A_321 = tpu.memref_slice %arg6[%dma_wait3A_319, %dma_wait3A_320] : memref<10x40xi32, #tpu.memory_space<vmem>> -> memref<1x40xi32, #tpu.memory_space<vmem>>
    %dma_wait3A_322 = tpu.memref_squeeze %dma_wait3A_321 : memref<1x40xi32, #tpu.memory_space<vmem>> -> memref<40xi32, #tpu.memory_space<vmem>>
    %dma_wait3A_323 = arith.constant 0 : i32
    %dma_wait3A_324 = tpu.memref_slice %arg3[%dma_wait3A_323] : memref<320000xi32, #tpu.memory_space<hbm>> -> memref<40xi32, #tpu.memory_space<hbm>>
    %dma_wait3A_325 = arith.constant 0 : i32
    %dma_wait3A_326 = tpu.memref_slice %arg6[%dma_wait3A_319, %dma_wait3A_325] : memref<10x40xi32, #tpu.memory_space<vmem>> -> memref<1x40xi32, #tpu.memory_space<vmem>>
    %dma_wait3A_327 = tpu.memref_squeeze %dma_wait3A_326 : memref<1x40xi32, #tpu.memory_space<vmem>> -> memref<40xi32, #tpu.memory_space<vmem>>
    %dma_wait3A_328 = arith.constant 0 : i32
    %dma_wait3A_329 = tpu.memref_slice %arg3[%dma_wait3A_328] : memref<320000xi32, #tpu.memory_space<hbm>> -> memref<40xi32, #tpu.memory_space<hbm>>
    tpu.wait_dma2 semaphore(%arg18 : memref<!tpu.dma_semaphore, #tpu.memory_space<semaphore_mem>>) src(%dma_wait3A_329 : memref<40xi32, #tpu.memory_space<hbm>>) dst(%dma_wait3A_327 : memref<40xi32, #tpu.memory_space<vmem>>)
    %dma_start3A_330 = arith.constant 3 : i32
    %dma_start3A_331 = arith.constant 3 : i32
    %dma_start3A_332 = arith.constant 0 : i32
    %dma_start3A_333 = arith.constant 0 : i32
    %dma_start3A_334 = tpu.memref_slice %arg8[%dma_start3A_331, %dma_start3A_332, %dma_start3A_333] : memref<5x40x128xf32, #tpu.memory_space<vmem>> -> memref<1x40x128xf32, #tpu.memory_space<vmem>>
    %dma_start3A_335 = tpu.memref_squeeze %dma_start3A_334 : memref<1x40x128xf32, #tpu.memory_space<vmem>> -> memref<40x128xf32, #tpu.memory_space<vmem>>
    %dma_start3A_336 = arith.constant 0 : i32
    %dma_start3A_337 = tpu.memref_slice %arg6[%dma_start3A_330, %dma_start3A_336] : memref<10x40xi32, #tpu.memory_space<vmem>> -> memref<1x40xi32, #tpu.memory_space<vmem>>
    %dma_start3A_338 = tpu.memref_squeeze %dma_start3A_337 : memref<1x40xi32, #tpu.memory_space<vmem>> -> memref<40xi32, #tpu.memory_space<vmem>>
    %dma_start3A_339 = arith.constant 0 : i32
    %dma_start3A_340 = arith.constant 0 : i32
    %dma_start3A_341 = tpu.memref_slice %arg2[%dma_start3A_339, %dma_start3A_340] : memref<10000x128xf32, #tpu.memory_space<hbm>> -> memref<10000x128xf32, #tpu.memory_space<hbm>>
    tpu.enqueue_indirect_dma source(%dma_start3A_341 : memref<10000x128xf32, #tpu.memory_space<hbm>>) target(%dma_start3A_335 : memref<40x128xf32, #tpu.memory_space<vmem>>) offsets(%dma_start3A_338 : memref<40xi32, #tpu.memory_space<vmem>>) semaphore(%arg13 : memref<!tpu.dma_semaphore, #tpu.memory_space<semaphore_mem>>)
    %add3A_342 = arith.constant 160 : i32
    %add3A_343 = arith.addi %mul3A_2, %add3A_342 : i32
    %dma_start3A_344 = arith.constant 4 : i32
    %dma_start3A_345 = arith.constant 0 : i32
    %dma_start3A_346 = tpu.memref_slice %arg7[%dma_start3A_344, %dma_start3A_345] : memref<5x40xi32, #tpu.memory_space<vmem>> -> memref<1x40xi32, #tpu.memory_space<vmem>>
    %dma_start3A_347 = tpu.memref_squeeze %dma_start3A_346 : memref<1x40xi32, #tpu.memory_space<vmem>> -> memref<40xi32, #tpu.memory_space<vmem>>
    %dma_start3A_348 = tpu.memref_slice %arg4[%add3A_343] : memref<320000xi32, #tpu.memory_space<hbm>> -> memref<40xi32, #tpu.memory_space<hbm>>
    %dma_start3A_349 = arith.constant 0 : i32
    %dma_start3A_350 = tpu.memref_slice %arg7[%dma_start3A_344, %dma_start3A_349] : memref<5x40xi32, #tpu.memory_space<vmem>> -> memref<1x40xi32, #tpu.memory_space<vmem>>
    %dma_start3A_351 = tpu.memref_squeeze %dma_start3A_350 : memref<1x40xi32, #tpu.memory_space<vmem>> -> memref<40xi32, #tpu.memory_space<vmem>>
    %dma_start3A_352 = tpu.memref_slice %arg4[%add3A_343] : memref<320000xi32, #tpu.memory_space<hbm>> -> memref<40xi32, #tpu.memory_space<hbm>>
    tpu.enqueue_dma source(%dma_start3A_352 : memref<40xi32, #tpu.memory_space<hbm>>) target(%dma_start3A_351 : memref<40xi32, #tpu.memory_space<vmem>>) target_semaphore(%arg14 : memref<!tpu.dma_semaphore, #tpu.memory_space<semaphore_mem>>)
    %dma_wait3A_353 = arith.constant 4 : i32
    %dma_wait3A_354 = arith.constant 0 : i32
    %dma_wait3A_355 = tpu.memref_slice %arg6[%dma_wait3A_353, %dma_wait3A_354] : memref<10x40xi32, #tpu.memory_space<vmem>> -> memref<1x40xi32, #tpu.memory_space<vmem>>
    %dma_wait3A_356 = tpu.memref_squeeze %dma_wait3A_355 : memref<1x40xi32, #tpu.memory_space<vmem>> -> memref<40xi32, #tpu.memory_space<vmem>>
    %dma_wait3A_357 = arith.constant 0 : i32
    %dma_wait3A_358 = tpu.memref_slice %arg3[%dma_wait3A_357] : memref<320000xi32, #tpu.memory_space<hbm>> -> memref<40xi32, #tpu.memory_space<hbm>>
    %dma_wait3A_359 = arith.constant 0 : i32
    %dma_wait3A_360 = tpu.memref_slice %arg6[%dma_wait3A_353, %dma_wait3A_359] : memref<10x40xi32, #tpu.memory_space<vmem>> -> memref<1x40xi32, #tpu.memory_space<vmem>>
    %dma_wait3A_361 = tpu.memref_squeeze %dma_wait3A_360 : memref<1x40xi32, #tpu.memory_space<vmem>> -> memref<40xi32, #tpu.memory_space<vmem>>
    %dma_wait3A_362 = arith.constant 0 : i32
    %dma_wait3A_363 = tpu.memref_slice %arg3[%dma_wait3A_362] : memref<320000xi32, #tpu.memory_space<hbm>> -> memref<40xi32, #tpu.memory_space<hbm>>
    tpu.wait_dma2 semaphore(%arg19 : memref<!tpu.dma_semaphore, #tpu.memory_space<semaphore_mem>>) src(%dma_wait3A_363 : memref<40xi32, #tpu.memory_space<hbm>>) dst(%dma_wait3A_361 : memref<40xi32, #tpu.memory_space<vmem>>)
    %dma_start3A_364 = arith.constant 4 : i32
    %dma_start3A_365 = arith.constant 4 : i32
    %dma_start3A_366 = arith.constant 0 : i32
    %dma_start3A_367 = arith.constant 0 : i32
    %dma_start3A_368 = tpu.memref_slice %arg8[%dma_start3A_365, %dma_start3A_366, %dma_start3A_367] : memref<5x40x128xf32, #tpu.memory_space<vmem>> -> memref<1x40x128xf32, #tpu.memory_space<vmem>>
    %dma_start3A_369 = tpu.memref_squeeze %dma_start3A_368 : memref<1x40x128xf32, #tpu.memory_space<vmem>> -> memref<40x128xf32, #tpu.memory_space<vmem>>
    %dma_start3A_370 = arith.constant 0 : i32
    %dma_start3A_371 = tpu.memref_slice %arg6[%dma_start3A_364, %dma_start3A_370] : memref<10x40xi32, #tpu.memory_space<vmem>> -> memref<1x40xi32, #tpu.memory_space<vmem>>
    %dma_start3A_372 = tpu.memref_squeeze %dma_start3A_371 : memref<1x40xi32, #tpu.memory_space<vmem>> -> memref<40xi32, #tpu.memory_space<vmem>>
    %dma_start3A_373 = arith.constant 0 : i32
    %dma_start3A_374 = arith.constant 0 : i32
    %dma_start3A_375 = tpu.memref_slice %arg2[%dma_start3A_373, %dma_start3A_374] : memref<10000x128xf32, #tpu.memory_space<hbm>> -> memref<10000x128xf32, #tpu.memory_space<hbm>>
    tpu.enqueue_indirect_dma source(%dma_start3A_375 : memref<10000x128xf32, #tpu.memory_space<hbm>>) target(%dma_start3A_369 : memref<40x128xf32, #tpu.memory_space<vmem>>) offsets(%dma_start3A_372 : memref<40xi32, #tpu.memory_space<vmem>>) semaphore(%arg14 : memref<!tpu.dma_semaphore, #tpu.memory_space<semaphore_mem>>)
    %scan3A_376 = arith.constant 0 : i32
    %scan3A_377 = arith.constant 25 : i32
    %scan3A_378 = arith.addi %scan3A_376, %scan3A_377 : i32
    %scan3A_379 = arith.constant 1 : i32
    scf.for %scan3A_404 = %scan3A_376 to %scan3A_378 step %scan3A_379  : i32 {
      %mul3A_405 = arith.constant 1 : i32
      %mul3A_406 = arith.muli %scan3A_404, %mul3A_405 : i32
      %add3A_407 = arith.constant 0 : i32
      %add3A_408 = arith.addi %add3A_407, %mul3A_406 : i32
      %mul3A_409 = arith.constant 10 : i32
      %mul3A_410 = arith.muli %add3A_408, %mul3A_409 : i32
      %add3A_411 = arith.constant 0 : i32
      %add3A_412 = arith.addi %mul3A_410, %add3A_411 : i32
      %dma_wait3A_413 = arith.constant 0 : i32
      %dma_wait3A_414 = arith.constant 0 : i32
      %dma_wait3A_415 = arith.constant 0 : i32
      %dma_wait3A_416 = arith.constant 0 : i32
      %dma_wait3A_417 = tpu.memref_slice %arg8[%dma_wait3A_414, %dma_wait3A_415, %dma_wait3A_416] : memref<5x40x128xf32, #tpu.memory_space<vmem>> -> memref<1x40x128xf32, #tpu.memory_space<vmem>>
      %dma_wait3A_418 = tpu.memref_squeeze %dma_wait3A_417 : memref<1x40x128xf32, #tpu.memory_space<vmem>> -> memref<40x128xf32, #tpu.memory_space<vmem>>
      %dma_wait3A_419 = arith.constant 0 : i32
      %dma_wait3A_420 = tpu.memref_slice %arg6[%dma_wait3A_413, %dma_wait3A_419] : memref<10x40xi32, #tpu.memory_space<vmem>> -> memref<1x40xi32, #tpu.memory_space<vmem>>
      %dma_wait3A_421 = tpu.memref_squeeze %dma_wait3A_420 : memref<1x40xi32, #tpu.memory_space<vmem>> -> memref<40xi32, #tpu.memory_space<vmem>>
      %dma_wait3A_422 = arith.constant 0 : i32
      %dma_wait3A_423 = arith.constant 0 : i32
      %dma_wait3A_424 = tpu.memref_slice %arg2[%dma_wait3A_422, %dma_wait3A_423] : memref<10000x128xf32, #tpu.memory_space<hbm>> -> memref<10000x128xf32, #tpu.memory_space<hbm>>
      tpu.wait_indirect_dma semaphore(%arg10 : memref<!tpu.dma_semaphore, #tpu.memory_space<semaphore_mem>>) src(%dma_wait3A_424 : memref<10000x128xf32, #tpu.memory_space<hbm>>) dst(%dma_wait3A_418 : memref<40x128xf32, #tpu.memory_space<vmem>>)
      %dma_wait3A_425 = arith.constant 0 : i32
      %dma_wait3A_426 = arith.constant 0 : i32
      %dma_wait3A_427 = tpu.memref_slice %arg7[%dma_wait3A_425, %dma_wait3A_426] : memref<5x40xi32, #tpu.memory_space<vmem>> -> memref<1x40xi32, #tpu.memory_space<vmem>>
      %dma_wait3A_428 = tpu.memref_squeeze %dma_wait3A_427 : memref<1x40xi32, #tpu.memory_space<vmem>> -> memref<40xi32, #tpu.memory_space<vmem>>
      %dma_wait3A_429 = arith.constant 0 : i32
      %dma_wait3A_430 = tpu.memref_slice %arg4[%dma_wait3A_429] : memref<320000xi32, #tpu.memory_space<hbm>> -> memref<40xi32, #tpu.memory_space<hbm>>
      %dma_wait3A_431 = arith.constant 0 : i32
      %dma_wait3A_432 = tpu.memref_slice %arg7[%dma_wait3A_425, %dma_wait3A_431] : memref<5x40xi32, #tpu.memory_space<vmem>> -> memref<1x40xi32, #tpu.memory_space<vmem>>
      %dma_wait3A_433 = tpu.memref_squeeze %dma_wait3A_432 : memref<1x40xi32, #tpu.memory_space<vmem>> -> memref<40xi32, #tpu.memory_space<vmem>>
      %dma_wait3A_434 = arith.constant 0 : i32
      %dma_wait3A_435 = tpu.memref_slice %arg4[%dma_wait3A_434] : memref<320000xi32, #tpu.memory_space<hbm>> -> memref<40xi32, #tpu.memory_space<hbm>>
      tpu.wait_dma2 semaphore(%arg10 : memref<!tpu.dma_semaphore, #tpu.memory_space<semaphore_mem>>) src(%dma_wait3A_435 : memref<40xi32, #tpu.memory_space<hbm>>) dst(%dma_wait3A_433 : memref<40xi32, #tpu.memory_space<vmem>>)
      %gt3A = arith.constant 0 : i32
      %gt3A_436 = arith.cmpi sgt, %add3A_408, %gt3A : i32
      %convert_element_type3A_437 = arith.extui %gt3A_436 : i1 to i32
      %cond3A_438 = arith.constant 0 : i32
      %cond3A_439 = arith.cmpi ne, %convert_element_type3A_437, %cond3A_438 : i32
      scf.if %cond3A_439 {
        %dma_wait3A_1181 = arith.constant 4 : i32
        %dma_wait3A_1182 = arith.constant 4 : i32
        %dma_wait3A_1183 = arith.constant 0 : i32
        %dma_wait3A_1184 = arith.constant 0 : i32
        %dma_wait3A_1185 = tpu.memref_slice %arg8[%dma_wait3A_1181, %dma_wait3A_1183, %dma_wait3A_1184] : memref<5x40x128xf32, #tpu.memory_space<vmem>> -> memref<1x40x128xf32, #tpu.memory_space<vmem>>
        %dma_wait3A_1186 = tpu.memref_squeeze %dma_wait3A_1185 : memref<1x40x128xf32, #tpu.memory_space<vmem>> -> memref<40x128xf32, #tpu.memory_space<vmem>>
        %dma_wait3A_1187 = arith.constant 0 : i32
        %dma_wait3A_1188 = tpu.memref_slice %arg7[%dma_wait3A_1182, %dma_wait3A_1187] : memref<5x40xi32, #tpu.memory_space<vmem>> -> memref<1x40xi32, #tpu.memory_space<vmem>>
        %dma_wait3A_1189 = tpu.memref_squeeze %dma_wait3A_1188 : memref<1x40xi32, #tpu.memory_space<vmem>> -> memref<40xi32, #tpu.memory_space<vmem>>
        %dma_wait3A_1190 = arith.constant 0 : i32
        %dma_wait3A_1191 = arith.constant 0 : i32
        %dma_wait3A_1192 = tpu.memref_slice %arg9[%dma_wait3A_1190, %dma_wait3A_1191] : memref<10000x128xf32, #tpu.memory_space<vmem_shared>> -> memref<10000x128xf32, #tpu.memory_space<vmem_shared>>
        tpu.wait_indirect_dma semaphore(%arg25 : memref<!tpu.dma_semaphore, #tpu.memory_space<semaphore_mem>>) src(%dma_wait3A_1186 : memref<40x128xf32, #tpu.memory_space<vmem>>) dst(%dma_wait3A_1192 : memref<10000x128xf32, #tpu.memory_space<vmem_shared>>)
      } else {
      }
      %dma_start3A_440 = arith.constant 0 : i32
      %dma_start3A_441 = arith.constant 0 : i32
      %dma_start3A_442 = arith.constant 0 : i32
      %dma_start3A_443 = arith.constant 0 : i32
      %dma_start3A_444 = tpu.memref_slice %arg8[%dma_start3A_440, %dma_start3A_442, %dma_start3A_443] : memref<5x40x128xf32, #tpu.memory_space<vmem>> -> memref<1x40x128xf32, #tpu.memory_space<vmem>>
      %dma_start3A_445 = tpu.memref_squeeze %dma_start3A_444 : memref<1x40x128xf32, #tpu.memory_space<vmem>> -> memref<40x128xf32, #tpu.memory_space<vmem>>
      %dma_start3A_446 = arith.constant 0 : i32
      %dma_start3A_447 = tpu.memref_slice %arg7[%dma_start3A_441, %dma_start3A_446] : memref<5x40xi32, #tpu.memory_space<vmem>> -> memref<1x40xi32, #tpu.memory_space<vmem>>
      %dma_start3A_448 = tpu.memref_squeeze %dma_start3A_447 : memref<1x40xi32, #tpu.memory_space<vmem>> -> memref<40xi32, #tpu.memory_space<vmem>>
      %dma_start3A_449 = arith.constant 0 : i32
      %dma_start3A_450 = arith.constant 0 : i32
      %dma_start3A_451 = tpu.memref_slice %arg9[%dma_start3A_449, %dma_start3A_450] : memref<10000x128xf32, #tpu.memory_space<vmem_shared>> -> memref<10000x128xf32, #tpu.memory_space<vmem_shared>>
      tpu.enqueue_indirect_dma source(%dma_start3A_445 : memref<40x128xf32, #tpu.memory_space<vmem>>) target(%dma_start3A_451 : memref<10000x128xf32, #tpu.memory_space<vmem_shared>>) offsets(%dma_start3A_448 : memref<40xi32, #tpu.memory_space<vmem>>) semaphore(%arg25 : memref<!tpu.dma_semaphore, #tpu.memory_space<semaphore_mem>>) {add = true}
      %gt3A_452 = arith.constant 0 : i32
      %gt3A_453 = arith.cmpi sgt, %add3A_408, %gt3A_452 : i32
      %convert_element_type3A_454 = arith.extui %gt3A_453 : i1 to i32
      %cond3A_455 = arith.constant 0 : i32
      %cond3A_456 = arith.cmpi ne, %convert_element_type3A_454, %cond3A_455 : i32
      scf.if %cond3A_456 {
        %add3A_1181 = arith.constant 5 : i32
        %add3A_1182 = arith.addi %add3A_412, %add3A_1181 : i32
        %sub3A_1183 = arith.constant 1 : i32
        %sub3A_1184 = arith.subi %add3A_1182, %sub3A_1183 : i32
        %mul3A_1185 = arith.constant 40 : i32
        %mul3A_1186 = arith.muli %sub3A_1184, %mul3A_1185 : i32
        %add3A_1187 = arith.addi %mul3A_2, %mul3A_1186 : i32
        %dma_start3A_1188 = arith.constant 4 : i32
        %dma_start3A_1189 = arith.constant 0 : i32
        %dma_start3A_1190 = tpu.memref_slice %arg7[%dma_start3A_1188, %dma_start3A_1189] : memref<5x40xi32, #tpu.memory_space<vmem>> -> memref<1x40xi32, #tpu.memory_space<vmem>>
        %dma_start3A_1191 = tpu.memref_squeeze %dma_start3A_1190 : memref<1x40xi32, #tpu.memory_space<vmem>> -> memref<40xi32, #tpu.memory_space<vmem>>
        %dma_start3A_1192 = tpu.memref_slice %arg4[%add3A_1187] : memref<320000xi32, #tpu.memory_space<hbm>> -> memref<40xi32, #tpu.memory_space<hbm>>
        %dma_start3A_1193 = arith.constant 0 : i32
        %dma_start3A_1194 = tpu.memref_slice %arg7[%dma_start3A_1188, %dma_start3A_1193] : memref<5x40xi32, #tpu.memory_space<vmem>> -> memref<1x40xi32, #tpu.memory_space<vmem>>
        %dma_start3A_1195 = tpu.memref_squeeze %dma_start3A_1194 : memref<1x40xi32, #tpu.memory_space<vmem>> -> memref<40xi32, #tpu.memory_space<vmem>>
        %dma_start3A_1196 = tpu.memref_slice %arg4[%add3A_1187] : memref<320000xi32, #tpu.memory_space<hbm>> -> memref<40xi32, #tpu.memory_space<hbm>>
        tpu.enqueue_dma source(%dma_start3A_1196 : memref<40xi32, #tpu.memory_space<hbm>>) target(%dma_start3A_1195 : memref<40xi32, #tpu.memory_space<vmem>>) target_semaphore(%arg14 : memref<!tpu.dma_semaphore, #tpu.memory_space<semaphore_mem>>)
        %dma_wait3A_1197 = arith.constant 4 : i32
        %dma_wait3A_1198 = arith.constant 0 : i32
        %dma_wait3A_1199 = tpu.memref_slice %arg6[%dma_wait3A_1197, %dma_wait3A_1198] : memref<10x40xi32, #tpu.memory_space<vmem>> -> memref<1x40xi32, #tpu.memory_space<vmem>>
        %dma_wait3A_1200 = tpu.memref_squeeze %dma_wait3A_1199 : memref<1x40xi32, #tpu.memory_space<vmem>> -> memref<40xi32, #tpu.memory_space<vmem>>
        %dma_wait3A_1201 = arith.constant 0 : i32
        %dma_wait3A_1202 = tpu.memref_slice %arg3[%dma_wait3A_1201] : memref<320000xi32, #tpu.memory_space<hbm>> -> memref<40xi32, #tpu.memory_space<hbm>>
        %dma_wait3A_1203 = arith.constant 0 : i32
        %dma_wait3A_1204 = tpu.memref_slice %arg6[%dma_wait3A_1197, %dma_wait3A_1203] : memref<10x40xi32, #tpu.memory_space<vmem>> -> memref<1x40xi32, #tpu.memory_space<vmem>>
        %dma_wait3A_1205 = tpu.memref_squeeze %dma_wait3A_1204 : memref<1x40xi32, #tpu.memory_space<vmem>> -> memref<40xi32, #tpu.memory_space<vmem>>
        %dma_wait3A_1206 = arith.constant 0 : i32
        %dma_wait3A_1207 = tpu.memref_slice %arg3[%dma_wait3A_1206] : memref<320000xi32, #tpu.memory_space<hbm>> -> memref<40xi32, #tpu.memory_space<hbm>>
        tpu.wait_dma2 semaphore(%arg19 : memref<!tpu.dma_semaphore, #tpu.memory_space<semaphore_mem>>) src(%dma_wait3A_1207 : memref<40xi32, #tpu.memory_space<hbm>>) dst(%dma_wait3A_1205 : memref<40xi32, #tpu.memory_space<vmem>>)
        %dma_start3A_1208 = arith.constant 4 : i32
        %dma_start3A_1209 = arith.constant 4 : i32
        %dma_start3A_1210 = arith.constant 0 : i32
        %dma_start3A_1211 = arith.constant 0 : i32
        %dma_start3A_1212 = tpu.memref_slice %arg8[%dma_start3A_1209, %dma_start3A_1210, %dma_start3A_1211] : memref<5x40x128xf32, #tpu.memory_space<vmem>> -> memref<1x40x128xf32, #tpu.memory_space<vmem>>
        %dma_start3A_1213 = tpu.memref_squeeze %dma_start3A_1212 : memref<1x40x128xf32, #tpu.memory_space<vmem>> -> memref<40x128xf32, #tpu.memory_space<vmem>>
        %dma_start3A_1214 = arith.constant 0 : i32
        %dma_start3A_1215 = tpu.memref_slice %arg6[%dma_start3A_1208, %dma_start3A_1214] : memref<10x40xi32, #tpu.memory_space<vmem>> -> memref<1x40xi32, #tpu.memory_space<vmem>>
        %dma_start3A_1216 = tpu.memref_squeeze %dma_start3A_1215 : memref<1x40xi32, #tpu.memory_space<vmem>> -> memref<40xi32, #tpu.memory_space<vmem>>
        %dma_start3A_1217 = arith.constant 0 : i32
        %dma_start3A_1218 = arith.constant 0 : i32
        %dma_start3A_1219 = tpu.memref_slice %arg2[%dma_start3A_1217, %dma_start3A_1218] : memref<10000x128xf32, #tpu.memory_space<hbm>> -> memref<10000x128xf32, #tpu.memory_space<hbm>>
        tpu.enqueue_indirect_dma source(%dma_start3A_1219 : memref<10000x128xf32, #tpu.memory_space<hbm>>) target(%dma_start3A_1213 : memref<40x128xf32, #tpu.memory_space<vmem>>) offsets(%dma_start3A_1216 : memref<40xi32, #tpu.memory_space<vmem>>) semaphore(%arg14 : memref<!tpu.dma_semaphore, #tpu.memory_space<semaphore_mem>>)
      } else {
      }
      %gt3A_457 = arith.constant 0 : i32
      %gt3A_458 = arith.cmpi sgt, %add3A_408, %gt3A_457 : i32
      %convert_element_type3A_459 = arith.extui %gt3A_458 : i1 to i32
      %cond3A_460 = arith.constant 0 : i32
      %cond3A_461 = arith.cmpi ne, %convert_element_type3A_459, %cond3A_460 : i32
      scf.if %cond3A_461 {
        %add3A_1181 = arith.constant 10 : i32
        %add3A_1182 = arith.addi %add3A_412, %add3A_1181 : i32
        %sub3A_1183 = arith.constant 1 : i32
        %sub3A_1184 = arith.subi %add3A_1182, %sub3A_1183 : i32
        %mul3A_1185 = arith.constant 40 : i32
        %mul3A_1186 = arith.muli %sub3A_1184, %mul3A_1185 : i32
        %add3A_1187 = arith.addi %mul3A_2, %mul3A_1186 : i32
        %dma_start3A_1188 = arith.constant 9 : i32
        %dma_start3A_1189 = arith.constant 0 : i32
        %dma_start3A_1190 = tpu.memref_slice %arg6[%dma_start3A_1188, %dma_start3A_1189] : memref<10x40xi32, #tpu.memory_space<vmem>> -> memref<1x40xi32, #tpu.memory_space<vmem>>
        %dma_start3A_1191 = tpu.memref_squeeze %dma_start3A_1190 : memref<1x40xi32, #tpu.memory_space<vmem>> -> memref<40xi32, #tpu.memory_space<vmem>>
        %dma_start3A_1192 = tpu.memref_slice %arg3[%add3A_1187] : memref<320000xi32, #tpu.memory_space<hbm>> -> memref<40xi32, #tpu.memory_space<hbm>>
        %dma_start3A_1193 = arith.constant 0 : i32
        %dma_start3A_1194 = tpu.memref_slice %arg6[%dma_start3A_1188, %dma_start3A_1193] : memref<10x40xi32, #tpu.memory_space<vmem>> -> memref<1x40xi32, #tpu.memory_space<vmem>>
        %dma_start3A_1195 = tpu.memref_squeeze %dma_start3A_1194 : memref<1x40xi32, #tpu.memory_space<vmem>> -> memref<40xi32, #tpu.memory_space<vmem>>
        %dma_start3A_1196 = tpu.memref_slice %arg3[%add3A_1187] : memref<320000xi32, #tpu.memory_space<hbm>> -> memref<40xi32, #tpu.memory_space<hbm>>
        tpu.enqueue_dma source(%dma_start3A_1196 : memref<40xi32, #tpu.memory_space<hbm>>) target(%dma_start3A_1195 : memref<40xi32, #tpu.memory_space<vmem>>) target_semaphore(%arg24 : memref<!tpu.dma_semaphore, #tpu.memory_space<semaphore_mem>>)
      } else {
      }
      %mul3A_462 = arith.constant 10 : i32
      %mul3A_463 = arith.muli %add3A_408, %mul3A_462 : i32
      %add3A_464 = arith.constant 1 : i32
      %add3A_465 = arith.addi %mul3A_463, %add3A_464 : i32
      %dma_wait3A_466 = arith.constant 0 : i32
      %dma_wait3A_467 = arith.constant 1 : i32
      %dma_wait3A_468 = arith.constant 0 : i32
      %dma_wait3A_469 = arith.constant 0 : i32
      %dma_wait3A_470 = tpu.memref_slice %arg8[%dma_wait3A_467, %dma_wait3A_468, %dma_wait3A_469] : memref<5x40x128xf32, #tpu.memory_space<vmem>> -> memref<1x40x128xf32, #tpu.memory_space<vmem>>
      %dma_wait3A_471 = tpu.memref_squeeze %dma_wait3A_470 : memref<1x40x128xf32, #tpu.memory_space<vmem>> -> memref<40x128xf32, #tpu.memory_space<vmem>>
      %dma_wait3A_472 = arith.constant 0 : i32
      %dma_wait3A_473 = tpu.memref_slice %arg6[%dma_wait3A_466, %dma_wait3A_472] : memref<10x40xi32, #tpu.memory_space<vmem>> -> memref<1x40xi32, #tpu.memory_space<vmem>>
      %dma_wait3A_474 = tpu.memref_squeeze %dma_wait3A_473 : memref<1x40xi32, #tpu.memory_space<vmem>> -> memref<40xi32, #tpu.memory_space<vmem>>
      %dma_wait3A_475 = arith.constant 0 : i32
      %dma_wait3A_476 = arith.constant 0 : i32
      %dma_wait3A_477 = tpu.memref_slice %arg2[%dma_wait3A_475, %dma_wait3A_476] : memref<10000x128xf32, #tpu.memory_space<hbm>> -> memref<10000x128xf32, #tpu.memory_space<hbm>>
      tpu.wait_indirect_dma semaphore(%arg11 : memref<!tpu.dma_semaphore, #tpu.memory_space<semaphore_mem>>) src(%dma_wait3A_477 : memref<10000x128xf32, #tpu.memory_space<hbm>>) dst(%dma_wait3A_471 : memref<40x128xf32, #tpu.memory_space<vmem>>)
      %dma_wait3A_478 = arith.constant 1 : i32
      %dma_wait3A_479 = arith.constant 0 : i32
      %dma_wait3A_480 = tpu.memref_slice %arg7[%dma_wait3A_478, %dma_wait3A_479] : memref<5x40xi32, #tpu.memory_space<vmem>> -> memref<1x40xi32, #tpu.memory_space<vmem>>
      %dma_wait3A_481 = tpu.memref_squeeze %dma_wait3A_480 : memref<1x40xi32, #tpu.memory_space<vmem>> -> memref<40xi32, #tpu.memory_space<vmem>>
      %dma_wait3A_482 = arith.constant 0 : i32
      %dma_wait3A_483 = tpu.memref_slice %arg4[%dma_wait3A_482] : memref<320000xi32, #tpu.memory_space<hbm>> -> memref<40xi32, #tpu.memory_space<hbm>>
      %dma_wait3A_484 = arith.constant 0 : i32
      %dma_wait3A_485 = tpu.memref_slice %arg7[%dma_wait3A_478, %dma_wait3A_484] : memref<5x40xi32, #tpu.memory_space<vmem>> -> memref<1x40xi32, #tpu.memory_space<vmem>>
      %dma_wait3A_486 = tpu.memref_squeeze %dma_wait3A_485 : memref<1x40xi32, #tpu.memory_space<vmem>> -> memref<40xi32, #tpu.memory_space<vmem>>
      %dma_wait3A_487 = arith.constant 0 : i32
      %dma_wait3A_488 = tpu.memref_slice %arg4[%dma_wait3A_487] : memref<320000xi32, #tpu.memory_space<hbm>> -> memref<40xi32, #tpu.memory_space<hbm>>
      tpu.wait_dma2 semaphore(%arg11 : memref<!tpu.dma_semaphore, #tpu.memory_space<semaphore_mem>>) src(%dma_wait3A_488 : memref<40xi32, #tpu.memory_space<hbm>>) dst(%dma_wait3A_486 : memref<40xi32, #tpu.memory_space<vmem>>)
      %dma_wait3A_489 = arith.constant 0 : i32
      %dma_wait3A_490 = arith.constant 0 : i32
      %dma_wait3A_491 = arith.constant 0 : i32
      %dma_wait3A_492 = arith.constant 0 : i32
      %dma_wait3A_493 = tpu.memref_slice %arg8[%dma_wait3A_489, %dma_wait3A_491, %dma_wait3A_492] : memref<5x40x128xf32, #tpu.memory_space<vmem>> -> memref<1x40x128xf32, #tpu.memory_space<vmem>>
      %dma_wait3A_494 = tpu.memref_squeeze %dma_wait3A_493 : memref<1x40x128xf32, #tpu.memory_space<vmem>> -> memref<40x128xf32, #tpu.memory_space<vmem>>
      %dma_wait3A_495 = arith.constant 0 : i32
      %dma_wait3A_496 = tpu.memref_slice %arg7[%dma_wait3A_490, %dma_wait3A_495] : memref<5x40xi32, #tpu.memory_space<vmem>> -> memref<1x40xi32, #tpu.memory_space<vmem>>
      %dma_wait3A_497 = tpu.memref_squeeze %dma_wait3A_496 : memref<1x40xi32, #tpu.memory_space<vmem>> -> memref<40xi32, #tpu.memory_space<vmem>>
      %dma_wait3A_498 = arith.constant 0 : i32
      %dma_wait3A_499 = arith.constant 0 : i32
      %dma_wait3A_500 = tpu.memref_slice %arg9[%dma_wait3A_498, %dma_wait3A_499] : memref<10000x128xf32, #tpu.memory_space<vmem_shared>> -> memref<10000x128xf32, #tpu.memory_space<vmem_shared>>
      tpu.wait_indirect_dma semaphore(%arg25 : memref<!tpu.dma_semaphore, #tpu.memory_space<semaphore_mem>>) src(%dma_wait3A_494 : memref<40x128xf32, #tpu.memory_space<vmem>>) dst(%dma_wait3A_500 : memref<10000x128xf32, #tpu.memory_space<vmem_shared>>)
      %dma_start3A_501 = arith.constant 1 : i32
      %dma_start3A_502 = arith.constant 1 : i32
      %dma_start3A_503 = arith.constant 0 : i32
      %dma_start3A_504 = arith.constant 0 : i32
      %dma_start3A_505 = tpu.memref_slice %arg8[%dma_start3A_501, %dma_start3A_503, %dma_start3A_504] : memref<5x40x128xf32, #tpu.memory_space<vmem>> -> memref<1x40x128xf32, #tpu.memory_space<vmem>>
      %dma_start3A_506 = tpu.memref_squeeze %dma_start3A_505 : memref<1x40x128xf32, #tpu.memory_space<vmem>> -> memref<40x128xf32, #tpu.memory_space<vmem>>
      %dma_start3A_507 = arith.constant 0 : i32
      %dma_start3A_508 = tpu.memref_slice %arg7[%dma_start3A_502, %dma_start3A_507] : memref<5x40xi32, #tpu.memory_space<vmem>> -> memref<1x40xi32, #tpu.memory_space<vmem>>
      %dma_start3A_509 = tpu.memref_squeeze %dma_start3A_508 : memref<1x40xi32, #tpu.memory_space<vmem>> -> memref<40xi32, #tpu.memory_space<vmem>>
      %dma_start3A_510 = arith.constant 0 : i32
      %dma_start3A_511 = arith.constant 0 : i32
      %dma_start3A_512 = tpu.memref_slice %arg9[%dma_start3A_510, %dma_start3A_511] : memref<10000x128xf32, #tpu.memory_space<vmem_shared>> -> memref<10000x128xf32, #tpu.memory_space<vmem_shared>>
      tpu.enqueue_indirect_dma source(%dma_start3A_506 : memref<40x128xf32, #tpu.memory_space<vmem>>) target(%dma_start3A_512 : memref<10000x128xf32, #tpu.memory_space<vmem_shared>>) offsets(%dma_start3A_509 : memref<40xi32, #tpu.memory_space<vmem>>) semaphore(%arg25 : memref<!tpu.dma_semaphore, #tpu.memory_space<semaphore_mem>>) {add = true}
      %add3A_513 = arith.constant 5 : i32
      %add3A_514 = arith.addi %add3A_465, %add3A_513 : i32
      %sub3A_515 = arith.constant 1 : i32
      %sub3A_516 = arith.subi %add3A_514, %sub3A_515 : i32
      %mul3A_517 = arith.constant 40 : i32
      %mul3A_518 = arith.muli %sub3A_516, %mul3A_517 : i32
      %add3A_519 = arith.addi %mul3A_2, %mul3A_518 : i32
      %dma_start3A_520 = arith.constant 0 : i32
      %dma_start3A_521 = arith.constant 0 : i32
      %dma_start3A_522 = tpu.memref_slice %arg7[%dma_start3A_520, %dma_start3A_521] : memref<5x40xi32, #tpu.memory_space<vmem>> -> memref<1x40xi32, #tpu.memory_space<vmem>>
      %dma_start3A_523 = tpu.memref_squeeze %dma_start3A_522 : memref<1x40xi32, #tpu.memory_space<vmem>> -> memref<40xi32, #tpu.memory_space<vmem>>
      %dma_start3A_524 = tpu.memref_slice %arg4[%add3A_519] : memref<320000xi32, #tpu.memory_space<hbm>> -> memref<40xi32, #tpu.memory_space<hbm>>
      %dma_start3A_525 = arith.constant 0 : i32
      %dma_start3A_526 = tpu.memref_slice %arg7[%dma_start3A_520, %dma_start3A_525] : memref<5x40xi32, #tpu.memory_space<vmem>> -> memref<1x40xi32, #tpu.memory_space<vmem>>
      %dma_start3A_527 = tpu.memref_squeeze %dma_start3A_526 : memref<1x40xi32, #tpu.memory_space<vmem>> -> memref<40xi32, #tpu.memory_space<vmem>>
      %dma_start3A_528 = tpu.memref_slice %arg4[%add3A_519] : memref<320000xi32, #tpu.memory_space<hbm>> -> memref<40xi32, #tpu.memory_space<hbm>>
      tpu.enqueue_dma source(%dma_start3A_528 : memref<40xi32, #tpu.memory_space<hbm>>) target(%dma_start3A_527 : memref<40xi32, #tpu.memory_space<vmem>>) target_semaphore(%arg10 : memref<!tpu.dma_semaphore, #tpu.memory_space<semaphore_mem>>)
      %dma_wait3A_529 = arith.constant 5 : i32
      %dma_wait3A_530 = arith.constant 0 : i32
      %dma_wait3A_531 = tpu.memref_slice %arg6[%dma_wait3A_529, %dma_wait3A_530] : memref<10x40xi32, #tpu.memory_space<vmem>> -> memref<1x40xi32, #tpu.memory_space<vmem>>
      %dma_wait3A_532 = tpu.memref_squeeze %dma_wait3A_531 : memref<1x40xi32, #tpu.memory_space<vmem>> -> memref<40xi32, #tpu.memory_space<vmem>>
      %dma_wait3A_533 = arith.constant 0 : i32
      %dma_wait3A_534 = tpu.memref_slice %arg3[%dma_wait3A_533] : memref<320000xi32, #tpu.memory_space<hbm>> -> memref<40xi32, #tpu.memory_space<hbm>>
      %dma_wait3A_535 = arith.constant 0 : i32
      %dma_wait3A_536 = tpu.memref_slice %arg6[%dma_wait3A_529, %dma_wait3A_535] : memref<10x40xi32, #tpu.memory_space<vmem>> -> memref<1x40xi32, #tpu.memory_space<vmem>>
      %dma_wait3A_537 = tpu.memref_squeeze %dma_wait3A_536 : memref<1x40xi32, #tpu.memory_space<vmem>> -> memref<40xi32, #tpu.memory_space<vmem>>
      %dma_wait3A_538 = arith.constant 0 : i32
      %dma_wait3A_539 = tpu.memref_slice %arg3[%dma_wait3A_538] : memref<320000xi32, #tpu.memory_space<hbm>> -> memref<40xi32, #tpu.memory_space<hbm>>
      tpu.wait_dma2 semaphore(%arg20 : memref<!tpu.dma_semaphore, #tpu.memory_space<semaphore_mem>>) src(%dma_wait3A_539 : memref<40xi32, #tpu.memory_space<hbm>>) dst(%dma_wait3A_537 : memref<40xi32, #tpu.memory_space<vmem>>)
      %dma_start3A_540 = arith.constant 5 : i32
      %dma_start3A_541 = arith.constant 0 : i32
      %dma_start3A_542 = arith.constant 0 : i32
      %dma_start3A_543 = arith.constant 0 : i32
      %dma_start3A_544 = tpu.memref_slice %arg8[%dma_start3A_541, %dma_start3A_542, %dma_start3A_543] : memref<5x40x128xf32, #tpu.memory_space<vmem>> -> memref<1x40x128xf32, #tpu.memory_space<vmem>>
      %dma_start3A_545 = tpu.memref_squeeze %dma_start3A_544 : memref<1x40x128xf32, #tpu.memory_space<vmem>> -> memref<40x128xf32, #tpu.memory_space<vmem>>
      %dma_start3A_546 = arith.constant 0 : i32
      %dma_start3A_547 = tpu.memref_slice %arg6[%dma_start3A_540, %dma_start3A_546] : memref<10x40xi32, #tpu.memory_space<vmem>> -> memref<1x40xi32, #tpu.memory_space<vmem>>
      %dma_start3A_548 = tpu.memref_squeeze %dma_start3A_547 : memref<1x40xi32, #tpu.memory_space<vmem>> -> memref<40xi32, #tpu.memory_space<vmem>>
      %dma_start3A_549 = arith.constant 0 : i32
      %dma_start3A_550 = arith.constant 0 : i32
      %dma_start3A_551 = tpu.memref_slice %arg2[%dma_start3A_549, %dma_start3A_550] : memref<10000x128xf32, #tpu.memory_space<hbm>> -> memref<10000x128xf32, #tpu.memory_space<hbm>>
      tpu.enqueue_indirect_dma source(%dma_start3A_551 : memref<10000x128xf32, #tpu.memory_space<hbm>>) target(%dma_start3A_545 : memref<40x128xf32, #tpu.memory_space<vmem>>) offsets(%dma_start3A_548 : memref<40xi32, #tpu.memory_space<vmem>>) semaphore(%arg10 : memref<!tpu.dma_semaphore, #tpu.memory_space<semaphore_mem>>)
      %lt3A_552 = arith.constant 24 : i32
      %lt3A_553 = arith.cmpi slt, %add3A_408, %lt3A_552 : i32
      %convert_element_type3A_554 = arith.extui %lt3A_553 : i1 to i32
      %cond3A_555 = arith.constant 0 : i32
      %cond3A_556 = arith.cmpi ne, %convert_element_type3A_554, %cond3A_555 : i32
      scf.if %cond3A_556 {
        %add3A_1181 = arith.constant 10 : i32
        %add3A_1182 = arith.addi %add3A_465, %add3A_1181 : i32
        %sub3A_1183 = arith.constant 1 : i32
        %sub3A_1184 = arith.subi %add3A_1182, %sub3A_1183 : i32
        %mul3A_1185 = arith.constant 40 : i32
        %mul3A_1186 = arith.muli %sub3A_1184, %mul3A_1185 : i32
        %add3A_1187 = arith.addi %mul3A_2, %mul3A_1186 : i32
        %dma_start3A_1188 = arith.constant 0 : i32
        %dma_start3A_1189 = arith.constant 0 : i32
        %dma_start3A_1190 = tpu.memref_slice %arg6[%dma_start3A_1188, %dma_start3A_1189] : memref<10x40xi32, #tpu.memory_space<vmem>> -> memref<1x40xi32, #tpu.memory_space<vmem>>
        %dma_start3A_1191 = tpu.memref_squeeze %dma_start3A_1190 : memref<1x40xi32, #tpu.memory_space<vmem>> -> memref<40xi32, #tpu.memory_space<vmem>>
        %dma_start3A_1192 = tpu.memref_slice %arg3[%add3A_1187] : memref<320000xi32, #tpu.memory_space<hbm>> -> memref<40xi32, #tpu.memory_space<hbm>>
        %dma_start3A_1193 = arith.constant 0 : i32
        %dma_start3A_1194 = tpu.memref_slice %arg6[%dma_start3A_1188, %dma_start3A_1193] : memref<10x40xi32, #tpu.memory_space<vmem>> -> memref<1x40xi32, #tpu.memory_space<vmem>>
        %dma_start3A_1195 = tpu.memref_squeeze %dma_start3A_1194 : memref<1x40xi32, #tpu.memory_space<vmem>> -> memref<40xi32, #tpu.memory_space<vmem>>
        %dma_start3A_1196 = tpu.memref_slice %arg3[%add3A_1187] : memref<320000xi32, #tpu.memory_space<hbm>> -> memref<40xi32, #tpu.memory_space<hbm>>
        tpu.enqueue_dma source(%dma_start3A_1196 : memref<40xi32, #tpu.memory_space<hbm>>) target(%dma_start3A_1195 : memref<40xi32, #tpu.memory_space<vmem>>) target_semaphore(%arg15 : memref<!tpu.dma_semaphore, #tpu.memory_space<semaphore_mem>>)
      } else {
      }
      %mul3A_557 = arith.constant 10 : i32
      %mul3A_558 = arith.muli %add3A_408, %mul3A_557 : i32
      %add3A_559 = arith.constant 2 : i32
      %add3A_560 = arith.addi %mul3A_558, %add3A_559 : i32
      %dma_wait3A_561 = arith.constant 0 : i32
      %dma_wait3A_562 = arith.constant 2 : i32
      %dma_wait3A_563 = arith.constant 0 : i32
      %dma_wait3A_564 = arith.constant 0 : i32
      %dma_wait3A_565 = tpu.memref_slice %arg8[%dma_wait3A_562, %dma_wait3A_563, %dma_wait3A_564] : memref<5x40x128xf32, #tpu.memory_space<vmem>> -> memref<1x40x128xf32, #tpu.memory_space<vmem>>
      %dma_wait3A_566 = tpu.memref_squeeze %dma_wait3A_565 : memref<1x40x128xf32, #tpu.memory_space<vmem>> -> memref<40x128xf32, #tpu.memory_space<vmem>>
      %dma_wait3A_567 = arith.constant 0 : i32
      %dma_wait3A_568 = tpu.memref_slice %arg6[%dma_wait3A_561, %dma_wait3A_567] : memref<10x40xi32, #tpu.memory_space<vmem>> -> memref<1x40xi32, #tpu.memory_space<vmem>>
      %dma_wait3A_569 = tpu.memref_squeeze %dma_wait3A_568 : memref<1x40xi32, #tpu.memory_space<vmem>> -> memref<40xi32, #tpu.memory_space<vmem>>
      %dma_wait3A_570 = arith.constant 0 : i32
      %dma_wait3A_571 = arith.constant 0 : i32
      %dma_wait3A_572 = tpu.memref_slice %arg2[%dma_wait3A_570, %dma_wait3A_571] : memref<10000x128xf32, #tpu.memory_space<hbm>> -> memref<10000x128xf32, #tpu.memory_space<hbm>>
      tpu.wait_indirect_dma semaphore(%arg12 : memref<!tpu.dma_semaphore, #tpu.memory_space<semaphore_mem>>) src(%dma_wait3A_572 : memref<10000x128xf32, #tpu.memory_space<hbm>>) dst(%dma_wait3A_566 : memref<40x128xf32, #tpu.memory_space<vmem>>)
      %dma_wait3A_573 = arith.constant 2 : i32
      %dma_wait3A_574 = arith.constant 0 : i32
      %dma_wait3A_575 = tpu.memref_slice %arg7[%dma_wait3A_573, %dma_wait3A_574] : memref<5x40xi32, #tpu.memory_space<vmem>> -> memref<1x40xi32, #tpu.memory_space<vmem>>
      %dma_wait3A_576 = tpu.memref_squeeze %dma_wait3A_575 : memref<1x40xi32, #tpu.memory_space<vmem>> -> memref<40xi32, #tpu.memory_space<vmem>>
      %dma_wait3A_577 = arith.constant 0 : i32
      %dma_wait3A_578 = tpu.memref_slice %arg4[%dma_wait3A_577] : memref<320000xi32, #tpu.memory_space<hbm>> -> memref<40xi32, #tpu.memory_space<hbm>>
      %dma_wait3A_579 = arith.constant 0 : i32
      %dma_wait3A_580 = tpu.memref_slice %arg7[%dma_wait3A_573, %dma_wait3A_579] : memref<5x40xi32, #tpu.memory_space<vmem>> -> memref<1x40xi32, #tpu.memory_space<vmem>>
      %dma_wait3A_581 = tpu.memref_squeeze %dma_wait3A_580 : memref<1x40xi32, #tpu.memory_space<vmem>> -> memref<40xi32, #tpu.memory_space<vmem>>
      %dma_wait3A_582 = arith.constant 0 : i32
      %dma_wait3A_583 = tpu.memref_slice %arg4[%dma_wait3A_582] : memref<320000xi32, #tpu.memory_space<hbm>> -> memref<40xi32, #tpu.memory_space<hbm>>
      tpu.wait_dma2 semaphore(%arg12 : memref<!tpu.dma_semaphore, #tpu.memory_space<semaphore_mem>>) src(%dma_wait3A_583 : memref<40xi32, #tpu.memory_space<hbm>>) dst(%dma_wait3A_581 : memref<40xi32, #tpu.memory_space<vmem>>)
      %dma_wait3A_584 = arith.constant 1 : i32
      %dma_wait3A_585 = arith.constant 1 : i32
      %dma_wait3A_586 = arith.constant 0 : i32
      %dma_wait3A_587 = arith.constant 0 : i32
      %dma_wait3A_588 = tpu.memref_slice %arg8[%dma_wait3A_584, %dma_wait3A_586, %dma_wait3A_587] : memref<5x40x128xf32, #tpu.memory_space<vmem>> -> memref<1x40x128xf32, #tpu.memory_space<vmem>>
      %dma_wait3A_589 = tpu.memref_squeeze %dma_wait3A_588 : memref<1x40x128xf32, #tpu.memory_space<vmem>> -> memref<40x128xf32, #tpu.memory_space<vmem>>
      %dma_wait3A_590 = arith.constant 0 : i32
      %dma_wait3A_591 = tpu.memref_slice %arg7[%dma_wait3A_585, %dma_wait3A_590] : memref<5x40xi32, #tpu.memory_space<vmem>> -> memref<1x40xi32, #tpu.memory_space<vmem>>
      %dma_wait3A_592 = tpu.memref_squeeze %dma_wait3A_591 : memref<1x40xi32, #tpu.memory_space<vmem>> -> memref<40xi32, #tpu.memory_space<vmem>>
      %dma_wait3A_593 = arith.constant 0 : i32
      %dma_wait3A_594 = arith.constant 0 : i32
      %dma_wait3A_595 = tpu.memref_slice %arg9[%dma_wait3A_593, %dma_wait3A_594] : memref<10000x128xf32, #tpu.memory_space<vmem_shared>> -> memref<10000x128xf32, #tpu.memory_space<vmem_shared>>
      tpu.wait_indirect_dma semaphore(%arg25 : memref<!tpu.dma_semaphore, #tpu.memory_space<semaphore_mem>>) src(%dma_wait3A_589 : memref<40x128xf32, #tpu.memory_space<vmem>>) dst(%dma_wait3A_595 : memref<10000x128xf32, #tpu.memory_space<vmem_shared>>)
      %dma_start3A_596 = arith.constant 2 : i32
      %dma_start3A_597 = arith.constant 2 : i32
      %dma_start3A_598 = arith.constant 0 : i32
      %dma_start3A_599 = arith.constant 0 : i32
      %dma_start3A_600 = tpu.memref_slice %arg8[%dma_start3A_596, %dma_start3A_598, %dma_start3A_599] : memref<5x40x128xf32, #tpu.memory_space<vmem>> -> memref<1x40x128xf32, #tpu.memory_space<vmem>>
      %dma_start3A_601 = tpu.memref_squeeze %dma_start3A_600 : memref<1x40x128xf32, #tpu.memory_space<vmem>> -> memref<40x128xf32, #tpu.memory_space<vmem>>
      %dma_start3A_602 = arith.constant 0 : i32
      %dma_start3A_603 = tpu.memref_slice %arg7[%dma_start3A_597, %dma_start3A_602] : memref<5x40xi32, #tpu.memory_space<vmem>> -> memref<1x40xi32, #tpu.memory_space<vmem>>
      %dma_start3A_604 = tpu.memref_squeeze %dma_start3A_603 : memref<1x40xi32, #tpu.memory_space<vmem>> -> memref<40xi32, #tpu.memory_space<vmem>>
      %dma_start3A_605 = arith.constant 0 : i32
      %dma_start3A_606 = arith.constant 0 : i32
      %dma_start3A_607 = tpu.memref_slice %arg9[%dma_start3A_605, %dma_start3A_606] : memref<10000x128xf32, #tpu.memory_space<vmem_shared>> -> memref<10000x128xf32, #tpu.memory_space<vmem_shared>>
      tpu.enqueue_indirect_dma source(%dma_start3A_601 : memref<40x128xf32, #tpu.memory_space<vmem>>) target(%dma_start3A_607 : memref<10000x128xf32, #tpu.memory_space<vmem_shared>>) offsets(%dma_start3A_604 : memref<40xi32, #tpu.memory_space<vmem>>) semaphore(%arg25 : memref<!tpu.dma_semaphore, #tpu.memory_space<semaphore_mem>>) {add = true}
      %add3A_608 = arith.constant 5 : i32
      %add3A_609 = arith.addi %add3A_560, %add3A_608 : i32
      %sub3A_610 = arith.constant 1 : i32
      %sub3A_611 = arith.subi %add3A_609, %sub3A_610 : i32
      %mul3A_612 = arith.constant 40 : i32
      %mul3A_613 = arith.muli %sub3A_611, %mul3A_612 : i32
      %add3A_614 = arith.addi %mul3A_2, %mul3A_613 : i32
      %dma_start3A_615 = arith.constant 1 : i32
      %dma_start3A_616 = arith.constant 0 : i32
      %dma_start3A_617 = tpu.memref_slice %arg7[%dma_start3A_615, %dma_start3A_616] : memref<5x40xi32, #tpu.memory_space<vmem>> -> memref<1x40xi32, #tpu.memory_space<vmem>>
      %dma_start3A_618 = tpu.memref_squeeze %dma_start3A_617 : memref<1x40xi32, #tpu.memory_space<vmem>> -> memref<40xi32, #tpu.memory_space<vmem>>
      %dma_start3A_619 = tpu.memref_slice %arg4[%add3A_614] : memref<320000xi32, #tpu.memory_space<hbm>> -> memref<40xi32, #tpu.memory_space<hbm>>
      %dma_start3A_620 = arith.constant 0 : i32
      %dma_start3A_621 = tpu.memref_slice %arg7[%dma_start3A_615, %dma_start3A_620] : memref<5x40xi32, #tpu.memory_space<vmem>> -> memref<1x40xi32, #tpu.memory_space<vmem>>
      %dma_start3A_622 = tpu.memref_squeeze %dma_start3A_621 : memref<1x40xi32, #tpu.memory_space<vmem>> -> memref<40xi32, #tpu.memory_space<vmem>>
      %dma_start3A_623 = tpu.memref_slice %arg4[%add3A_614] : memref<320000xi32, #tpu.memory_space<hbm>> -> memref<40xi32, #tpu.memory_space<hbm>>
      tpu.enqueue_dma source(%dma_start3A_623 : memref<40xi32, #tpu.memory_space<hbm>>) target(%dma_start3A_622 : memref<40xi32, #tpu.memory_space<vmem>>) target_semaphore(%arg11 : memref<!tpu.dma_semaphore, #tpu.memory_space<semaphore_mem>>)
      %dma_wait3A_624 = arith.constant 6 : i32
      %dma_wait3A_625 = arith.constant 0 : i32
      %dma_wait3A_626 = tpu.memref_slice %arg6[%dma_wait3A_624, %dma_wait3A_625] : memref<10x40xi32, #tpu.memory_space<vmem>> -> memref<1x40xi32, #tpu.memory_space<vmem>>
      %dma_wait3A_627 = tpu.memref_squeeze %dma_wait3A_626 : memref<1x40xi32, #tpu.memory_space<vmem>> -> memref<40xi32, #tpu.memory_space<vmem>>
      %dma_wait3A_628 = arith.constant 0 : i32
      %dma_wait3A_629 = tpu.memref_slice %arg3[%dma_wait3A_628] : memref<320000xi32, #tpu.memory_space<hbm>> -> memref<40xi32, #tpu.memory_space<hbm>>
      %dma_wait3A_630 = arith.constant 0 : i32
      %dma_wait3A_631 = tpu.memref_slice %arg6[%dma_wait3A_624, %dma_wait3A_630] : memref<10x40xi32, #tpu.memory_space<vmem>> -> memref<1x40xi32, #tpu.memory_space<vmem>>
      %dma_wait3A_632 = tpu.memref_squeeze %dma_wait3A_631 : memref<1x40xi32, #tpu.memory_space<vmem>> -> memref<40xi32, #tpu.memory_space<vmem>>
      %dma_wait3A_633 = arith.constant 0 : i32
      %dma_wait3A_634 = tpu.memref_slice %arg3[%dma_wait3A_633] : memref<320000xi32, #tpu.memory_space<hbm>> -> memref<40xi32, #tpu.memory_space<hbm>>
      tpu.wait_dma2 semaphore(%arg21 : memref<!tpu.dma_semaphore, #tpu.memory_space<semaphore_mem>>) src(%dma_wait3A_634 : memref<40xi32, #tpu.memory_space<hbm>>) dst(%dma_wait3A_632 : memref<40xi32, #tpu.memory_space<vmem>>)
      %dma_start3A_635 = arith.constant 6 : i32
      %dma_start3A_636 = arith.constant 1 : i32
      %dma_start3A_637 = arith.constant 0 : i32
      %dma_start3A_638 = arith.constant 0 : i32
      %dma_start3A_639 = tpu.memref_slice %arg8[%dma_start3A_636, %dma_start3A_637, %dma_start3A_638] : memref<5x40x128xf32, #tpu.memory_space<vmem>> -> memref<1x40x128xf32, #tpu.memory_space<vmem>>
      %dma_start3A_640 = tpu.memref_squeeze %dma_start3A_639 : memref<1x40x128xf32, #tpu.memory_space<vmem>> -> memref<40x128xf32, #tpu.memory_space<vmem>>
      %dma_start3A_641 = arith.constant 0 : i32
      %dma_start3A_642 = tpu.memref_slice %arg6[%dma_start3A_635, %dma_start3A_641] : memref<10x40xi32, #tpu.memory_space<vmem>> -> memref<1x40xi32, #tpu.memory_space<vmem>>
      %dma_start3A_643 = tpu.memref_squeeze %dma_start3A_642 : memref<1x40xi32, #tpu.memory_space<vmem>> -> memref<40xi32, #tpu.memory_space<vmem>>
      %dma_start3A_644 = arith.constant 0 : i32
      %dma_start3A_645 = arith.constant 0 : i32
      %dma_start3A_646 = tpu.memref_slice %arg2[%dma_start3A_644, %dma_start3A_645] : memref<10000x128xf32, #tpu.memory_space<hbm>> -> memref<10000x128xf32, #tpu.memory_space<hbm>>
      tpu.enqueue_indirect_dma source(%dma_start3A_646 : memref<10000x128xf32, #tpu.memory_space<hbm>>) target(%dma_start3A_640 : memref<40x128xf32, #tpu.memory_space<vmem>>) offsets(%dma_start3A_643 : memref<40xi32, #tpu.memory_space<vmem>>) semaphore(%arg11 : memref<!tpu.dma_semaphore, #tpu.memory_space<semaphore_mem>>)
      %lt3A_647 = arith.constant 24 : i32
      %lt3A_648 = arith.cmpi slt, %add3A_408, %lt3A_647 : i32
      %convert_element_type3A_649 = arith.extui %lt3A_648 : i1 to i32
      %cond3A_650 = arith.constant 0 : i32
      %cond3A_651 = arith.cmpi ne, %convert_element_type3A_649, %cond3A_650 : i32
      scf.if %cond3A_651 {
        %add3A_1181 = arith.constant 10 : i32
        %add3A_1182 = arith.addi %add3A_560, %add3A_1181 : i32
        %sub3A_1183 = arith.constant 1 : i32
        %sub3A_1184 = arith.subi %add3A_1182, %sub3A_1183 : i32
        %mul3A_1185 = arith.constant 40 : i32
        %mul3A_1186 = arith.muli %sub3A_1184, %mul3A_1185 : i32
        %add3A_1187 = arith.addi %mul3A_2, %mul3A_1186 : i32
        %dma_start3A_1188 = arith.constant 1 : i32
        %dma_start3A_1189 = arith.constant 0 : i32
        %dma_start3A_1190 = tpu.memref_slice %arg6[%dma_start3A_1188, %dma_start3A_1189] : memref<10x40xi32, #tpu.memory_space<vmem>> -> memref<1x40xi32, #tpu.memory_space<vmem>>
        %dma_start3A_1191 = tpu.memref_squeeze %dma_start3A_1190 : memref<1x40xi32, #tpu.memory_space<vmem>> -> memref<40xi32, #tpu.memory_space<vmem>>
        %dma_start3A_1192 = tpu.memref_slice %arg3[%add3A_1187] : memref<320000xi32, #tpu.memory_space<hbm>> -> memref<40xi32, #tpu.memory_space<hbm>>
        %dma_start3A_1193 = arith.constant 0 : i32
        %dma_start3A_1194 = tpu.memref_slice %arg6[%dma_start3A_1188, %dma_start3A_1193] : memref<10x40xi32, #tpu.memory_space<vmem>> -> memref<1x40xi32, #tpu.memory_space<vmem>>
        %dma_start3A_1195 = tpu.memref_squeeze %dma_start3A_1194 : memref<1x40xi32, #tpu.memory_space<vmem>> -> memref<40xi32, #tpu.memory_space<vmem>>
        %dma_start3A_1196 = tpu.memref_slice %arg3[%add3A_1187] : memref<320000xi32, #tpu.memory_space<hbm>> -> memref<40xi32, #tpu.memory_space<hbm>>
        tpu.enqueue_dma source(%dma_start3A_1196 : memref<40xi32, #tpu.memory_space<hbm>>) target(%dma_start3A_1195 : memref<40xi32, #tpu.memory_space<vmem>>) target_semaphore(%arg16 : memref<!tpu.dma_semaphore, #tpu.memory_space<semaphore_mem>>)
      } else {
      }
      %mul3A_652 = arith.constant 10 : i32
      %mul3A_653 = arith.muli %add3A_408, %mul3A_652 : i32
      %add3A_654 = arith.constant 3 : i32
      %add3A_655 = arith.addi %mul3A_653, %add3A_654 : i32
      %dma_wait3A_656 = arith.constant 0 : i32
      %dma_wait3A_657 = arith.constant 3 : i32
      %dma_wait3A_658 = arith.constant 0 : i32
      %dma_wait3A_659 = arith.constant 0 : i32
      %dma_wait3A_660 = tpu.memref_slice %arg8[%dma_wait3A_657, %dma_wait3A_658, %dma_wait3A_659] : memref<5x40x128xf32, #tpu.memory_space<vmem>> -> memref<1x40x128xf32, #tpu.memory_space<vmem>>
      %dma_wait3A_661 = tpu.memref_squeeze %dma_wait3A_660 : memref<1x40x128xf32, #tpu.memory_space<vmem>> -> memref<40x128xf32, #tpu.memory_space<vmem>>
      %dma_wait3A_662 = arith.constant 0 : i32
      %dma_wait3A_663 = tpu.memref_slice %arg6[%dma_wait3A_656, %dma_wait3A_662] : memref<10x40xi32, #tpu.memory_space<vmem>> -> memref<1x40xi32, #tpu.memory_space<vmem>>
      %dma_wait3A_664 = tpu.memref_squeeze %dma_wait3A_663 : memref<1x40xi32, #tpu.memory_space<vmem>> -> memref<40xi32, #tpu.memory_space<vmem>>
      %dma_wait3A_665 = arith.constant 0 : i32
      %dma_wait3A_666 = arith.constant 0 : i32
      %dma_wait3A_667 = tpu.memref_slice %arg2[%dma_wait3A_665, %dma_wait3A_666] : memref<10000x128xf32, #tpu.memory_space<hbm>> -> memref<10000x128xf32, #tpu.memory_space<hbm>>
      tpu.wait_indirect_dma semaphore(%arg13 : memref<!tpu.dma_semaphore, #tpu.memory_space<semaphore_mem>>) src(%dma_wait3A_667 : memref<10000x128xf32, #tpu.memory_space<hbm>>) dst(%dma_wait3A_661 : memref<40x128xf32, #tpu.memory_space<vmem>>)
      %dma_wait3A_668 = arith.constant 3 : i32
      %dma_wait3A_669 = arith.constant 0 : i32
      %dma_wait3A_670 = tpu.memref_slice %arg7[%dma_wait3A_668, %dma_wait3A_669] : memref<5x40xi32, #tpu.memory_space<vmem>> -> memref<1x40xi32, #tpu.memory_space<vmem>>
      %dma_wait3A_671 = tpu.memref_squeeze %dma_wait3A_670 : memref<1x40xi32, #tpu.memory_space<vmem>> -> memref<40xi32, #tpu.memory_space<vmem>>
      %dma_wait3A_672 = arith.constant 0 : i32
      %dma_wait3A_673 = tpu.memref_slice %arg4[%dma_wait3A_672] : memref<320000xi32, #tpu.memory_space<hbm>> -> memref<40xi32, #tpu.memory_space<hbm>>
      %dma_wait3A_674 = arith.constant 0 : i32
      %dma_wait3A_675 = tpu.memref_slice %arg7[%dma_wait3A_668, %dma_wait3A_674] : memref<5x40xi32, #tpu.memory_space<vmem>> -> memref<1x40xi32, #tpu.memory_space<vmem>>
      %dma_wait3A_676 = tpu.memref_squeeze %dma_wait3A_675 : memref<1x40xi32, #tpu.memory_space<vmem>> -> memref<40xi32, #tpu.memory_space<vmem>>
      %dma_wait3A_677 = arith.constant 0 : i32
      %dma_wait3A_678 = tpu.memref_slice %arg4[%dma_wait3A_677] : memref<320000xi32, #tpu.memory_space<hbm>> -> memref<40xi32, #tpu.memory_space<hbm>>
      tpu.wait_dma2 semaphore(%arg13 : memref<!tpu.dma_semaphore, #tpu.memory_space<semaphore_mem>>) src(%dma_wait3A_678 : memref<40xi32, #tpu.memory_space<hbm>>) dst(%dma_wait3A_676 : memref<40xi32, #tpu.memory_space<vmem>>)
      %dma_wait3A_679 = arith.constant 2 : i32
      %dma_wait3A_680 = arith.constant 2 : i32
      %dma_wait3A_681 = arith.constant 0 : i32
      %dma_wait3A_682 = arith.constant 0 : i32
      %dma_wait3A_683 = tpu.memref_slice %arg8[%dma_wait3A_679, %dma_wait3A_681, %dma_wait3A_682] : memref<5x40x128xf32, #tpu.memory_space<vmem>> -> memref<1x40x128xf32, #tpu.memory_space<vmem>>
      %dma_wait3A_684 = tpu.memref_squeeze %dma_wait3A_683 : memref<1x40x128xf32, #tpu.memory_space<vmem>> -> memref<40x128xf32, #tpu.memory_space<vmem>>
      %dma_wait3A_685 = arith.constant 0 : i32
      %dma_wait3A_686 = tpu.memref_slice %arg7[%dma_wait3A_680, %dma_wait3A_685] : memref<5x40xi32, #tpu.memory_space<vmem>> -> memref<1x40xi32, #tpu.memory_space<vmem>>
      %dma_wait3A_687 = tpu.memref_squeeze %dma_wait3A_686 : memref<1x40xi32, #tpu.memory_space<vmem>> -> memref<40xi32, #tpu.memory_space<vmem>>
      %dma_wait3A_688 = arith.constant 0 : i32
      %dma_wait3A_689 = arith.constant 0 : i32
      %dma_wait3A_690 = tpu.memref_slice %arg9[%dma_wait3A_688, %dma_wait3A_689] : memref<10000x128xf32, #tpu.memory_space<vmem_shared>> -> memref<10000x128xf32, #tpu.memory_space<vmem_shared>>
      tpu.wait_indirect_dma semaphore(%arg25 : memref<!tpu.dma_semaphore, #tpu.memory_space<semaphore_mem>>) src(%dma_wait3A_684 : memref<40x128xf32, #tpu.memory_space<vmem>>) dst(%dma_wait3A_690 : memref<10000x128xf32, #tpu.memory_space<vmem_shared>>)
      %dma_start3A_691 = arith.constant 3 : i32
      %dma_start3A_692 = arith.constant 3 : i32
      %dma_start3A_693 = arith.constant 0 : i32
      %dma_start3A_694 = arith.constant 0 : i32
      %dma_start3A_695 = tpu.memref_slice %arg8[%dma_start3A_691, %dma_start3A_693, %dma_start3A_694] : memref<5x40x128xf32, #tpu.memory_space<vmem>> -> memref<1x40x128xf32, #tpu.memory_space<vmem>>
      %dma_start3A_696 = tpu.memref_squeeze %dma_start3A_695 : memref<1x40x128xf32, #tpu.memory_space<vmem>> -> memref<40x128xf32, #tpu.memory_space<vmem>>
      %dma_start3A_697 = arith.constant 0 : i32
      %dma_start3A_698 = tpu.memref_slice %arg7[%dma_start3A_692, %dma_start3A_697] : memref<5x40xi32, #tpu.memory_space<vmem>> -> memref<1x40xi32, #tpu.memory_space<vmem>>
      %dma_start3A_699 = tpu.memref_squeeze %dma_start3A_698 : memref<1x40xi32, #tpu.memory_space<vmem>> -> memref<40xi32, #tpu.memory_space<vmem>>
      %dma_start3A_700 = arith.constant 0 : i32
      %dma_start3A_701 = arith.constant 0 : i32
      %dma_start3A_702 = tpu.memref_slice %arg9[%dma_start3A_700, %dma_start3A_701] : memref<10000x128xf32, #tpu.memory_space<vmem_shared>> -> memref<10000x128xf32, #tpu.memory_space<vmem_shared>>
      tpu.enqueue_indirect_dma source(%dma_start3A_696 : memref<40x128xf32, #tpu.memory_space<vmem>>) target(%dma_start3A_702 : memref<10000x128xf32, #tpu.memory_space<vmem_shared>>) offsets(%dma_start3A_699 : memref<40xi32, #tpu.memory_space<vmem>>) semaphore(%arg25 : memref<!tpu.dma_semaphore, #tpu.memory_space<semaphore_mem>>) {add = true}
      %add3A_703 = arith.constant 5 : i32
      %add3A_704 = arith.addi %add3A_655, %add3A_703 : i32
      %sub3A_705 = arith.constant 1 : i32
      %sub3A_706 = arith.subi %add3A_704, %sub3A_705 : i32
      %mul3A_707 = arith.constant 40 : i32
      %mul3A_708 = arith.muli %sub3A_706, %mul3A_707 : i32
      %add3A_709 = arith.addi %mul3A_2, %mul3A_708 : i32
      %dma_start3A_710 = arith.constant 2 : i32
      %dma_start3A_711 = arith.constant 0 : i32
      %dma_start3A_712 = tpu.memref_slice %arg7[%dma_start3A_710, %dma_start3A_711] : memref<5x40xi32, #tpu.memory_space<vmem>> -> memref<1x40xi32, #tpu.memory_space<vmem>>
      %dma_start3A_713 = tpu.memref_squeeze %dma_start3A_712 : memref<1x40xi32, #tpu.memory_space<vmem>> -> memref<40xi32, #tpu.memory_space<vmem>>
      %dma_start3A_714 = tpu.memref_slice %arg4[%add3A_709] : memref<320000xi32, #tpu.memory_space<hbm>> -> memref<40xi32, #tpu.memory_space<hbm>>
      %dma_start3A_715 = arith.constant 0 : i32
      %dma_start3A_716 = tpu.memref_slice %arg7[%dma_start3A_710, %dma_start3A_715] : memref<5x40xi32, #tpu.memory_space<vmem>> -> memref<1x40xi32, #tpu.memory_space<vmem>>
      %dma_start3A_717 = tpu.memref_squeeze %dma_start3A_716 : memref<1x40xi32, #tpu.memory_space<vmem>> -> memref<40xi32, #tpu.memory_space<vmem>>
      %dma_start3A_718 = tpu.memref_slice %arg4[%add3A_709] : memref<320000xi32, #tpu.memory_space<hbm>> -> memref<40xi32, #tpu.memory_space<hbm>>
      tpu.enqueue_dma source(%dma_start3A_718 : memref<40xi32, #tpu.memory_space<hbm>>) target(%dma_start3A_717 : memref<40xi32, #tpu.memory_space<vmem>>) target_semaphore(%arg12 : memref<!tpu.dma_semaphore, #tpu.memory_space<semaphore_mem>>)
      %dma_wait3A_719 = arith.constant 7 : i32
      %dma_wait3A_720 = arith.constant 0 : i32
      %dma_wait3A_721 = tpu.memref_slice %arg6[%dma_wait3A_719, %dma_wait3A_720] : memref<10x40xi32, #tpu.memory_space<vmem>> -> memref<1x40xi32, #tpu.memory_space<vmem>>
      %dma_wait3A_722 = tpu.memref_squeeze %dma_wait3A_721 : memref<1x40xi32, #tpu.memory_space<vmem>> -> memref<40xi32, #tpu.memory_space<vmem>>
      %dma_wait3A_723 = arith.constant 0 : i32
      %dma_wait3A_724 = tpu.memref_slice %arg3[%dma_wait3A_723] : memref<320000xi32, #tpu.memory_space<hbm>> -> memref<40xi32, #tpu.memory_space<hbm>>
      %dma_wait3A_725 = arith.constant 0 : i32
      %dma_wait3A_726 = tpu.memref_slice %arg6[%dma_wait3A_719, %dma_wait3A_725] : memref<10x40xi32, #tpu.memory_space<vmem>> -> memref<1x40xi32, #tpu.memory_space<vmem>>
      %dma_wait3A_727 = tpu.memref_squeeze %dma_wait3A_726 : memref<1x40xi32, #tpu.memory_space<vmem>> -> memref<40xi32, #tpu.memory_space<vmem>>
      %dma_wait3A_728 = arith.constant 0 : i32
      %dma_wait3A_729 = tpu.memref_slice %arg3[%dma_wait3A_728] : memref<320000xi32, #tpu.memory_space<hbm>> -> memref<40xi32, #tpu.memory_space<hbm>>
      tpu.wait_dma2 semaphore(%arg22 : memref<!tpu.dma_semaphore, #tpu.memory_space<semaphore_mem>>) src(%dma_wait3A_729 : memref<40xi32, #tpu.memory_space<hbm>>) dst(%dma_wait3A_727 : memref<40xi32, #tpu.memory_space<vmem>>)
      %dma_start3A_730 = arith.constant 7 : i32
      %dma_start3A_731 = arith.constant 2 : i32
      %dma_start3A_732 = arith.constant 0 : i32
      %dma_start3A_733 = arith.constant 0 : i32
      %dma_start3A_734 = tpu.memref_slice %arg8[%dma_start3A_731, %dma_start3A_732, %dma_start3A_733] : memref<5x40x128xf32, #tpu.memory_space<vmem>> -> memref<1x40x128xf32, #tpu.memory_space<vmem>>
      %dma_start3A_735 = tpu.memref_squeeze %dma_start3A_734 : memref<1x40x128xf32, #tpu.memory_space<vmem>> -> memref<40x128xf32, #tpu.memory_space<vmem>>
      %dma_start3A_736 = arith.constant 0 : i32
      %dma_start3A_737 = tpu.memref_slice %arg6[%dma_start3A_730, %dma_start3A_736] : memref<10x40xi32, #tpu.memory_space<vmem>> -> memref<1x40xi32, #tpu.memory_space<vmem>>
      %dma_start3A_738 = tpu.memref_squeeze %dma_start3A_737 : memref<1x40xi32, #tpu.memory_space<vmem>> -> memref<40xi32, #tpu.memory_space<vmem>>
      %dma_start3A_739 = arith.constant 0 : i32
      %dma_start3A_740 = arith.constant 0 : i32
      %dma_start3A_741 = tpu.memref_slice %arg2[%dma_start3A_739, %dma_start3A_740] : memref<10000x128xf32, #tpu.memory_space<hbm>> -> memref<10000x128xf32, #tpu.memory_space<hbm>>
      tpu.enqueue_indirect_dma source(%dma_start3A_741 : memref<10000x128xf32, #tpu.memory_space<hbm>>) target(%dma_start3A_735 : memref<40x128xf32, #tpu.memory_space<vmem>>) offsets(%dma_start3A_738 : memref<40xi32, #tpu.memory_space<vmem>>) semaphore(%arg12 : memref<!tpu.dma_semaphore, #tpu.memory_space<semaphore_mem>>)
      %lt3A_742 = arith.constant 24 : i32
      %lt3A_743 = arith.cmpi slt, %add3A_408, %lt3A_742 : i32
      %convert_element_type3A_744 = arith.extui %lt3A_743 : i1 to i32
      %cond3A_745 = arith.constant 0 : i32
      %cond3A_746 = arith.cmpi ne, %convert_element_type3A_744, %cond3A_745 : i32
      scf.if %cond3A_746 {
        %add3A_1181 = arith.constant 10 : i32
        %add3A_1182 = arith.addi %add3A_655, %add3A_1181 : i32
        %sub3A_1183 = arith.constant 1 : i32
        %sub3A_1184 = arith.subi %add3A_1182, %sub3A_1183 : i32
        %mul3A_1185 = arith.constant 40 : i32
        %mul3A_1186 = arith.muli %sub3A_1184, %mul3A_1185 : i32
        %add3A_1187 = arith.addi %mul3A_2, %mul3A_1186 : i32
        %dma_start3A_1188 = arith.constant 2 : i32
        %dma_start3A_1189 = arith.constant 0 : i32
        %dma_start3A_1190 = tpu.memref_slice %arg6[%dma_start3A_1188, %dma_start3A_1189] : memref<10x40xi32, #tpu.memory_space<vmem>> -> memref<1x40xi32, #tpu.memory_space<vmem>>
        %dma_start3A_1191 = tpu.memref_squeeze %dma_start3A_1190 : memref<1x40xi32, #tpu.memory_space<vmem>> -> memref<40xi32, #tpu.memory_space<vmem>>
        %dma_start3A_1192 = tpu.memref_slice %arg3[%add3A_1187] : memref<320000xi32, #tpu.memory_space<hbm>> -> memref<40xi32, #tpu.memory_space<hbm>>
        %dma_start3A_1193 = arith.constant 0 : i32
        %dma_start3A_1194 = tpu.memref_slice %arg6[%dma_start3A_1188, %dma_start3A_1193] : memref<10x40xi32, #tpu.memory_space<vmem>> -> memref<1x40xi32, #tpu.memory_space<vmem>>
        %dma_start3A_1195 = tpu.memref_squeeze %dma_start3A_1194 : memref<1x40xi32, #tpu.memory_space<vmem>> -> memref<40xi32, #tpu.memory_space<vmem>>
        %dma_start3A_1196 = tpu.memref_slice %arg3[%add3A_1187] : memref<320000xi32, #tpu.memory_space<hbm>> -> memref<40xi32, #tpu.memory_space<hbm>>
        tpu.enqueue_dma source(%dma_start3A_1196 : memref<40xi32, #tpu.memory_space<hbm>>) target(%dma_start3A_1195 : memref<40xi32, #tpu.memory_space<vmem>>) target_semaphore(%arg17 : memref<!tpu.dma_semaphore, #tpu.memory_space<semaphore_mem>>)
      } else {
      }
      %mul3A_747 = arith.constant 10 : i32
      %mul3A_748 = arith.muli %add3A_408, %mul3A_747 : i32
      %add3A_749 = arith.constant 4 : i32
      %add3A_750 = arith.addi %mul3A_748, %add3A_749 : i32
      %dma_wait3A_751 = arith.constant 0 : i32
      %dma_wait3A_752 = arith.constant 4 : i32
      %dma_wait3A_753 = arith.constant 0 : i32
      %dma_wait3A_754 = arith.constant 0 : i32
      %dma_wait3A_755 = tpu.memref_slice %arg8[%dma_wait3A_752, %dma_wait3A_753, %dma_wait3A_754] : memref<5x40x128xf32, #tpu.memory_space<vmem>> -> memref<1x40x128xf32, #tpu.memory_space<vmem>>
      %dma_wait3A_756 = tpu.memref_squeeze %dma_wait3A_755 : memref<1x40x128xf32, #tpu.memory_space<vmem>> -> memref<40x128xf32, #tpu.memory_space<vmem>>
      %dma_wait3A_757 = arith.constant 0 : i32
      %dma_wait3A_758 = tpu.memref_slice %arg6[%dma_wait3A_751, %dma_wait3A_757] : memref<10x40xi32, #tpu.memory_space<vmem>> -> memref<1x40xi32, #tpu.memory_space<vmem>>
      %dma_wait3A_759 = tpu.memref_squeeze %dma_wait3A_758 : memref<1x40xi32, #tpu.memory_space<vmem>> -> memref<40xi32, #tpu.memory_space<vmem>>
      %dma_wait3A_760 = arith.constant 0 : i32
      %dma_wait3A_761 = arith.constant 0 : i32
      %dma_wait3A_762 = tpu.memref_slice %arg2[%dma_wait3A_760, %dma_wait3A_761] : memref<10000x128xf32, #tpu.memory_space<hbm>> -> memref<10000x128xf32, #tpu.memory_space<hbm>>
      tpu.wait_indirect_dma semaphore(%arg14 : memref<!tpu.dma_semaphore, #tpu.memory_space<semaphore_mem>>) src(%dma_wait3A_762 : memref<10000x128xf32, #tpu.memory_space<hbm>>) dst(%dma_wait3A_756 : memref<40x128xf32, #tpu.memory_space<vmem>>)
      %dma_wait3A_763 = arith.constant 4 : i32
      %dma_wait3A_764 = arith.constant 0 : i32
      %dma_wait3A_765 = tpu.memref_slice %arg7[%dma_wait3A_763, %dma_wait3A_764] : memref<5x40xi32, #tpu.memory_space<vmem>> -> memref<1x40xi32, #tpu.memory_space<vmem>>
      %dma_wait3A_766 = tpu.memref_squeeze %dma_wait3A_765 : memref<1x40xi32, #tpu.memory_space<vmem>> -> memref<40xi32, #tpu.memory_space<vmem>>
      %dma_wait3A_767 = arith.constant 0 : i32
      %dma_wait3A_768 = tpu.memref_slice %arg4[%dma_wait3A_767] : memref<320000xi32, #tpu.memory_space<hbm>> -> memref<40xi32, #tpu.memory_space<hbm>>
      %dma_wait3A_769 = arith.constant 0 : i32
      %dma_wait3A_770 = tpu.memref_slice %arg7[%dma_wait3A_763, %dma_wait3A_769] : memref<5x40xi32, #tpu.memory_space<vmem>> -> memref<1x40xi32, #tpu.memory_space<vmem>>
      %dma_wait3A_771 = tpu.memref_squeeze %dma_wait3A_770 : memref<1x40xi32, #tpu.memory_space<vmem>> -> memref<40xi32, #tpu.memory_space<vmem>>
      %dma_wait3A_772 = arith.constant 0 : i32
      %dma_wait3A_773 = tpu.memref_slice %arg4[%dma_wait3A_772] : memref<320000xi32, #tpu.memory_space<hbm>> -> memref<40xi32, #tpu.memory_space<hbm>>
      tpu.wait_dma2 semaphore(%arg14 : memref<!tpu.dma_semaphore, #tpu.memory_space<semaphore_mem>>) src(%dma_wait3A_773 : memref<40xi32, #tpu.memory_space<hbm>>) dst(%dma_wait3A_771 : memref<40xi32, #tpu.memory_space<vmem>>)
      %dma_wait3A_774 = arith.constant 3 : i32
      %dma_wait3A_775 = arith.constant 3 : i32
      %dma_wait3A_776 = arith.constant 0 : i32
      %dma_wait3A_777 = arith.constant 0 : i32
      %dma_wait3A_778 = tpu.memref_slice %arg8[%dma_wait3A_774, %dma_wait3A_776, %dma_wait3A_777] : memref<5x40x128xf32, #tpu.memory_space<vmem>> -> memref<1x40x128xf32, #tpu.memory_space<vmem>>
      %dma_wait3A_779 = tpu.memref_squeeze %dma_wait3A_778 : memref<1x40x128xf32, #tpu.memory_space<vmem>> -> memref<40x128xf32, #tpu.memory_space<vmem>>
      %dma_wait3A_780 = arith.constant 0 : i32
      %dma_wait3A_781 = tpu.memref_slice %arg7[%dma_wait3A_775, %dma_wait3A_780] : memref<5x40xi32, #tpu.memory_space<vmem>> -> memref<1x40xi32, #tpu.memory_space<vmem>>
      %dma_wait3A_782 = tpu.memref_squeeze %dma_wait3A_781 : memref<1x40xi32, #tpu.memory_space<vmem>> -> memref<40xi32, #tpu.memory_space<vmem>>
      %dma_wait3A_783 = arith.constant 0 : i32
      %dma_wait3A_784 = arith.constant 0 : i32
      %dma_wait3A_785 = tpu.memref_slice %arg9[%dma_wait3A_783, %dma_wait3A_784] : memref<10000x128xf32, #tpu.memory_space<vmem_shared>> -> memref<10000x128xf32, #tpu.memory_space<vmem_shared>>
      tpu.wait_indirect_dma semaphore(%arg25 : memref<!tpu.dma_semaphore, #tpu.memory_space<semaphore_mem>>) src(%dma_wait3A_779 : memref<40x128xf32, #tpu.memory_space<vmem>>) dst(%dma_wait3A_785 : memref<10000x128xf32, #tpu.memory_space<vmem_shared>>)
      %dma_start3A_786 = arith.constant 4 : i32
      %dma_start3A_787 = arith.constant 4 : i32
      %dma_start3A_788 = arith.constant 0 : i32
      %dma_start3A_789 = arith.constant 0 : i32
      %dma_start3A_790 = tpu.memref_slice %arg8[%dma_start3A_786, %dma_start3A_788, %dma_start3A_789] : memref<5x40x128xf32, #tpu.memory_space<vmem>> -> memref<1x40x128xf32, #tpu.memory_space<vmem>>
      %dma_start3A_791 = tpu.memref_squeeze %dma_start3A_790 : memref<1x40x128xf32, #tpu.memory_space<vmem>> -> memref<40x128xf32, #tpu.memory_space<vmem>>
      %dma_start3A_792 = arith.constant 0 : i32
      %dma_start3A_793 = tpu.memref_slice %arg7[%dma_start3A_787, %dma_start3A_792] : memref<5x40xi32, #tpu.memory_space<vmem>> -> memref<1x40xi32, #tpu.memory_space<vmem>>
      %dma_start3A_794 = tpu.memref_squeeze %dma_start3A_793 : memref<1x40xi32, #tpu.memory_space<vmem>> -> memref<40xi32, #tpu.memory_space<vmem>>
      %dma_start3A_795 = arith.constant 0 : i32
      %dma_start3A_796 = arith.constant 0 : i32
      %dma_start3A_797 = tpu.memref_slice %arg9[%dma_start3A_795, %dma_start3A_796] : memref<10000x128xf32, #tpu.memory_space<vmem_shared>> -> memref<10000x128xf32, #tpu.memory_space<vmem_shared>>
      tpu.enqueue_indirect_dma source(%dma_start3A_791 : memref<40x128xf32, #tpu.memory_space<vmem>>) target(%dma_start3A_797 : memref<10000x128xf32, #tpu.memory_space<vmem_shared>>) offsets(%dma_start3A_794 : memref<40xi32, #tpu.memory_space<vmem>>) semaphore(%arg25 : memref<!tpu.dma_semaphore, #tpu.memory_space<semaphore_mem>>) {add = true}
      %add3A_798 = arith.constant 5 : i32
      %add3A_799 = arith.addi %add3A_750, %add3A_798 : i32
      %sub3A_800 = arith.constant 1 : i32
      %sub3A_801 = arith.subi %add3A_799, %sub3A_800 : i32
      %mul3A_802 = arith.constant 40 : i32
      %mul3A_803 = arith.muli %sub3A_801, %mul3A_802 : i32
      %add3A_804 = arith.addi %mul3A_2, %mul3A_803 : i32
      %dma_start3A_805 = arith.constant 3 : i32
      %dma_start3A_806 = arith.constant 0 : i32
      %dma_start3A_807 = tpu.memref_slice %arg7[%dma_start3A_805, %dma_start3A_806] : memref<5x40xi32, #tpu.memory_space<vmem>> -> memref<1x40xi32, #tpu.memory_space<vmem>>
      %dma_start3A_808 = tpu.memref_squeeze %dma_start3A_807 : memref<1x40xi32, #tpu.memory_space<vmem>> -> memref<40xi32, #tpu.memory_space<vmem>>
      %dma_start3A_809 = tpu.memref_slice %arg4[%add3A_804] : memref<320000xi32, #tpu.memory_space<hbm>> -> memref<40xi32, #tpu.memory_space<hbm>>
      %dma_start3A_810 = arith.constant 0 : i32
      %dma_start3A_811 = tpu.memref_slice %arg7[%dma_start3A_805, %dma_start3A_810] : memref<5x40xi32, #tpu.memory_space<vmem>> -> memref<1x40xi32, #tpu.memory_space<vmem>>
      %dma_start3A_812 = tpu.memref_squeeze %dma_start3A_811 : memref<1x40xi32, #tpu.memory_space<vmem>> -> memref<40xi32, #tpu.memory_space<vmem>>
      %dma_start3A_813 = tpu.memref_slice %arg4[%add3A_804] : memref<320000xi32, #tpu.memory_space<hbm>> -> memref<40xi32, #tpu.memory_space<hbm>>
      tpu.enqueue_dma source(%dma_start3A_813 : memref<40xi32, #tpu.memory_space<hbm>>) target(%dma_start3A_812 : memref<40xi32, #tpu.memory_space<vmem>>) target_semaphore(%arg13 : memref<!tpu.dma_semaphore, #tpu.memory_space<semaphore_mem>>)
      %dma_wait3A_814 = arith.constant 8 : i32
      %dma_wait3A_815 = arith.constant 0 : i32
      %dma_wait3A_816 = tpu.memref_slice %arg6[%dma_wait3A_814, %dma_wait3A_815] : memref<10x40xi32, #tpu.memory_space<vmem>> -> memref<1x40xi32, #tpu.memory_space<vmem>>
      %dma_wait3A_817 = tpu.memref_squeeze %dma_wait3A_816 : memref<1x40xi32, #tpu.memory_space<vmem>> -> memref<40xi32, #tpu.memory_space<vmem>>
      %dma_wait3A_818 = arith.constant 0 : i32
      %dma_wait3A_819 = tpu.memref_slice %arg3[%dma_wait3A_818] : memref<320000xi32, #tpu.memory_space<hbm>> -> memref<40xi32, #tpu.memory_space<hbm>>
      %dma_wait3A_820 = arith.constant 0 : i32
      %dma_wait3A_821 = tpu.memref_slice %arg6[%dma_wait3A_814, %dma_wait3A_820] : memref<10x40xi32, #tpu.memory_space<vmem>> -> memref<1x40xi32, #tpu.memory_space<vmem>>
      %dma_wait3A_822 = tpu.memref_squeeze %dma_wait3A_821 : memref<1x40xi32, #tpu.memory_space<vmem>> -> memref<40xi32, #tpu.memory_space<vmem>>
      %dma_wait3A_823 = arith.constant 0 : i32
      %dma_wait3A_824 = tpu.memref_slice %arg3[%dma_wait3A_823] : memref<320000xi32, #tpu.memory_space<hbm>> -> memref<40xi32, #tpu.memory_space<hbm>>
      tpu.wait_dma2 semaphore(%arg23 : memref<!tpu.dma_semaphore, #tpu.memory_space<semaphore_mem>>) src(%dma_wait3A_824 : memref<40xi32, #tpu.memory_space<hbm>>) dst(%dma_wait3A_822 : memref<40xi32, #tpu.memory_space<vmem>>)
      %dma_start3A_825 = arith.constant 8 : i32
      %dma_start3A_826 = arith.constant 3 : i32
      %dma_start3A_827 = arith.constant 0 : i32
      %dma_start3A_828 = arith.constant 0 : i32
      %dma_start3A_829 = tpu.memref_slice %arg8[%dma_start3A_826, %dma_start3A_827, %dma_start3A_828] : memref<5x40x128xf32, #tpu.memory_space<vmem>> -> memref<1x40x128xf32, #tpu.memory_space<vmem>>
      %dma_start3A_830 = tpu.memref_squeeze %dma_start3A_829 : memref<1x40x128xf32, #tpu.memory_space<vmem>> -> memref<40x128xf32, #tpu.memory_space<vmem>>
      %dma_start3A_831 = arith.constant 0 : i32
      %dma_start3A_832 = tpu.memref_slice %arg6[%dma_start3A_825, %dma_start3A_831] : memref<10x40xi32, #tpu.memory_space<vmem>> -> memref<1x40xi32, #tpu.memory_space<vmem>>
      %dma_start3A_833 = tpu.memref_squeeze %dma_start3A_832 : memref<1x40xi32, #tpu.memory_space<vmem>> -> memref<40xi32, #tpu.memory_space<vmem>>
      %dma_start3A_834 = arith.constant 0 : i32
      %dma_start3A_835 = arith.constant 0 : i32
      %dma_start3A_836 = tpu.memref_slice %arg2[%dma_start3A_834, %dma_start3A_835] : memref<10000x128xf32, #tpu.memory_space<hbm>> -> memref<10000x128xf32, #tpu.memory_space<hbm>>
      tpu.enqueue_indirect_dma source(%dma_start3A_836 : memref<10000x128xf32, #tpu.memory_space<hbm>>) target(%dma_start3A_830 : memref<40x128xf32, #tpu.memory_space<vmem>>) offsets(%dma_start3A_833 : memref<40xi32, #tpu.memory_space<vmem>>) semaphore(%arg13 : memref<!tpu.dma_semaphore, #tpu.memory_space<semaphore_mem>>)
      %lt3A_837 = arith.constant 24 : i32
      %lt3A_838 = arith.cmpi slt, %add3A_408, %lt3A_837 : i32
      %convert_element_type3A_839 = arith.extui %lt3A_838 : i1 to i32
      %cond3A_840 = arith.constant 0 : i32
      %cond3A_841 = arith.cmpi ne, %convert_element_type3A_839, %cond3A_840 : i32
      scf.if %cond3A_841 {
        %add3A_1181 = arith.constant 10 : i32
        %add3A_1182 = arith.addi %add3A_750, %add3A_1181 : i32
        %sub3A_1183 = arith.constant 1 : i32
        %sub3A_1184 = arith.subi %add3A_1182, %sub3A_1183 : i32
        %mul3A_1185 = arith.constant 40 : i32
        %mul3A_1186 = arith.muli %sub3A_1184, %mul3A_1185 : i32
        %add3A_1187 = arith.addi %mul3A_2, %mul3A_1186 : i32
        %dma_start3A_1188 = arith.constant 3 : i32
        %dma_start3A_1189 = arith.constant 0 : i32
        %dma_start3A_1190 = tpu.memref_slice %arg6[%dma_start3A_1188, %dma_start3A_1189] : memref<10x40xi32, #tpu.memory_space<vmem>> -> memref<1x40xi32, #tpu.memory_space<vmem>>
        %dma_start3A_1191 = tpu.memref_squeeze %dma_start3A_1190 : memref<1x40xi32, #tpu.memory_space<vmem>> -> memref<40xi32, #tpu.memory_space<vmem>>
        %dma_start3A_1192 = tpu.memref_slice %arg3[%add3A_1187] : memref<320000xi32, #tpu.memory_space<hbm>> -> memref<40xi32, #tpu.memory_space<hbm>>
        %dma_start3A_1193 = arith.constant 0 : i32
        %dma_start3A_1194 = tpu.memref_slice %arg6[%dma_start3A_1188, %dma_start3A_1193] : memref<10x40xi32, #tpu.memory_space<vmem>> -> memref<1x40xi32, #tpu.memory_space<vmem>>
        %dma_start3A_1195 = tpu.memref_squeeze %dma_start3A_1194 : memref<1x40xi32, #tpu.memory_space<vmem>> -> memref<40xi32, #tpu.memory_space<vmem>>
        %dma_start3A_1196 = tpu.memref_slice %arg3[%add3A_1187] : memref<320000xi32, #tpu.memory_space<hbm>> -> memref<40xi32, #tpu.memory_space<hbm>>
        tpu.enqueue_dma source(%dma_start3A_1196 : memref<40xi32, #tpu.memory_space<hbm>>) target(%dma_start3A_1195 : memref<40xi32, #tpu.memory_space<vmem>>) target_semaphore(%arg18 : memref<!tpu.dma_semaphore, #tpu.memory_space<semaphore_mem>>)
      } else {
      }
      %mul3A_842 = arith.constant 10 : i32
      %mul3A_843 = arith.muli %add3A_408, %mul3A_842 : i32
      %add3A_844 = arith.constant 5 : i32
      %add3A_845 = arith.addi %mul3A_843, %add3A_844 : i32
      %dma_wait3A_846 = arith.constant 0 : i32
      %dma_wait3A_847 = arith.constant 0 : i32
      %dma_wait3A_848 = arith.constant 0 : i32
      %dma_wait3A_849 = arith.constant 0 : i32
      %dma_wait3A_850 = tpu.memref_slice %arg8[%dma_wait3A_847, %dma_wait3A_848, %dma_wait3A_849] : memref<5x40x128xf32, #tpu.memory_space<vmem>> -> memref<1x40x128xf32, #tpu.memory_space<vmem>>
      %dma_wait3A_851 = tpu.memref_squeeze %dma_wait3A_850 : memref<1x40x128xf32, #tpu.memory_space<vmem>> -> memref<40x128xf32, #tpu.memory_space<vmem>>
      %dma_wait3A_852 = arith.constant 0 : i32
      %dma_wait3A_853 = tpu.memref_slice %arg6[%dma_wait3A_846, %dma_wait3A_852] : memref<10x40xi32, #tpu.memory_space<vmem>> -> memref<1x40xi32, #tpu.memory_space<vmem>>
      %dma_wait3A_854 = tpu.memref_squeeze %dma_wait3A_853 : memref<1x40xi32, #tpu.memory_space<vmem>> -> memref<40xi32, #tpu.memory_space<vmem>>
      %dma_wait3A_855 = arith.constant 0 : i32
      %dma_wait3A_856 = arith.constant 0 : i32
      %dma_wait3A_857 = tpu.memref_slice %arg2[%dma_wait3A_855, %dma_wait3A_856] : memref<10000x128xf32, #tpu.memory_space<hbm>> -> memref<10000x128xf32, #tpu.memory_space<hbm>>
      tpu.wait_indirect_dma semaphore(%arg10 : memref<!tpu.dma_semaphore, #tpu.memory_space<semaphore_mem>>) src(%dma_wait3A_857 : memref<10000x128xf32, #tpu.memory_space<hbm>>) dst(%dma_wait3A_851 : memref<40x128xf32, #tpu.memory_space<vmem>>)
      %dma_wait3A_858 = arith.constant 0 : i32
      %dma_wait3A_859 = arith.constant 0 : i32
      %dma_wait3A_860 = tpu.memref_slice %arg7[%dma_wait3A_858, %dma_wait3A_859] : memref<5x40xi32, #tpu.memory_space<vmem>> -> memref<1x40xi32, #tpu.memory_space<vmem>>
      %dma_wait3A_861 = tpu.memref_squeeze %dma_wait3A_860 : memref<1x40xi32, #tpu.memory_space<vmem>> -> memref<40xi32, #tpu.memory_space<vmem>>
      %dma_wait3A_862 = arith.constant 0 : i32
      %dma_wait3A_863 = tpu.memref_slice %arg4[%dma_wait3A_862] : memref<320000xi32, #tpu.memory_space<hbm>> -> memref<40xi32, #tpu.memory_space<hbm>>
      %dma_wait3A_864 = arith.constant 0 : i32
      %dma_wait3A_865 = tpu.memref_slice %arg7[%dma_wait3A_858, %dma_wait3A_864] : memref<5x40xi32, #tpu.memory_space<vmem>> -> memref<1x40xi32, #tpu.memory_space<vmem>>
      %dma_wait3A_866 = tpu.memref_squeeze %dma_wait3A_865 : memref<1x40xi32, #tpu.memory_space<vmem>> -> memref<40xi32, #tpu.memory_space<vmem>>
      %dma_wait3A_867 = arith.constant 0 : i32
      %dma_wait3A_868 = tpu.memref_slice %arg4[%dma_wait3A_867] : memref<320000xi32, #tpu.memory_space<hbm>> -> memref<40xi32, #tpu.memory_space<hbm>>
      tpu.wait_dma2 semaphore(%arg10 : memref<!tpu.dma_semaphore, #tpu.memory_space<semaphore_mem>>) src(%dma_wait3A_868 : memref<40xi32, #tpu.memory_space<hbm>>) dst(%dma_wait3A_866 : memref<40xi32, #tpu.memory_space<vmem>>)
      %dma_wait3A_869 = arith.constant 4 : i32
      %dma_wait3A_870 = arith.constant 4 : i32
      %dma_wait3A_871 = arith.constant 0 : i32
      %dma_wait3A_872 = arith.constant 0 : i32
      %dma_wait3A_873 = tpu.memref_slice %arg8[%dma_wait3A_869, %dma_wait3A_871, %dma_wait3A_872] : memref<5x40x128xf32, #tpu.memory_space<vmem>> -> memref<1x40x128xf32, #tpu.memory_space<vmem>>
      %dma_wait3A_874 = tpu.memref_squeeze %dma_wait3A_873 : memref<1x40x128xf32, #tpu.memory_space<vmem>> -> memref<40x128xf32, #tpu.memory_space<vmem>>
      %dma_wait3A_875 = arith.constant 0 : i32
      %dma_wait3A_876 = tpu.memref_slice %arg7[%dma_wait3A_870, %dma_wait3A_875] : memref<5x40xi32, #tpu.memory_space<vmem>> -> memref<1x40xi32, #tpu.memory_space<vmem>>
      %dma_wait3A_877 = tpu.memref_squeeze %dma_wait3A_876 : memref<1x40xi32, #tpu.memory_space<vmem>> -> memref<40xi32, #tpu.memory_space<vmem>>
      %dma_wait3A_878 = arith.constant 0 : i32
      %dma_wait3A_879 = arith.constant 0 : i32
      %dma_wait3A_880 = tpu.memref_slice %arg9[%dma_wait3A_878, %dma_wait3A_879] : memref<10000x128xf32, #tpu.memory_space<vmem_shared>> -> memref<10000x128xf32, #tpu.memory_space<vmem_shared>>
      tpu.wait_indirect_dma semaphore(%arg25 : memref<!tpu.dma_semaphore, #tpu.memory_space<semaphore_mem>>) src(%dma_wait3A_874 : memref<40x128xf32, #tpu.memory_space<vmem>>) dst(%dma_wait3A_880 : memref<10000x128xf32, #tpu.memory_space<vmem_shared>>)
      %dma_start3A_881 = arith.constant 0 : i32
      %dma_start3A_882 = arith.constant 0 : i32
      %dma_start3A_883 = arith.constant 0 : i32
      %dma_start3A_884 = arith.constant 0 : i32
      %dma_start3A_885 = tpu.memref_slice %arg8[%dma_start3A_881, %dma_start3A_883, %dma_start3A_884] : memref<5x40x128xf32, #tpu.memory_space<vmem>> -> memref<1x40x128xf32, #tpu.memory_space<vmem>>
      %dma_start3A_886 = tpu.memref_squeeze %dma_start3A_885 : memref<1x40x128xf32, #tpu.memory_space<vmem>> -> memref<40x128xf32, #tpu.memory_space<vmem>>
      %dma_start3A_887 = arith.constant 0 : i32
      %dma_start3A_888 = tpu.memref_slice %arg7[%dma_start3A_882, %dma_start3A_887] : memref<5x40xi32, #tpu.memory_space<vmem>> -> memref<1x40xi32, #tpu.memory_space<vmem>>
      %dma_start3A_889 = tpu.memref_squeeze %dma_start3A_888 : memref<1x40xi32, #tpu.memory_space<vmem>> -> memref<40xi32, #tpu.memory_space<vmem>>
      %dma_start3A_890 = arith.constant 0 : i32
      %dma_start3A_891 = arith.constant 0 : i32
      %dma_start3A_892 = tpu.memref_slice %arg9[%dma_start3A_890, %dma_start3A_891] : memref<10000x128xf32, #tpu.memory_space<vmem_shared>> -> memref<10000x128xf32, #tpu.memory_space<vmem_shared>>
      tpu.enqueue_indirect_dma source(%dma_start3A_886 : memref<40x128xf32, #tpu.memory_space<vmem>>) target(%dma_start3A_892 : memref<10000x128xf32, #tpu.memory_space<vmem_shared>>) offsets(%dma_start3A_889 : memref<40xi32, #tpu.memory_space<vmem>>) semaphore(%arg25 : memref<!tpu.dma_semaphore, #tpu.memory_space<semaphore_mem>>) {add = true}
      %add3A_893 = arith.constant 5 : i32
      %add3A_894 = arith.addi %add3A_845, %add3A_893 : i32
      %sub3A_895 = arith.constant 1 : i32
      %sub3A_896 = arith.subi %add3A_894, %sub3A_895 : i32
      %mul3A_897 = arith.constant 40 : i32
      %mul3A_898 = arith.muli %sub3A_896, %mul3A_897 : i32
      %add3A_899 = arith.addi %mul3A_2, %mul3A_898 : i32
      %dma_start3A_900 = arith.constant 4 : i32
      %dma_start3A_901 = arith.constant 0 : i32
      %dma_start3A_902 = tpu.memref_slice %arg7[%dma_start3A_900, %dma_start3A_901] : memref<5x40xi32, #tpu.memory_space<vmem>> -> memref<1x40xi32, #tpu.memory_space<vmem>>
      %dma_start3A_903 = tpu.memref_squeeze %dma_start3A_902 : memref<1x40xi32, #tpu.memory_space<vmem>> -> memref<40xi32, #tpu.memory_space<vmem>>
      %dma_start3A_904 = tpu.memref_slice %arg4[%add3A_899] : memref<320000xi32, #tpu.memory_space<hbm>> -> memref<40xi32, #tpu.memory_space<hbm>>
      %dma_start3A_905 = arith.constant 0 : i32
      %dma_start3A_906 = tpu.memref_slice %arg7[%dma_start3A_900, %dma_start3A_905] : memref<5x40xi32, #tpu.memory_space<vmem>> -> memref<1x40xi32, #tpu.memory_space<vmem>>
      %dma_start3A_907 = tpu.memref_squeeze %dma_start3A_906 : memref<1x40xi32, #tpu.memory_space<vmem>> -> memref<40xi32, #tpu.memory_space<vmem>>
      %dma_start3A_908 = tpu.memref_slice %arg4[%add3A_899] : memref<320000xi32, #tpu.memory_space<hbm>> -> memref<40xi32, #tpu.memory_space<hbm>>
      tpu.enqueue_dma source(%dma_start3A_908 : memref<40xi32, #tpu.memory_space<hbm>>) target(%dma_start3A_907 : memref<40xi32, #tpu.memory_space<vmem>>) target_semaphore(%arg14 : memref<!tpu.dma_semaphore, #tpu.memory_space<semaphore_mem>>)
      %dma_wait3A_909 = arith.constant 9 : i32
      %dma_wait3A_910 = arith.constant 0 : i32
      %dma_wait3A_911 = tpu.memref_slice %arg6[%dma_wait3A_909, %dma_wait3A_910] : memref<10x40xi32, #tpu.memory_space<vmem>> -> memref<1x40xi32, #tpu.memory_space<vmem>>
      %dma_wait3A_912 = tpu.memref_squeeze %dma_wait3A_911 : memref<1x40xi32, #tpu.memory_space<vmem>> -> memref<40xi32, #tpu.memory_space<vmem>>
      %dma_wait3A_913 = arith.constant 0 : i32
      %dma_wait3A_914 = tpu.memref_slice %arg3[%dma_wait3A_913] : memref<320000xi32, #tpu.memory_space<hbm>> -> memref<40xi32, #tpu.memory_space<hbm>>
      %dma_wait3A_915 = arith.constant 0 : i32
      %dma_wait3A_916 = tpu.memref_slice %arg6[%dma_wait3A_909, %dma_wait3A_915] : memref<10x40xi32, #tpu.memory_space<vmem>> -> memref<1x40xi32, #tpu.memory_space<vmem>>
      %dma_wait3A_917 = tpu.memref_squeeze %dma_wait3A_916 : memref<1x40xi32, #tpu.memory_space<vmem>> -> memref<40xi32, #tpu.memory_space<vmem>>
      %dma_wait3A_918 = arith.constant 0 : i32
      %dma_wait3A_919 = tpu.memref_slice %arg3[%dma_wait3A_918] : memref<320000xi32, #tpu.memory_space<hbm>> -> memref<40xi32, #tpu.memory_space<hbm>>
      tpu.wait_dma2 semaphore(%arg24 : memref<!tpu.dma_semaphore, #tpu.memory_space<semaphore_mem>>) src(%dma_wait3A_919 : memref<40xi32, #tpu.memory_space<hbm>>) dst(%dma_wait3A_917 : memref<40xi32, #tpu.memory_space<vmem>>)
      %dma_start3A_920 = arith.constant 9 : i32
      %dma_start3A_921 = arith.constant 4 : i32
      %dma_start3A_922 = arith.constant 0 : i32
      %dma_start3A_923 = arith.constant 0 : i32
      %dma_start3A_924 = tpu.memref_slice %arg8[%dma_start3A_921, %dma_start3A_922, %dma_start3A_923] : memref<5x40x128xf32, #tpu.memory_space<vmem>> -> memref<1x40x128xf32, #tpu.memory_space<vmem>>
      %dma_start3A_925 = tpu.memref_squeeze %dma_start3A_924 : memref<1x40x128xf32, #tpu.memory_space<vmem>> -> memref<40x128xf32, #tpu.memory_space<vmem>>
      %dma_start3A_926 = arith.constant 0 : i32
      %dma_start3A_927 = tpu.memref_slice %arg6[%dma_start3A_920, %dma_start3A_926] : memref<10x40xi32, #tpu.memory_space<vmem>> -> memref<1x40xi32, #tpu.memory_space<vmem>>
      %dma_start3A_928 = tpu.memref_squeeze %dma_start3A_927 : memref<1x40xi32, #tpu.memory_space<vmem>> -> memref<40xi32, #tpu.memory_space<vmem>>
      %dma_start3A_929 = arith.constant 0 : i32
      %dma_start3A_930 = arith.constant 0 : i32
      %dma_start3A_931 = tpu.memref_slice %arg2[%dma_start3A_929, %dma_start3A_930] : memref<10000x128xf32, #tpu.memory_space<hbm>> -> memref<10000x128xf32, #tpu.memory_space<hbm>>
      tpu.enqueue_indirect_dma source(%dma_start3A_931 : memref<10000x128xf32, #tpu.memory_space<hbm>>) target(%dma_start3A_925 : memref<40x128xf32, #tpu.memory_space<vmem>>) offsets(%dma_start3A_928 : memref<40xi32, #tpu.memory_space<vmem>>) semaphore(%arg14 : memref<!tpu.dma_semaphore, #tpu.memory_space<semaphore_mem>>)
      %lt3A_932 = arith.constant 24 : i32
      %lt3A_933 = arith.cmpi slt, %add3A_408, %lt3A_932 : i32
      %convert_element_type3A_934 = arith.extui %lt3A_933 : i1 to i32
      %cond3A_935 = arith.constant 0 : i32
      %cond3A_936 = arith.cmpi ne, %convert_element_type3A_934, %cond3A_935 : i32
      scf.if %cond3A_936 {
        %add3A_1181 = arith.constant 10 : i32
        %add3A_1182 = arith.addi %add3A_845, %add3A_1181 : i32
        %sub3A_1183 = arith.constant 1 : i32
        %sub3A_1184 = arith.subi %add3A_1182, %sub3A_1183 : i32
        %mul3A_1185 = arith.constant 40 : i32
        %mul3A_1186 = arith.muli %sub3A_1184, %mul3A_1185 : i32
        %add3A_1187 = arith.addi %mul3A_2, %mul3A_1186 : i32
        %dma_start3A_1188 = arith.constant 4 : i32
        %dma_start3A_1189 = arith.constant 0 : i32
        %dma_start3A_1190 = tpu.memref_slice %arg6[%dma_start3A_1188, %dma_start3A_1189] : memref<10x40xi32, #tpu.memory_space<vmem>> -> memref<1x40xi32, #tpu.memory_space<vmem>>
        %dma_start3A_1191 = tpu.memref_squeeze %dma_start3A_1190 : memref<1x40xi32, #tpu.memory_space<vmem>> -> memref<40xi32, #tpu.memory_space<vmem>>
        %dma_start3A_1192 = tpu.memref_slice %arg3[%add3A_1187] : memref<320000xi32, #tpu.memory_space<hbm>> -> memref<40xi32, #tpu.memory_space<hbm>>
        %dma_start3A_1193 = arith.constant 0 : i32
        %dma_start3A_1194 = tpu.memref_slice %arg6[%dma_start3A_1188, %dma_start3A_1193] : memref<10x40xi32, #tpu.memory_space<vmem>> -> memref<1x40xi32, #tpu.memory_space<vmem>>
        %dma_start3A_1195 = tpu.memref_squeeze %dma_start3A_1194 : memref<1x40xi32, #tpu.memory_space<vmem>> -> memref<40xi32, #tpu.memory_space<vmem>>
        %dma_start3A_1196 = tpu.memref_slice %arg3[%add3A_1187] : memref<320000xi32, #tpu.memory_space<hbm>> -> memref<40xi32, #tpu.memory_space<hbm>>
        tpu.enqueue_dma source(%dma_start3A_1196 : memref<40xi32, #tpu.memory_space<hbm>>) target(%dma_start3A_1195 : memref<40xi32, #tpu.memory_space<vmem>>) target_semaphore(%arg19 : memref<!tpu.dma_semaphore, #tpu.memory_space<semaphore_mem>>)
      } else {
      }
      %mul3A_937 = arith.constant 10 : i32
      %mul3A_938 = arith.muli %add3A_408, %mul3A_937 : i32
      %add3A_939 = arith.constant 6 : i32
      %add3A_940 = arith.addi %mul3A_938, %add3A_939 : i32
      %dma_wait3A_941 = arith.constant 0 : i32
      %dma_wait3A_942 = arith.constant 1 : i32
      %dma_wait3A_943 = arith.constant 0 : i32
      %dma_wait3A_944 = arith.constant 0 : i32
      %dma_wait3A_945 = tpu.memref_slice %arg8[%dma_wait3A_942, %dma_wait3A_943, %dma_wait3A_944] : memref<5x40x128xf32, #tpu.memory_space<vmem>> -> memref<1x40x128xf32, #tpu.memory_space<vmem>>
      %dma_wait3A_946 = tpu.memref_squeeze %dma_wait3A_945 : memref<1x40x128xf32, #tpu.memory_space<vmem>> -> memref<40x128xf32, #tpu.memory_space<vmem>>
      %dma_wait3A_947 = arith.constant 0 : i32
      %dma_wait3A_948 = tpu.memref_slice %arg6[%dma_wait3A_941, %dma_wait3A_947] : memref<10x40xi32, #tpu.memory_space<vmem>> -> memref<1x40xi32, #tpu.memory_space<vmem>>
      %dma_wait3A_949 = tpu.memref_squeeze %dma_wait3A_948 : memref<1x40xi32, #tpu.memory_space<vmem>> -> memref<40xi32, #tpu.memory_space<vmem>>
      %dma_wait3A_950 = arith.constant 0 : i32
      %dma_wait3A_951 = arith.constant 0 : i32
      %dma_wait3A_952 = tpu.memref_slice %arg2[%dma_wait3A_950, %dma_wait3A_951] : memref<10000x128xf32, #tpu.memory_space<hbm>> -> memref<10000x128xf32, #tpu.memory_space<hbm>>
      tpu.wait_indirect_dma semaphore(%arg11 : memref<!tpu.dma_semaphore, #tpu.memory_space<semaphore_mem>>) src(%dma_wait3A_952 : memref<10000x128xf32, #tpu.memory_space<hbm>>) dst(%dma_wait3A_946 : memref<40x128xf32, #tpu.memory_space<vmem>>)
      %dma_wait3A_953 = arith.constant 1 : i32
      %dma_wait3A_954 = arith.constant 0 : i32
      %dma_wait3A_955 = tpu.memref_slice %arg7[%dma_wait3A_953, %dma_wait3A_954] : memref<5x40xi32, #tpu.memory_space<vmem>> -> memref<1x40xi32, #tpu.memory_space<vmem>>
      %dma_wait3A_956 = tpu.memref_squeeze %dma_wait3A_955 : memref<1x40xi32, #tpu.memory_space<vmem>> -> memref<40xi32, #tpu.memory_space<vmem>>
      %dma_wait3A_957 = arith.constant 0 : i32
      %dma_wait3A_958 = tpu.memref_slice %arg4[%dma_wait3A_957] : memref<320000xi32, #tpu.memory_space<hbm>> -> memref<40xi32, #tpu.memory_space<hbm>>
      %dma_wait3A_959 = arith.constant 0 : i32
      %dma_wait3A_960 = tpu.memref_slice %arg7[%dma_wait3A_953, %dma_wait3A_959] : memref<5x40xi32, #tpu.memory_space<vmem>> -> memref<1x40xi32, #tpu.memory_space<vmem>>
      %dma_wait3A_961 = tpu.memref_squeeze %dma_wait3A_960 : memref<1x40xi32, #tpu.memory_space<vmem>> -> memref<40xi32, #tpu.memory_space<vmem>>
      %dma_wait3A_962 = arith.constant 0 : i32
      %dma_wait3A_963 = tpu.memref_slice %arg4[%dma_wait3A_962] : memref<320000xi32, #tpu.memory_space<hbm>> -> memref<40xi32, #tpu.memory_space<hbm>>
      tpu.wait_dma2 semaphore(%arg11 : memref<!tpu.dma_semaphore, #tpu.memory_space<semaphore_mem>>) src(%dma_wait3A_963 : memref<40xi32, #tpu.memory_space<hbm>>) dst(%dma_wait3A_961 : memref<40xi32, #tpu.memory_space<vmem>>)
      %dma_wait3A_964 = arith.constant 0 : i32
      %dma_wait3A_965 = arith.constant 0 : i32
      %dma_wait3A_966 = arith.constant 0 : i32
      %dma_wait3A_967 = arith.constant 0 : i32
      %dma_wait3A_968 = tpu.memref_slice %arg8[%dma_wait3A_964, %dma_wait3A_966, %dma_wait3A_967] : memref<5x40x128xf32, #tpu.memory_space<vmem>> -> memref<1x40x128xf32, #tpu.memory_space<vmem>>
      %dma_wait3A_969 = tpu.memref_squeeze %dma_wait3A_968 : memref<1x40x128xf32, #tpu.memory_space<vmem>> -> memref<40x128xf32, #tpu.memory_space<vmem>>
      %dma_wait3A_970 = arith.constant 0 : i32
      %dma_wait3A_971 = tpu.memref_slice %arg7[%dma_wait3A_965, %dma_wait3A_970] : memref<5x40xi32, #tpu.memory_space<vmem>> -> memref<1x40xi32, #tpu.memory_space<vmem>>
      %dma_wait3A_972 = tpu.memref_squeeze %dma_wait3A_971 : memref<1x40xi32, #tpu.memory_space<vmem>> -> memref<40xi32, #tpu.memory_space<vmem>>
      %dma_wait3A_973 = arith.constant 0 : i32
      %dma_wait3A_974 = arith.constant 0 : i32
      %dma_wait3A_975 = tpu.memref_slice %arg9[%dma_wait3A_973, %dma_wait3A_974] : memref<10000x128xf32, #tpu.memory_space<vmem_shared>> -> memref<10000x128xf32, #tpu.memory_space<vmem_shared>>
      tpu.wait_indirect_dma semaphore(%arg25 : memref<!tpu.dma_semaphore, #tpu.memory_space<semaphore_mem>>) src(%dma_wait3A_969 : memref<40x128xf32, #tpu.memory_space<vmem>>) dst(%dma_wait3A_975 : memref<10000x128xf32, #tpu.memory_space<vmem_shared>>)
      %dma_start3A_976 = arith.constant 1 : i32
      %dma_start3A_977 = arith.constant 1 : i32
      %dma_start3A_978 = arith.constant 0 : i32
      %dma_start3A_979 = arith.constant 0 : i32
      %dma_start3A_980 = tpu.memref_slice %arg8[%dma_start3A_976, %dma_start3A_978, %dma_start3A_979] : memref<5x40x128xf32, #tpu.memory_space<vmem>> -> memref<1x40x128xf32, #tpu.memory_space<vmem>>
      %dma_start3A_981 = tpu.memref_squeeze %dma_start3A_980 : memref<1x40x128xf32, #tpu.memory_space<vmem>> -> memref<40x128xf32, #tpu.memory_space<vmem>>
      %dma_start3A_982 = arith.constant 0 : i32
      %dma_start3A_983 = tpu.memref_slice %arg7[%dma_start3A_977, %dma_start3A_982] : memref<5x40xi32, #tpu.memory_space<vmem>> -> memref<1x40xi32, #tpu.memory_space<vmem>>
      %dma_start3A_984 = tpu.memref_squeeze %dma_start3A_983 : memref<1x40xi32, #tpu.memory_space<vmem>> -> memref<40xi32, #tpu.memory_space<vmem>>
      %dma_start3A_985 = arith.constant 0 : i32
      %dma_start3A_986 = arith.constant 0 : i32
      %dma_start3A_987 = tpu.memref_slice %arg9[%dma_start3A_985, %dma_start3A_986] : memref<10000x128xf32, #tpu.memory_space<vmem_shared>> -> memref<10000x128xf32, #tpu.memory_space<vmem_shared>>
      tpu.enqueue_indirect_dma source(%dma_start3A_981 : memref<40x128xf32, #tpu.memory_space<vmem>>) target(%dma_start3A_987 : memref<10000x128xf32, #tpu.memory_space<vmem_shared>>) offsets(%dma_start3A_984 : memref<40xi32, #tpu.memory_space<vmem>>) semaphore(%arg25 : memref<!tpu.dma_semaphore, #tpu.memory_space<semaphore_mem>>) {add = true}
      %lt3A_988 = arith.constant 24 : i32
      %lt3A_989 = arith.cmpi slt, %add3A_408, %lt3A_988 : i32
      %convert_element_type3A_990 = arith.extui %lt3A_989 : i1 to i32
      %cond3A_991 = arith.constant 0 : i32
      %cond3A_992 = arith.cmpi ne, %convert_element_type3A_990, %cond3A_991 : i32
      scf.if %cond3A_992 {
        %add3A_1181 = arith.constant 5 : i32
        %add3A_1182 = arith.addi %add3A_940, %add3A_1181 : i32
        %sub3A_1183 = arith.constant 1 : i32
        %sub3A_1184 = arith.subi %add3A_1182, %sub3A_1183 : i32
        %mul3A_1185 = arith.constant 40 : i32
        %mul3A_1186 = arith.muli %sub3A_1184, %mul3A_1185 : i32
        %add3A_1187 = arith.addi %mul3A_2, %mul3A_1186 : i32
        %dma_start3A_1188 = arith.constant 0 : i32
        %dma_start3A_1189 = arith.constant 0 : i32
        %dma_start3A_1190 = tpu.memref_slice %arg7[%dma_start3A_1188, %dma_start3A_1189] : memref<5x40xi32, #tpu.memory_space<vmem>> -> memref<1x40xi32, #tpu.memory_space<vmem>>
        %dma_start3A_1191 = tpu.memref_squeeze %dma_start3A_1190 : memref<1x40xi32, #tpu.memory_space<vmem>> -> memref<40xi32, #tpu.memory_space<vmem>>
        %dma_start3A_1192 = tpu.memref_slice %arg4[%add3A_1187] : memref<320000xi32, #tpu.memory_space<hbm>> -> memref<40xi32, #tpu.memory_space<hbm>>
        %dma_start3A_1193 = arith.constant 0 : i32
        %dma_start3A_1194 = tpu.memref_slice %arg7[%dma_start3A_1188, %dma_start3A_1193] : memref<5x40xi32, #tpu.memory_space<vmem>> -> memref<1x40xi32, #tpu.memory_space<vmem>>
        %dma_start3A_1195 = tpu.memref_squeeze %dma_start3A_1194 : memref<1x40xi32, #tpu.memory_space<vmem>> -> memref<40xi32, #tpu.memory_space<vmem>>
        %dma_start3A_1196 = tpu.memref_slice %arg4[%add3A_1187] : memref<320000xi32, #tpu.memory_space<hbm>> -> memref<40xi32, #tpu.memory_space<hbm>>
        tpu.enqueue_dma source(%dma_start3A_1196 : memref<40xi32, #tpu.memory_space<hbm>>) target(%dma_start3A_1195 : memref<40xi32, #tpu.memory_space<vmem>>) target_semaphore(%arg10 : memref<!tpu.dma_semaphore, #tpu.memory_space<semaphore_mem>>)
        %dma_wait3A_1197 = arith.constant 0 : i32
        %dma_wait3A_1198 = arith.constant 0 : i32
        %dma_wait3A_1199 = tpu.memref_slice %arg6[%dma_wait3A_1197, %dma_wait3A_1198] : memref<10x40xi32, #tpu.memory_space<vmem>> -> memref<1x40xi32, #tpu.memory_space<vmem>>
        %dma_wait3A_1200 = tpu.memref_squeeze %dma_wait3A_1199 : memref<1x40xi32, #tpu.memory_space<vmem>> -> memref<40xi32, #tpu.memory_space<vmem>>
        %dma_wait3A_1201 = arith.constant 0 : i32
        %dma_wait3A_1202 = tpu.memref_slice %arg3[%dma_wait3A_1201] : memref<320000xi32, #tpu.memory_space<hbm>> -> memref<40xi32, #tpu.memory_space<hbm>>
        %dma_wait3A_1203 = arith.constant 0 : i32
        %dma_wait3A_1204 = tpu.memref_slice %arg6[%dma_wait3A_1197, %dma_wait3A_1203] : memref<10x40xi32, #tpu.memory_space<vmem>> -> memref<1x40xi32, #tpu.memory_space<vmem>>
        %dma_wait3A_1205 = tpu.memref_squeeze %dma_wait3A_1204 : memref<1x40xi32, #tpu.memory_space<vmem>> -> memref<40xi32, #tpu.memory_space<vmem>>
        %dma_wait3A_1206 = arith.constant 0 : i32
        %dma_wait3A_1207 = tpu.memref_slice %arg3[%dma_wait3A_1206] : memref<320000xi32, #tpu.memory_space<hbm>> -> memref<40xi32, #tpu.memory_space<hbm>>
        tpu.wait_dma2 semaphore(%arg15 : memref<!tpu.dma_semaphore, #tpu.memory_space<semaphore_mem>>) src(%dma_wait3A_1207 : memref<40xi32, #tpu.memory_space<hbm>>) dst(%dma_wait3A_1205 : memref<40xi32, #tpu.memory_space<vmem>>)
        %dma_start3A_1208 = arith.constant 0 : i32
        %dma_start3A_1209 = arith.constant 0 : i32
        %dma_start3A_1210 = arith.constant 0 : i32
        %dma_start3A_1211 = arith.constant 0 : i32
        %dma_start3A_1212 = tpu.memref_slice %arg8[%dma_start3A_1209, %dma_start3A_1210, %dma_start3A_1211] : memref<5x40x128xf32, #tpu.memory_space<vmem>> -> memref<1x40x128xf32, #tpu.memory_space<vmem>>
        %dma_start3A_1213 = tpu.memref_squeeze %dma_start3A_1212 : memref<1x40x128xf32, #tpu.memory_space<vmem>> -> memref<40x128xf32, #tpu.memory_space<vmem>>
        %dma_start3A_1214 = arith.constant 0 : i32
        %dma_start3A_1215 = tpu.memref_slice %arg6[%dma_start3A_1208, %dma_start3A_1214] : memref<10x40xi32, #tpu.memory_space<vmem>> -> memref<1x40xi32, #tpu.memory_space<vmem>>
        %dma_start3A_1216 = tpu.memref_squeeze %dma_start3A_1215 : memref<1x40xi32, #tpu.memory_space<vmem>> -> memref<40xi32, #tpu.memory_space<vmem>>
        %dma_start3A_1217 = arith.constant 0 : i32
        %dma_start3A_1218 = arith.constant 0 : i32
        %dma_start3A_1219 = tpu.memref_slice %arg2[%dma_start3A_1217, %dma_start3A_1218] : memref<10000x128xf32, #tpu.memory_space<hbm>> -> memref<10000x128xf32, #tpu.memory_space<hbm>>
        tpu.enqueue_indirect_dma source(%dma_start3A_1219 : memref<10000x128xf32, #tpu.memory_space<hbm>>) target(%dma_start3A_1213 : memref<40x128xf32, #tpu.memory_space<vmem>>) offsets(%dma_start3A_1216 : memref<40xi32, #tpu.memory_space<vmem>>) semaphore(%arg10 : memref<!tpu.dma_semaphore, #tpu.memory_space<semaphore_mem>>)
      } else {
      }
      %lt3A_993 = arith.constant 24 : i32
      %lt3A_994 = arith.cmpi slt, %add3A_408, %lt3A_993 : i32
      %convert_element_type3A_995 = arith.extui %lt3A_994 : i1 to i32
      %cond3A_996 = arith.constant 0 : i32
      %cond3A_997 = arith.cmpi ne, %convert_element_type3A_995, %cond3A_996 : i32
      scf.if %cond3A_997 {
        %add3A_1181 = arith.constant 10 : i32
        %add3A_1182 = arith.addi %add3A_940, %add3A_1181 : i32
        %sub3A_1183 = arith.constant 1 : i32
        %sub3A_1184 = arith.subi %add3A_1182, %sub3A_1183 : i32
        %mul3A_1185 = arith.constant 40 : i32
        %mul3A_1186 = arith.muli %sub3A_1184, %mul3A_1185 : i32
        %add3A_1187 = arith.addi %mul3A_2, %mul3A_1186 : i32
        %dma_start3A_1188 = arith.constant 5 : i32
        %dma_start3A_1189 = arith.constant 0 : i32
        %dma_start3A_1190 = tpu.memref_slice %arg6[%dma_start3A_1188, %dma_start3A_1189] : memref<10x40xi32, #tpu.memory_space<vmem>> -> memref<1x40xi32, #tpu.memory_space<vmem>>
        %dma_start3A_1191 = tpu.memref_squeeze %dma_start3A_1190 : memref<1x40xi32, #tpu.memory_space<vmem>> -> memref<40xi32, #tpu.memory_space<vmem>>
        %dma_start3A_1192 = tpu.memref_slice %arg3[%add3A_1187] : memref<320000xi32, #tpu.memory_space<hbm>> -> memref<40xi32, #tpu.memory_space<hbm>>
        %dma_start3A_1193 = arith.constant 0 : i32
        %dma_start3A_1194 = tpu.memref_slice %arg6[%dma_start3A_1188, %dma_start3A_1193] : memref<10x40xi32, #tpu.memory_space<vmem>> -> memref<1x40xi32, #tpu.memory_space<vmem>>
        %dma_start3A_1195 = tpu.memref_squeeze %dma_start3A_1194 : memref<1x40xi32, #tpu.memory_space<vmem>> -> memref<40xi32, #tpu.memory_space<vmem>>
        %dma_start3A_1196 = tpu.memref_slice %arg3[%add3A_1187] : memref<320000xi32, #tpu.memory_space<hbm>> -> memref<40xi32, #tpu.memory_space<hbm>>
        tpu.enqueue_dma source(%dma_start3A_1196 : memref<40xi32, #tpu.memory_space<hbm>>) target(%dma_start3A_1195 : memref<40xi32, #tpu.memory_space<vmem>>) target_semaphore(%arg20 : memref<!tpu.dma_semaphore, #tpu.memory_space<semaphore_mem>>)
      } else {
      }
      %mul3A_998 = arith.constant 10 : i32
      %mul3A_999 = arith.muli %add3A_408, %mul3A_998 : i32
      %add3A_1000 = arith.constant 7 : i32
      %add3A_1001 = arith.addi %mul3A_999, %add3A_1000 : i32
      %dma_wait3A_1002 = arith.constant 0 : i32
      %dma_wait3A_1003 = arith.constant 2 : i32
      %dma_wait3A_1004 = arith.constant 0 : i32
      %dma_wait3A_1005 = arith.constant 0 : i32
      %dma_wait3A_1006 = tpu.memref_slice %arg8[%dma_wait3A_1003, %dma_wait3A_1004, %dma_wait3A_1005] : memref<5x40x128xf32, #tpu.memory_space<vmem>> -> memref<1x40x128xf32, #tpu.memory_space<vmem>>
      %dma_wait3A_1007 = tpu.memref_squeeze %dma_wait3A_1006 : memref<1x40x128xf32, #tpu.memory_space<vmem>> -> memref<40x128xf32, #tpu.memory_space<vmem>>
      %dma_wait3A_1008 = arith.constant 0 : i32
      %dma_wait3A_1009 = tpu.memref_slice %arg6[%dma_wait3A_1002, %dma_wait3A_1008] : memref<10x40xi32, #tpu.memory_space<vmem>> -> memref<1x40xi32, #tpu.memory_space<vmem>>
      %dma_wait3A_1010 = tpu.memref_squeeze %dma_wait3A_1009 : memref<1x40xi32, #tpu.memory_space<vmem>> -> memref<40xi32, #tpu.memory_space<vmem>>
      %dma_wait3A_1011 = arith.constant 0 : i32
      %dma_wait3A_1012 = arith.constant 0 : i32
      %dma_wait3A_1013 = tpu.memref_slice %arg2[%dma_wait3A_1011, %dma_wait3A_1012] : memref<10000x128xf32, #tpu.memory_space<hbm>> -> memref<10000x128xf32, #tpu.memory_space<hbm>>
      tpu.wait_indirect_dma semaphore(%arg12 : memref<!tpu.dma_semaphore, #tpu.memory_space<semaphore_mem>>) src(%dma_wait3A_1013 : memref<10000x128xf32, #tpu.memory_space<hbm>>) dst(%dma_wait3A_1007 : memref<40x128xf32, #tpu.memory_space<vmem>>)
      %dma_wait3A_1014 = arith.constant 2 : i32
      %dma_wait3A_1015 = arith.constant 0 : i32
      %dma_wait3A_1016 = tpu.memref_slice %arg7[%dma_wait3A_1014, %dma_wait3A_1015] : memref<5x40xi32, #tpu.memory_space<vmem>> -> memref<1x40xi32, #tpu.memory_space<vmem>>
      %dma_wait3A_1017 = tpu.memref_squeeze %dma_wait3A_1016 : memref<1x40xi32, #tpu.memory_space<vmem>> -> memref<40xi32, #tpu.memory_space<vmem>>
      %dma_wait3A_1018 = arith.constant 0 : i32
      %dma_wait3A_1019 = tpu.memref_slice %arg4[%dma_wait3A_1018] : memref<320000xi32, #tpu.memory_space<hbm>> -> memref<40xi32, #tpu.memory_space<hbm>>
      %dma_wait3A_1020 = arith.constant 0 : i32
      %dma_wait3A_1021 = tpu.memref_slice %arg7[%dma_wait3A_1014, %dma_wait3A_1020] : memref<5x40xi32, #tpu.memory_space<vmem>> -> memref<1x40xi32, #tpu.memory_space<vmem>>
      %dma_wait3A_1022 = tpu.memref_squeeze %dma_wait3A_1021 : memref<1x40xi32, #tpu.memory_space<vmem>> -> memref<40xi32, #tpu.memory_space<vmem>>
      %dma_wait3A_1023 = arith.constant 0 : i32
      %dma_wait3A_1024 = tpu.memref_slice %arg4[%dma_wait3A_1023] : memref<320000xi32, #tpu.memory_space<hbm>> -> memref<40xi32, #tpu.memory_space<hbm>>
      tpu.wait_dma2 semaphore(%arg12 : memref<!tpu.dma_semaphore, #tpu.memory_space<semaphore_mem>>) src(%dma_wait3A_1024 : memref<40xi32, #tpu.memory_space<hbm>>) dst(%dma_wait3A_1022 : memref<40xi32, #tpu.memory_space<vmem>>)
      %dma_wait3A_1025 = arith.constant 1 : i32
      %dma_wait3A_1026 = arith.constant 1 : i32
      %dma_wait3A_1027 = arith.constant 0 : i32
      %dma_wait3A_1028 = arith.constant 0 : i32
      %dma_wait3A_1029 = tpu.memref_slice %arg8[%dma_wait3A_1025, %dma_wait3A_1027, %dma_wait3A_1028] : memref<5x40x128xf32, #tpu.memory_space<vmem>> -> memref<1x40x128xf32, #tpu.memory_space<vmem>>
      %dma_wait3A_1030 = tpu.memref_squeeze %dma_wait3A_1029 : memref<1x40x128xf32, #tpu.memory_space<vmem>> -> memref<40x128xf32, #tpu.memory_space<vmem>>
      %dma_wait3A_1031 = arith.constant 0 : i32
      %dma_wait3A_1032 = tpu.memref_slice %arg7[%dma_wait3A_1026, %dma_wait3A_1031] : memref<5x40xi32, #tpu.memory_space<vmem>> -> memref<1x40xi32, #tpu.memory_space<vmem>>
      %dma_wait3A_1033 = tpu.memref_squeeze %dma_wait3A_1032 : memref<1x40xi32, #tpu.memory_space<vmem>> -> memref<40xi32, #tpu.memory_space<vmem>>
      %dma_wait3A_1034 = arith.constant 0 : i32
      %dma_wait3A_1035 = arith.constant 0 : i32
      %dma_wait3A_1036 = tpu.memref_slice %arg9[%dma_wait3A_1034, %dma_wait3A_1035] : memref<10000x128xf32, #tpu.memory_space<vmem_shared>> -> memref<10000x128xf32, #tpu.memory_space<vmem_shared>>
      tpu.wait_indirect_dma semaphore(%arg25 : memref<!tpu.dma_semaphore, #tpu.memory_space<semaphore_mem>>) src(%dma_wait3A_1030 : memref<40x128xf32, #tpu.memory_space<vmem>>) dst(%dma_wait3A_1036 : memref<10000x128xf32, #tpu.memory_space<vmem_shared>>)
      %dma_start3A_1037 = arith.constant 2 : i32
      %dma_start3A_1038 = arith.constant 2 : i32
      %dma_start3A_1039 = arith.constant 0 : i32
      %dma_start3A_1040 = arith.constant 0 : i32
      %dma_start3A_1041 = tpu.memref_slice %arg8[%dma_start3A_1037, %dma_start3A_1039, %dma_start3A_1040] : memref<5x40x128xf32, #tpu.memory_space<vmem>> -> memref<1x40x128xf32, #tpu.memory_space<vmem>>
      %dma_start3A_1042 = tpu.memref_squeeze %dma_start3A_1041 : memref<1x40x128xf32, #tpu.memory_space<vmem>> -> memref<40x128xf32, #tpu.memory_space<vmem>>
      %dma_start3A_1043 = arith.constant 0 : i32
      %dma_start3A_1044 = tpu.memref_slice %arg7[%dma_start3A_1038, %dma_start3A_1043] : memref<5x40xi32, #tpu.memory_space<vmem>> -> memref<1x40xi32, #tpu.memory_space<vmem>>
      %dma_start3A_1045 = tpu.memref_squeeze %dma_start3A_1044 : memref<1x40xi32, #tpu.memory_space<vmem>> -> memref<40xi32, #tpu.memory_space<vmem>>
      %dma_start3A_1046 = arith.constant 0 : i32
      %dma_start3A_1047 = arith.constant 0 : i32
      %dma_start3A_1048 = tpu.memref_slice %arg9[%dma_start3A_1046, %dma_start3A_1047] : memref<10000x128xf32, #tpu.memory_space<vmem_shared>> -> memref<10000x128xf32, #tpu.memory_space<vmem_shared>>
      tpu.enqueue_indirect_dma source(%dma_start3A_1042 : memref<40x128xf32, #tpu.memory_space<vmem>>) target(%dma_start3A_1048 : memref<10000x128xf32, #tpu.memory_space<vmem_shared>>) offsets(%dma_start3A_1045 : memref<40xi32, #tpu.memory_space<vmem>>) semaphore(%arg25 : memref<!tpu.dma_semaphore, #tpu.memory_space<semaphore_mem>>) {add = true}
      %lt3A_1049 = arith.constant 24 : i32
      %lt3A_1050 = arith.cmpi slt, %add3A_408, %lt3A_1049 : i32
      %convert_element_type3A_1051 = arith.extui %lt3A_1050 : i1 to i32
      %cond3A_1052 = arith.constant 0 : i32
      %cond3A_1053 = arith.cmpi ne, %convert_element_type3A_1051, %cond3A_1052 : i32
      scf.if %cond3A_1053 {
        %add3A_1181 = arith.constant 5 : i32
        %add3A_1182 = arith.addi %add3A_1001, %add3A_1181 : i32
        %sub3A_1183 = arith.constant 1 : i32
        %sub3A_1184 = arith.subi %add3A_1182, %sub3A_1183 : i32
        %mul3A_1185 = arith.constant 40 : i32
        %mul3A_1186 = arith.muli %sub3A_1184, %mul3A_1185 : i32
        %add3A_1187 = arith.addi %mul3A_2, %mul3A_1186 : i32
        %dma_start3A_1188 = arith.constant 1 : i32
        %dma_start3A_1189 = arith.constant 0 : i32
        %dma_start3A_1190 = tpu.memref_slice %arg7[%dma_start3A_1188, %dma_start3A_1189] : memref<5x40xi32, #tpu.memory_space<vmem>> -> memref<1x40xi32, #tpu.memory_space<vmem>>
        %dma_start3A_1191 = tpu.memref_squeeze %dma_start3A_1190 : memref<1x40xi32, #tpu.memory_space<vmem>> -> memref<40xi32, #tpu.memory_space<vmem>>
        %dma_start3A_1192 = tpu.memref_slice %arg4[%add3A_1187] : memref<320000xi32, #tpu.memory_space<hbm>> -> memref<40xi32, #tpu.memory_space<hbm>>
        %dma_start3A_1193 = arith.constant 0 : i32
        %dma_start3A_1194 = tpu.memref_slice %arg7[%dma_start3A_1188, %dma_start3A_1193] : memref<5x40xi32, #tpu.memory_space<vmem>> -> memref<1x40xi32, #tpu.memory_space<vmem>>
        %dma_start3A_1195 = tpu.memref_squeeze %dma_start3A_1194 : memref<1x40xi32, #tpu.memory_space<vmem>> -> memref<40xi32, #tpu.memory_space<vmem>>
        %dma_start3A_1196 = tpu.memref_slice %arg4[%add3A_1187] : memref<320000xi32, #tpu.memory_space<hbm>> -> memref<40xi32, #tpu.memory_space<hbm>>
        tpu.enqueue_dma source(%dma_start3A_1196 : memref<40xi32, #tpu.memory_space<hbm>>) target(%dma_start3A_1195 : memref<40xi32, #tpu.memory_space<vmem>>) target_semaphore(%arg11 : memref<!tpu.dma_semaphore, #tpu.memory_space<semaphore_mem>>)
        %dma_wait3A_1197 = arith.constant 1 : i32
        %dma_wait3A_1198 = arith.constant 0 : i32
        %dma_wait3A_1199 = tpu.memref_slice %arg6[%dma_wait3A_1197, %dma_wait3A_1198] : memref<10x40xi32, #tpu.memory_space<vmem>> -> memref<1x40xi32, #tpu.memory_space<vmem>>
        %dma_wait3A_1200 = tpu.memref_squeeze %dma_wait3A_1199 : memref<1x40xi32, #tpu.memory_space<vmem>> -> memref<40xi32, #tpu.memory_space<vmem>>
        %dma_wait3A_1201 = arith.constant 0 : i32
        %dma_wait3A_1202 = tpu.memref_slice %arg3[%dma_wait3A_1201] : memref<320000xi32, #tpu.memory_space<hbm>> -> memref<40xi32, #tpu.memory_space<hbm>>
        %dma_wait3A_1203 = arith.constant 0 : i32
        %dma_wait3A_1204 = tpu.memref_slice %arg6[%dma_wait3A_1197, %dma_wait3A_1203] : memref<10x40xi32, #tpu.memory_space<vmem>> -> memref<1x40xi32, #tpu.memory_space<vmem>>
        %dma_wait3A_1205 = tpu.memref_squeeze %dma_wait3A_1204 : memref<1x40xi32, #tpu.memory_space<vmem>> -> memref<40xi32, #tpu.memory_space<vmem>>
        %dma_wait3A_1206 = arith.constant 0 : i32
        %dma_wait3A_1207 = tpu.memref_slice %arg3[%dma_wait3A_1206] : memref<320000xi32, #tpu.memory_space<hbm>> -> memref<40xi32, #tpu.memory_space<hbm>>
        tpu.wait_dma2 semaphore(%arg16 : memref<!tpu.dma_semaphore, #tpu.memory_space<semaphore_mem>>) src(%dma_wait3A_1207 : memref<40xi32, #tpu.memory_space<hbm>>) dst(%dma_wait3A_1205 : memref<40xi32, #tpu.memory_space<vmem>>)
        %dma_start3A_1208 = arith.constant 1 : i32
        %dma_start3A_1209 = arith.constant 1 : i32
        %dma_start3A_1210 = arith.constant 0 : i32
        %dma_start3A_1211 = arith.constant 0 : i32
        %dma_start3A_1212 = tpu.memref_slice %arg8[%dma_start3A_1209, %dma_start3A_1210, %dma_start3A_1211] : memref<5x40x128xf32, #tpu.memory_space<vmem>> -> memref<1x40x128xf32, #tpu.memory_space<vmem>>
        %dma_start3A_1213 = tpu.memref_squeeze %dma_start3A_1212 : memref<1x40x128xf32, #tpu.memory_space<vmem>> -> memref<40x128xf32, #tpu.memory_space<vmem>>
        %dma_start3A_1214 = arith.constant 0 : i32
        %dma_start3A_1215 = tpu.memref_slice %arg6[%dma_start3A_1208, %dma_start3A_1214] : memref<10x40xi32, #tpu.memory_space<vmem>> -> memref<1x40xi32, #tpu.memory_space<vmem>>
        %dma_start3A_1216 = tpu.memref_squeeze %dma_start3A_1215 : memref<1x40xi32, #tpu.memory_space<vmem>> -> memref<40xi32, #tpu.memory_space<vmem>>
        %dma_start3A_1217 = arith.constant 0 : i32
        %dma_start3A_1218 = arith.constant 0 : i32
        %dma_start3A_1219 = tpu.memref_slice %arg2[%dma_start3A_1217, %dma_start3A_1218] : memref<10000x128xf32, #tpu.memory_space<hbm>> -> memref<10000x128xf32, #tpu.memory_space<hbm>>
        tpu.enqueue_indirect_dma source(%dma_start3A_1219 : memref<10000x128xf32, #tpu.memory_space<hbm>>) target(%dma_start3A_1213 : memref<40x128xf32, #tpu.memory_space<vmem>>) offsets(%dma_start3A_1216 : memref<40xi32, #tpu.memory_space<vmem>>) semaphore(%arg11 : memref<!tpu.dma_semaphore, #tpu.memory_space<semaphore_mem>>)
      } else {
      }
      %lt3A_1054 = arith.constant 24 : i32
      %lt3A_1055 = arith.cmpi slt, %add3A_408, %lt3A_1054 : i32
      %convert_element_type3A_1056 = arith.extui %lt3A_1055 : i1 to i32
      %cond3A_1057 = arith.constant 0 : i32
      %cond3A_1058 = arith.cmpi ne, %convert_element_type3A_1056, %cond3A_1057 : i32
      scf.if %cond3A_1058 {
        %add3A_1181 = arith.constant 10 : i32
        %add3A_1182 = arith.addi %add3A_1001, %add3A_1181 : i32
        %sub3A_1183 = arith.constant 1 : i32
        %sub3A_1184 = arith.subi %add3A_1182, %sub3A_1183 : i32
        %mul3A_1185 = arith.constant 40 : i32
        %mul3A_1186 = arith.muli %sub3A_1184, %mul3A_1185 : i32
        %add3A_1187 = arith.addi %mul3A_2, %mul3A_1186 : i32
        %dma_start3A_1188 = arith.constant 6 : i32
        %dma_start3A_1189 = arith.constant 0 : i32
        %dma_start3A_1190 = tpu.memref_slice %arg6[%dma_start3A_1188, %dma_start3A_1189] : memref<10x40xi32, #tpu.memory_space<vmem>> -> memref<1x40xi32, #tpu.memory_space<vmem>>
        %dma_start3A_1191 = tpu.memref_squeeze %dma_start3A_1190 : memref<1x40xi32, #tpu.memory_space<vmem>> -> memref<40xi32, #tpu.memory_space<vmem>>
        %dma_start3A_1192 = tpu.memref_slice %arg3[%add3A_1187] : memref<320000xi32, #tpu.memory_space<hbm>> -> memref<40xi32, #tpu.memory_space<hbm>>
        %dma_start3A_1193 = arith.constant 0 : i32
        %dma_start3A_1194 = tpu.memref_slice %arg6[%dma_start3A_1188, %dma_start3A_1193] : memref<10x40xi32, #tpu.memory_space<vmem>> -> memref<1x40xi32, #tpu.memory_space<vmem>>
        %dma_start3A_1195 = tpu.memref_squeeze %dma_start3A_1194 : memref<1x40xi32, #tpu.memory_space<vmem>> -> memref<40xi32, #tpu.memory_space<vmem>>
        %dma_start3A_1196 = tpu.memref_slice %arg3[%add3A_1187] : memref<320000xi32, #tpu.memory_space<hbm>> -> memref<40xi32, #tpu.memory_space<hbm>>
        tpu.enqueue_dma source(%dma_start3A_1196 : memref<40xi32, #tpu.memory_space<hbm>>) target(%dma_start3A_1195 : memref<40xi32, #tpu.memory_space<vmem>>) target_semaphore(%arg21 : memref<!tpu.dma_semaphore, #tpu.memory_space<semaphore_mem>>)
      } else {
      }
      %mul3A_1059 = arith.constant 10 : i32
      %mul3A_1060 = arith.muli %add3A_408, %mul3A_1059 : i32
      %add3A_1061 = arith.constant 8 : i32
      %add3A_1062 = arith.addi %mul3A_1060, %add3A_1061 : i32
      %dma_wait3A_1063 = arith.constant 0 : i32
      %dma_wait3A_1064 = arith.constant 3 : i32
      %dma_wait3A_1065 = arith.constant 0 : i32
      %dma_wait3A_1066 = arith.constant 0 : i32
      %dma_wait3A_1067 = tpu.memref_slice %arg8[%dma_wait3A_1064, %dma_wait3A_1065, %dma_wait3A_1066] : memref<5x40x128xf32, #tpu.memory_space<vmem>> -> memref<1x40x128xf32, #tpu.memory_space<vmem>>
      %dma_wait3A_1068 = tpu.memref_squeeze %dma_wait3A_1067 : memref<1x40x128xf32, #tpu.memory_space<vmem>> -> memref<40x128xf32, #tpu.memory_space<vmem>>
      %dma_wait3A_1069 = arith.constant 0 : i32
      %dma_wait3A_1070 = tpu.memref_slice %arg6[%dma_wait3A_1063, %dma_wait3A_1069] : memref<10x40xi32, #tpu.memory_space<vmem>> -> memref<1x40xi32, #tpu.memory_space<vmem>>
      %dma_wait3A_1071 = tpu.memref_squeeze %dma_wait3A_1070 : memref<1x40xi32, #tpu.memory_space<vmem>> -> memref<40xi32, #tpu.memory_space<vmem>>
      %dma_wait3A_1072 = arith.constant 0 : i32
      %dma_wait3A_1073 = arith.constant 0 : i32
      %dma_wait3A_1074 = tpu.memref_slice %arg2[%dma_wait3A_1072, %dma_wait3A_1073] : memref<10000x128xf32, #tpu.memory_space<hbm>> -> memref<10000x128xf32, #tpu.memory_space<hbm>>
      tpu.wait_indirect_dma semaphore(%arg13 : memref<!tpu.dma_semaphore, #tpu.memory_space<semaphore_mem>>) src(%dma_wait3A_1074 : memref<10000x128xf32, #tpu.memory_space<hbm>>) dst(%dma_wait3A_1068 : memref<40x128xf32, #tpu.memory_space<vmem>>)
      %dma_wait3A_1075 = arith.constant 3 : i32
      %dma_wait3A_1076 = arith.constant 0 : i32
      %dma_wait3A_1077 = tpu.memref_slice %arg7[%dma_wait3A_1075, %dma_wait3A_1076] : memref<5x40xi32, #tpu.memory_space<vmem>> -> memref<1x40xi32, #tpu.memory_space<vmem>>
      %dma_wait3A_1078 = tpu.memref_squeeze %dma_wait3A_1077 : memref<1x40xi32, #tpu.memory_space<vmem>> -> memref<40xi32, #tpu.memory_space<vmem>>
      %dma_wait3A_1079 = arith.constant 0 : i32
      %dma_wait3A_1080 = tpu.memref_slice %arg4[%dma_wait3A_1079] : memref<320000xi32, #tpu.memory_space<hbm>> -> memref<40xi32, #tpu.memory_space<hbm>>
      %dma_wait3A_1081 = arith.constant 0 : i32
      %dma_wait3A_1082 = tpu.memref_slice %arg7[%dma_wait3A_1075, %dma_wait3A_1081] : memref<5x40xi32, #tpu.memory_space<vmem>> -> memref<1x40xi32, #tpu.memory_space<vmem>>
      %dma_wait3A_1083 = tpu.memref_squeeze %dma_wait3A_1082 : memref<1x40xi32, #tpu.memory_space<vmem>> -> memref<40xi32, #tpu.memory_space<vmem>>
      %dma_wait3A_1084 = arith.constant 0 : i32
      %dma_wait3A_1085 = tpu.memref_slice %arg4[%dma_wait3A_1084] : memref<320000xi32, #tpu.memory_space<hbm>> -> memref<40xi32, #tpu.memory_space<hbm>>
      tpu.wait_dma2 semaphore(%arg13 : memref<!tpu.dma_semaphore, #tpu.memory_space<semaphore_mem>>) src(%dma_wait3A_1085 : memref<40xi32, #tpu.memory_space<hbm>>) dst(%dma_wait3A_1083 : memref<40xi32, #tpu.memory_space<vmem>>)
      %dma_wait3A_1086 = arith.constant 2 : i32
      %dma_wait3A_1087 = arith.constant 2 : i32
      %dma_wait3A_1088 = arith.constant 0 : i32
      %dma_wait3A_1089 = arith.constant 0 : i32
      %dma_wait3A_1090 = tpu.memref_slice %arg8[%dma_wait3A_1086, %dma_wait3A_1088, %dma_wait3A_1089] : memref<5x40x128xf32, #tpu.memory_space<vmem>> -> memref<1x40x128xf32, #tpu.memory_space<vmem>>
      %dma_wait3A_1091 = tpu.memref_squeeze %dma_wait3A_1090 : memref<1x40x128xf32, #tpu.memory_space<vmem>> -> memref<40x128xf32, #tpu.memory_space<vmem>>
      %dma_wait3A_1092 = arith.constant 0 : i32
      %dma_wait3A_1093 = tpu.memref_slice %arg7[%dma_wait3A_1087, %dma_wait3A_1092] : memref<5x40xi32, #tpu.memory_space<vmem>> -> memref<1x40xi32, #tpu.memory_space<vmem>>
      %dma_wait3A_1094 = tpu.memref_squeeze %dma_wait3A_1093 : memref<1x40xi32, #tpu.memory_space<vmem>> -> memref<40xi32, #tpu.memory_space<vmem>>
      %dma_wait3A_1095 = arith.constant 0 : i32
      %dma_wait3A_1096 = arith.constant 0 : i32
      %dma_wait3A_1097 = tpu.memref_slice %arg9[%dma_wait3A_1095, %dma_wait3A_1096] : memref<10000x128xf32, #tpu.memory_space<vmem_shared>> -> memref<10000x128xf32, #tpu.memory_space<vmem_shared>>
      tpu.wait_indirect_dma semaphore(%arg25 : memref<!tpu.dma_semaphore, #tpu.memory_space<semaphore_mem>>) src(%dma_wait3A_1091 : memref<40x128xf32, #tpu.memory_space<vmem>>) dst(%dma_wait3A_1097 : memref<10000x128xf32, #tpu.memory_space<vmem_shared>>)
      %dma_start3A_1098 = arith.constant 3 : i32
      %dma_start3A_1099 = arith.constant 3 : i32
      %dma_start3A_1100 = arith.constant 0 : i32
      %dma_start3A_1101 = arith.constant 0 : i32
      %dma_start3A_1102 = tpu.memref_slice %arg8[%dma_start3A_1098, %dma_start3A_1100, %dma_start3A_1101] : memref<5x40x128xf32, #tpu.memory_space<vmem>> -> memref<1x40x128xf32, #tpu.memory_space<vmem>>
      %dma_start3A_1103 = tpu.memref_squeeze %dma_start3A_1102 : memref<1x40x128xf32, #tpu.memory_space<vmem>> -> memref<40x128xf32, #tpu.memory_space<vmem>>
      %dma_start3A_1104 = arith.constant 0 : i32
      %dma_start3A_1105 = tpu.memref_slice %arg7[%dma_start3A_1099, %dma_start3A_1104] : memref<5x40xi32, #tpu.memory_space<vmem>> -> memref<1x40xi32, #tpu.memory_space<vmem>>
      %dma_start3A_1106 = tpu.memref_squeeze %dma_start3A_1105 : memref<1x40xi32, #tpu.memory_space<vmem>> -> memref<40xi32, #tpu.memory_space<vmem>>
      %dma_start3A_1107 = arith.constant 0 : i32
      %dma_start3A_1108 = arith.constant 0 : i32
      %dma_start3A_1109 = tpu.memref_slice %arg9[%dma_start3A_1107, %dma_start3A_1108] : memref<10000x128xf32, #tpu.memory_space<vmem_shared>> -> memref<10000x128xf32, #tpu.memory_space<vmem_shared>>
      tpu.enqueue_indirect_dma source(%dma_start3A_1103 : memref<40x128xf32, #tpu.memory_space<vmem>>) target(%dma_start3A_1109 : memref<10000x128xf32, #tpu.memory_space<vmem_shared>>) offsets(%dma_start3A_1106 : memref<40xi32, #tpu.memory_space<vmem>>) semaphore(%arg25 : memref<!tpu.dma_semaphore, #tpu.memory_space<semaphore_mem>>) {add = true}
      %lt3A_1110 = arith.constant 24 : i32
      %lt3A_1111 = arith.cmpi slt, %add3A_408, %lt3A_1110 : i32
      %convert_element_type3A_1112 = arith.extui %lt3A_1111 : i1 to i32
      %cond3A_1113 = arith.constant 0 : i32
      %cond3A_1114 = arith.cmpi ne, %convert_element_type3A_1112, %cond3A_1113 : i32
      scf.if %cond3A_1114 {
        %add3A_1181 = arith.constant 5 : i32
        %add3A_1182 = arith.addi %add3A_1062, %add3A_1181 : i32
        %sub3A_1183 = arith.constant 1 : i32
        %sub3A_1184 = arith.subi %add3A_1182, %sub3A_1183 : i32
        %mul3A_1185 = arith.constant 40 : i32
        %mul3A_1186 = arith.muli %sub3A_1184, %mul3A_1185 : i32
        %add3A_1187 = arith.addi %mul3A_2, %mul3A_1186 : i32
        %dma_start3A_1188 = arith.constant 2 : i32
        %dma_start3A_1189 = arith.constant 0 : i32
        %dma_start3A_1190 = tpu.memref_slice %arg7[%dma_start3A_1188, %dma_start3A_1189] : memref<5x40xi32, #tpu.memory_space<vmem>> -> memref<1x40xi32, #tpu.memory_space<vmem>>
        %dma_start3A_1191 = tpu.memref_squeeze %dma_start3A_1190 : memref<1x40xi32, #tpu.memory_space<vmem>> -> memref<40xi32, #tpu.memory_space<vmem>>
        %dma_start3A_1192 = tpu.memref_slice %arg4[%add3A_1187] : memref<320000xi32, #tpu.memory_space<hbm>> -> memref<40xi32, #tpu.memory_space<hbm>>
        %dma_start3A_1193 = arith.constant 0 : i32
        %dma_start3A_1194 = tpu.memref_slice %arg7[%dma_start3A_1188, %dma_start3A_1193] : memref<5x40xi32, #tpu.memory_space<vmem>> -> memref<1x40xi32, #tpu.memory_space<vmem>>
        %dma_start3A_1195 = tpu.memref_squeeze %dma_start3A_1194 : memref<1x40xi32, #tpu.memory_space<vmem>> -> memref<40xi32, #tpu.memory_space<vmem>>
        %dma_start3A_1196 = tpu.memref_slice %arg4[%add3A_1187] : memref<320000xi32, #tpu.memory_space<hbm>> -> memref<40xi32, #tpu.memory_space<hbm>>
        tpu.enqueue_dma source(%dma_start3A_1196 : memref<40xi32, #tpu.memory_space<hbm>>) target(%dma_start3A_1195 : memref<40xi32, #tpu.memory_space<vmem>>) target_semaphore(%arg12 : memref<!tpu.dma_semaphore, #tpu.memory_space<semaphore_mem>>)
        %dma_wait3A_1197 = arith.constant 2 : i32
        %dma_wait3A_1198 = arith.constant 0 : i32
        %dma_wait3A_1199 = tpu.memref_slice %arg6[%dma_wait3A_1197, %dma_wait3A_1198] : memref<10x40xi32, #tpu.memory_space<vmem>> -> memref<1x40xi32, #tpu.memory_space<vmem>>
        %dma_wait3A_1200 = tpu.memref_squeeze %dma_wait3A_1199 : memref<1x40xi32, #tpu.memory_space<vmem>> -> memref<40xi32, #tpu.memory_space<vmem>>
        %dma_wait3A_1201 = arith.constant 0 : i32
        %dma_wait3A_1202 = tpu.memref_slice %arg3[%dma_wait3A_1201] : memref<320000xi32, #tpu.memory_space<hbm>> -> memref<40xi32, #tpu.memory_space<hbm>>
        %dma_wait3A_1203 = arith.constant 0 : i32
        %dma_wait3A_1204 = tpu.memref_slice %arg6[%dma_wait3A_1197, %dma_wait3A_1203] : memref<10x40xi32, #tpu.memory_space<vmem>> -> memref<1x40xi32, #tpu.memory_space<vmem>>
        %dma_wait3A_1205 = tpu.memref_squeeze %dma_wait3A_1204 : memref<1x40xi32, #tpu.memory_space<vmem>> -> memref<40xi32, #tpu.memory_space<vmem>>
        %dma_wait3A_1206 = arith.constant 0 : i32
        %dma_wait3A_1207 = tpu.memref_slice %arg3[%dma_wait3A_1206] : memref<320000xi32, #tpu.memory_space<hbm>> -> memref<40xi32, #tpu.memory_space<hbm>>
        tpu.wait_dma2 semaphore(%arg17 : memref<!tpu.dma_semaphore, #tpu.memory_space<semaphore_mem>>) src(%dma_wait3A_1207 : memref<40xi32, #tpu.memory_space<hbm>>) dst(%dma_wait3A_1205 : memref<40xi32, #tpu.memory_space<vmem>>)
        %dma_start3A_1208 = arith.constant 2 : i32
        %dma_start3A_1209 = arith.constant 2 : i32
        %dma_start3A_1210 = arith.constant 0 : i32
        %dma_start3A_1211 = arith.constant 0 : i32
        %dma_start3A_1212 = tpu.memref_slice %arg8[%dma_start3A_1209, %dma_start3A_1210, %dma_start3A_1211] : memref<5x40x128xf32, #tpu.memory_space<vmem>> -> memref<1x40x128xf32, #tpu.memory_space<vmem>>
        %dma_start3A_1213 = tpu.memref_squeeze %dma_start3A_1212 : memref<1x40x128xf32, #tpu.memory_space<vmem>> -> memref<40x128xf32, #tpu.memory_space<vmem>>
        %dma_start3A_1214 = arith.constant 0 : i32
        %dma_start3A_1215 = tpu.memref_slice %arg6[%dma_start3A_1208, %dma_start3A_1214] : memref<10x40xi32, #tpu.memory_space<vmem>> -> memref<1x40xi32, #tpu.memory_space<vmem>>
        %dma_start3A_1216 = tpu.memref_squeeze %dma_start3A_1215 : memref<1x40xi32, #tpu.memory_space<vmem>> -> memref<40xi32, #tpu.memory_space<vmem>>
        %dma_start3A_1217 = arith.constant 0 : i32
        %dma_start3A_1218 = arith.constant 0 : i32
        %dma_start3A_1219 = tpu.memref_slice %arg2[%dma_start3A_1217, %dma_start3A_1218] : memref<10000x128xf32, #tpu.memory_space<hbm>> -> memref<10000x128xf32, #tpu.memory_space<hbm>>
        tpu.enqueue_indirect_dma source(%dma_start3A_1219 : memref<10000x128xf32, #tpu.memory_space<hbm>>) target(%dma_start3A_1213 : memref<40x128xf32, #tpu.memory_space<vmem>>) offsets(%dma_start3A_1216 : memref<40xi32, #tpu.memory_space<vmem>>) semaphore(%arg12 : memref<!tpu.dma_semaphore, #tpu.memory_space<semaphore_mem>>)
      } else {
      }
      %lt3A_1115 = arith.constant 24 : i32
      %lt3A_1116 = arith.cmpi slt, %add3A_408, %lt3A_1115 : i32
      %convert_element_type3A_1117 = arith.extui %lt3A_1116 : i1 to i32
      %cond3A_1118 = arith.constant 0 : i32
      %cond3A_1119 = arith.cmpi ne, %convert_element_type3A_1117, %cond3A_1118 : i32
      scf.if %cond3A_1119 {
        %add3A_1181 = arith.constant 10 : i32
        %add3A_1182 = arith.addi %add3A_1062, %add3A_1181 : i32
        %sub3A_1183 = arith.constant 1 : i32
        %sub3A_1184 = arith.subi %add3A_1182, %sub3A_1183 : i32
        %mul3A_1185 = arith.constant 40 : i32
        %mul3A_1186 = arith.muli %sub3A_1184, %mul3A_1185 : i32
        %add3A_1187 = arith.addi %mul3A_2, %mul3A_1186 : i32
        %dma_start3A_1188 = arith.constant 7 : i32
        %dma_start3A_1189 = arith.constant 0 : i32
        %dma_start3A_1190 = tpu.memref_slice %arg6[%dma_start3A_1188, %dma_start3A_1189] : memref<10x40xi32, #tpu.memory_space<vmem>> -> memref<1x40xi32, #tpu.memory_space<vmem>>
        %dma_start3A_1191 = tpu.memref_squeeze %dma_start3A_1190 : memref<1x40xi32, #tpu.memory_space<vmem>> -> memref<40xi32, #tpu.memory_space<vmem>>
        %dma_start3A_1192 = tpu.memref_slice %arg3[%add3A_1187] : memref<320000xi32, #tpu.memory_space<hbm>> -> memref<40xi32, #tpu.memory_space<hbm>>
        %dma_start3A_1193 = arith.constant 0 : i32
        %dma_start3A_1194 = tpu.memref_slice %arg6[%dma_start3A_1188, %dma_start3A_1193] : memref<10x40xi32, #tpu.memory_space<vmem>> -> memref<1x40xi32, #tpu.memory_space<vmem>>
        %dma_start3A_1195 = tpu.memref_squeeze %dma_start3A_1194 : memref<1x40xi32, #tpu.memory_space<vmem>> -> memref<40xi32, #tpu.memory_space<vmem>>
        %dma_start3A_1196 = tpu.memref_slice %arg3[%add3A_1187] : memref<320000xi32, #tpu.memory_space<hbm>> -> memref<40xi32, #tpu.memory_space<hbm>>
        tpu.enqueue_dma source(%dma_start3A_1196 : memref<40xi32, #tpu.memory_space<hbm>>) target(%dma_start3A_1195 : memref<40xi32, #tpu.memory_space<vmem>>) target_semaphore(%arg22 : memref<!tpu.dma_semaphore, #tpu.memory_space<semaphore_mem>>)
      } else {
      }
      %mul3A_1120 = arith.constant 10 : i32
      %mul3A_1121 = arith.muli %add3A_408, %mul3A_1120 : i32
      %add3A_1122 = arith.constant 9 : i32
      %add3A_1123 = arith.addi %mul3A_1121, %add3A_1122 : i32
      %dma_wait3A_1124 = arith.constant 0 : i32
      %dma_wait3A_1125 = arith.constant 4 : i32
      %dma_wait3A_1126 = arith.constant 0 : i32
      %dma_wait3A_1127 = arith.constant 0 : i32
      %dma_wait3A_1128 = tpu.memref_slice %arg8[%dma_wait3A_1125, %dma_wait3A_1126, %dma_wait3A_1127] : memref<5x40x128xf32, #tpu.memory_space<vmem>> -> memref<1x40x128xf32, #tpu.memory_space<vmem>>
      %dma_wait3A_1129 = tpu.memref_squeeze %dma_wait3A_1128 : memref<1x40x128xf32, #tpu.memory_space<vmem>> -> memref<40x128xf32, #tpu.memory_space<vmem>>
      %dma_wait3A_1130 = arith.constant 0 : i32
      %dma_wait3A_1131 = tpu.memref_slice %arg6[%dma_wait3A_1124, %dma_wait3A_1130] : memref<10x40xi32, #tpu.memory_space<vmem>> -> memref<1x40xi32, #tpu.memory_space<vmem>>
      %dma_wait3A_1132 = tpu.memref_squeeze %dma_wait3A_1131 : memref<1x40xi32, #tpu.memory_space<vmem>> -> memref<40xi32, #tpu.memory_space<vmem>>
      %dma_wait3A_1133 = arith.constant 0 : i32
      %dma_wait3A_1134 = arith.constant 0 : i32
      %dma_wait3A_1135 = tpu.memref_slice %arg2[%dma_wait3A_1133, %dma_wait3A_1134] : memref<10000x128xf32, #tpu.memory_space<hbm>> -> memref<10000x128xf32, #tpu.memory_space<hbm>>
      tpu.wait_indirect_dma semaphore(%arg14 : memref<!tpu.dma_semaphore, #tpu.memory_space<semaphore_mem>>) src(%dma_wait3A_1135 : memref<10000x128xf32, #tpu.memory_space<hbm>>) dst(%dma_wait3A_1129 : memref<40x128xf32, #tpu.memory_space<vmem>>)
      %dma_wait3A_1136 = arith.constant 4 : i32
      %dma_wait3A_1137 = arith.constant 0 : i32
      %dma_wait3A_1138 = tpu.memref_slice %arg7[%dma_wait3A_1136, %dma_wait3A_1137] : memref<5x40xi32, #tpu.memory_space<vmem>> -> memref<1x40xi32, #tpu.memory_space<vmem>>
      %dma_wait3A_1139 = tpu.memref_squeeze %dma_wait3A_1138 : memref<1x40xi32, #tpu.memory_space<vmem>> -> memref<40xi32, #tpu.memory_space<vmem>>
      %dma_wait3A_1140 = arith.constant 0 : i32
      %dma_wait3A_1141 = tpu.memref_slice %arg4[%dma_wait3A_1140] : memref<320000xi32, #tpu.memory_space<hbm>> -> memref<40xi32, #tpu.memory_space<hbm>>
      %dma_wait3A_1142 = arith.constant 0 : i32
      %dma_wait3A_1143 = tpu.memref_slice %arg7[%dma_wait3A_1136, %dma_wait3A_1142] : memref<5x40xi32, #tpu.memory_space<vmem>> -> memref<1x40xi32, #tpu.memory_space<vmem>>
      %dma_wait3A_1144 = tpu.memref_squeeze %dma_wait3A_1143 : memref<1x40xi32, #tpu.memory_space<vmem>> -> memref<40xi32, #tpu.memory_space<vmem>>
      %dma_wait3A_1145 = arith.constant 0 : i32
      %dma_wait3A_1146 = tpu.memref_slice %arg4[%dma_wait3A_1145] : memref<320000xi32, #tpu.memory_space<hbm>> -> memref<40xi32, #tpu.memory_space<hbm>>
      tpu.wait_dma2 semaphore(%arg14 : memref<!tpu.dma_semaphore, #tpu.memory_space<semaphore_mem>>) src(%dma_wait3A_1146 : memref<40xi32, #tpu.memory_space<hbm>>) dst(%dma_wait3A_1144 : memref<40xi32, #tpu.memory_space<vmem>>)
      %dma_wait3A_1147 = arith.constant 3 : i32
      %dma_wait3A_1148 = arith.constant 3 : i32
      %dma_wait3A_1149 = arith.constant 0 : i32
      %dma_wait3A_1150 = arith.constant 0 : i32
      %dma_wait3A_1151 = tpu.memref_slice %arg8[%dma_wait3A_1147, %dma_wait3A_1149, %dma_wait3A_1150] : memref<5x40x128xf32, #tpu.memory_space<vmem>> -> memref<1x40x128xf32, #tpu.memory_space<vmem>>
      %dma_wait3A_1152 = tpu.memref_squeeze %dma_wait3A_1151 : memref<1x40x128xf32, #tpu.memory_space<vmem>> -> memref<40x128xf32, #tpu.memory_space<vmem>>
      %dma_wait3A_1153 = arith.constant 0 : i32
      %dma_wait3A_1154 = tpu.memref_slice %arg7[%dma_wait3A_1148, %dma_wait3A_1153] : memref<5x40xi32, #tpu.memory_space<vmem>> -> memref<1x40xi32, #tpu.memory_space<vmem>>
      %dma_wait3A_1155 = tpu.memref_squeeze %dma_wait3A_1154 : memref<1x40xi32, #tpu.memory_space<vmem>> -> memref<40xi32, #tpu.memory_space<vmem>>
      %dma_wait3A_1156 = arith.constant 0 : i32
      %dma_wait3A_1157 = arith.constant 0 : i32
      %dma_wait3A_1158 = tpu.memref_slice %arg9[%dma_wait3A_1156, %dma_wait3A_1157] : memref<10000x128xf32, #tpu.memory_space<vmem_shared>> -> memref<10000x128xf32, #tpu.memory_space<vmem_shared>>
      tpu.wait_indirect_dma semaphore(%arg25 : memref<!tpu.dma_semaphore, #tpu.memory_space<semaphore_mem>>) src(%dma_wait3A_1152 : memref<40x128xf32, #tpu.memory_space<vmem>>) dst(%dma_wait3A_1158 : memref<10000x128xf32, #tpu.memory_space<vmem_shared>>)
      %dma_start3A_1159 = arith.constant 4 : i32
      %dma_start3A_1160 = arith.constant 4 : i32
      %dma_start3A_1161 = arith.constant 0 : i32
      %dma_start3A_1162 = arith.constant 0 : i32
      %dma_start3A_1163 = tpu.memref_slice %arg8[%dma_start3A_1159, %dma_start3A_1161, %dma_start3A_1162] : memref<5x40x128xf32, #tpu.memory_space<vmem>> -> memref<1x40x128xf32, #tpu.memory_space<vmem>>
      %dma_start3A_1164 = tpu.memref_squeeze %dma_start3A_1163 : memref<1x40x128xf32, #tpu.memory_space<vmem>> -> memref<40x128xf32, #tpu.memory_space<vmem>>
      %dma_start3A_1165 = arith.constant 0 : i32
      %dma_start3A_1166 = tpu.memref_slice %arg7[%dma_start3A_1160, %dma_start3A_1165] : memref<5x40xi32, #tpu.memory_space<vmem>> -> memref<1x40xi32, #tpu.memory_space<vmem>>
      %dma_start3A_1167 = tpu.memref_squeeze %dma_start3A_1166 : memref<1x40xi32, #tpu.memory_space<vmem>> -> memref<40xi32, #tpu.memory_space<vmem>>
      %dma_start3A_1168 = arith.constant 0 : i32
      %dma_start3A_1169 = arith.constant 0 : i32
      %dma_start3A_1170 = tpu.memref_slice %arg9[%dma_start3A_1168, %dma_start3A_1169] : memref<10000x128xf32, #tpu.memory_space<vmem_shared>> -> memref<10000x128xf32, #tpu.memory_space<vmem_shared>>
      tpu.enqueue_indirect_dma source(%dma_start3A_1164 : memref<40x128xf32, #tpu.memory_space<vmem>>) target(%dma_start3A_1170 : memref<10000x128xf32, #tpu.memory_space<vmem_shared>>) offsets(%dma_start3A_1167 : memref<40xi32, #tpu.memory_space<vmem>>) semaphore(%arg25 : memref<!tpu.dma_semaphore, #tpu.memory_space<semaphore_mem>>) {add = true}
      %lt3A_1171 = arith.constant 24 : i32
      %lt3A_1172 = arith.cmpi slt, %add3A_408, %lt3A_1171 : i32
      %convert_element_type3A_1173 = arith.extui %lt3A_1172 : i1 to i32
      %cond3A_1174 = arith.constant 0 : i32
      %cond3A_1175 = arith.cmpi ne, %convert_element_type3A_1173, %cond3A_1174 : i32
      scf.if %cond3A_1175 {
        %add3A_1181 = arith.constant 5 : i32
        %add3A_1182 = arith.addi %add3A_1123, %add3A_1181 : i32
        %sub3A_1183 = arith.constant 1 : i32
        %sub3A_1184 = arith.subi %add3A_1182, %sub3A_1183 : i32
        %mul3A_1185 = arith.constant 40 : i32
        %mul3A_1186 = arith.muli %sub3A_1184, %mul3A_1185 : i32
        %add3A_1187 = arith.addi %mul3A_2, %mul3A_1186 : i32
        %dma_start3A_1188 = arith.constant 3 : i32
        %dma_start3A_1189 = arith.constant 0 : i32
        %dma_start3A_1190 = tpu.memref_slice %arg7[%dma_start3A_1188, %dma_start3A_1189] : memref<5x40xi32, #tpu.memory_space<vmem>> -> memref<1x40xi32, #tpu.memory_space<vmem>>
        %dma_start3A_1191 = tpu.memref_squeeze %dma_start3A_1190 : memref<1x40xi32, #tpu.memory_space<vmem>> -> memref<40xi32, #tpu.memory_space<vmem>>
        %dma_start3A_1192 = tpu.memref_slice %arg4[%add3A_1187] : memref<320000xi32, #tpu.memory_space<hbm>> -> memref<40xi32, #tpu.memory_space<hbm>>
        %dma_start3A_1193 = arith.constant 0 : i32
        %dma_start3A_1194 = tpu.memref_slice %arg7[%dma_start3A_1188, %dma_start3A_1193] : memref<5x40xi32, #tpu.memory_space<vmem>> -> memref<1x40xi32, #tpu.memory_space<vmem>>
        %dma_start3A_1195 = tpu.memref_squeeze %dma_start3A_1194 : memref<1x40xi32, #tpu.memory_space<vmem>> -> memref<40xi32, #tpu.memory_space<vmem>>
        %dma_start3A_1196 = tpu.memref_slice %arg4[%add3A_1187] : memref<320000xi32, #tpu.memory_space<hbm>> -> memref<40xi32, #tpu.memory_space<hbm>>
        tpu.enqueue_dma source(%dma_start3A_1196 : memref<40xi32, #tpu.memory_space<hbm>>) target(%dma_start3A_1195 : memref<40xi32, #tpu.memory_space<vmem>>) target_semaphore(%arg13 : memref<!tpu.dma_semaphore, #tpu.memory_space<semaphore_mem>>)
        %dma_wait3A_1197 = arith.constant 3 : i32
        %dma_wait3A_1198 = arith.constant 0 : i32
        %dma_wait3A_1199 = tpu.memref_slice %arg6[%dma_wait3A_1197, %dma_wait3A_1198] : memref<10x40xi32, #tpu.memory_space<vmem>> -> memref<1x40xi32, #tpu.memory_space<vmem>>
        %dma_wait3A_1200 = tpu.memref_squeeze %dma_wait3A_1199 : memref<1x40xi32, #tpu.memory_space<vmem>> -> memref<40xi32, #tpu.memory_space<vmem>>
        %dma_wait3A_1201 = arith.constant 0 : i32
        %dma_wait3A_1202 = tpu.memref_slice %arg3[%dma_wait3A_1201] : memref<320000xi32, #tpu.memory_space<hbm>> -> memref<40xi32, #tpu.memory_space<hbm>>
        %dma_wait3A_1203 = arith.constant 0 : i32
        %dma_wait3A_1204 = tpu.memref_slice %arg6[%dma_wait3A_1197, %dma_wait3A_1203] : memref<10x40xi32, #tpu.memory_space<vmem>> -> memref<1x40xi32, #tpu.memory_space<vmem>>
        %dma_wait3A_1205 = tpu.memref_squeeze %dma_wait3A_1204 : memref<1x40xi32, #tpu.memory_space<vmem>> -> memref<40xi32, #tpu.memory_space<vmem>>
        %dma_wait3A_1206 = arith.constant 0 : i32
        %dma_wait3A_1207 = tpu.memref_slice %arg3[%dma_wait3A_1206] : memref<320000xi32, #tpu.memory_space<hbm>> -> memref<40xi32, #tpu.memory_space<hbm>>
        tpu.wait_dma2 semaphore(%arg18 : memref<!tpu.dma_semaphore, #tpu.memory_space<semaphore_mem>>) src(%dma_wait3A_1207 : memref<40xi32, #tpu.memory_space<hbm>>) dst(%dma_wait3A_1205 : memref<40xi32, #tpu.memory_space<vmem>>)
        %dma_start3A_1208 = arith.constant 3 : i32
        %dma_start3A_1209 = arith.constant 3 : i32
        %dma_start3A_1210 = arith.constant 0 : i32
        %dma_start3A_1211 = arith.constant 0 : i32
        %dma_start3A_1212 = tpu.memref_slice %arg8[%dma_start3A_1209, %dma_start3A_1210, %dma_start3A_1211] : memref<5x40x128xf32, #tpu.memory_space<vmem>> -> memref<1x40x128xf32, #tpu.memory_space<vmem>>
        %dma_start3A_1213 = tpu.memref_squeeze %dma_start3A_1212 : memref<1x40x128xf32, #tpu.memory_space<vmem>> -> memref<40x128xf32, #tpu.memory_space<vmem>>
        %dma_start3A_1214 = arith.constant 0 : i32
        %dma_start3A_1215 = tpu.memref_slice %arg6[%dma_start3A_1208, %dma_start3A_1214] : memref<10x40xi32, #tpu.memory_space<vmem>> -> memref<1x40xi32, #tpu.memory_space<vmem>>
        %dma_start3A_1216 = tpu.memref_squeeze %dma_start3A_1215 : memref<1x40xi32, #tpu.memory_space<vmem>> -> memref<40xi32, #tpu.memory_space<vmem>>
        %dma_start3A_1217 = arith.constant 0 : i32
        %dma_start3A_1218 = arith.constant 0 : i32
        %dma_start3A_1219 = tpu.memref_slice %arg2[%dma_start3A_1217, %dma_start3A_1218] : memref<10000x128xf32, #tpu.memory_space<hbm>> -> memref<10000x128xf32, #tpu.memory_space<hbm>>
        tpu.enqueue_indirect_dma source(%dma_start3A_1219 : memref<10000x128xf32, #tpu.memory_space<hbm>>) target(%dma_start3A_1213 : memref<40x128xf32, #tpu.memory_space<vmem>>) offsets(%dma_start3A_1216 : memref<40xi32, #tpu.memory_space<vmem>>) semaphore(%arg13 : memref<!tpu.dma_semaphore, #tpu.memory_space<semaphore_mem>>)
      } else {
      }
      %lt3A_1176 = arith.constant 24 : i32
      %lt3A_1177 = arith.cmpi slt, %add3A_408, %lt3A_1176 : i32
      %convert_element_type3A_1178 = arith.extui %lt3A_1177 : i1 to i32
      %cond3A_1179 = arith.constant 0 : i32
      %cond3A_1180 = arith.cmpi ne, %convert_element_type3A_1178, %cond3A_1179 : i32
      scf.if %cond3A_1180 {
        %add3A_1181 = arith.constant 10 : i32
        %add3A_1182 = arith.addi %add3A_1123, %add3A_1181 : i32
        %sub3A_1183 = arith.constant 1 : i32
        %sub3A_1184 = arith.subi %add3A_1182, %sub3A_1183 : i32
        %mul3A_1185 = arith.constant 40 : i32
        %mul3A_1186 = arith.muli %sub3A_1184, %mul3A_1185 : i32
        %add3A_1187 = arith.addi %mul3A_2, %mul3A_1186 : i32
        %dma_start3A_1188 = arith.constant 8 : i32
        %dma_start3A_1189 = arith.constant 0 : i32
        %dma_start3A_1190 = tpu.memref_slice %arg6[%dma_start3A_1188, %dma_start3A_1189] : memref<10x40xi32, #tpu.memory_space<vmem>> -> memref<1x40xi32, #tpu.memory_space<vmem>>
        %dma_start3A_1191 = tpu.memref_squeeze %dma_start3A_1190 : memref<1x40xi32, #tpu.memory_space<vmem>> -> memref<40xi32, #tpu.memory_space<vmem>>
        %dma_start3A_1192 = tpu.memref_slice %arg3[%add3A_1187] : memref<320000xi32, #tpu.memory_space<hbm>> -> memref<40xi32, #tpu.memory_space<hbm>>
        %dma_start3A_1193 = arith.constant 0 : i32
        %dma_start3A_1194 = tpu.memref_slice %arg6[%dma_start3A_1188, %dma_start3A_1193] : memref<10x40xi32, #tpu.memory_space<vmem>> -> memref<1x40xi32, #tpu.memory_space<vmem>>
        %dma_start3A_1195 = tpu.memref_squeeze %dma_start3A_1194 : memref<1x40xi32, #tpu.memory_space<vmem>> -> memref<40xi32, #tpu.memory_space<vmem>>
        %dma_start3A_1196 = tpu.memref_slice %arg3[%add3A_1187] : memref<320000xi32, #tpu.memory_space<hbm>> -> memref<40xi32, #tpu.memory_space<hbm>>
        tpu.enqueue_dma source(%dma_start3A_1196 : memref<40xi32, #tpu.memory_space<hbm>>) target(%dma_start3A_1195 : memref<40xi32, #tpu.memory_space<vmem>>) target_semaphore(%arg23 : memref<!tpu.dma_semaphore, #tpu.memory_space<semaphore_mem>>)
      } else {
      }
    }
    %scan3A_380 = arith.constant 25 : i32
    %dma_wait3A_381 = arith.constant 4 : i32
    %dma_wait3A_382 = arith.constant 4 : i32
    %dma_wait3A_383 = arith.constant 0 : i32
    %dma_wait3A_384 = arith.constant 0 : i32
    %dma_wait3A_385 = tpu.memref_slice %arg8[%dma_wait3A_381, %dma_wait3A_383, %dma_wait3A_384] : memref<5x40x128xf32, #tpu.memory_space<vmem>> -> memref<1x40x128xf32, #tpu.memory_space<vmem>>
    %dma_wait3A_386 = tpu.memref_squeeze %dma_wait3A_385 : memref<1x40x128xf32, #tpu.memory_space<vmem>> -> memref<40x128xf32, #tpu.memory_space<vmem>>
    %dma_wait3A_387 = arith.constant 0 : i32
    %dma_wait3A_388 = tpu.memref_slice %arg7[%dma_wait3A_382, %dma_wait3A_387] : memref<5x40xi32, #tpu.memory_space<vmem>> -> memref<1x40xi32, #tpu.memory_space<vmem>>
    %dma_wait3A_389 = tpu.memref_squeeze %dma_wait3A_388 : memref<1x40xi32, #tpu.memory_space<vmem>> -> memref<40xi32, #tpu.memory_space<vmem>>
    %dma_wait3A_390 = arith.constant 0 : i32
    %dma_wait3A_391 = arith.constant 0 : i32
    %dma_wait3A_392 = tpu.memref_slice %arg9[%dma_wait3A_390, %dma_wait3A_391] : memref<10000x128xf32, #tpu.memory_space<vmem_shared>> -> memref<10000x128xf32, #tpu.memory_space<vmem_shared>>
    tpu.wait_indirect_dma semaphore(%arg25 : memref<!tpu.dma_semaphore, #tpu.memory_space<semaphore_mem>>) src(%dma_wait3A_386 : memref<40x128xf32, #tpu.memory_space<vmem>>) dst(%dma_wait3A_392 : memref<10000x128xf32, #tpu.memory_space<vmem_shared>>)
    %barrier3A_393 = arith.constant 0 : index
    tpu.barrier barrier_id(%barrier3A_393)
    %lt3A_394 = arith.constant 15 : i32
    %lt3A_395 = arith.cmpi slt, %arg1, %lt3A_394 : i32
    %convert_element_type3A_396 = arith.extui %lt3A_395 : i1 to i32
    %cond3A_397 = arith.constant 0 : i32
    %cond3A_398 = arith.cmpi ne, %convert_element_type3A_396, %cond3A_397 : i32
    scf.if %cond3A_398 {
      "tpu.region"() ({
        %run_scoped3A = tpu.sem_alloc : memref<!tpu.dma_semaphore, #tpu.memory_space<semaphore_mem>>
        %dma_start3A_404 = arith.constant 0 : i32
        %dma_start3A_405 = tpu.memref_slice %arg5[%arg0, %multiple_of3A, %dma_start3A_404] : memref<2x10000x128xf32, #tpu.memory_space<hbm>> -> memref<1x632x128xf32, #tpu.memory_space<hbm>>
        %dma_start3A_406 = tpu.memref_squeeze %dma_start3A_405 : memref<1x632x128xf32, #tpu.memory_space<hbm>> -> memref<632x128xf32, #tpu.memory_space<hbm>>
        %dma_start3A_407 = arith.constant 0 : i32
        %dma_start3A_408 = tpu.memref_slice %arg9[%multiple_of3A, %dma_start3A_407] : memref<10000x128xf32, #tpu.memory_space<vmem_shared>> -> memref<632x128xf32, #tpu.memory_space<vmem_shared>>
        tpu.enqueue_dma source(%dma_start3A_408 : memref<632x128xf32, #tpu.memory_space<vmem_shared>>) target(%dma_start3A_406 : memref<632x128xf32, #tpu.memory_space<hbm>>) target_semaphore(%run_scoped3A : memref<!tpu.dma_semaphore, #tpu.memory_space<semaphore_mem>>)
        %dma_wait3A_409 = arith.constant 0 : i32
        %dma_wait3A_410 = tpu.memref_slice %arg5[%arg0, %multiple_of3A, %dma_wait3A_409] : memref<2x10000x128xf32, #tpu.memory_space<hbm>> -> memref<1x632x128xf32, #tpu.memory_space<hbm>>
        %dma_wait3A_411 = tpu.memref_squeeze %dma_wait3A_410 : memref<1x632x128xf32, #tpu.memory_space<hbm>> -> memref<632x128xf32, #tpu.memory_space<hbm>>
        %dma_wait3A_412 = arith.constant 0 : i32
        %dma_wait3A_413 = tpu.memref_slice %arg9[%multiple_of3A, %dma_wait3A_412] : memref<10000x128xf32, #tpu.memory_space<vmem_shared>> -> memref<632x128xf32, #tpu.memory_space<vmem_shared>>
        tpu.wait_dma2 semaphore(%run_scoped3A : memref<!tpu.dma_semaphore, #tpu.memory_space<semaphore_mem>>) src(%dma_wait3A_413 : memref<632x128xf32, #tpu.memory_space<vmem_shared>>) dst(%dma_wait3A_411 : memref<632x128xf32, #tpu.memory_space<hbm>>)
        tpu.yield
      }) : () -> ()
    } else {
    }
    %eq3A_399 = arith.constant 15 : i32
    %eq3A_400 = arith.cmpi eq, %arg1, %eq3A_399 : i32
    %convert_element_type3A_401 = arith.extui %eq3A_400 : i1 to i32
    %cond3A_402 = arith.constant 0 : i32
    %cond3A_403 = arith.cmpi ne, %convert_element_type3A_401, %cond3A_402 : i32
    scf.if %cond3A_403 {
      "tpu.region"() ({
        %run_scoped3A = tpu.sem_alloc : memref<!tpu.dma_semaphore, #tpu.memory_space<semaphore_mem>>
        %dma_start3A_404 = arith.constant 0 : i32
        %dma_start3A_405 = tpu.memref_slice %arg5[%arg0, %multiple_of3A, %dma_start3A_404] : memref<2x10000x128xf32, #tpu.memory_space<hbm>> -> memref<1x520x128xf32, #tpu.memory_space<hbm>>
        %dma_start3A_406 = tpu.memref_squeeze %dma_start3A_405 : memref<1x520x128xf32, #tpu.memory_space<hbm>> -> memref<520x128xf32, #tpu.memory_space<hbm>>
        %dma_start3A_407 = arith.constant 0 : i32
        %dma_start3A_408 = tpu.memref_slice %arg9[%multiple_of3A, %dma_start3A_407] : memref<10000x128xf32, #tpu.memory_space<vmem_shared>> -> memref<520x128xf32, #tpu.memory_space<vmem_shared>>
        tpu.enqueue_dma source(%dma_start3A_408 : memref<520x128xf32, #tpu.memory_space<vmem_shared>>) target(%dma_start3A_406 : memref<520x128xf32, #tpu.memory_space<hbm>>) target_semaphore(%run_scoped3A : memref<!tpu.dma_semaphore, #tpu.memory_space<semaphore_mem>>)
        %dma_wait3A_409 = arith.constant 0 : i32
        %dma_wait3A_410 = tpu.memref_slice %arg5[%arg0, %multiple_of3A, %dma_wait3A_409] : memref<2x10000x128xf32, #tpu.memory_space<hbm>> -> memref<1x520x128xf32, #tpu.memory_space<hbm>>
        %dma_wait3A_411 = tpu.memref_squeeze %dma_wait3A_410 : memref<1x520x128xf32, #tpu.memory_space<hbm>> -> memref<520x128xf32, #tpu.memory_space<hbm>>
        %dma_wait3A_412 = arith.constant 0 : i32
        %dma_wait3A_413 = tpu.memref_slice %arg9[%multiple_of3A, %dma_wait3A_412] : memref<10000x128xf32, #tpu.memory_space<vmem_shared>> -> memref<520x128xf32, #tpu.memory_space<vmem_shared>>
        tpu.wait_dma2 semaphore(%run_scoped3A : memref<!tpu.dma_semaphore, #tpu.memory_space<semaphore_mem>>) src(%dma_wait3A_413 : memref<520x128xf32, #tpu.memory_space<vmem_shared>>) dst(%dma_wait3A_411 : memref<520x128xf32, #tpu.memory_space<hbm>>)
        tpu.yield
      }) : () -> ()
    } else {
    }
    return
  }
}

module attributes {stable_mosaic.version = 14 : i64} {
  func.func @_combine_mm_relu_kernel(%arg0: i32, %arg1: memref<2x2000x128xf32, #tpu.memory_space<vmem>>, %arg2: memref<128x128xf32, #tpu.memory_space<vmem>>, %arg3: memref<2000x128xf32, #tpu.memory_space<vmem>>) attributes {dimension_semantics = [#tpu.dimension_semantics<arbitrary>], iteration_bounds = array<i64: 5>, scalar_prefetch = 0 : i64, scratch_operands = 0 : i64, tpu.core_type = #tpu.core_type<tc>, window_params = [{transform_indices = @transform_0, window_bounds = array<i64: 2, 2000, 128>}, {pipeline_mode = #tpu.pipeline_mode<synchronous>, transform_indices = @transform_1, window_bounds = array<i64: 128, 128>}, {transform_indices = @transform_2, window_bounds = array<i64: 2000, 128>}]} {
    %get3A = arith.constant 0 : index
    %get3A_0 = arith.constant 0 : index
    %get3A_1 = arith.constant 0 : index
    %get3A_2 = vector.load %arg1[%get3A, %get3A_0, %get3A_1] : memref<2x2000x128xf32, #tpu.memory_space<vmem>>, vector<1x2000x128xf32>
    %get3A_3 = vector.shape_cast %get3A_2 : vector<1x2000x128xf32> to vector<2000x128xf32>
    %get3A_4 = arith.constant 1 : index
    %get3A_5 = arith.constant 0 : index
    %get3A_6 = arith.constant 0 : index
    %get3A_7 = vector.load %arg1[%get3A_4, %get3A_5, %get3A_6] : memref<2x2000x128xf32, #tpu.memory_space<vmem>>, vector<1x2000x128xf32>
    %get3A_8 = vector.shape_cast %get3A_7 : vector<1x2000x128xf32> to vector<2000x128xf32>
    %add3A = arith.addf %get3A_3, %get3A_8 : vector<2000x128xf32>
    %get3A_9 = arith.constant 0 : index
    %get3A_10 = arith.constant 0 : index
    %get3A_11 = vector.load %arg2[%get3A_9, %get3A_10] : memref<128x128xf32, #tpu.memory_space<vmem>>, vector<128x128xf32>
    %dot_general3A = arith.constant dense<0.000000e+00> : vector<2000x128xf32>
    %dot_general3A_12 = tpu.matmul %add3A, %get3A_11, %dot_general3A {dimension_numbers = #tpu.dot_dimension_numbers<[1], [0], [0], [1], [0, 0, 1, 1], [], []>, transpose_lhs_hint = false} : vector<2000x128xf32>, vector<128x128xf32>, vector<2000x128xf32> -> vector<2000x128xf32>
    %max3A = arith.constant 0.000000e+00 : f32
    %max3A_13 = vector.broadcast %max3A : f32 to vector<2000x128xf32>
    %max3A_14 = arith.maximumf %dot_general3A_12, %max3A_13 : vector<2000x128xf32>
    %swap3A = arith.constant 0 : index
    %swap3A_15 = arith.constant 0 : index
    %swap3A_16 = vector.load %arg3[%swap3A, %swap3A_15] : memref<2000x128xf32, #tpu.memory_space<vmem>>, vector<2000x128xf32>
    tpu.vector_store %arg3[%swap3A, %swap3A_15], %max3A_14 {strides = array<i32>} : memref<2000x128xf32, #tpu.memory_space<vmem>>, vector<2000x128xf32>,
    return
  }
  func.func @transform_0(%arg0: i32) -> (i32, i32, i32) {
    %c0_i32 = arith.constant 0 : i32
    %c0_i32_0 = arith.constant 0 : i32
    %c0_i32_1 = arith.constant 0 : i32
    return %c0_i32, %arg0, %c0_i32_0 : i32, i32, i32
  }
  func.func @transform_1(%arg0: i32) -> (i32, i32) {
    %c0_i32 = arith.constant 0 : i32
    %c0_i32_0 = arith.constant 0 : i32
    %c0_i32_1 = arith.constant 0 : i32
    return %c0_i32, %c0_i32_0 : i32, i32
  }
  func.func @transform_2(%arg0: i32) -> (i32, i32) {
    %c0_i32 = arith.constant 0 : i32
    %c0_i32_0 = arith.constant 0 : i32
    return %arg0, %c0_i32 : i32, i32
  }
}

module attributes {stable_mosaic.version = 14 : i64} {
  func.func @_combine_mm_relu_kernel(%arg0: i32, %arg1: memref<2x2000x128xf32, #tpu.memory_space<vmem>>, %arg2: memref<128x128xf32, #tpu.memory_space<vmem>>, %arg3: memref<2000x128xf32, #tpu.memory_space<vmem>>) attributes {dimension_semantics = [#tpu.dimension_semantics<arbitrary>], iteration_bounds = array<i64: 5>, scalar_prefetch = 0 : i64, scratch_operands = 0 : i64, tpu.core_type = #tpu.core_type<tc>, window_params = [{transform_indices = @transform_0, window_bounds = array<i64: 2, 2000, 128>}, {pipeline_mode = #tpu.pipeline_mode<synchronous>, transform_indices = @transform_1, window_bounds = array<i64: 128, 128>}, {transform_indices = @transform_2, window_bounds = array<i64: 2000, 128>}]} {
    %get3A = arith.constant 0 : index
    %get3A_0 = arith.constant 0 : index
    %get3A_1 = arith.constant 0 : index
    %get3A_2 = vector.load %arg1[%get3A, %get3A_0, %get3A_1] : memref<2x2000x128xf32, #tpu.memory_space<vmem>>, vector<1x2000x128xf32>
    %get3A_3 = vector.shape_cast %get3A_2 : vector<1x2000x128xf32> to vector<2000x128xf32>
    %get3A_4 = arith.constant 1 : index
    %get3A_5 = arith.constant 0 : index
    %get3A_6 = arith.constant 0 : index
    %get3A_7 = vector.load %arg1[%get3A_4, %get3A_5, %get3A_6] : memref<2x2000x128xf32, #tpu.memory_space<vmem>>, vector<1x2000x128xf32>
    %get3A_8 = vector.shape_cast %get3A_7 : vector<1x2000x128xf32> to vector<2000x128xf32>
    %add3A = arith.addf %get3A_3, %get3A_8 : vector<2000x128xf32>
    %get3A_9 = arith.constant 0 : index
    %get3A_10 = arith.constant 0 : index
    %get3A_11 = vector.load %arg2[%get3A_9, %get3A_10] : memref<128x128xf32, #tpu.memory_space<vmem>>, vector<128x128xf32>
    %dot_general3A = arith.constant dense<0.000000e+00> : vector<2000x128xf32>
    %dot_general3A_12 = tpu.matmul %add3A, %get3A_11, %dot_general3A {dimension_numbers = #tpu.dot_dimension_numbers<[1], [0], [0], [1], [0, 0, 1, 1], [], []>, transpose_lhs_hint = false} : vector<2000x128xf32>, vector<128x128xf32>, vector<2000x128xf32> -> vector<2000x128xf32>
    %max3A = arith.constant 0.000000e+00 : f32
    %max3A_13 = vector.broadcast %max3A : f32 to vector<2000x128xf32>
    %max3A_14 = arith.maximumf %dot_general3A_12, %max3A_13 : vector<2000x128xf32>
    %swap3A = arith.constant 0 : index
    %swap3A_15 = arith.constant 0 : index
    %swap3A_16 = vector.load %arg3[%swap3A, %swap3A_15] : memref<2000x128xf32, #tpu.memory_space<vmem>>, vector<2000x128xf32>
    tpu.vector_store %arg3[%swap3A, %swap3A_15], %max3A_14 {strides = array<i32>} : memref<2000x128xf32, #tpu.memory_space<vmem>>, vector<2000x128xf32>,
    return
  }
  func.func @transform_0(%arg0: i32) -> (i32, i32, i32) {
    %c0_i32 = arith.constant 0 : i32
    %c0_i32_0 = arith.constant 0 : i32
    %c0_i32_1 = arith.constant 0 : i32
    return %c0_i32, %arg0, %c0_i32_0 : i32, i32, i32
  }
  func.func @transform_1(%arg0: i32) -> (i32, i32) {
    %c0_i32 = arith.constant 0 : i32
    %c0_i32_0 = arith.constant 0 : i32
    %c0_i32_1 = arith.constant 0 : i32
    return %c0_i32, %c0_i32_0 : i32, i32
  }
  func.func @transform_2(%arg0: i32) -> (i32, i32) {
    %c0_i32 = arith.constant 0 : i32
    %c0_i32_0 = arith.constant 0 : i32
    return %arg0, %c0_i32 : i32, i32
  }
}

</mosaic_0001>

<sc_bundles>
// kernel: kernel.6.cloned.1.call-start
scs
__scs_entry_jumppad:
0x0: {  	(pc) =	sbr.rel $0x88, $3  }
0x1: {  	(tag) =	ssettag $0x0;
	lr =	simm.s32 $0x1  }
0x2: {  	[smem:$0x3F9C] =	sst lr;
	_ =	strace $0xD0000000  }
0x3: {  	_ = 	snop  }
0x4: {  	_ = 	snop  }
0x5: {  	_ = 	snop  }
0x6: {  	_ = 	snop  }
0x7: {  	_ = 	snop  }
__scs_overlays_trampoline_lowered:
0x8: {  	[smem:$0x3FAB] =	sst s0  }
0x9: {  	[smem:$0x3FAC] =	sst s1  }
0xa: {  	[smem:$0x3FAD] =	sst s2  }
0xb: {  	[smem:$0x3FAE] =	sst s3  }
0xc: {  	[smem:$0x3FAF] =	sst s4  }
0xd: {  	[smem:$0x3FB0] =	sst s5  }
0xe: {  	[smem:$0x3FB1] =	sst s6  }
0xf: {  	[smem:$0x3FB2] =	sst s7  }
0x10: {  	[smem:$0x3FB3] =	sst s8  }
0x11: {  	[smem:$0x3FB4] =	sst s9;
	s0 =	simm.s32 @!p0 $0x0  }
0x12: {  	s1 =	sld [smem:$0x3F9A];
	s0 =	simm.s32 @p0 $0x1  }
0x13: {  	[smem:$0x3FB5] =	sst s0;
	s0 =	simm.s32 @!p1 $0x0  }
0x14: {  	s2 =	sld [smem:$0x3F99];
	s0 =	simm.s32 @p1 $0x1  }
0x15: {  	[smem:$0x3FB6] =	sst s0;
	s0 =	simm.s32 @!p2 $0x0  }
0x16: {  	s3 =	sld [smem:$0x3FDB];
	s0 =	simm.s32 @p2 $0x1  }
0x17: {  	s4 =	simm.s32 $0x1BF5;
	[smem:$0x3FB8] =	sst s0  }
0x18: {  	s0 =	sld [smem:$0x3F9B];
	_ =	swait.ge [sflag:s4], $0x0  }
0x19: {  	s7 =	sld [smem:$0x3F9C]  }
0x1a: {  	s8 =	sadd.s32 $0xFFFFE003, lr  }
0x1b: {  	s9 =	sadd.s32 $0xFFFFFEF7, lr;
	s5 =	simm.s32 $0xFFFFFFFF;
	p2 =	slt.u32 s8, $0xFFFFF086  }
0x1c: {  	p1 =	slt.u32 s9, $0xF7A;
	s5 =	simm.s32 @!p2 $0x0  }
0x1d: {  	s5 =	simm.s32 @p1 $0x1;
	p0 =	seq.s32 s7, s2  }
0x1e: {  	s7 =	smul.u32 @!p0 $0xF7A, s2;
	p2 =	seq.s32 @!p0 s5, $0x0  }
0x1f: {  	s9 =	smul.u32 $0xF7A, s1;
	s8 =	simm.s32 @!p0 $0x1BF5;
	p2 =	por !p2, p0  }
0x20: {  	[sflag:s8] =	ssyncset.s32 @!p0 $0xFFFFF086;
	s6 =	sadd.s32 @!p0 s3, s7;
	s7 =	simm.s32 @!p0 $0x108  }
0x21: {  	s3 =	sadd.s32 s3, s9;
	s6 =	sadd.s32 @!p0 $0x88, s6;
	s7 =	simm.s32 @p2 $0x1082  }
0x22: {  	[simem:s7], [sflag:s8] =	dma.local @!p0 [hbm:s6], $0xF7A  }
0x23: {  	s9 =	sor.u32 $0xD0000000, s2;
	s6 =	simm.s32 $0x108;
	_ =	swait.ge @!p0 [sflag:s8], $0x0  }
0x24: {  	s3 =	sadd.s32 $0x88, s3;
	s6 =	simm.s32 @!p1 $0x1082;
	[sflag:s4] =	ssyncset.s32 $0xFFFFF086  }
0x25: {  	[simem:s6], [sflag:s4] =	dma.local [hbm:s3], $0xF7A  }
0x26: {  	[smem:$0x3F9C] =	sst s1;
	(tag) =	ssettag s2;
	_ =	strace s9  }
0x27: {  	s1 =	sld [smem:$0x3FAC]  }
0x28: {  	s2 =	sld [smem:$0x3FAD]  }
0x29: {  	s4 =	sld [smem:$0x3FAF]  }
0x2a: {  	p0 =	seq.s32 s5, $0x0;
	s5 =	sld [smem:$0x3FB0]  }
0x2b: {  	s6 =	sld [smem:$0x3FB1]  }
0x2c: {  	s7 =	sld [smem:$0x3FB2]  }
0x2d: {  	s3 =	simm.s32 $0x108;
	s8 =	sld [smem:$0x3FB3]  }
0x2e: {  	s3 =	simm.s32 @!p0 $0x1082;
	s9 =	sld [smem:$0x3FB4]  }
0x2f: {  	lr =	sadd.s32 s0, s3;
	s0 =	sld [smem:$0x3FAB]  }
0x30: {  	s3 =	sld [smem:$0x3FAE]  }
0x31: {  	[smem:$0x3FB7] =	sst s10  }
0x32: {  	s10 =	sld [smem:$0x3FB5];
	_ =	sdelay $0x3  }
0x33: {  	p0 =	seq.s32 s10, $0x1;
	s10 =	sld [smem:$0x3FB7];
	_ =	sdelay $0x3  }
0x34: {  	[smem:$0x3FB7] =	sst s10  }
0x35: {  	s10 =	sld [smem:$0x3FB6];
	_ =	sdelay $0x3  }
0x36: {  	p1 =	seq.s32 s10, $0x1;
	s10 =	sld [smem:$0x3FB7];
	_ =	sdelay $0x3  }
0x37: {  	[smem:$0x3FB7] =	sst s10  }
0x38: {  	s10 =	sld [smem:$0x3FB8]  }
0x39: {  	_ = 	snop;
	(pc) =	sbr.ind lr, $3  }
0x3a: {  	_ = 	snop  }
0x3b: {  	_ = 	snop  }
0x3c: {  	p2 =	seq.s32 s10, $0x1;
	s10 =	sld [smem:$0x3FB7]  }
0x3d: {  	_ =	shalt  }
0x3e: {  	_ =	shalt  }
0x3f: {  	_ =	shalt  }
0x40: {  	_ =	shalt  }
0x41: {  	_ =	shalt  }
0x42: {  	_ =	shalt  }
0x43: {  	_ =	shalt  }
0x44: {  	_ =	shalt  }
0x45: {  	_ =	shalt  }
0x46: {  	_ =	shalt  }
0x47: {  	_ =	shalt  }
0x48: {  	_ =	shalt  }
0x49: {  	_ =	shalt  }
0x4a: {  	_ =	shalt  }
0x4b: {  	_ =	shalt  }
0x4c: {  	_ =	shalt  }
0x4d: {  	_ =	shalt  }
0x4e: {  	_ =	shalt  }
0x4f: {  	_ =	shalt  }
0x50: {  	_ =	shalt  }
0x51: {  	_ =	shalt  }
0x52: {  	_ =	shalt  }
0x53: {  	_ =	shalt  }
0x54: {  	_ =	shalt  }
0x55: {  	_ =	shalt  }
0x56: {  	_ =	shalt  }
0x57: {  	_ =	shalt  }
0x58: {  	_ =	shalt  }
0x59: {  	_ =	shalt  }
0x5a: {  	_ =	shalt  }
0x5b: {  	_ =	shalt  }
0x5c: {  	_ =	shalt  }
0x5d: {  	_ =	shalt  }
0x5e: {  	_ =	shalt  }
0x5f: {  	_ =	shalt  }
0x60: {  	_ =	shalt  }
0x61: {  	_ =	shalt  }
0x62: {  	_ =	shalt  }
0x63: {  	_ =	shalt  }
0x64: {  	_ =	shalt  }
0x65: {  	_ =	shalt  }
0x66: {  	_ =	shalt  }
0x67: {  	_ =	shalt  }
0x68: {  	_ =	shalt  }
0x69: {  	_ =	shalt  }
0x6a: {  	_ =	shalt  }
0x6b: {  	_ =	shalt  }
0x6c: {  	_ =	shalt  }
0x6d: {  	_ =	shalt  }
0x6e: {  	_ =	shalt  }
0x6f: {  	_ =	shalt  }
0x70: {  	_ =	shalt  }
0x71: {  	_ =	shalt  }
0x72: {  	_ =	shalt  }
0x73: {  	_ =	shalt  }
0x74: {  	_ =	shalt  }
0x75: {  	_ =	shalt  }
0x76: {  	_ =	shalt  }
0x77: {  	_ =	shalt  }
0x78: {  	_ =	shalt  }
0x79: {  	_ =	shalt  }
0x7a: {  	_ =	shalt  }
0x7b: {  	_ =	shalt  }
0x7c: {  	_ =	shalt  }
0x7d: {  	_ =	shalt  }
0x7e: {  	_ =	shalt  }
0x7f: {  	_ =	shalt  }
0x80: {  	_ =	shalt  }
0x81: {  	_ =	shalt  }
0x82: {  	_ =	shalt  }
0x83: {  	_ =	shalt  }
0x84: {  	_ =	shalt  }
0x85: {  	_ =	shalt  }
0x86: {  	_ =	shalt  }
0x87: {  	_ =	shalt  }
.Lfunc_end0:
.L_simem_size_0:
called_computation_lowered:
.L_overlay_start_0:
0x88: {  	s2 =	sld [smem:$0x3FD9]  }
0x89: {  	s3 =	sld [smem:$0x3FFE];
	_ =	sdelay $0x1  }
0x8a: {  	s1 =	srdreg.scid  }
0x8b: {  	s0 =	sand.u32 $0x1, s1  }
0x8c: {  	s17 =	sshll.u32 s0, $0xA;
	s2 =	sadd.s32 s3, s2  }
0x8d: {  	s2 =	sadd.s32 s2, s17  }
0x8e: {  	[smem:$0x3FC3] =	sst s2  }
0x8f: {  	_ = 	snop  }
0x90: {  	s2 =	sld [smem:$0x3FC9]  }
0x91: {  	s18 =	sld [smem:$0x3FD0];
	(tm) =	ssettm $0x1  }
0x92: {  	s4 =	sld [smem:$0x3FFB];
	_ =	sdelay $0x3  }
0x93: {  	_ =	strace s4  }
0x94: {  	s4 =	sld [smem:$0x3FFC];
	_ =	sdelay $0x3  }
0x95: {  	_ =	strace s4  }
0x96: {  	s4 =	sld [smem:$0x3FFD];
	_ =	sdelay $0x3  }
0x97: {  	_ =	strace s4  }
0x98: {  	_ =	strace $0x8FFFFFFF  }
0x99: {  	s19 =	sld [smem:$0x3FDB];
	_ =	sdelay $0x1  }
0x9a: {  	s5 =	simm.s32 $_scs_section_size  }
0x9b: {  	s6 =	simm.s32 $_size__tile_overlayer_lowered;
	s7 =	simm.s32 $_tile_overlayer_lowered  }
0x9c: {  	s22 =	simm.s32 $0x1BFF;
	s21 =	sshll.u32 s7, $0x1;
	s4 =	sadd.s32 s5, s19  }
0x9d: {  	s8 =	simm.s32 $0x0;
	s20 =	sshll.u32 s6, $0x1;
	s6 =	sadd.s32 s21, s4  }
0x9e: {  	[timem:s8], [sflag:s22] =	dma.local [hbm:s6], s20  }
0x9f: {  	_ =	swait.ge [sflag:s22], s20  }
0xa0: {  	s5 =	ssub.s32 $0x0, s20;
	[sflag:s22] =	ssyncset.done $0x0  }
0xa1: {  	[sflag:s22] =	ssyncadd.s32 s5;
	_ =	sdelay $0x1  }
0xa2: {  	s23 =	simm.s32 $0x1B8B  }
0xa3: {  	_ =	swait.ge [sflag:s23], $0x1  }
0xa4: {  	[sflag:s23] =	ssyncset.done $0x0  }
0xa5: {  	s25 =	simm.s32 $0x1B8E;
	s24 =	sld [smem:$0x3FFE];
	[sflag:s23] =	ssyncadd.s32 $0xFFFFFFFF  }
0xa6: {  	s26 =	simm.s32 $execute0_lowered;
	[smem:$0x3FD2] =	sst s25  }
0xa7: {  	s6 =	sshll.u32 s26, $0x1;
	_ =	strace $0x80000046;
	[dreg:$0x1] =	wrdreg $0xFFFFFFFF  }
0xa8: {  	s28 =	simm.s32 $_size_execute0_lowered;
	s4 =	sadd.s32 s4, s6;
	[dreg:$0x0] =	wrdreg $0x0  }
0xa9: {  	s6 =	sshll.u32 s28, $0x1;
	[dreg:$0x2] =	wrdreg s4  }
0xaa: {  	[dreg:$0x3] =	wrdreg s6  }
0xab: {  	[dreg:$0x4] =	wrdreg $0xC0  }
0xac: {  	_ =	task [dreg:s8], $0x5FFFF  }
0xad: {  	[dreg:$0x1] =	wrdreg $0xFFFFFFFF  }
0xae: {  	[dreg:$0x0] =	wrdreg $0x60  }
0xaf: {  	[dreg:$0x2] =	wrdreg s2  }
0xb0: {  	[dreg:$0x3] =	wrdreg s24  }
0xb1: {  	[dreg:$0x4] =	wrdreg s18  }
0xb2: {  	[dreg:$0x5] =	wrdreg $0x70000  }
0xb3: {  	[dreg:$0x6] =	wrdreg $0x9  }
0xb4: {  	_ =	task.clear_ibuf [dreg:s8], $0x7FFFF;
	_ =	strace $0x90000046  }
0xb5: {  	s29 =	simm.s32 $0x9;
	_ =	strace $0x80000048  }
0xb6: {  	_ =	swait.ge [sflag:s29], $0x1  }
0xb7: {  	[sflag:s29] =	ssyncadd.s32 $0xFFFFFFFF  }
0xb8: {  	_ =	strace $0x90000048  }
0xb9: {  	_ =	sfence  }
0xba: {  	s30 =	sld [smem:$0x0];
	_ =	sdelay $0x2  }
0xbb: {  	s31 =	sshll.u32 s1, $0xD;
	s1 =	sshrl.u32 s1, $0x2  }
0xbc: {  	s3 =	sand.u32 $0x4000, s31;
	s1 =	sadd.s32 s1, s30  }
0xbd: {  	s0 =	sor.u32 s3, s0;
	s1 =	sshll.u32 s1, $0x11  }
0xbe: {  	s0 =	sor.u32 s1, s0  }
0xbf: {  	s0 =	sadd.s32 $0x8F2B, s0  }
0xc0: {  	[sflag:s0] =	ssyncadd.remote.s32 $0x1  }
0xc1: {  	_ =	sfence.sel $0xFFFF  }
0xc2: {  	[dreg:$0x0] =	wrdreg $0xFFFFFFFF;
	(pc) =	sbr.abs _section_cstart, $3  }
0xc3: {  	[dreg:$0x1] =	wrdreg $0xFFFFFFFF  }
0xc4: {  	_ =	task.clear_ibuf [dreg:s8], $0x2FFFF;
	_ =	strace $0x9FFFFFFF  }
0xc5: {  	(tm) =	ssettm $0x7FFFFFFF  }
tec
execute0_lowered:
.L_overlay_start_1:
0x0: {  	(tag) =	ssettag $0x1  }
0x1: {  	s1 =	rddreg [dreg:$0x0]  }
0x2: {  	s0 =	rddreg [dreg:$0x1]  }
0x3: {  	s26 =	rddreg [dreg:$0x2]  }
0x4: {  	s2 =	rddreg [dreg:$0x3];
	s4 =	simm.s32 $0x0  }
0x5: {  	s5 =	srdreg.scid;
	s16 =	stileid.u32;
	s17 =	simm.s32 $0xD  }
0x6: {  	[smem:$0x7FF] =	sst s4;
	s5 =	sand.u32 $0x1, s5;
	s9 =	smul.u32 $0x4F000, s16  }
0x7: {  	s6 =	sadd.s32 $0x200, s0;
	p0 =	seq.s32 s16, $0xF;
	s15 =	smul.u32 $0x13C00, s16  }
0x8: {  	s3 =	smul.u32 $0x2710, s16;
	_ =	strace $0x80000047;
	s7 =	sshll.u32 s5, $0x4  }
0x9: {  	s8 =	ssub.s32 $0x2, s5;
	s17 =	simm.s32 @!p0 $0xF;
	s12 =	smul.u32 $0x138800, s5  }
0xa: {  	s5 =	smul.u32 $0x27100, s5;
	s7 =	sor.u32 s16, s7;
	s10 =	sshrl.u32 s8, $0x1  }
0xb: {  	s9 =	sshrl.u32 s9, $0x2;
	[dreg:$0x5] =	wrdreg s17;
	s7 =	smul.u32 $0x2710, s7  }
0xc: {  	s8 =	ssub.s32 s8, s10;
	s19 =	sadd.s32 s9, s2;
	s25 =	sadd.s32 s15, s12  }
0xd: {  	[dreg:$0x6] =	wrdreg s19;
	s20 =	sadd.s32 $0x28, s7;
	s11 =	sadd.s32 $0xC8, s7  }
0xe: {  	s21 =	sadd.s32 $0x78, s7;
	s13 =	sadd.s32 $0xF0, s7;
	[dreg:$0x7] =	wrdreg s11  }
0xf: {  	s14 =	sadd.s32 $0x118, s7;
	s24 =	sadd.s32 $0x140, s7;
	[dreg:$0x8] =	wrdreg s13  }
0x10: {  	s4 =	sadd.s32 $0x168, s7;
	s18 =	sshrl.u32 s7, $0x3;
	[dreg:$0x9] =	wrdreg s14  }
0x11: {  	s9 =	sshrl.u32 s20, $0x3;
	s10 =	sshrl.u32 s21, $0x3;
	[dreg:$0xd] =	wrdreg s24  }
0x12: {  	s11 =	sshrl.u32 s11, $0x3;
	[dreg:$0xe] =	wrdreg s4;
	s20 =	sadd.s32 s6, s18  }
0x13: {  	s13 =	sshrl.u32 s13, $0x3;
	s11 =	sadd.s32 s6, s11;
	[dreg:$0x12] =	wrdreg s20  }
0x14: {  	s14 =	sshrl.u32 s14, $0x3;
	s22 =	sadd.s32 s6, s13;
	[dreg:$0xa] =	wrdreg s11  }
0x15: {  	s15 =	sshrl.u32 s4, $0x3;
	s23 =	sadd.s32 s6, s14;
	[dreg:$0xb] =	wrdreg s22  }
0x16: {  	s21 =	sadd.s32 $0xA, s18;
	s16 =	sadd.s32 s6, s15;
	[dreg:$0xc] =	wrdreg s23  }
0x17: {  	s14 =	sshrl.u32 s24, $0x3;
	s24 =	sadd.s32 s6, s21;
	[dreg:$0x11] =	wrdreg s16  }
0x18: {  	s5 =	sadd.s32 s3, s5;
	s3 =	sadd.s32 s6, s10;
	[dreg:$0x16] =	wrdreg s24  }
0x19: {  	s4 =	sadd.s32 s26, s10;
	[dreg:$0x18] =	wrdreg s3  }
0x1a: {  	s13 =	sadd.s32 $0x1B8, s7;
	[dreg:$0x19] =	wrdreg s4  }
0x1b: {  	s15 =	sadd.s32 $0x208, s7;
	[dreg:$0x1d] =	wrdreg s13  }
0x1c: {  	s20 =	sadd.s32 $0x280, s7;
	[smem:$0x7F3] =	sst s15  }
0x1d: {  	s23 =	sadd.s32 s6, s9;
	[smem:$0x7F5] =	sst s20  }
0x1e: {  	s9 =	sadd.s32 s26, s9;
	[dreg:$0x14] =	wrdreg s23  }
0x1f: {  	s11 =	sshrl.u32 s25, $0x3;
	s25 =	sadd.s32 s26, s21;
	[dreg:$0x15] =	wrdreg s9  }
0x20: {  	s28 =	simm.s32 $0xC00;
	s16 =	sadd.s32 $0x230, s7;
	[dreg:$0x17] =	wrdreg s25  }
0x21: {  	s0 =	sadd.s32 $0xA000, s0;
	s21 =	sadd.s32 $0x2A8, s7;
	[dreg:$0x1f] =	wrdreg s16  }
0x22: {  	s22 =	sadd.s32 $0x14, s18;
	s11 =	sadd.s32 s0, s11;
	[smem:$0x7F6] =	sst s21  }
0x23: {  	s12 =	sshrl.u32 s12, $0x3;
	s10 =	sadd.s32 s6, s22;
	[dreg:$0xf] =	wrdreg s11  }
0x24: {  	s0 =	sadd.s32 s0, s12;
	s12 =	sadd.s32 $0x190, s7;
	[dreg:$0x1a] =	wrdreg s10  }
0x25: {  	s29 =	simm.s32 $0x10;
	s23 =	smax.u32 s8, $0x1;
	[dreg:$0x1c] =	wrdreg s12  }
0x26: {  	s30 =	simm.s32 $0x3400;
	s25 =	sadd.s32 $0x12C00, s19;
	[smem:$0x7F9] =	sst s23  }
0x27: {  	s31 =	simm.s32 $0x3;
	s11 =	sadd.s32 s6, s14;
	[smem:$0x7FD] =	sst s25  }
0x28: {  	s20 =	simm.s32 $0xA00;
	s14 =	sadd.s32 $0x1E0, s7;
	[dreg:$0x10] =	wrdreg s11  }
0x29: {  	s13 =	simm.s32 $0x5;
	s0 =	sadd.s32 $0x25080, s0;
	[dreg:$0x1e] =	wrdreg s14  }
0x2a: {  	s21 =	simm.s32 $0x5C00;
	s11 =	sadd.s32 s26, s18;
	[smem:$0x7F8] =	sst s0  }
0x2b: {  	s25 =	simm.s32 $0x900;
	s18 =	sadd.s32 $0x258, s7;
	[dreg:$0x13] =	wrdreg s11  }
0x2c: {  	s23 =	simm.s32 $0x1;
	s7 =	sadd.s32 $0x2D0, s7;
	[smem:$0x7F4] =	sst s18  }
0x2d: {  	s11 =	sadd.s32 s26, s22;
	[smem:$0x7F7] =	sst s7;
	s22 =	sadd.s32 $0x168, s5  }
.Ltmp0:
0x2e: {  	s5 =	sadd.s32 $0xA0, s5;
	s0 =	sshrl.u32 s22, $0x3;
	(pc) =	sbr.rel .LBB2_1-.Ltmp0, $4  }
0x2f: {  	[dreg:$0x1b] =	wrdreg s11;
	s5 =	sshrl.u32 s5, $0x3;
	s0 =	sadd.s32 s0, s6  }
0x30: {  	s24 =	sadd.s32 s5, s26;
	[smem:$0x7FA] =	sst s0;
	s0 =	sadd.s32 $0x128400, s2  }
0x31: {  	s7 =	simm.s32 $0x28;
	[smem:$0x7FB] =	sst s24;
	s0 =	sshrl.u32 @p0 s0, $0x3  }
0x32: {  	v0 =	vimm.f32 $0.0e+00;
	s24 =	simm.s32 $0x400;
	s2 =	simm.s32 $0x0;
	[smem:$0x7FC] =	sst s0  }
.LBB2_10:
0x33: {  	_ =	swait.ge [sflag:s29], $0x1400  }
0x34: {  	[sflag:s29] =	ssyncset.done $0x0  }
0x35: {  	[sflag:s29] =	ssyncadd.s32 $0xFFFFEC00  }
0x36: {  	[bflag:$0x0] =	sbarrier.arrive $0xFFFF  }
0x37: {  	s8 =	sld [smem:$0x7F8]  }
0x38: {  	s9 =	sld [smem:$0x7FC];
	_ =	sdelay $0x1  }
0x39: {  	s0 =	simm.s32 @p0 $0x1FD1  }
0x3a: {  	[hbm:s8], [sflag:s0] =	dma.local @p0 [spmem:s9], $0x2080  }
0x3b: {  	s0 =	simm.s32 @p0 $0x11  }
0x3c: {  	_ =	swait.ge @p0 [sflag:s0], $0x2080  }
0x3d: {  	s8 =	stileid.u32;
	s19 =	rddreg [dreg:$0x6]  }
0x3e: {  	s8 =	sshll.u32 @!p0 s8, $0x6;
	[sflag:s0] =	ssyncset.done @p0 $0x0;
	s9 =	rddreg [dreg:$0xf]  }
0x3f: {  	[sflag:s0] =	ssyncadd.s32 @p0 $0xFFFFDF80;
	s0 =	sor.u32 @!p0 $0x1C11, s8;
	s8 =	sshrl.u32 @!p0 s19, $0x3  }
0x40: {  	[hbm:s9], [sflag:s0] =	dma.local @!p0 [spmem:s8], $0x2780  }
0x41: {  	s0 =	simm.s32 @!p0 $0x11  }
0x42: {  	_ =	swait.ge @!p0 [sflag:s0], $0x2780  }
0x43: {  	s2 =	sld [smem:$0x7F2]  }
0x44: {  	s24 =	sld [smem:$0x7F9];
	_ =	sdelay $0x1  }
0x45: {  	s2 =	sadd.s32 $0x1, s2  }
0x46: {  	p1 =	sne.s32 s2, s24  }
.Ltmp1:
0x47: {  	_ = 	snop;
	(pc) =	sbr.rel @!p1 .LBB2_11-.Ltmp1, $3  }
0x48: {  	_ =	sdelay $0x1  }
0x49: {  	[sflag:s0] =	ssyncset.done @!p0 $0x0  }
0x4a: {  	s17 =	rddreg [dreg:$0x5];
	[sflag:s0] =	ssyncadd.s32 @!p0 $0xFFFFD880;
	s24 =	simm.s32 $0x400  }
.LBB2_1:
0x4b: {  	s0 =	simm.s32 $0x0  }
0x4c: {  	s8 =	sand.u32 $0x7E00, s0  }
0x4d: {  	s9 =	sand.u32 $0x70, s0;
	s10 =	sshrl.u32 s8, $0x2  }
0x4e: {  	s8 =	simm.s32 $0x40;
	s10 =	sor.u32 s9, s10;
	s9 =	simm.s32 $0x0  }
.LBB2_2:
0x4f: {  	p1 =	sne.s32 s8, $0x4FC0  }
0x50: {  	[tilespmem:s10+$0xC00] =	vst v0;
	s9 =	sadd.s32 $0x10, s9;
	s10 =	smov.u32 s8;
	s8 =	sadd.s32 $0x40, s8  }
.Ltmp2:
0x51: {  	(pc) =	sbr.rel @p1 .LBB2_2-.Ltmp2, $4  }
0x52: {  	_ = 	snop  }
0x53: {  	s10 =	sand.u32 $0x7E00, s10  }
0x54: {  	s18 =	sand.u32 $0x70, s9;
	s10 =	sshrl.u32 s10, $0x2  }
0x55: {  	s10 =	sor.u32 s18, s10  }
0x56: {  	p1 =	sne.s32 s17, $0x1  }
.Ltmp3:
0x57: {  	_ = 	snop;
	(pc) =	sbr.rel @!p1 .LBB2_5-.Ltmp3, $3  }
0x58: {  	_ =	sdelay $0x1  }
0x59: {  	[tilespmem:s10+$0xC00] =	vst v0;
	s8 =	sadd.s32 $0xFFFFFFFF, s17;
	s9 =	smov.u32 s19  }
0x5a: {  	[spmem:s19] =	stream.linear.scatter [tilespmem:s28], [sflag:$0x10], $0x1400, $0x38;
	[tilespmem:$0x1A880] =	vst v63  }
.LBB2_4:
0x5b: {  	p2 =	sne.s32 s8, $0x1  }
.Ltmp4:
0x5c: {  	_ = 	snop;
	(pc) =	sbr.rel @p2 .LBB2_4-.Ltmp4, $3  }
0x5d: {  	_ = 	snop  }
0x5e: {  	s8 =	sadd.s32 $0xFFFFFFFF, s8;
	s9 =	sadd.s32 $0x1400, s9;
	_ =	sdelay $0x1  }
0x5f: {  	[spmem:s9] =	stream.linear.scatter [tilespmem:s28], [sflag:$0x10], $0x1400, $0x38;
	[tilespmem:$0x1A880] =	vst v63  }
.LBB2_5:
0x60: {  	s0 =	sld [smem:$0x7FD]  }
.Ltmp5:
0x61: {  	_ = 	snop;
	(pc) =	sbr.rel @!p1 .LBB2_7-.Ltmp5, $4  }
0x62: {  	[smem:$0x7F2] =	sst s2;
	s8 =	simm.s32 @!p0 $0xC00  }
0x63: {  	[spmem:s0] =	stream.linear.scatter @!p0 [tilespmem:s8], [sflag:$0x10], $0x1000, $0x38;
	[tilespmem:$0x1A880] =	vst v63  }
0x64: {  	_ =	swait.ge [sflag:s29], $0x1400  }
0x65: {  	s8 =	sadd.s32 $0xFFFFFFFF, s17;
	[sflag:s29] =	ssyncset.done $0x0  }
.LBB2_6:
0x66: {  	p1 =	sne.s32 s8, $0x1;
	s8 =	sadd.s32 $0xFFFFFFFF, s8;
	[sflag:s29] =	ssyncadd.s32 $0xFFFFEC00  }
.Ltmp6:
0x67: {  	(pc) =	sbr.rel @p1 .LBB2_6-.Ltmp6, $3  }
0x68: {  	_ =	sdelay $0x1  }
0x69: {  	_ =	swait.ge [sflag:s29], $0x1400  }
0x6a: {  	[sflag:s29] =	ssyncset.done $0x0  }
.LBB2_7:
0x6b: {  	[sflag:s29] =	ssyncadd.s32 $0xFFFFEC00;
	s8 =	simm.s32 @!p0 $0x10  }
0x6c: {  	_ =	swait.ge @!p0 [sflag:s8], $0x1000  }
0x6d: {  	[sflag:s8] =	ssyncset.done @!p0 $0x0  }
0x6e: {  	[sflag:s8] =	ssyncadd.s32 @!p0 $0xFFFFF000  }
0x6f: {  	[bflag:$0x0] =	sbarrier.arrive $0xFFFF  }
0x70: {  	s8 =	simm.s32 $0x0;
	s0 =	rddreg [dreg:$0x12]  }
0x71: {  	[tilespmem:s8], [sflag:$0x6] =	stream.linear.gather [hbm4b:s0+s8], $0x28, $0x38;
	[tilespmem:$0x1A880] =	vst v63  }
0x72: {  	s9 =	simm.s32 $0x80;
	s2 =	rddreg [dreg:$0x14]  }
0x73: {  	[tilespmem:s9], [sflag:$0x7] =	stream.linear.gather [hbm4b:s2+s8], $0x28, $0x38;
	[tilespmem:$0x1A880] =	vst v63  }
0x74: {  	s10 =	simm.s32 $0x100;
	s3 =	rddreg [dreg:$0x16]  }
0x75: {  	[tilespmem:s10], [sflag:$0x8] =	stream.linear.gather [hbm4b:s3+s8], $0x28, $0x38;
	[tilespmem:$0x1A880] =	vst v63  }
0x76: {  	s11 =	simm.s32 $0x180;
	s4 =	rddreg [dreg:$0x18]  }
0x77: {  	[tilespmem:s11], [sflag:$0x9] =	stream.linear.gather [hbm4b:s4+s8], $0x28, $0x38;
	[tilespmem:$0x1A880] =	vst v63  }
0x78: {  	s14 =	simm.s32 $0x200;
	s5 =	rddreg [dreg:$0x1a]  }
0x79: {  	[tilespmem:s14], [sflag:$0xA] =	stream.linear.gather [hbm4b:s5+s8], $0x28, $0x38;
	[tilespmem:$0x1A880] =	vst v63  }
0x7a: {  	s17 =	simm.s32 $0x280;
	s12 =	rddreg [dreg:$0xa]  }
0x7b: {  	[tilespmem:s17], [sflag:$0xB] =	stream.linear.gather [hbm4b:s12+s8], $0x28, $0x38;
	[tilespmem:$0x1A880] =	vst v63  }
0x7c: {  	s16 =	simm.s32 $0x300;
	s15 =	rddreg [dreg:$0xb]  }
0x7d: {  	[tilespmem:s16], [sflag:$0xC] =	stream.linear.gather [hbm4b:s15+s8], $0x28, $0x38;
	[tilespmem:$0x1A880] =	vst v63  }
0x7e: {  	s19 =	simm.s32 $0x380;
	s18 =	rddreg [dreg:$0xc]  }
0x7f: {  	[tilespmem:s19], [sflag:$0xD] =	stream.linear.gather [hbm4b:s18+s8], $0x28, $0x38;
	[tilespmem:$0x1A880] =	vst v63  }
0x80: {  	s22 =	rddreg [dreg:$0x10]  }
0x81: {  	[tilespmem:s24], [sflag:$0xE] =	stream.linear.gather [hbm4b:s22+s8], $0x28, $0x38;
	[tilespmem:$0x1A880] =	vst v63  }
0x82: {  	s2 =	rddreg [dreg:$0x11];
	s4 =	simm.s32 $0x480  }
0x83: {  	[tilespmem:s4], [sflag:$0xF] =	stream.linear.gather [hbm4b:s2+s8], $0x28, $0x38;
	[tilespmem:$0x1A880] =	vst v63  }
0x84: {  	s3 =	rddreg [dreg:$0x13];
	s2 =	simm.s32 $0x800;
	s4 =	simm.s32 $0x6  }
0x85: {  	[tilespmem:s2], [sflag:$0x1] =	stream.linear.gather [hbm4b:s3+s8], $0x28, $0x38;
	[tilespmem:$0x1A880] =	vst v63  }
0x86: {  	_ =	swait.ge [sflag:s4], $0x28  }
0x87: {  	[sflag:s4] =	ssyncset.done $0x0  }
0x88: {  	[sflag:s4] =	ssyncadd.s32 $0xFFFFFFD8  }
0x89: {  	[tilespmem:s28], [sflag:$0x1] =	stream.indirect.gather [hbm4b:s1+s7], $0x80, s8, s7, $0xb8;
	[tilespmem:$0x1A880] =	vst v63  }
0x8a: {  	s12 =	simm.s32 $0x880;
	s15 =	simm.s32 $0x7;
	s5 =	rddreg [dreg:$0x15]  }
0x8b: {  	[tilespmem:s12], [sflag:$0x2] =	stream.linear.gather [hbm4b:s5+s8], $0x28, $0x38;
	[tilespmem:$0x1A880] =	vst v63  }
0x8c: {  	_ =	swait.ge [sflag:s15], $0x28  }
0x8d: {  	[sflag:s15] =	ssyncset.done $0x0  }
0x8e: {  	s16 =	simm.s32 $0x2000;
	[sflag:s15] =	ssyncadd.s32 $0xFFFFFFD8  }
0x8f: {  	[tilespmem:s16], [sflag:$0x2] =	stream.indirect.gather [hbm4b:s1+s7], $0x80, s9, s7, $0xb8;
	[tilespmem:$0x1A880] =	vst v63  }
0x90: {  	s18 =	simm.s32 $0x8;
	s17 =	rddreg [dreg:$0x17]  }
0x91: {  	[tilespmem:s25], [sflag:$0x3] =	stream.linear.gather [hbm4b:s17+s8], $0x28, $0x38;
	[tilespmem:$0x1A880] =	vst v63  }
0x92: {  	_ =	swait.ge [sflag:s18], $0x28  }
0x93: {  	[sflag:s18] =	ssyncset.done $0x0  }
0x94: {  	[sflag:s18] =	ssyncadd.s32 $0xFFFFFFD8  }
0x95: {  	[tilespmem:s30], [sflag:$0x3] =	stream.indirect.gather [hbm4b:s1+s7], $0x80, s10, s7, $0xb8;
	[tilespmem:$0x1A880] =	vst v63  }
0x96: {  	s22 =	simm.s32 $0x9;
	s12 =	simm.s32 $0x980;
	s19 =	rddreg [dreg:$0x19]  }
0x97: {  	[tilespmem:s12], [sflag:$0x4] =	stream.linear.gather [hbm4b:s19+s8], $0x28, $0x38;
	[tilespmem:$0x1A880] =	vst v63  }
0x98: {  	_ =	swait.ge [sflag:s22], $0x28  }
0x99: {  	[sflag:s22] =	ssyncset.done $0x0  }
0x9a: {  	s16 =	simm.s32 $0x4800;
	[sflag:s22] =	ssyncadd.s32 $0xFFFFFFD8  }
0x9b: {  	[tilespmem:s16], [sflag:$0x4] =	stream.indirect.gather [hbm4b:s1+s7], $0x80, s11, s7, $0xb8;
	[tilespmem:$0x1A880] =	vst v63  }
0x9c: {  	s30 =	simm.s32 $0xA;
	s25 =	rddreg [dreg:$0x1b]  }
0x9d: {  	[tilespmem:s20], [sflag:$0x5] =	stream.linear.gather [hbm4b:s25+s8], $0x28, $0x38;
	[tilespmem:$0x1A880] =	vst v63  }
0x9e: {  	_ =	swait.ge [sflag:s30], $0x28  }
0x9f: {  	s0 =	sld [smem:$0x7FB]  }
0xa0: {  	[sflag:s30] =	ssyncset.done $0x0;
	s2 =	sld [smem:$0x7FA]  }
0xa1: {  	s4 =	simm.s32 $0x0;
	s17 =	sld [smem:$0x7F3];
	[sflag:s30] =	ssyncadd.s32 $0xFFFFFFD8  }
0xa2: {  	[tilespmem:s21], [sflag:$0x5] =	stream.indirect.gather [hbm4b:s1+s7], $0x80, s14, s7, $0xb8;
	[tilespmem:$0x1A880] =	vst v63  }
.LBB2_8:
0xa3: {  	_ =	swait.ge [sflag:s23], $0x1400  }
0xa4: {  	[sflag:s23] =	ssyncset.done $0x0  }
0xa5: {  	[sflag:s23] =	ssyncadd.s32 $0xFFFFEC00  }
0xa6: {  	_ =	swait.ge [sflag:s23], $0x28  }
0xa7: {  	p1 =	seq.s32 s8, $0x0;
	[sflag:s23] =	ssyncset.done $0x0  }
0xa8: {  	s9 =	simm.s32 @p1 $0x28;
	[sflag:s23] =	ssyncadd.s32 $0xFFFFFFD8  }
0xa9: {  	s10 =	simm.s32 @p1 $0x800;
	s18 =	simm.s32 @p1 $0xC00;
	s15 =	rddreg [dreg:$0x3]  }
0xaa: {  	[spmem:s15] =	stream.indirect.scatter.add.f32 @p1 [tilespmem:s18], [sflag:$0x10], $0x80, s10, s9, $0xb8;
	[tilespmem:$0x1A880] =	vst v63  }
0xab: {  	s9 =	simm.s32 @!p1 $0x10  }
0xac: {  	_ =	swait.ge @!p1 [sflag:s9], $0x1400  }
0xad: {  	s10 =	simm.s32 @!p1 $0x800;
	[sflag:s9] =	ssyncset.done @!p1 $0x0  }
0xae: {  	s18 =	simm.s32 @!p1 $0xC00;
	[sflag:s9] =	ssyncadd.s32 @!p1 $0xFFFFEC00;
	s9 =	simm.s32 @!p1 $0x28  }
0xaf: {  	[spmem:s15] =	stream.indirect.scatter.add.f32 @!p1 [tilespmem:s18], [sflag:$0x10], $0x80, s10, s9, $0xb8;
	[tilespmem:$0x1A880] =	vst v63  }
0xb0: {  	s10 =	simm.s32 @!p1 $0x0;
	s18 =	simm.s32 @!p1 $0xA00  }
0xb1: {  	[tilespmem:s18], [sflag:$0x5] =	stream.linear.gather @!p1 [hbm4b:s0+s10], $0x28, $0x38;
	[tilespmem:$0x1A880] =	vst v63  }
0xb2: {  	s18 =	simm.s32 @!p1 $0xA  }
0xb3: {  	_ =	swait.ge @!p1 [sflag:s18], $0x28  }
0xb4: {  	[sflag:s18] =	ssyncset.done @!p1 $0x0  }
0xb5: {  	s20 =	simm.s32 @!p1 $0x5C00;
	[sflag:s18] =	ssyncadd.s32 @!p1 $0xFFFFFFD8;
	s18 =	simm.s32 @!p1 $0x200  }
0xb6: {  	[tilespmem:s20], [sflag:$0x5] =	stream.indirect.gather @!p1 [hbm4b:s1+s9], $0x80, s18, s9, $0xb8;
	[tilespmem:$0x1A880] =	vst v63  }
0xb7: {  	s21 =	simm.s32 $0x2;
	s9 =	simm.s32 @!p1 $0x480  }
0xb8: {  	[tilespmem:s9], [sflag:$0xF] =	stream.linear.gather @!p1 [hbm4b:s2+s10], $0x28, $0x38;
	[tilespmem:$0x1A880] =	vst v63  }
0xb9: {  	_ =	swait.ge [sflag:s21], $0x1400  }
0xba: {  	[sflag:s21] =	ssyncset.done $0x0  }
0xbb: {  	[sflag:s21] =	ssyncadd.s32 $0xFFFFEC00  }
0xbc: {  	_ =	swait.ge [sflag:s21], $0x28  }
0xbd: {  	[sflag:s21] =	ssyncset.done $0x0  }
0xbe: {  	s3 =	smov.u32 s0;
	s22 =	smov.u32 s2;
	[sflag:s21] =	ssyncadd.s32 $0xFFFFFFD8  }
0xbf: {  	s5 =	simm.s32 $0x880;
	s18 =	smov.u32 s8;
	_ =	swait.ge [sflag:s29], $0x1400  }
0xc0: {  	s18 =	simm.s32 @p1 $0x0;
	[sflag:s29] =	ssyncset.done $0x0;
	s25 =	rddreg [dreg:$0x7]  }
0xc1: {  	s2 =	simm.s32 $0x2000;
	[sflag:s29] =	ssyncadd.s32 $0xFFFFEC00;
	s0 =	sadd.s32 s18, s25  }
0xc2: {  	[spmem:s15] =	stream.indirect.scatter.add.f32 [tilespmem:s2], [sflag:$0x10], $0x80, s5, s7, $0xb8;
	[tilespmem:$0x1A880] =	vst v63  }
0xc3: {  	s9 =	sshrl.u32 s0, $0x3  }
0xc4: {  	s11 =	simm.s32 $0x800;
	s10 =	simm.s32 $0xB;
	s9 =	sadd.s32 s26, s9  }
0xc5: {  	[tilespmem:s11], [sflag:$0x1] =	stream.linear.gather [hbm4b:s9+s4], $0x28, $0x38;
	[tilespmem:$0x1A880] =	vst v63  }
0xc6: {  	_ =	swait.ge [sflag:s10], $0x28  }
0xc7: {  	p1 =	seq.s32 s8, $0x2580;
	[sflag:s10] =	ssyncset.done $0x0;
	s0 =	rddreg [dreg:$0x1c]  }
0xc8: {  	s14 =	simm.s32 $0x280;
	[sflag:s10] =	ssyncadd.s32 $0xFFFFFFD8;
	s9 =	sadd.s32 @!p1 s18, s0  }
0xc9: {  	[tilespmem:s28], [sflag:$0x1] =	stream.indirect.gather [hbm4b:s1+s7], $0x80, s14, s7, $0xb8;
	[tilespmem:$0x1A880] =	vst v63  }
0xca: {  	s9 =	sshrl.u32 @!p1 s9, $0x3  }
0xcb: {  	s21 =	simm.s32 @!p1 $0x0;
	s10 =	sadd.s32 @!p1 s6, s9  }
0xcc: {  	[tilespmem:s21], [sflag:$0x6] =	stream.linear.gather @!p1 [hbm4b:s10+s21], $0x28, $0x38;
	[tilespmem:$0x1A880] =	vst v63  }
0xcd: {  	_ =	swait.ge [sflag:s31], $0x1400  }
0xce: {  	[sflag:s31] =	ssyncset.done $0x0  }
0xcf: {  	[sflag:s31] =	ssyncadd.s32 $0xFFFFEC00  }
0xd0: {  	_ =	swait.ge [sflag:s31], $0x28  }
0xd1: {  	[sflag:s31] =	ssyncset.done $0x0  }
0xd2: {  	[sflag:s31] =	ssyncadd.s32 $0xFFFFFFD8  }
0xd3: {  	_ =	swait.ge [sflag:s29], $0x1400  }
0xd4: {  	s19 =	simm.s32 $0x900;
	[sflag:s29] =	ssyncset.done $0x0;
	s25 =	rddreg [dreg:$0x8]  }
0xd5: {  	s20 =	simm.s32 $0x3400;
	[sflag:s29] =	ssyncadd.s32 $0xFFFFEC00;
	s0 =	sadd.s32 s18, s25  }
0xd6: {  	[spmem:s15] =	stream.indirect.scatter.add.f32 [tilespmem:s20], [sflag:$0x10], $0x80, s19, s7, $0xb8;
	[tilespmem:$0x1A880] =	vst v63  }
0xd7: {  	s10 =	sshrl.u32 s0, $0x3  }
0xd8: {  	s10 =	sadd.s32 s26, s10  }
0xd9: {  	[tilespmem:s5], [sflag:$0x2] =	stream.linear.gather [hbm4b:s10+s4], $0x28, $0x38;
	[tilespmem:$0x1A880] =	vst v63  }
0xda: {  	s10 =	simm.s32 $0xC  }
0xdb: {  	_ =	swait.ge [sflag:s10], $0x28  }
0xdc: {  	[sflag:s10] =	ssyncset.done $0x0;
	s0 =	rddreg [dreg:$0x1d]  }
0xdd: {  	s20 =	simm.s32 $0x300;
	[sflag:s10] =	ssyncadd.s32 $0xFFFFFFD8;
	s10 =	sadd.s32 @!p1 s18, s0  }
0xde: {  	[tilespmem:s2], [sflag:$0x2] =	stream.indirect.gather [hbm4b:s1+s7], $0x80, s20, s7, $0xb8;
	[tilespmem:$0x1A880] =	vst v63  }
0xdf: {  	s20 =	sshrl.u32 @!p1 s10, $0x3  }
0xe0: {  	s25 =	simm.s32 $0x4;
	s0 =	simm.s32 @!p1 $0x80;
	s10 =	sadd.s32 @!p1 s6, s20  }
0xe1: {  	[tilespmem:s0], [sflag:$0x7] =	stream.linear.gather @!p1 [hbm4b:s10+s21], $0x28, $0x38;
	[tilespmem:$0x1A880] =	vst v63  }
0xe2: {  	_ =	swait.ge [sflag:s25], $0x1400  }
0xe3: {  	[sflag:s25] =	ssyncset.done $0x0  }
0xe4: {  	[sflag:s25] =	ssyncadd.s32 $0xFFFFEC00  }
0xe5: {  	_ =	swait.ge [sflag:s25], $0x28  }
0xe6: {  	[sflag:s25] =	ssyncset.done $0x0  }
0xe7: {  	[sflag:s25] =	ssyncadd.s32 $0xFFFFFFD8  }
0xe8: {  	_ =	swait.ge [sflag:s29], $0x1400  }
0xe9: {  	[sflag:s29] =	ssyncset.done $0x0;
	s2 =	rddreg [dreg:$0x9]  }
0xea: {  	[sflag:s29] =	ssyncadd.s32 $0xFFFFEC00;
	s5 =	sadd.s32 s18, s2  }
0xeb: {  	[spmem:s15] =	stream.indirect.scatter.add.f32 [tilespmem:s16], [sflag:$0x10], $0x80, s12, s7, $0xb8;
	[tilespmem:$0x1A880] =	vst v63  }
0xec: {  	s10 =	sshrl.u32 s5, $0x3  }
0xed: {  	s14 =	simm.s32 $0x900;
	s10 =	sadd.s32 s26, s10  }
0xee: {  	[tilespmem:s14], [sflag:$0x3] =	stream.linear.gather [hbm4b:s10+s4], $0x28, $0x38;
	[tilespmem:$0x1A880] =	vst v63  }
0xef: {  	s10 =	simm.s32 $0xD  }
0xf0: {  	_ =	swait.ge [sflag:s10], $0x28  }
0xf1: {  	s19 =	simm.s32 $0x3400;
	[sflag:s10] =	ssyncset.done $0x0;
	s0 =	rddreg [dreg:$0x1e]  }
0xf2: {  	s14 =	simm.s32 $0x380;
	[sflag:s10] =	ssyncadd.s32 $0xFFFFFFD8;
	s10 =	sadd.s32 @!p1 s18, s0  }
0xf3: {  	[tilespmem:s19], [sflag:$0x3] =	stream.indirect.gather [hbm4b:s1+s7], $0x80, s14, s7, $0xb8;
	[tilespmem:$0x1A880] =	vst v63  }
0xf4: {  	s2 =	sshrl.u32 @!p1 s10, $0x3  }
0xf5: {  	s0 =	simm.s32 @!p1 $0x100;
	s10 =	sadd.s32 @!p1 s6, s2  }
0xf6: {  	[tilespmem:s0], [sflag:$0x8] =	stream.linear.gather @!p1 [hbm4b:s10+s21], $0x28, $0x38;
	[tilespmem:$0x1A880] =	vst v63  }
0xf7: {  	_ =	swait.ge [sflag:s13], $0x1400  }
0xf8: {  	[sflag:s13] =	ssyncset.done $0x0  }
0xf9: {  	[sflag:s13] =	ssyncadd.s32 $0xFFFFEC00  }
0xfa: {  	_ =	swait.ge [sflag:s13], $0x28  }
0xfb: {  	[sflag:s13] =	ssyncset.done $0x0  }
0xfc: {  	[sflag:s13] =	ssyncadd.s32 $0xFFFFFFD8  }
0xfd: {  	_ =	swait.ge [sflag:s29], $0x1400  }
0xfe: {  	s25 =	simm.s32 $0x5C00;
	[sflag:s29] =	ssyncset.done $0x0  }
0xff: {  	s19 =	simm.s32 $0xA00;
	s10 =	rddreg [dreg:$0xd];
	[sflag:s29] =	ssyncadd.s32 $0xFFFFEC00  }
0x100: {  	[spmem:s15] =	stream.indirect.scatter.add.f32 [tilespmem:s25], [sflag:$0x10], $0x80, s19, s7, $0xb8;
	[tilespmem:$0x1A880] =	vst v63  }
0x101: {  	s19 =	sadd.s32 s18, s10  }
0x102: {  	s10 =	sshrl.u32 s19, $0x3  }
0x103: {  	s25 =	simm.s32 $0xE;
	s10 =	sadd.s32 s26, s10  }
0x104: {  	[tilespmem:s12], [sflag:$0x4] =	stream.linear.gather [hbm4b:s10+s4], $0x28, $0x38;
	[tilespmem:$0x1A880] =	vst v63  }
0x105: {  	_ =	swait.ge [sflag:s25], $0x28  }
0x106: {  	s10 =	sadd.s32 @!p1 s18, s17;
	[sflag:s25] =	ssyncset.done $0x0  }
0x107: {  	s10 =	sshrl.u32 @!p1 s10, $0x3;
	[sflag:s25] =	ssyncadd.s32 $0xFFFFFFD8  }
0x108: {  	[tilespmem:s16], [sflag:$0x4] =	stream.indirect.gather [hbm4b:s1+s7], $0x80, s24, s7, $0xb8;
	[tilespmem:$0x1A880] =	vst v63  }
0x109: {  	s10 =	sadd.s32 @!p1 s6, s10;
	s24 =	simm.s32 @!p1 $0x180  }
0x10a: {  	[tilespmem:s24], [sflag:$0x9] =	stream.linear.gather @!p1 [hbm4b:s10+s21], $0x28, $0x38;
	[tilespmem:$0x1A880] =	vst v63  }
0x10b: {  	_ =	swait.ge [sflag:s23], $0x1400  }
0x10c: {  	[sflag:s23] =	ssyncset.done $0x0  }
0x10d: {  	[sflag:s23] =	ssyncadd.s32 $0xFFFFEC00  }
0x10e: {  	_ =	swait.ge [sflag:s23], $0x28  }
0x10f: {  	[sflag:s23] =	ssyncset.done $0x0  }
0x110: {  	[sflag:s23] =	ssyncadd.s32 $0xFFFFFFD8  }
0x111: {  	_ =	swait.ge [sflag:s29], $0x1400  }
0x112: {  	[sflag:s29] =	ssyncset.done $0x0  }
0x113: {  	s10 =	rddreg [dreg:$0xe];
	[sflag:s29] =	ssyncadd.s32 $0xFFFFEC00  }
0x114: {  	[spmem:s15] =	stream.indirect.scatter.add.f32 [tilespmem:s28], [sflag:$0x10], $0x80, s11, s7, $0xb8;
	[tilespmem:$0x1A880] =	vst v63  }
0x115: {  	s11 =	sadd.s32 s18, s10  }
0x116: {  	s10 =	sshrl.u32 s11, $0x3  }
0x117: {  	s5 =	simm.s32 $0xA00;
	s12 =	simm.s32 $0xF;
	s10 =	sadd.s32 s26, s10  }
0x118: {  	[tilespmem:s5], [sflag:$0x5] =	stream.linear.gather [hbm4b:s10+s4], $0x28, $0x38;
	[tilespmem:$0x1A880] =	vst v63  }
0x119: {  	_ =	swait.ge [sflag:s12], $0x28  }
0x11a: {  	s14 =	simm.s32 $0x5C00;
	[sflag:s12] =	ssyncset.done $0x0  }
0x11b: {  	s16 =	simm.s32 $0x480;
	s10 =	simm.s32 @p1 $0x2;
	[sflag:s12] =	ssyncadd.s32 $0xFFFFFFD8  }
0x11c: {  	[tilespmem:s14], [sflag:$0x5] =	stream.indirect.gather [hbm4b:s1+s7], $0x80, s16, s7, $0xb8;
	[tilespmem:$0x1A880] =	vst v63  }
0x11d: {  	_ =	swait.ge @p1 [sflag:s10], $0x1400  }
0x11e: {  	[sflag:s10] =	ssyncset.done @p1 $0x0  }
0x11f: {  	[sflag:s10] =	ssyncadd.s32 @p1 $0xFFFFEC00  }
0x120: {  	_ =	swait.ge @p1 [sflag:s10], $0x28  }
0x121: {  	[sflag:s10] =	ssyncset.done @p1 $0x0  }
0x122: {  	s19 =	simm.s32 @p1 $0x10;
	[sflag:s10] =	ssyncadd.s32 @p1 $0xFFFFFFD8  }
0x123: {  	_ =	swait.ge @p1 [sflag:s19], $0x1400  }
0x124: {  	s24 =	simm.s32 @p1 $0x2000;
	s11 =	simm.s32 @p1 $0x28;
	[sflag:s19] =	ssyncset.done @p1 $0x0  }
0x125: {  	s10 =	simm.s32 @p1 $0x880;
	s0 =	rddreg [dreg:$0x1f];
	[sflag:s19] =	ssyncadd.s32 @p1 $0xFFFFEC00  }
0x126: {  	[spmem:s15] =	stream.indirect.scatter.add.f32 @p1 [tilespmem:s24], [sflag:$0x10], $0x80, s10, s11, $0xb8;
	[tilespmem:$0x1A880] =	vst v63  }
0x127: {  	s10 =	sadd.s32 @!p1 s18, s0  }
0x128: {  	s10 =	sshrl.u32 @!p1 s10, $0x3  }
0x129: {  	s24 =	simm.s32 @!p1 $0x200;
	s10 =	sadd.s32 @!p1 s6, s10  }
0x12a: {  	[tilespmem:s24], [sflag:$0xA] =	stream.linear.gather @!p1 [hbm4b:s10+s21], $0x28, $0x38;
	[tilespmem:$0x1A880] =	vst v63  }
0x12b: {  	s10 =	simm.s32 @!p1 $0x2  }
0x12c: {  	_ =	swait.ge @!p1 [sflag:s10], $0x1400  }
0x12d: {  	[sflag:s10] =	ssyncset.done @!p1 $0x0  }
0x12e: {  	[sflag:s10] =	ssyncadd.s32 @!p1 $0xFFFFEC00  }
0x12f: {  	_ =	swait.ge @!p1 [sflag:s10], $0x28  }
0x130: {  	[sflag:s10] =	ssyncset.done @!p1 $0x0  }
0x131: {  	[sflag:s10] =	ssyncadd.s32 @!p1 $0xFFFFFFD8;
	s10 =	simm.s32 @!p1 $0x10  }
0x132: {  	_ =	swait.ge @!p1 [sflag:s10], $0x1400  }
0x133: {  	s14 =	simm.s32 @!p1 $0x2000;
	[sflag:s10] =	ssyncset.done @!p1 $0x0  }
0x134: {  	s0 =	simm.s32 @!p1 $0x880;
	s24 =	simm.s32 @!p1 $0x28;
	[sflag:s10] =	ssyncadd.s32 @!p1 $0xFFFFEC00  }
0x135: {  	[spmem:s15] =	stream.indirect.scatter.add.f32 @!p1 [tilespmem:s14], [sflag:$0x10], $0x80, s0, s24, $0xb8;
	[tilespmem:$0x1A880] =	vst v63  }
0x136: {  	s9 =	sadd.s32 @!p1 s26, s9;
	s4 =	smov.u32 s17;
	s17 =	simm.s32 @!p1 $0x800  }
0x137: {  	[tilespmem:s17], [sflag:$0x1] =	stream.linear.gather @!p1 [hbm4b:s9+s21], $0x28, $0x38;
	[tilespmem:$0x1A880] =	vst v63  }
0x138: {  	s9 =	simm.s32 @!p1 $0x6  }
0x139: {  	_ =	swait.ge @!p1 [sflag:s9], $0x28  }
0x13a: {  	[sflag:s9] =	ssyncset.done @!p1 $0x0  }
0x13b: {  	[sflag:s9] =	ssyncadd.s32 @!p1 $0xFFFFFFD8;
	s9 =	simm.s32 @!p1 $0xC00  }
0x13c: {  	[tilespmem:s9], [sflag:$0x1] =	stream.indirect.gather @!p1 [hbm4b:s1+s24], $0x80, s21, s24, $0xb8;
	[tilespmem:$0x1A880] =	vst v63  }
0x13d: {  	s9 =	sld [smem:$0x7F4];
	_ =	sdelay $0x2  }
0x13e: {  	s9 =	sadd.s32 @!p1 s18, s9  }
0x13f: {  	s9 =	sshrl.u32 @!p1 s9, $0x3  }
0x140: {  	s17 =	simm.s32 @!p1 $0x280;
	s9 =	sadd.s32 @!p1 s6, s9  }
0x141: {  	[tilespmem:s17], [sflag:$0xB] =	stream.linear.gather @!p1 [hbm4b:s9+s21], $0x28, $0x38;
	[tilespmem:$0x1A880] =	vst v63  }
0x142: {  	_ =	swait.ge [sflag:s31], $0x1400  }
0x143: {  	[sflag:s31] =	ssyncset.done $0x0  }
0x144: {  	[sflag:s31] =	ssyncadd.s32 $0xFFFFEC00  }
0x145: {  	_ =	swait.ge [sflag:s31], $0x28  }
0x146: {  	[sflag:s31] =	ssyncset.done $0x0  }
0x147: {  	[sflag:s31] =	ssyncadd.s32 $0xFFFFFFD8  }
0x148: {  	_ =	swait.ge [sflag:s29], $0x1400  }
0x149: {  	[sflag:s29] =	ssyncset.done $0x0  }
0x14a: {  	s9 =	simm.s32 $0x900;
	s17 =	simm.s32 $0x3400;
	[sflag:s29] =	ssyncadd.s32 $0xFFFFEC00  }
0x14b: {  	[spmem:s15] =	stream.indirect.scatter.add.f32 [tilespmem:s17], [sflag:$0x10], $0x80, s9, s7, $0xb8;
	[tilespmem:$0x1A880] =	vst v63  }
0x14c: {  	s9 =	simm.s32 @p1 $0x4  }
0x14d: {  	_ =	swait.ge @p1 [sflag:s9], $0x1400  }
0x14e: {  	[sflag:s9] =	ssyncset.done @p1 $0x0  }
0x14f: {  	[sflag:s9] =	ssyncadd.s32 @p1 $0xFFFFEC00  }
0x150: {  	_ =	swait.ge @p1 [sflag:s9], $0x28  }
0x151: {  	[sflag:s9] =	ssyncset.done @p1 $0x0  }
0x152: {  	[sflag:s9] =	ssyncadd.s32 @p1 $0xFFFFFFD8  }
0x153: {  	_ =	swait.ge @p1 [sflag:s19], $0x1400  }
0x154: {  	[sflag:s19] =	ssyncset.done @p1 $0x0  }
0x155: {  	s17 =	simm.s32 @p1 $0x4800;
	s9 =	simm.s32 @p1 $0x980;
	[sflag:s19] =	ssyncadd.s32 @p1 $0xFFFFEC00  }
0x156: {  	[spmem:s15] =	stream.indirect.scatter.add.f32 @p1 [tilespmem:s17], [sflag:$0x10], $0x80, s9, s11, $0xb8;
	[tilespmem:$0x1A880] =	vst v63  }
0x157: {  	s9 =	sadd.s32 @!p1 s26, s20  }
0x158: {  	[tilespmem:s0], [sflag:$0x2] =	stream.linear.gather @!p1 [hbm4b:s9+s21], $0x28, $0x38;
	[tilespmem:$0x1A880] =	vst v63  }
0x159: {  	s0 =	simm.s32 @!p1 $0x7  }
0x15a: {  	_ =	swait.ge @!p1 [sflag:s0], $0x28  }
0x15b: {  	[sflag:s0] =	ssyncset.done @!p1 $0x0  }
0x15c: {  	[sflag:s0] =	ssyncadd.s32 @!p1 $0xFFFFFFD8;
	s0 =	simm.s32 @!p1 $0x80  }
0x15d: {  	[tilespmem:s14], [sflag:$0x2] =	stream.indirect.gather @!p1 [hbm4b:s1+s24], $0x80, s0, s24, $0xb8;
	[tilespmem:$0x1A880] =	vst v63  }
0x15e: {  	s0 =	sld [smem:$0x7F5];
	_ =	sdelay $0x2  }
0x15f: {  	s0 =	sadd.s32 @!p1 s18, s0  }
0x160: {  	s0 =	sshrl.u32 @!p1 s0, $0x3  }
0x161: {  	s9 =	simm.s32 @!p1 $0x300;
	s0 =	sadd.s32 @!p1 s6, s0  }
0x162: {  	[tilespmem:s9], [sflag:$0xC] =	stream.linear.gather @!p1 [hbm4b:s0+s21], $0x28, $0x38;
	[tilespmem:$0x1A880] =	vst v63  }
0x163: {  	s0 =	simm.s32 @!p1 $0x4  }
0x164: {  	_ =	swait.ge @!p1 [sflag:s0], $0x1400  }
0x165: {  	[sflag:s0] =	ssyncset.done @!p1 $0x0  }
0x166: {  	[sflag:s0] =	ssyncadd.s32 @!p1 $0xFFFFEC00  }
0x167: {  	_ =	swait.ge @!p1 [sflag:s0], $0x28  }
0x168: {  	[sflag:s0] =	ssyncset.done @!p1 $0x0  }
0x169: {  	[sflag:s0] =	ssyncadd.s32 @!p1 $0xFFFFFFD8  }
0x16a: {  	_ =	swait.ge @!p1 [sflag:s10], $0x1400  }
0x16b: {  	[sflag:s10] =	ssyncset.done @!p1 $0x0  }
0x16c: {  	s9 =	simm.s32 @!p1 $0x4800;
	s0 =	simm.s32 @!p1 $0x980;
	[sflag:s10] =	ssyncadd.s32 @!p1 $0xFFFFEC00  }
0x16d: {  	[spmem:s15] =	stream.indirect.scatter.add.f32 @!p1 [tilespmem:s9], [sflag:$0x10], $0x80, s0, s24, $0xb8;
	[tilespmem:$0x1A880] =	vst v63  }
0x16e: {  	s0 =	sadd.s32 @!p1 s26, s2;
	s9 =	simm.s32 @!p1 $0x900  }
0x16f: {  	[tilespmem:s9], [sflag:$0x3] =	stream.linear.gather @!p1 [hbm4b:s0+s21], $0x28, $0x38;
	[tilespmem:$0x1A880] =	vst v63  }
0x170: {  	s0 =	simm.s32 @!p1 $0x8  }
0x171: {  	_ =	swait.ge @!p1 [sflag:s0], $0x28  }
0x172: {  	[sflag:s0] =	ssyncset.done @!p1 $0x0  }
0x173: {  	s2 =	simm.s32 @!p1 $0x100;
	[sflag:s0] =	ssyncadd.s32 @!p1 $0xFFFFFFD8;
	s0 =	simm.s32 @!p1 $0x3400  }
0x174: {  	[tilespmem:s0], [sflag:$0x3] =	stream.indirect.gather @!p1 [hbm4b:s1+s24], $0x80, s2, s24, $0xb8;
	[tilespmem:$0x1A880] =	vst v63  }
0x175: {  	s0 =	sld [smem:$0x7F6];
	_ =	sdelay $0x2  }
0x176: {  	s0 =	sadd.s32 @!p1 s18, s0  }
0x177: {  	s0 =	sshrl.u32 @!p1 s0, $0x3  }
0x178: {  	s9 =	simm.s32 @!p1 $0x380;
	s0 =	sadd.s32 @!p1 s6, s0  }
0x179: {  	[tilespmem:s9], [sflag:$0xD] =	stream.linear.gather @!p1 [hbm4b:s0+s21], $0x28, $0x38;
	[tilespmem:$0x1A880] =	vst v63  }
0x17a: {  	_ =	swait.ge [sflag:s13], $0x1400  }
0x17b: {  	[sflag:s13] =	ssyncset.done $0x0  }
0x17c: {  	[sflag:s13] =	ssyncadd.s32 $0xFFFFEC00  }
0x17d: {  	_ =	swait.ge [sflag:s13], $0x28  }
0x17e: {  	s30 =	simm.s32 $0x3400;
	s25 =	simm.s32 $0x900;
	[sflag:s13] =	ssyncset.done $0x0  }
.Ltmp7:
0x17f: {  	s5 =	simm.s32 $0x980;
	[sflag:s13] =	ssyncadd.s32 $0xFFFFFFD8;
	(pc) =	sbr.rel @p1 .LBB2_10-.Ltmp7, $4  }
0x180: {  	s12 =	simm.s32 $0x4800;
	s16 =	simm.s32 $0x0;
	_ =	swait.ge [sflag:s29], $0x1400  }
0x181: {  	s19 =	simm.s32 $0xA00;
	s20 =	simm.s32 $0xA00;
	[sflag:s29] =	ssyncset.done $0x0  }
0x182: {  	s24 =	simm.s32 $0x5C00;
	s21 =	simm.s32 $0x5C00;
	[sflag:s29] =	ssyncadd.s32 $0xFFFFEC00  }
0x183: {  	[spmem:s15] =	stream.indirect.scatter.add.f32 [tilespmem:s24], [sflag:$0x10], $0x80, s19, s7, $0xb8;
	[tilespmem:$0x1A880] =	vst v63  }
0x184: {  	s0 =	sadd.s32 s18, s4  }
0x185: {  	s0 =	sshrl.u32 s0, $0x3  }
0x186: {  	s24 =	simm.s32 $0x9;
	s0 =	sadd.s32 s26, s0  }
0x187: {  	[tilespmem:s5], [sflag:$0x4] =	stream.linear.gather [hbm4b:s0+s16], $0x28, $0x38;
	[tilespmem:$0x1A880] =	vst v63  }
0x188: {  	_ =	swait.ge [sflag:s24], $0x28  }
0x189: {  	[sflag:s24] =	ssyncset.done $0x0;
	s30 =	sld [smem:$0x7F7]  }
0x18a: {  	s25 =	simm.s32 $0x180;
	s2 =	simm.s32 $0x400;
	[sflag:s24] =	ssyncadd.s32 $0xFFFFFFD8  }
0x18b: {  	[tilespmem:s12], [sflag:$0x4] =	stream.indirect.gather [hbm4b:s1+s7], $0x80, s25, s7, $0xb8;
	[tilespmem:$0x1A880] =	vst v63  }
.Ltmp8:
0x18c: {  	s8 =	sadd.s32 $0x190, s8;
	s0 =	sadd.s32 s18, s30;
	(pc) =	sbr.rel .LBB2_8-.Ltmp8, $4  }
0x18d: {  	s17 =	smov.u32 s4;
	s4 =	simm.s32 $0x0;
	s0 =	sshrl.u32 s0, $0x3  }
0x18e: {  	s24 =	simm.s32 $0x400;
	s12 =	simm.s32 $0x980;
	s0 =	sadd.s32 s6, s0  }
0x18f: {  	[tilespmem:s2], [sflag:$0xE] =	stream.linear.gather [hbm4b:s0+s16], $0x28, $0x38;
	[tilespmem:$0x1A880] =	vst v63  }
0x190: {  	s2 =	sadd.s32 $0x32, s22;
	s0 =	sadd.s32 $0x32, s3;
	s16 =	simm.s32 $0x4800  }
.LBB2_11:
0x191: {  	_ =	sfence.sel $0x180000  }
0x192: {  	[bflag:$0x0] =	sbarrier.arrive $0xFFFF  }
0x193: {  	_ =	strace $0x90000047  }
0x194: {  	s0 =	stileid.u32;
	[bflag:$0x2] =	sbarrier.arrive $0xFFFF  }
0x195: {  	p0 =	sne.s32 s0, $0x0;
	s0 =	rddreg [dreg:$0x4]  }
0x196: {  	s0 =	sadd.s32 @!p0 $0x100000, s0  }
0x197: {  	[sflag:s0] =	ssyncadd.tile.s32 @!p0 $0x1;
	_ =	shalt  }
.Lfunc_end2:
_tile_overlayer_lowered:
.L_overlay_start_2:
0x198: {  	(tag) =	ssettag $0x2  }
0x199: {  	s0 =	rddreg [dreg:$0x0];
	s2 =	stileid.u32  }
0x19a: {  	s1 =	rddreg [dreg:$0x1];
	p0 =	sne.s32 s2, $0x0  }
0x19b: {  	s3 =	rddreg [dreg:$0x2];
	[bflag:$0x3] =	sbarrier.arrive $0xFFFF;
	s2 =	simm.s32 @!p0 $0x1C11  }
0x19c: {  	[timem:s3], [sflag:s2] =	dma.local @!p0 [hbm:s0], s1  }
0x19d: {  	s0 =	simm.s32 @!p0 $0x11  }
0x19e: {  	_ =	swait.ge @!p0 [sflag:s0], s1  }
0x19f: {  	s1 =	ssub.s32 @!p0 $0x0, s1;
	[sflag:s0] =	ssyncset.done @!p0 $0x0  }
0x1a0: {  	[sflag:s0] =	ssyncadd.s32 @!p0 s1  }
0x1a1: {  	[bflag:$0x3] =	sbarrier.arrive $0xFFFF  }
0x1a2: {  	_ =	shalt  }

// kernel: kernel.9.cloned.1.call-start
scs
__scs_entry_jumppad:
0x0: {  	(pc) =	sbr.rel $0x88, $3  }
0x1: {  	(tag) =	ssettag $0x0;
	lr =	simm.s32 $0x1  }
0x2: {  	[smem:$0x3F9C] =	sst lr;
	_ =	strace $0xD0000000  }
0x3: {  	_ = 	snop  }
0x4: {  	_ = 	snop  }
0x5: {  	_ = 	snop  }
0x6: {  	_ = 	snop  }
0x7: {  	_ = 	snop  }
__scs_overlays_trampoline_lowered:
0x8: {  	[smem:$0x3FAB] =	sst s0  }
0x9: {  	[smem:$0x3FAC] =	sst s1  }
0xa: {  	[smem:$0x3FAD] =	sst s2  }
0xb: {  	[smem:$0x3FAE] =	sst s3  }
0xc: {  	[smem:$0x3FAF] =	sst s4  }
0xd: {  	[smem:$0x3FB0] =	sst s5  }
0xe: {  	[smem:$0x3FB1] =	sst s6  }
0xf: {  	[smem:$0x3FB2] =	sst s7  }
0x10: {  	[smem:$0x3FB3] =	sst s8  }
0x11: {  	[smem:$0x3FB4] =	sst s9;
	s0 =	simm.s32 @!p0 $0x0  }
0x12: {  	s1 =	sld [smem:$0x3F9A];
	s0 =	simm.s32 @p0 $0x1  }
0x13: {  	[smem:$0x3FB5] =	sst s0;
	s0 =	simm.s32 @!p1 $0x0  }
0x14: {  	s2 =	sld [smem:$0x3F99];
	s0 =	simm.s32 @p1 $0x1  }
0x15: {  	[smem:$0x3FB6] =	sst s0;
	s0 =	simm.s32 @!p2 $0x0  }
0x16: {  	s3 =	sld [smem:$0x3FDB];
	s0 =	simm.s32 @p2 $0x1  }
0x17: {  	s4 =	simm.s32 $0x1BF5;
	[smem:$0x3FB8] =	sst s0  }
0x18: {  	s0 =	sld [smem:$0x3F9B];
	_ =	swait.ge [sflag:s4], $0x0  }
0x19: {  	s7 =	sld [smem:$0x3F9C]  }
0x1a: {  	s8 =	sadd.s32 $0xFFFFE003, lr  }
0x1b: {  	s9 =	sadd.s32 $0xFFFFFEF7, lr;
	s5 =	simm.s32 $0xFFFFFFFF;
	p2 =	slt.u32 s8, $0xFFFFF086  }
0x1c: {  	p1 =	slt.u32 s9, $0xF7A;
	s5 =	simm.s32 @!p2 $0x0  }
0x1d: {  	s5 =	simm.s32 @p1 $0x1;
	p0 =	seq.s32 s7, s2  }
0x1e: {  	s7 =	smul.u32 @!p0 $0xF7A, s2;
	p2 =	seq.s32 @!p0 s5, $0x0  }
0x1f: {  	s9 =	smul.u32 $0xF7A, s1;
	s8 =	simm.s32 @!p0 $0x1BF5;
	p2 =	por !p2, p0  }
0x20: {  	[sflag:s8] =	ssyncset.s32 @!p0 $0xFFFFF086;
	s6 =	sadd.s32 @!p0 s3, s7;
	s7 =	simm.s32 @!p0 $0x108  }
0x21: {  	s3 =	sadd.s32 s3, s9;
	s6 =	sadd.s32 @!p0 $0x88, s6;
	s7 =	simm.s32 @p2 $0x1082  }
0x22: {  	[simem:s7], [sflag:s8] =	dma.local @!p0 [hbm:s6], $0xF7A  }
0x23: {  	s9 =	sor.u32 $0xD0000000, s2;
	s6 =	simm.s32 $0x108;
	_ =	swait.ge @!p0 [sflag:s8], $0x0  }
0x24: {  	s3 =	sadd.s32 $0x88, s3;
	s6 =	simm.s32 @!p1 $0x1082;
	[sflag:s4] =	ssyncset.s32 $0xFFFFF086  }
0x25: {  	[simem:s6], [sflag:s4] =	dma.local [hbm:s3], $0xF7A  }
0x26: {  	[smem:$0x3F9C] =	sst s1;
	(tag) =	ssettag s2;
	_ =	strace s9  }
0x27: {  	s1 =	sld [smem:$0x3FAC]  }
0x28: {  	s2 =	sld [smem:$0x3FAD]  }
0x29: {  	s4 =	sld [smem:$0x3FAF]  }
0x2a: {  	p0 =	seq.s32 s5, $0x0;
	s5 =	sld [smem:$0x3FB0]  }
0x2b: {  	s6 =	sld [smem:$0x3FB1]  }
0x2c: {  	s7 =	sld [smem:$0x3FB2]  }
0x2d: {  	s3 =	simm.s32 $0x108;
	s8 =	sld [smem:$0x3FB3]  }
0x2e: {  	s3 =	simm.s32 @!p0 $0x1082;
	s9 =	sld [smem:$0x3FB4]  }
0x2f: {  	lr =	sadd.s32 s0, s3;
	s0 =	sld [smem:$0x3FAB]  }
0x30: {  	s3 =	sld [smem:$0x3FAE]  }
0x31: {  	[smem:$0x3FB7] =	sst s10  }
0x32: {  	s10 =	sld [smem:$0x3FB5];
	_ =	sdelay $0x3  }
0x33: {  	p0 =	seq.s32 s10, $0x1;
	s10 =	sld [smem:$0x3FB7];
	_ =	sdelay $0x3  }
0x34: {  	[smem:$0x3FB7] =	sst s10  }
0x35: {  	s10 =	sld [smem:$0x3FB6];
	_ =	sdelay $0x3  }
0x36: {  	p1 =	seq.s32 s10, $0x1;
	s10 =	sld [smem:$0x3FB7];
	_ =	sdelay $0x3  }
0x37: {  	[smem:$0x3FB7] =	sst s10  }
0x38: {  	s10 =	sld [smem:$0x3FB8]  }
0x39: {  	_ = 	snop;
	(pc) =	sbr.ind lr, $3  }
0x3a: {  	_ = 	snop  }
0x3b: {  	_ = 	snop  }
0x3c: {  	p2 =	seq.s32 s10, $0x1;
	s10 =	sld [smem:$0x3FB7]  }
0x3d: {  	_ =	shalt  }
0x3e: {  	_ =	shalt  }
0x3f: {  	_ =	shalt  }
0x40: {  	_ =	shalt  }
0x41: {  	_ =	shalt  }
0x42: {  	_ =	shalt  }
0x43: {  	_ =	shalt  }
0x44: {  	_ =	shalt  }
0x45: {  	_ =	shalt  }
0x46: {  	_ =	shalt  }
0x47: {  	_ =	shalt  }
0x48: {  	_ =	shalt  }
0x49: {  	_ =	shalt  }
0x4a: {  	_ =	shalt  }
0x4b: {  	_ =	shalt  }
0x4c: {  	_ =	shalt  }
0x4d: {  	_ =	shalt  }
0x4e: {  	_ =	shalt  }
0x4f: {  	_ =	shalt  }
0x50: {  	_ =	shalt  }
0x51: {  	_ =	shalt  }
0x52: {  	_ =	shalt  }
0x53: {  	_ =	shalt  }
0x54: {  	_ =	shalt  }
0x55: {  	_ =	shalt  }
0x56: {  	_ =	shalt  }
0x57: {  	_ =	shalt  }
0x58: {  	_ =	shalt  }
0x59: {  	_ =	shalt  }
0x5a: {  	_ =	shalt  }
0x5b: {  	_ =	shalt  }
0x5c: {  	_ =	shalt  }
0x5d: {  	_ =	shalt  }
0x5e: {  	_ =	shalt  }
0x5f: {  	_ =	shalt  }
0x60: {  	_ =	shalt  }
0x61: {  	_ =	shalt  }
0x62: {  	_ =	shalt  }
0x63: {  	_ =	shalt  }
0x64: {  	_ =	shalt  }
0x65: {  	_ =	shalt  }
0x66: {  	_ =	shalt  }
0x67: {  	_ =	shalt  }
0x68: {  	_ =	shalt  }
0x69: {  	_ =	shalt  }
0x6a: {  	_ =	shalt  }
0x6b: {  	_ =	shalt  }
0x6c: {  	_ =	shalt  }
0x6d: {  	_ =	shalt  }
0x6e: {  	_ =	shalt  }
0x6f: {  	_ =	shalt  }
0x70: {  	_ =	shalt  }
0x71: {  	_ =	shalt  }
0x72: {  	_ =	shalt  }
0x73: {  	_ =	shalt  }
0x74: {  	_ =	shalt  }
0x75: {  	_ =	shalt  }
0x76: {  	_ =	shalt  }
0x77: {  	_ =	shalt  }
0x78: {  	_ =	shalt  }
0x79: {  	_ =	shalt  }
0x7a: {  	_ =	shalt  }
0x7b: {  	_ =	shalt  }
0x7c: {  	_ =	shalt  }
0x7d: {  	_ =	shalt  }
0x7e: {  	_ =	shalt  }
0x7f: {  	_ =	shalt  }
0x80: {  	_ =	shalt  }
0x81: {  	_ =	shalt  }
0x82: {  	_ =	shalt  }
0x83: {  	_ =	shalt  }
0x84: {  	_ =	shalt  }
0x85: {  	_ =	shalt  }
0x86: {  	_ =	shalt  }
0x87: {  	_ =	shalt  }
.Lfunc_end0:
.L_simem_size_0:
called_computation.1_lowered:
.L_overlay_start_0:
0x88: {  	s2 =	sld [smem:$0x3FD9]  }
0x89: {  	s3 =	sld [smem:$0x3FFE];
	_ =	sdelay $0x1  }
0x8a: {  	s1 =	srdreg.scid  }
0x8b: {  	s0 =	sand.u32 $0x1, s1  }
0x8c: {  	s17 =	sshll.u32 s0, $0xA;
	s2 =	sadd.s32 s3, s2  }
0x8d: {  	s2 =	sadd.s32 s2, s17  }
0x8e: {  	[smem:$0x3FC3] =	sst s2  }
0x8f: {  	_ = 	snop  }
0x90: {  	s2 =	sld [smem:$0x3FD0];
	(tm) =	ssettm $0x1  }
0x91: {  	s18 =	sld [smem:$0x3FFB];
	_ =	sdelay $0x3  }
0x92: {  	_ =	strace s18  }
0x93: {  	s3 =	sld [smem:$0x3FFC];
	_ =	sdelay $0x3  }
0x94: {  	_ =	strace s3  }
0x95: {  	s3 =	sld [smem:$0x3FFD];
	_ =	sdelay $0x3  }
0x96: {  	_ =	strace s3  }
0x97: {  	_ =	strace $0x8FFFFFFF  }
0x98: {  	s19 =	sld [smem:$0x3FDB];
	_ =	sdelay $0x1  }
0x99: {  	s4 =	simm.s32 $_scs_section_size  }
0x9a: {  	s5 =	simm.s32 $_size__tile_overlayer_lowered;
	s6 =	simm.s32 $_tile_overlayer_lowered  }
0x9b: {  	s22 =	simm.s32 $0x1BFF;
	s21 =	sshll.u32 s6, $0x1;
	s3 =	sadd.s32 s4, s19  }
0x9c: {  	s7 =	simm.s32 $0x0;
	s20 =	sshll.u32 s5, $0x1;
	s5 =	sadd.s32 s21, s3  }
0x9d: {  	[timem:s7], [sflag:s22] =	dma.local [hbm:s5], s20  }
0x9e: {  	_ =	swait.ge [sflag:s22], s20  }
0x9f: {  	s4 =	ssub.s32 $0x0, s20;
	[sflag:s22] =	ssyncset.done $0x0  }
0xa0: {  	[sflag:s22] =	ssyncadd.s32 s4;
	_ =	sdelay $0x1  }
0xa1: {  	s23 =	simm.s32 $0x1B8B  }
0xa2: {  	_ =	swait.ge [sflag:s23], $0x1  }
0xa3: {  	[sflag:s23] =	ssyncset.done $0x0  }
0xa4: {  	s25 =	simm.s32 $0x1B8E;
	s24 =	sld [smem:$0x3FFE];
	[sflag:s23] =	ssyncadd.s32 $0xFFFFFFFF  }
0xa5: {  	s26 =	simm.s32 $execute0_lowered;
	[smem:$0x3FD2] =	sst s25  }
0xa6: {  	s5 =	sshll.u32 s26, $0x1;
	_ =	strace $0x80000049;
	[dreg:$0x1] =	wrdreg $0xFFFFFFFF  }
0xa7: {  	s28 =	simm.s32 $_size_execute0_lowered;
	s3 =	sadd.s32 s3, s5;
	[dreg:$0x0] =	wrdreg $0x0  }
0xa8: {  	s5 =	sshll.u32 s28, $0x1;
	[dreg:$0x2] =	wrdreg s3  }
0xa9: {  	[dreg:$0x3] =	wrdreg s5  }
0xaa: {  	[dreg:$0x4] =	wrdreg $0xC0  }
0xab: {  	_ =	task [dreg:s7], $0x5FFFF  }
0xac: {  	[dreg:$0x1] =	wrdreg $0xFFFFFFFF  }
0xad: {  	[dreg:$0x0] =	wrdreg $0x60  }
0xae: {  	[dreg:$0x2] =	wrdreg s2  }
0xaf: {  	[dreg:$0x3] =	wrdreg s24  }
0xb0: {  	[dreg:$0x4] =	wrdreg $0x70000  }
0xb1: {  	[dreg:$0x5] =	wrdreg $0x9  }
0xb2: {  	_ =	task.clear_ibuf [dreg:s7], $0x6FFFF;
	_ =	strace $0x90000049  }
0xb3: {  	s29 =	simm.s32 $0x9;
	_ =	strace $0x8000004B  }
0xb4: {  	_ =	swait.ge [sflag:s29], $0x1  }
0xb5: {  	[sflag:s29] =	ssyncadd.s32 $0xFFFFFFFF  }
0xb6: {  	_ =	strace $0x9000004B  }
0xb7: {  	_ =	sfence  }
0xb8: {  	s30 =	sld [smem:$0x0];
	_ =	sdelay $0x2  }
0xb9: {  	s31 =	sshll.u32 s1, $0xD;
	s1 =	sshrl.u32 s1, $0x2  }
0xba: {  	s3 =	sand.u32 $0x4000, s31;
	s1 =	sadd.s32 s1, s30  }
0xbb: {  	s0 =	sor.u32 s3, s0;
	s1 =	sshll.u32 s1, $0x11  }
0xbc: {  	s0 =	sor.u32 s1, s0  }
0xbd: {  	s0 =	sadd.s32 $0x8F2B, s0  }
0xbe: {  	[sflag:s0] =	ssyncadd.remote.s32 $0x1  }
0xbf: {  	_ =	sfence.sel $0xFFFF  }
0xc0: {  	[dreg:$0x0] =	wrdreg $0xFFFFFFFF;
	(pc) =	sbr.abs _section_cstart, $3  }
0xc1: {  	[dreg:$0x1] =	wrdreg $0xFFFFFFFF  }
0xc2: {  	_ =	task.clear_ibuf [dreg:s7], $0x2FFFF;
	_ =	strace $0x9FFFFFFF  }
0xc3: {  	(tm) =	ssettm $0x7FFFFFFF  }
tec
execute0_lowered:
.L_overlay_start_1:
0x0: {  	(tag) =	ssettag $0x1  }
0x1: {  	s1 =	rddreg [dreg:$0x0]  }
0x2: {  	s0 =	rddreg [dreg:$0x1]  }
0x3: {  	s2 =	rddreg [dreg:$0x2];
	s3 =	simm.s32 $0x0;
	s4 =	srdreg.scid  }
0x4: {  	s16 =	stileid.u32;
	s17 =	simm.s32 $0xD;
	[smem:$0x7FF] =	sst s3  }
0x5: {  	s5 =	sadd.s32 $0x62000, s0;
	s4 =	sand.u32 $0x1, s4;
	s9 =	smul.u32 $0x4F000, s16  }
0x6: {  	s6 =	sadd.s32 $0x58200, s0;
	p0 =	seq.s32 s16, $0xF;
	s15 =	smul.u32 $0x13C00, s16  }
0x7: {  	s26 =	smul.u32 $0x2710, s16;
	_ =	strace $0x8000004A;
	s7 =	sshll.u32 s4, $0x4  }
0x8: {  	s8 =	ssub.s32 $0x2, s4;
	s12 =	smul.u32 $0x138800, s4;
	s7 =	sor.u32 s16, s7  }
0x9: {  	s17 =	simm.s32 @!p0 $0xF;
	s9 =	sshrl.u32 s9, $0x2;
	s7 =	smul.u32 $0x2710, s7  }
0xa: {  	s10 =	sshrl.u32 s8, $0x1;
	[dreg:$0x4] =	wrdreg s17;
	s19 =	sadd.s32 s9, s2  }
0xb: {  	s8 =	ssub.s32 s8, s10;
	[dreg:$0x5] =	wrdreg s19;
	s11 =	sadd.s32 $0xC8, s7  }
0xc: {  	s25 =	sadd.s32 s15, s12;
	s13 =	sadd.s32 $0xF0, s7;
	[dreg:$0x6] =	wrdreg s11  }
0xd: {  	s20 =	sadd.s32 $0x28, s7;
	s14 =	sadd.s32 $0x118, s7;
	[dreg:$0x7] =	wrdreg s13  }
0xe: {  	s21 =	sadd.s32 $0x78, s7;
	s24 =	sadd.s32 $0x140, s7;
	[dreg:$0x8] =	wrdreg s14  }
0xf: {  	s3 =	sadd.s32 $0x168, s7;
	s15 =	sadd.s32 $0x1E0, s7;
	[dreg:$0xc] =	wrdreg s24  }
0x10: {  	s9 =	sshrl.u32 s20, $0x3;
	s11 =	sshrl.u32 s11, $0x3;
	[dreg:$0xd] =	wrdreg s3  }
0x11: {  	s13 =	sshrl.u32 s13, $0x3;
	[dreg:$0x1d] =	wrdreg s15;
	s11 =	sadd.s32 s5, s11  }
0x12: {  	s14 =	sshrl.u32 s14, $0x3;
	s22 =	sadd.s32 s5, s13;
	[dreg:$0x9] =	wrdreg s11  }
0x13: {  	s16 =	sshrl.u32 s3, $0x3;
	s23 =	sadd.s32 s5, s14;
	[dreg:$0xa] =	wrdreg s22  }
0x14: {  	s20 =	sshrl.u32 s7, $0x3;
	s18 =	sadd.s32 s5, s16;
	[dreg:$0xb] =	wrdreg s23  }
0x15: {  	s10 =	sshrl.u32 s21, $0x3;
	s21 =	sadd.s32 s5, s20;
	[dreg:$0x10] =	wrdreg s18  }
0x16: {  	s14 =	sshrl.u32 s24, $0x3;
	s24 =	sadd.s32 s5, s9;
	[dreg:$0x11] =	wrdreg s21  }
0x17: {  	s9 =	sadd.s32 s6, s9;
	[dreg:$0x13] =	wrdreg s24  }
0x18: {  	s3 =	sadd.s32 s5, s10;
	[dreg:$0x14] =	wrdreg s9  }
0x19: {  	s10 =	sadd.s32 s6, s10;
	[dreg:$0x17] =	wrdreg s3  }
0x1a: {  	s28 =	simm.s32 $0xC00;
	s13 =	sadd.s32 $0x190, s7;
	[dreg:$0x18] =	wrdreg s10  }
0x1b: {  	s0 =	sadd.s32 $0x200, s0;
	s16 =	sadd.s32 $0x208, s7;
	[dreg:$0x1b] =	wrdreg s13  }
0x1c: {  	s4 =	smul.u32 $0x27100, s4;
	[smem:$0x7F4] =	sst s16;
	s18 =	sadd.s32 $0x230, s7  }
0x1d: {  	s12 =	sshrl.u32 s12, $0x3;
	s21 =	sadd.s32 $0x280, s7;
	[dreg:$0x1e] =	wrdreg s18  }
0x1e: {  	s11 =	sshrl.u32 s25, $0x3;
	s24 =	smax.u32 s8, $0x1;
	[smem:$0x7F5] =	sst s21  }
0x1f: {  	s22 =	sadd.s32 $0xA, s20;
	s11 =	sadd.s32 s0, s11;
	[smem:$0x7F9] =	sst s24  }
0x20: {  	s4 =	sadd.s32 s26, s4;
	s25 =	sadd.s32 s5, s22;
	[dreg:$0xe] =	wrdreg s11  }
0x21: {  	s23 =	sadd.s32 $0x14, s20;
	s26 =	sadd.s32 s6, s22;
	[dreg:$0x15] =	wrdreg s25  }
0x22: {  	s0 =	sadd.s32 s0, s12;
	s12 =	sadd.s32 s6, s23;
	[dreg:$0x16] =	wrdreg s26  }
0x23: {  	s29 =	simm.s32 $0x10;
	s22 =	sadd.s32 $0x2A8, s7;
	[dreg:$0x1a] =	wrdreg s12  }
0x24: {  	s30 =	simm.s32 $0x3400;
	s11 =	sadd.s32 s5, s14;
	[smem:$0x7F6] =	sst s22  }
0x25: {  	s31 =	simm.s32 $0x3;
	s14 =	sadd.s32 $0x1B8, s7;
	[dreg:$0xf] =	wrdreg s11  }
0x26: {  	s13 =	simm.s32 $0x5;
	s0 =	sadd.s32 $0x25080, s0;
	[dreg:$0x1c] =	wrdreg s14  }
0x27: {  	s3 =	simm.s32 $0x0;
	s26 =	sadd.s32 $0x12C00, s19;
	[smem:$0x7F8] =	sst s0  }
0x28: {  	s24 =	simm.s32 $0x400;
	s11 =	sadd.s32 s6, s20;
	[smem:$0x7FD] =	sst s26  }
0x29: {  	s21 =	simm.s32 $0x5C00;
	s20 =	sadd.s32 $0x258, s7;
	[dreg:$0x12] =	wrdreg s11  }
0x2a: {  	s7 =	sadd.s32 $0x2D0, s7;
	s11 =	sadd.s32 s5, s23;
	[dreg:$0x1f] =	wrdreg s20  }
0x2b: {  	[smem:$0x7F7] =	sst s7;
	s23 =	sadd.s32 $0x168, s4;
	s4 =	sadd.s32 $0xA0, s4  }
.Ltmp0:
0x2c: {  	s7 =	simm.s32 $0x28;
	s0 =	sshrl.u32 s23, $0x3;
	(pc) =	sbr.rel .LBB2_1-.Ltmp0, $4  }
0x2d: {  	[dreg:$0x19] =	wrdreg s11;
	s4 =	sshrl.u32 s4, $0x3;
	s0 =	sadd.s32 s0, s5  }
0x2e: {  	s25 =	sadd.s32 s4, s6;
	[smem:$0x7FA] =	sst s0;
	s0 =	sadd.s32 $0x128400, s2  }
0x2f: {  	s20 =	simm.s32 $0xA00;
	[smem:$0x7FB] =	sst s25;
	s0 =	sshrl.u32 @p0 s0, $0x3  }
0x30: {  	v0 =	vimm.f32 $0.0e+00;
	s23 =	simm.s32 $0x1;
	s25 =	simm.s32 $0x900;
	[smem:$0x7FC] =	sst s0  }
.LBB2_10:
0x31: {  	_ =	swait.ge [sflag:s29], $0x1400  }
0x32: {  	[sflag:s29] =	ssyncset.done $0x0  }
0x33: {  	[sflag:s29] =	ssyncadd.s32 $0xFFFFEC00  }
0x34: {  	[bflag:$0x0] =	sbarrier.arrive $0xFFFF  }
0x35: {  	s8 =	sld [smem:$0x7F8]  }
0x36: {  	s9 =	sld [smem:$0x7FC];
	_ =	sdelay $0x1  }
0x37: {  	s0 =	simm.s32 @p0 $0x1FD1  }
0x38: {  	[hbm:s8], [sflag:s0] =	dma.local @p0 [spmem:s9], $0x2080  }
0x39: {  	s0 =	simm.s32 @p0 $0x11  }
0x3a: {  	_ =	swait.ge @p0 [sflag:s0], $0x2080  }
0x3b: {  	s8 =	stileid.u32;
	s19 =	rddreg [dreg:$0x5]  }
0x3c: {  	s8 =	sshll.u32 @!p0 s8, $0x6;
	[sflag:s0] =	ssyncset.done @p0 $0x0;
	s9 =	rddreg [dreg:$0xe]  }
0x3d: {  	[sflag:s0] =	ssyncadd.s32 @p0 $0xFFFFDF80;
	s0 =	sor.u32 @!p0 $0x1C11, s8;
	s8 =	sshrl.u32 @!p0 s19, $0x3  }
0x3e: {  	[hbm:s9], [sflag:s0] =	dma.local @!p0 [spmem:s8], $0x2780  }
0x3f: {  	s0 =	simm.s32 @!p0 $0x11  }
0x40: {  	_ =	swait.ge @!p0 [sflag:s0], $0x2780  }
0x41: {  	s3 =	sld [smem:$0x7F3]  }
0x42: {  	s26 =	sld [smem:$0x7F9];
	_ =	sdelay $0x1  }
0x43: {  	s3 =	sadd.s32 $0x1, s3  }
0x44: {  	p1 =	sne.s32 s3, s26  }
.Ltmp1:
0x45: {  	_ = 	snop;
	(pc) =	sbr.rel @!p1 .LBB2_11-.Ltmp1, $3  }
0x46: {  	_ =	sdelay $0x1  }
0x47: {  	[sflag:s0] =	ssyncset.done @!p0 $0x0  }
0x48: {  	s24 =	simm.s32 $0x400;
	s17 =	rddreg [dreg:$0x4];
	[sflag:s0] =	ssyncadd.s32 @!p0 $0xFFFFD880  }
.LBB2_1:
0x49: {  	s0 =	simm.s32 $0x0  }
0x4a: {  	s8 =	sand.u32 $0x7E00, s0  }
0x4b: {  	s9 =	sand.u32 $0x70, s0;
	s10 =	sshrl.u32 s8, $0x2  }
0x4c: {  	s8 =	simm.s32 $0x40;
	s10 =	sor.u32 s9, s10;
	s9 =	simm.s32 $0x0  }
.LBB2_2:
0x4d: {  	p1 =	sne.s32 s8, $0x4FC0  }
0x4e: {  	[tilespmem:s10+$0xC00] =	vst v0;
	s9 =	sadd.s32 $0x10, s9;
	s10 =	smov.u32 s8;
	s8 =	sadd.s32 $0x40, s8  }
.Ltmp2:
0x4f: {  	(pc) =	sbr.rel @p1 .LBB2_2-.Ltmp2, $4  }
0x50: {  	_ = 	snop  }
0x51: {  	s10 =	sand.u32 $0x7E00, s10  }
0x52: {  	s18 =	sand.u32 $0x70, s9;
	s10 =	sshrl.u32 s10, $0x2  }
0x53: {  	s10 =	sor.u32 s18, s10  }
0x54: {  	p1 =	sne.s32 s17, $0x1  }
.Ltmp3:
0x55: {  	_ = 	snop;
	(pc) =	sbr.rel @!p1 .LBB2_5-.Ltmp3, $3  }
0x56: {  	_ =	sdelay $0x1  }
0x57: {  	[tilespmem:s10+$0xC00] =	vst v0;
	s8 =	sadd.s32 $0xFFFFFFFF, s17;
	s9 =	smov.u32 s19  }
0x58: {  	[spmem:s19] =	stream.linear.scatter [tilespmem:s28], [sflag:$0x10], $0x1400, $0x38;
	[tilespmem:$0x1A880] =	vst v63  }
.LBB2_4:
0x59: {  	p2 =	sne.s32 s8, $0x1  }
.Ltmp4:
0x5a: {  	_ = 	snop;
	(pc) =	sbr.rel @p2 .LBB2_4-.Ltmp4, $3  }
0x5b: {  	_ = 	snop  }
0x5c: {  	s8 =	sadd.s32 $0xFFFFFFFF, s8;
	s9 =	sadd.s32 $0x1400, s9;
	_ =	sdelay $0x1  }
0x5d: {  	[spmem:s9] =	stream.linear.scatter [tilespmem:s28], [sflag:$0x10], $0x1400, $0x38;
	[tilespmem:$0x1A880] =	vst v63  }
.LBB2_5:
0x5e: {  	s0 =	sld [smem:$0x7FD]  }
.Ltmp5:
0x5f: {  	_ = 	snop;
	(pc) =	sbr.rel @!p1 .LBB2_7-.Ltmp5, $4  }
0x60: {  	[smem:$0x7F3] =	sst s3;
	s8 =	simm.s32 @!p0 $0xC00  }
0x61: {  	[spmem:s0] =	stream.linear.scatter @!p0 [tilespmem:s8], [sflag:$0x10], $0x1000, $0x38;
	[tilespmem:$0x1A880] =	vst v63  }
0x62: {  	_ =	swait.ge [sflag:s29], $0x1400  }
0x63: {  	s8 =	sadd.s32 $0xFFFFFFFF, s17;
	[sflag:s29] =	ssyncset.done $0x0  }
.LBB2_6:
0x64: {  	p1 =	sne.s32 s8, $0x1;
	s8 =	sadd.s32 $0xFFFFFFFF, s8;
	[sflag:s29] =	ssyncadd.s32 $0xFFFFEC00  }
.Ltmp6:
0x65: {  	(pc) =	sbr.rel @p1 .LBB2_6-.Ltmp6, $3  }
0x66: {  	_ =	sdelay $0x1  }
0x67: {  	_ =	swait.ge [sflag:s29], $0x1400  }
0x68: {  	[sflag:s29] =	ssyncset.done $0x0  }
.LBB2_7:
0x69: {  	[sflag:s29] =	ssyncadd.s32 $0xFFFFEC00;
	s8 =	simm.s32 @!p0 $0x10  }
0x6a: {  	_ =	swait.ge @!p0 [sflag:s8], $0x1000  }
0x6b: {  	[sflag:s8] =	ssyncset.done @!p0 $0x0  }
0x6c: {  	[sflag:s8] =	ssyncadd.s32 @!p0 $0xFFFFF000  }
0x6d: {  	[bflag:$0x0] =	sbarrier.arrive $0xFFFF  }
0x6e: {  	s8 =	simm.s32 $0x0;
	s0 =	rddreg [dreg:$0x11]  }
0x6f: {  	[tilespmem:s8], [sflag:$0x6] =	stream.linear.gather [hbm4b:s0+s8], $0x28, $0x38;
	[tilespmem:$0x1A880] =	vst v63  }
0x70: {  	s9 =	simm.s32 $0x80;
	s26 =	rddreg [dreg:$0x13]  }
0x71: {  	[tilespmem:s9], [sflag:$0x7] =	stream.linear.gather [hbm4b:s26+s8], $0x28, $0x38;
	[tilespmem:$0x1A880] =	vst v63  }
0x72: {  	s10 =	simm.s32 $0x100;
	s2 =	rddreg [dreg:$0x15]  }
0x73: {  	[tilespmem:s10], [sflag:$0x8] =	stream.linear.gather [hbm4b:s2+s8], $0x28, $0x38;
	[tilespmem:$0x1A880] =	vst v63  }
0x74: {  	s11 =	simm.s32 $0x180;
	s3 =	rddreg [dreg:$0x17]  }
0x75: {  	[tilespmem:s11], [sflag:$0x9] =	stream.linear.gather [hbm4b:s3+s8], $0x28, $0x38;
	[tilespmem:$0x1A880] =	vst v63  }
0x76: {  	s14 =	simm.s32 $0x200;
	s4 =	rddreg [dreg:$0x19]  }
0x77: {  	[tilespmem:s14], [sflag:$0xA] =	stream.linear.gather [hbm4b:s4+s8], $0x28, $0x38;
	[tilespmem:$0x1A880] =	vst v63  }
0x78: {  	s17 =	simm.s32 $0x280;
	s12 =	rddreg [dreg:$0x9]  }
0x79: {  	[tilespmem:s17], [sflag:$0xB] =	stream.linear.gather [hbm4b:s12+s8], $0x28, $0x38;
	[tilespmem:$0x1A880] =	vst v63  }
0x7a: {  	s16 =	simm.s32 $0x300;
	s15 =	rddreg [dreg:$0xa]  }
0x7b: {  	[tilespmem:s16], [sflag:$0xC] =	stream.linear.gather [hbm4b:s15+s8], $0x28, $0x38;
	[tilespmem:$0x1A880] =	vst v63  }
0x7c: {  	s18 =	simm.s32 $0x380;
	s17 =	rddreg [dreg:$0xb]  }
0x7d: {  	[tilespmem:s18], [sflag:$0xD] =	stream.linear.gather [hbm4b:s17+s8], $0x28, $0x38;
	[tilespmem:$0x1A880] =	vst v63  }
0x7e: {  	s19 =	rddreg [dreg:$0xf]  }
0x7f: {  	[tilespmem:s24], [sflag:$0xE] =	stream.linear.gather [hbm4b:s19+s8], $0x28, $0x38;
	[tilespmem:$0x1A880] =	vst v63  }
0x80: {  	s22 =	rddreg [dreg:$0x10];
	s3 =	simm.s32 $0x480  }
0x81: {  	[tilespmem:s3], [sflag:$0xF] =	stream.linear.gather [hbm4b:s22+s8], $0x28, $0x38;
	[tilespmem:$0x1A880] =	vst v63  }
0x82: {  	s26 =	rddreg [dreg:$0x12];
	s2 =	simm.s32 $0x800;
	s4 =	simm.s32 $0x6  }
0x83: {  	[tilespmem:s2], [sflag:$0x1] =	stream.linear.gather [hbm4b:s26+s8], $0x28, $0x38;
	[tilespmem:$0x1A880] =	vst v63  }
0x84: {  	_ =	swait.ge [sflag:s4], $0x28  }
0x85: {  	[sflag:s4] =	ssyncset.done $0x0  }
0x86: {  	[sflag:s4] =	ssyncadd.s32 $0xFFFFFFD8  }
0x87: {  	[tilespmem:s28], [sflag:$0x1] =	stream.indirect.gather [hbm4b:s1+s7], $0x80, s8, s7, $0xb8;
	[tilespmem:$0x1A880] =	vst v63  }
0x88: {  	s15 =	simm.s32 $0x880;
	s16 =	simm.s32 $0x7;
	s12 =	rddreg [dreg:$0x14]  }
0x89: {  	[tilespmem:s15], [sflag:$0x2] =	stream.linear.gather [hbm4b:s12+s8], $0x28, $0x38;
	[tilespmem:$0x1A880] =	vst v63  }
0x8a: {  	_ =	swait.ge [sflag:s16], $0x28  }
0x8b: {  	[sflag:s16] =	ssyncset.done $0x0  }
0x8c: {  	s17 =	simm.s32 $0x2000;
	[sflag:s16] =	ssyncadd.s32 $0xFFFFFFD8  }
0x8d: {  	[tilespmem:s17], [sflag:$0x2] =	stream.indirect.gather [hbm4b:s1+s7], $0x80, s9, s7, $0xb8;
	[tilespmem:$0x1A880] =	vst v63  }
0x8e: {  	s19 =	simm.s32 $0x8;
	s18 =	rddreg [dreg:$0x16]  }
0x8f: {  	[tilespmem:s25], [sflag:$0x3] =	stream.linear.gather [hbm4b:s18+s8], $0x28, $0x38;
	[tilespmem:$0x1A880] =	vst v63  }
0x90: {  	_ =	swait.ge [sflag:s19], $0x28  }
0x91: {  	[sflag:s19] =	ssyncset.done $0x0  }
0x92: {  	[sflag:s19] =	ssyncadd.s32 $0xFFFFFFD8  }
0x93: {  	[tilespmem:s30], [sflag:$0x3] =	stream.indirect.gather [hbm4b:s1+s7], $0x80, s10, s7, $0xb8;
	[tilespmem:$0x1A880] =	vst v63  }
0x94: {  	s16 =	simm.s32 $0x980;
	s25 =	simm.s32 $0x9;
	s22 =	rddreg [dreg:$0x18]  }
0x95: {  	[tilespmem:s16], [sflag:$0x4] =	stream.linear.gather [hbm4b:s22+s8], $0x28, $0x38;
	[tilespmem:$0x1A880] =	vst v63  }
0x96: {  	_ =	swait.ge [sflag:s25], $0x28  }
0x97: {  	[sflag:s25] =	ssyncset.done $0x0  }
0x98: {  	s19 =	simm.s32 $0x4800;
	[sflag:s25] =	ssyncadd.s32 $0xFFFFFFD8  }
0x99: {  	[tilespmem:s19], [sflag:$0x4] =	stream.indirect.gather [hbm4b:s1+s7], $0x80, s11, s7, $0xb8;
	[tilespmem:$0x1A880] =	vst v63  }
0x9a: {  	s30 =	simm.s32 $0xA;
	s26 =	rddreg [dreg:$0x1a]  }
0x9b: {  	[tilespmem:s20], [sflag:$0x5] =	stream.linear.gather [hbm4b:s26+s8], $0x28, $0x38;
	[tilespmem:$0x1A880] =	vst v63  }
0x9c: {  	_ =	swait.ge [sflag:s30], $0x28  }
0x9d: {  	s0 =	sld [smem:$0x7FB]  }
0x9e: {  	[sflag:s30] =	ssyncset.done $0x0;
	s4 =	sld [smem:$0x7FA]  }
0x9f: {  	s3 =	simm.s32 $0x0;
	s17 =	sld [smem:$0x7F4];
	[sflag:s30] =	ssyncadd.s32 $0xFFFFFFD8  }
0xa0: {  	[tilespmem:s21], [sflag:$0x5] =	stream.indirect.gather [hbm4b:s1+s7], $0x80, s14, s7, $0xb8;
	[tilespmem:$0x1A880] =	vst v63  }
.LBB2_8:
0xa1: {  	_ =	swait.ge [sflag:s23], $0x1400  }
0xa2: {  	[sflag:s23] =	ssyncset.done $0x0  }
0xa3: {  	[sflag:s23] =	ssyncadd.s32 $0xFFFFEC00  }
0xa4: {  	_ =	swait.ge [sflag:s23], $0x28  }
0xa5: {  	p1 =	seq.s32 s8, $0x0;
	[sflag:s23] =	ssyncset.done $0x0  }
0xa6: {  	s9 =	simm.s32 @p1 $0x28;
	[sflag:s23] =	ssyncadd.s32 $0xFFFFFFD8  }
0xa7: {  	s10 =	simm.s32 @p1 $0x800;
	s18 =	simm.s32 @p1 $0xC00;
	s15 =	rddreg [dreg:$0x2]  }
0xa8: {  	[spmem:s15] =	stream.indirect.scatter.add.f32 @p1 [tilespmem:s18], [sflag:$0x10], $0x80, s10, s9, $0xb8;
	[tilespmem:$0x1A880] =	vst v63  }
0xa9: {  	s9 =	simm.s32 @!p1 $0x10  }
0xaa: {  	_ =	swait.ge @!p1 [sflag:s9], $0x1400  }
0xab: {  	s10 =	simm.s32 @!p1 $0x800;
	[sflag:s9] =	ssyncset.done @!p1 $0x0  }
0xac: {  	s18 =	simm.s32 @!p1 $0xC00;
	[sflag:s9] =	ssyncadd.s32 @!p1 $0xFFFFEC00;
	s9 =	simm.s32 @!p1 $0x28  }
0xad: {  	[spmem:s15] =	stream.indirect.scatter.add.f32 @!p1 [tilespmem:s18], [sflag:$0x10], $0x80, s10, s9, $0xb8;
	[tilespmem:$0x1A880] =	vst v63  }
0xae: {  	s10 =	simm.s32 @!p1 $0x0;
	s18 =	simm.s32 @!p1 $0xA00  }
0xaf: {  	[tilespmem:s18], [sflag:$0x5] =	stream.linear.gather @!p1 [hbm4b:s0+s10], $0x28, $0x38;
	[tilespmem:$0x1A880] =	vst v63  }
0xb0: {  	s18 =	simm.s32 @!p1 $0xA  }
0xb1: {  	_ =	swait.ge @!p1 [sflag:s18], $0x28  }
0xb2: {  	[sflag:s18] =	ssyncset.done @!p1 $0x0  }
0xb3: {  	s20 =	simm.s32 @!p1 $0x5C00;
	[sflag:s18] =	ssyncadd.s32 @!p1 $0xFFFFFFD8;
	s18 =	simm.s32 @!p1 $0x200  }
0xb4: {  	[tilespmem:s20], [sflag:$0x5] =	stream.indirect.gather @!p1 [hbm4b:s1+s9], $0x80, s18, s9, $0xb8;
	[tilespmem:$0x1A880] =	vst v63  }
0xb5: {  	s25 =	simm.s32 $0x2;
	s9 =	simm.s32 @!p1 $0x480  }
0xb6: {  	[tilespmem:s9], [sflag:$0xF] =	stream.linear.gather @!p1 [hbm4b:s4+s10], $0x28, $0x38;
	[tilespmem:$0x1A880] =	vst v63  }
0xb7: {  	_ =	swait.ge [sflag:s25], $0x1400  }
0xb8: {  	[sflag:s25] =	ssyncset.done $0x0  }
0xb9: {  	[sflag:s25] =	ssyncadd.s32 $0xFFFFEC00  }
0xba: {  	_ =	swait.ge [sflag:s25], $0x28  }
0xbb: {  	[sflag:s25] =	ssyncset.done $0x0  }
0xbc: {  	s2 =	smov.u32 s0;
	s22 =	smov.u32 s4;
	[sflag:s25] =	ssyncadd.s32 $0xFFFFFFD8  }
0xbd: {  	s12 =	simm.s32 $0x2000;
	s18 =	smov.u32 s8;
	_ =	swait.ge [sflag:s29], $0x1400  }
0xbe: {  	s18 =	simm.s32 @p1 $0x0;
	[sflag:s29] =	ssyncset.done $0x0;
	s26 =	rddreg [dreg:$0x6]  }
0xbf: {  	s4 =	simm.s32 $0x880;
	[sflag:s29] =	ssyncadd.s32 $0xFFFFEC00;
	s0 =	sadd.s32 s18, s26  }
0xc0: {  	[spmem:s15] =	stream.indirect.scatter.add.f32 [tilespmem:s12], [sflag:$0x10], $0x80, s4, s7, $0xb8;
	[tilespmem:$0x1A880] =	vst v63  }
0xc1: {  	s9 =	sshrl.u32 s0, $0x3  }
0xc2: {  	s11 =	simm.s32 $0x800;
	s10 =	simm.s32 $0xB;
	s9 =	sadd.s32 s6, s9  }
0xc3: {  	[tilespmem:s11], [sflag:$0x1] =	stream.linear.gather [hbm4b:s9+s3], $0x28, $0x38;
	[tilespmem:$0x1A880] =	vst v63  }
0xc4: {  	_ =	swait.ge [sflag:s10], $0x28  }
0xc5: {  	p1 =	seq.s32 s8, $0x2580;
	[sflag:s10] =	ssyncset.done $0x0;
	s0 =	rddreg [dreg:$0x1b]  }
0xc6: {  	s14 =	simm.s32 $0x280;
	[sflag:s10] =	ssyncadd.s32 $0xFFFFFFD8;
	s9 =	sadd.s32 @!p1 s18, s0  }
0xc7: {  	[tilespmem:s28], [sflag:$0x1] =	stream.indirect.gather [hbm4b:s1+s7], $0x80, s14, s7, $0xb8;
	[tilespmem:$0x1A880] =	vst v63  }
0xc8: {  	s9 =	sshrl.u32 @!p1 s9, $0x3  }
0xc9: {  	s21 =	simm.s32 @!p1 $0x0;
	s10 =	sadd.s32 @!p1 s5, s9  }
0xca: {  	[tilespmem:s21], [sflag:$0x6] =	stream.linear.gather @!p1 [hbm4b:s10+s21], $0x28, $0x38;
	[tilespmem:$0x1A880] =	vst v63  }
0xcb: {  	_ =	swait.ge [sflag:s31], $0x1400  }
0xcc: {  	[sflag:s31] =	ssyncset.done $0x0  }
0xcd: {  	[sflag:s31] =	ssyncadd.s32 $0xFFFFEC00  }
0xce: {  	_ =	swait.ge [sflag:s31], $0x28  }
0xcf: {  	[sflag:s31] =	ssyncset.done $0x0  }
0xd0: {  	[sflag:s31] =	ssyncadd.s32 $0xFFFFFFD8  }
0xd1: {  	_ =	swait.ge [sflag:s29], $0x1400  }
0xd2: {  	s20 =	simm.s32 $0x900;
	[sflag:s29] =	ssyncset.done $0x0;
	s26 =	rddreg [dreg:$0x7]  }
0xd3: {  	s25 =	simm.s32 $0x3400;
	[sflag:s29] =	ssyncadd.s32 $0xFFFFEC00;
	s0 =	sadd.s32 s18, s26  }
0xd4: {  	[spmem:s15] =	stream.indirect.scatter.add.f32 [tilespmem:s25], [sflag:$0x10], $0x80, s20, s7, $0xb8;
	[tilespmem:$0x1A880] =	vst v63  }
0xd5: {  	s10 =	sshrl.u32 s0, $0x3  }
0xd6: {  	s10 =	sadd.s32 s6, s10  }
0xd7: {  	[tilespmem:s4], [sflag:$0x2] =	stream.linear.gather [hbm4b:s10+s3], $0x28, $0x38;
	[tilespmem:$0x1A880] =	vst v63  }
0xd8: {  	s4 =	simm.s32 $0xC  }
0xd9: {  	_ =	swait.ge [sflag:s4], $0x28  }
0xda: {  	[sflag:s4] =	ssyncset.done $0x0  }
0xdb: {  	s10 =	simm.s32 $0x300;
	s0 =	rddreg [dreg:$0x1c];
	[sflag:s4] =	ssyncadd.s32 $0xFFFFFFD8  }
0xdc: {  	[tilespmem:s12], [sflag:$0x2] =	stream.indirect.gather [hbm4b:s1+s7], $0x80, s10, s7, $0xb8;
	[tilespmem:$0x1A880] =	vst v63  }
0xdd: {  	s10 =	sadd.s32 @!p1 s18, s0  }
0xde: {  	s20 =	sshrl.u32 @!p1 s10, $0x3  }
0xdf: {  	s0 =	simm.s32 @!p1 $0x80;
	s12 =	simm.s32 $0x4;
	s10 =	sadd.s32 @!p1 s5, s20  }
0xe0: {  	[tilespmem:s0], [sflag:$0x7] =	stream.linear.gather @!p1 [hbm4b:s10+s21], $0x28, $0x38;
	[tilespmem:$0x1A880] =	vst v63  }
0xe1: {  	_ =	swait.ge [sflag:s12], $0x1400  }
0xe2: {  	[sflag:s12] =	ssyncset.done $0x0  }
0xe3: {  	[sflag:s12] =	ssyncadd.s32 $0xFFFFEC00  }
0xe4: {  	_ =	swait.ge [sflag:s12], $0x28  }
0xe5: {  	[sflag:s12] =	ssyncset.done $0x0  }
0xe6: {  	[sflag:s12] =	ssyncadd.s32 $0xFFFFFFD8  }
0xe7: {  	_ =	swait.ge [sflag:s29], $0x1400  }
0xe8: {  	[sflag:s29] =	ssyncset.done $0x0;
	s26 =	rddreg [dreg:$0x8]  }
0xe9: {  	[sflag:s29] =	ssyncadd.s32 $0xFFFFEC00;
	s0 =	sadd.s32 s18, s26  }
0xea: {  	[spmem:s15] =	stream.indirect.scatter.add.f32 [tilespmem:s19], [sflag:$0x10], $0x80, s16, s7, $0xb8;
	[tilespmem:$0x1A880] =	vst v63  }
0xeb: {  	s10 =	sshrl.u32 s0, $0x3  }
0xec: {  	s14 =	simm.s32 $0x900;
	s4 =	simm.s32 $0xD;
	s10 =	sadd.s32 s6, s10  }
0xed: {  	[tilespmem:s14], [sflag:$0x3] =	stream.linear.gather [hbm4b:s10+s3], $0x28, $0x38;
	[tilespmem:$0x1A880] =	vst v63  }
0xee: {  	_ =	swait.ge [sflag:s4], $0x28  }
0xef: {  	s25 =	simm.s32 $0x3400;
	[sflag:s4] =	ssyncset.done $0x0  }
0xf0: {  	s10 =	simm.s32 $0x380;
	s0 =	rddreg [dreg:$0x1d];
	[sflag:s4] =	ssyncadd.s32 $0xFFFFFFD8  }
0xf1: {  	[tilespmem:s25], [sflag:$0x3] =	stream.indirect.gather [hbm4b:s1+s7], $0x80, s10, s7, $0xb8;
	[tilespmem:$0x1A880] =	vst v63  }
0xf2: {  	s10 =	sadd.s32 @!p1 s18, s0  }
0xf3: {  	s26 =	sshrl.u32 @!p1 s10, $0x3  }
0xf4: {  	s0 =	simm.s32 @!p1 $0x100;
	s10 =	sadd.s32 @!p1 s5, s26  }
0xf5: {  	[tilespmem:s0], [sflag:$0x8] =	stream.linear.gather @!p1 [hbm4b:s10+s21], $0x28, $0x38;
	[tilespmem:$0x1A880] =	vst v63  }
0xf6: {  	_ =	swait.ge [sflag:s13], $0x1400  }
0xf7: {  	[sflag:s13] =	ssyncset.done $0x0  }
0xf8: {  	[sflag:s13] =	ssyncadd.s32 $0xFFFFEC00  }
0xf9: {  	_ =	swait.ge [sflag:s13], $0x28  }
0xfa: {  	[sflag:s13] =	ssyncset.done $0x0  }
0xfb: {  	[sflag:s13] =	ssyncadd.s32 $0xFFFFFFD8  }
0xfc: {  	_ =	swait.ge [sflag:s29], $0x1400  }
0xfd: {  	s12 =	simm.s32 $0xA00;
	[sflag:s29] =	ssyncset.done $0x0;
	s25 =	rddreg [dreg:$0xc]  }
0xfe: {  	s14 =	simm.s32 $0x5C00;
	[sflag:s29] =	ssyncadd.s32 $0xFFFFEC00;
	s0 =	sadd.s32 s18, s25  }
0xff: {  	[spmem:s15] =	stream.indirect.scatter.add.f32 [tilespmem:s14], [sflag:$0x10], $0x80, s12, s7, $0xb8;
	[tilespmem:$0x1A880] =	vst v63  }
0x100: {  	s10 =	sshrl.u32 s0, $0x3  }
0x101: {  	s10 =	sadd.s32 s6, s10  }
0x102: {  	[tilespmem:s16], [sflag:$0x4] =	stream.linear.gather [hbm4b:s10+s3], $0x28, $0x38;
	[tilespmem:$0x1A880] =	vst v63  }
0x103: {  	s10 =	simm.s32 $0xE  }
0x104: {  	_ =	swait.ge [sflag:s10], $0x28  }
0x105: {  	[sflag:s10] =	ssyncset.done $0x0  }
0x106: {  	[sflag:s10] =	ssyncadd.s32 $0xFFFFFFD8;
	s10 =	sadd.s32 @!p1 s18, s17  }
0x107: {  	[tilespmem:s19], [sflag:$0x4] =	stream.indirect.gather [hbm4b:s1+s7], $0x80, s24, s7, $0xb8;
	[tilespmem:$0x1A880] =	vst v63  }
0x108: {  	s10 =	sshrl.u32 @!p1 s10, $0x3  }
0x109: {  	s24 =	simm.s32 @!p1 $0x180;
	s10 =	sadd.s32 @!p1 s5, s10  }
0x10a: {  	[tilespmem:s24], [sflag:$0x9] =	stream.linear.gather @!p1 [hbm4b:s10+s21], $0x28, $0x38;
	[tilespmem:$0x1A880] =	vst v63  }
0x10b: {  	_ =	swait.ge [sflag:s23], $0x1400  }
0x10c: {  	[sflag:s23] =	ssyncset.done $0x0  }
0x10d: {  	[sflag:s23] =	ssyncadd.s32 $0xFFFFEC00  }
0x10e: {  	_ =	swait.ge [sflag:s23], $0x28  }
0x10f: {  	[sflag:s23] =	ssyncset.done $0x0  }
0x110: {  	[sflag:s23] =	ssyncadd.s32 $0xFFFFFFD8  }
0x111: {  	_ =	swait.ge [sflag:s29], $0x1400  }
0x112: {  	[sflag:s29] =	ssyncset.done $0x0  }
0x113: {  	[sflag:s29] =	ssyncadd.s32 $0xFFFFEC00  }
0x114: {  	[spmem:s15] =	stream.indirect.scatter.add.f32 [tilespmem:s28], [sflag:$0x10], $0x80, s11, s7, $0xb8;
	[tilespmem:$0x1A880] =	vst v63  }
0x115: {  	s11 =	rddreg [dreg:$0xd]  }
0x116: {  	s14 =	sadd.s32 s18, s11  }
0x117: {  	s10 =	sshrl.u32 s14, $0x3  }
0x118: {  	s4 =	simm.s32 $0xA00;
	s16 =	simm.s32 $0xF;
	s10 =	sadd.s32 s6, s10  }
0x119: {  	[tilespmem:s4], [sflag:$0x5] =	stream.linear.gather [hbm4b:s10+s3], $0x28, $0x38;
	[tilespmem:$0x1A880] =	vst v63  }
0x11a: {  	_ =	swait.ge [sflag:s16], $0x28  }
0x11b: {  	s12 =	simm.s32 $0x5C00;
	[sflag:s16] =	ssyncset.done $0x0  }
0x11c: {  	s19 =	simm.s32 $0x480;
	s10 =	simm.s32 @p1 $0x2;
	[sflag:s16] =	ssyncadd.s32 $0xFFFFFFD8  }
0x11d: {  	[tilespmem:s12], [sflag:$0x5] =	stream.indirect.gather [hbm4b:s1+s7], $0x80, s19, s7, $0xb8;
	[tilespmem:$0x1A880] =	vst v63  }
0x11e: {  	_ =	swait.ge @p1 [sflag:s10], $0x1400  }
0x11f: {  	[sflag:s10] =	ssyncset.done @p1 $0x0  }
0x120: {  	[sflag:s10] =	ssyncadd.s32 @p1 $0xFFFFEC00  }
0x121: {  	_ =	swait.ge @p1 [sflag:s10], $0x28  }
0x122: {  	[sflag:s10] =	ssyncset.done @p1 $0x0  }
0x123: {  	s19 =	simm.s32 @p1 $0x10;
	[sflag:s10] =	ssyncadd.s32 @p1 $0xFFFFFFD8  }
0x124: {  	_ =	swait.ge @p1 [sflag:s19], $0x1400  }
0x125: {  	s24 =	simm.s32 @p1 $0x2000;
	s11 =	simm.s32 @p1 $0x28;
	[sflag:s19] =	ssyncset.done @p1 $0x0  }
0x126: {  	s10 =	simm.s32 @p1 $0x880;
	s0 =	rddreg [dreg:$0x1e];
	[sflag:s19] =	ssyncadd.s32 @p1 $0xFFFFEC00  }
0x127: {  	[spmem:s15] =	stream.indirect.scatter.add.f32 @p1 [tilespmem:s24], [sflag:$0x10], $0x80, s10, s11, $0xb8;
	[tilespmem:$0x1A880] =	vst v63  }
0x128: {  	s10 =	sadd.s32 @!p1 s18, s0  }
0x129: {  	s10 =	sshrl.u32 @!p1 s10, $0x3  }
0x12a: {  	s24 =	simm.s32 @!p1 $0x200;
	s10 =	sadd.s32 @!p1 s5, s10  }
0x12b: {  	[tilespmem:s24], [sflag:$0xA] =	stream.linear.gather @!p1 [hbm4b:s10+s21], $0x28, $0x38;
	[tilespmem:$0x1A880] =	vst v63  }
0x12c: {  	s10 =	simm.s32 @!p1 $0x2  }
0x12d: {  	_ =	swait.ge @!p1 [sflag:s10], $0x1400  }
0x12e: {  	[sflag:s10] =	ssyncset.done @!p1 $0x0  }
0x12f: {  	[sflag:s10] =	ssyncadd.s32 @!p1 $0xFFFFEC00  }
0x130: {  	_ =	swait.ge @!p1 [sflag:s10], $0x28  }
0x131: {  	[sflag:s10] =	ssyncset.done @!p1 $0x0  }
0x132: {  	[sflag:s10] =	ssyncadd.s32 @!p1 $0xFFFFFFD8;
	s10 =	simm.s32 @!p1 $0x10  }
0x133: {  	_ =	swait.ge @!p1 [sflag:s10], $0x1400  }
0x134: {  	s14 =	simm.s32 @!p1 $0x2000;
	[sflag:s10] =	ssyncset.done @!p1 $0x0  }
0x135: {  	s0 =	simm.s32 @!p1 $0x880;
	s24 =	simm.s32 @!p1 $0x28;
	[sflag:s10] =	ssyncadd.s32 @!p1 $0xFFFFEC00  }
0x136: {  	[spmem:s15] =	stream.indirect.scatter.add.f32 @!p1 [tilespmem:s14], [sflag:$0x10], $0x80, s0, s24, $0xb8;
	[tilespmem:$0x1A880] =	vst v63  }
0x137: {  	s9 =	sadd.s32 @!p1 s6, s9;
	s3 =	smov.u32 s17;
	s17 =	simm.s32 @!p1 $0x800  }
0x138: {  	[tilespmem:s17], [sflag:$0x1] =	stream.linear.gather @!p1 [hbm4b:s9+s21], $0x28, $0x38;
	[tilespmem:$0x1A880] =	vst v63  }
0x139: {  	s9 =	simm.s32 @!p1 $0x6  }
0x13a: {  	_ =	swait.ge @!p1 [sflag:s9], $0x28  }
0x13b: {  	[sflag:s9] =	ssyncset.done @!p1 $0x0  }
0x13c: {  	[sflag:s9] =	ssyncadd.s32 @!p1 $0xFFFFFFD8;
	s9 =	simm.s32 @!p1 $0xC00  }
0x13d: {  	[tilespmem:s9], [sflag:$0x1] =	stream.indirect.gather @!p1 [hbm4b:s1+s24], $0x80, s21, s24, $0xb8;
	[tilespmem:$0x1A880] =	vst v63  }
0x13e: {  	s9 =	rddreg [dreg:$0x1f]  }
0x13f: {  	s9 =	sadd.s32 @!p1 s18, s9  }
0x140: {  	s9 =	sshrl.u32 @!p1 s9, $0x3  }
0x141: {  	s17 =	simm.s32 @!p1 $0x280;
	s9 =	sadd.s32 @!p1 s5, s9  }
0x142: {  	[tilespmem:s17], [sflag:$0xB] =	stream.linear.gather @!p1 [hbm4b:s9+s21], $0x28, $0x38;
	[tilespmem:$0x1A880] =	vst v63  }
0x143: {  	_ =	swait.ge [sflag:s31], $0x1400  }
0x144: {  	[sflag:s31] =	ssyncset.done $0x0  }
0x145: {  	[sflag:s31] =	ssyncadd.s32 $0xFFFFEC00  }
0x146: {  	_ =	swait.ge [sflag:s31], $0x28  }
0x147: {  	[sflag:s31] =	ssyncset.done $0x0  }
0x148: {  	[sflag:s31] =	ssyncadd.s32 $0xFFFFFFD8  }
0x149: {  	_ =	swait.ge [sflag:s29], $0x1400  }
0x14a: {  	[sflag:s29] =	ssyncset.done $0x0  }
0x14b: {  	s9 =	simm.s32 $0x900;
	s17 =	simm.s32 $0x3400;
	[sflag:s29] =	ssyncadd.s32 $0xFFFFEC00  }
0x14c: {  	[spmem:s15] =	stream.indirect.scatter.add.f32 [tilespmem:s17], [sflag:$0x10], $0x80, s9, s7, $0xb8;
	[tilespmem:$0x1A880] =	vst v63  }
0x14d: {  	s9 =	simm.s32 @p1 $0x4  }
0x14e: {  	_ =	swait.ge @p1 [sflag:s9], $0x1400  }
0x14f: {  	[sflag:s9] =	ssyncset.done @p1 $0x0  }
0x150: {  	[sflag:s9] =	ssyncadd.s32 @p1 $0xFFFFEC00  }
0x151: {  	_ =	swait.ge @p1 [sflag:s9], $0x28  }
0x152: {  	[sflag:s9] =	ssyncset.done @p1 $0x0  }
0x153: {  	[sflag:s9] =	ssyncadd.s32 @p1 $0xFFFFFFD8  }
0x154: {  	_ =	swait.ge @p1 [sflag:s19], $0x1400  }
0x155: {  	[sflag:s19] =	ssyncset.done @p1 $0x0  }
0x156: {  	s17 =	simm.s32 @p1 $0x4800;
	s9 =	simm.s32 @p1 $0x980;
	[sflag:s19] =	ssyncadd.s32 @p1 $0xFFFFEC00  }
0x157: {  	[spmem:s15] =	stream.indirect.scatter.add.f32 @p1 [tilespmem:s17], [sflag:$0x10], $0x80, s9, s11, $0xb8;
	[tilespmem:$0x1A880] =	vst v63  }
0x158: {  	s9 =	sadd.s32 @!p1 s6, s20  }
0x159: {  	[tilespmem:s0], [sflag:$0x2] =	stream.linear.gather @!p1 [hbm4b:s9+s21], $0x28, $0x38;
	[tilespmem:$0x1A880] =	vst v63  }
0x15a: {  	s0 =	simm.s32 @!p1 $0x7  }
0x15b: {  	_ =	swait.ge @!p1 [sflag:s0], $0x28  }
0x15c: {  	[sflag:s0] =	ssyncset.done @!p1 $0x0  }
0x15d: {  	[sflag:s0] =	ssyncadd.s32 @!p1 $0xFFFFFFD8;
	s0 =	simm.s32 @!p1 $0x80  }
0x15e: {  	[tilespmem:s14], [sflag:$0x2] =	stream.indirect.gather @!p1 [hbm4b:s1+s24], $0x80, s0, s24, $0xb8;
	[tilespmem:$0x1A880] =	vst v63  }
0x15f: {  	s0 =	sld [smem:$0x7F5];
	_ =	sdelay $0x2  }
0x160: {  	s0 =	sadd.s32 @!p1 s18, s0  }
0x161: {  	s0 =	sshrl.u32 @!p1 s0, $0x3  }
0x162: {  	s9 =	simm.s32 @!p1 $0x300;
	s0 =	sadd.s32 @!p1 s5, s0  }
0x163: {  	[tilespmem:s9], [sflag:$0xC] =	stream.linear.gather @!p1 [hbm4b:s0+s21], $0x28, $0x38;
	[tilespmem:$0x1A880] =	vst v63  }
0x164: {  	s0 =	simm.s32 @!p1 $0x4  }
0x165: {  	_ =	swait.ge @!p1 [sflag:s0], $0x1400  }
0x166: {  	[sflag:s0] =	ssyncset.done @!p1 $0x0  }
0x167: {  	[sflag:s0] =	ssyncadd.s32 @!p1 $0xFFFFEC00  }
0x168: {  	_ =	swait.ge @!p1 [sflag:s0], $0x28  }
0x169: {  	[sflag:s0] =	ssyncset.done @!p1 $0x0  }
0x16a: {  	[sflag:s0] =	ssyncadd.s32 @!p1 $0xFFFFFFD8  }
0x16b: {  	_ =	swait.ge @!p1 [sflag:s10], $0x1400  }
0x16c: {  	[sflag:s10] =	ssyncset.done @!p1 $0x0  }
0x16d: {  	s9 =	simm.s32 @!p1 $0x4800;
	s0 =	simm.s32 @!p1 $0x980;
	[sflag:s10] =	ssyncadd.s32 @!p1 $0xFFFFEC00  }
0x16e: {  	[spmem:s15] =	stream.indirect.scatter.add.f32 @!p1 [tilespmem:s9], [sflag:$0x10], $0x80, s0, s24, $0xb8;
	[tilespmem:$0x1A880] =	vst v63  }
0x16f: {  	s0 =	sadd.s32 @!p1 s6, s26;
	s9 =	simm.s32 @!p1 $0x900  }
0x170: {  	[tilespmem:s9], [sflag:$0x3] =	stream.linear.gather @!p1 [hbm4b:s0+s21], $0x28, $0x38;
	[tilespmem:$0x1A880] =	vst v63  }
0x171: {  	s0 =	simm.s32 @!p1 $0x8  }
0x172: {  	_ =	swait.ge @!p1 [sflag:s0], $0x28  }
0x173: {  	[sflag:s0] =	ssyncset.done @!p1 $0x0  }
0x174: {  	s9 =	simm.s32 @!p1 $0x100;
	[sflag:s0] =	ssyncadd.s32 @!p1 $0xFFFFFFD8;
	s0 =	simm.s32 @!p1 $0x3400  }
0x175: {  	[tilespmem:s0], [sflag:$0x3] =	stream.indirect.gather @!p1 [hbm4b:s1+s24], $0x80, s9, s24, $0xb8;
	[tilespmem:$0x1A880] =	vst v63  }
0x176: {  	s0 =	sld [smem:$0x7F6];
	_ =	sdelay $0x2  }
0x177: {  	s0 =	sadd.s32 @!p1 s18, s0  }
0x178: {  	s0 =	sshrl.u32 @!p1 s0, $0x3  }
0x179: {  	s9 =	simm.s32 @!p1 $0x380;
	s0 =	sadd.s32 @!p1 s5, s0  }
0x17a: {  	[tilespmem:s9], [sflag:$0xD] =	stream.linear.gather @!p1 [hbm4b:s0+s21], $0x28, $0x38;
	[tilespmem:$0x1A880] =	vst v63  }
0x17b: {  	_ =	swait.ge [sflag:s13], $0x1400  }
0x17c: {  	[sflag:s13] =	ssyncset.done $0x0  }
0x17d: {  	[sflag:s13] =	ssyncadd.s32 $0xFFFFEC00  }
0x17e: {  	_ =	swait.ge [sflag:s13], $0x28  }
0x17f: {  	s30 =	simm.s32 $0x3400;
	s25 =	simm.s32 $0x900;
	[sflag:s13] =	ssyncset.done $0x0  }
.Ltmp7:
0x180: {  	s4 =	simm.s32 $0x980;
	[sflag:s13] =	ssyncadd.s32 $0xFFFFFFD8;
	(pc) =	sbr.rel @p1 .LBB2_10-.Ltmp7, $4  }
0x181: {  	s16 =	simm.s32 $0x0;
	s12 =	simm.s32 $0x4800;
	_ =	swait.ge [sflag:s29], $0x1400  }
0x182: {  	s20 =	simm.s32 $0xA00;
	s26 =	simm.s32 $0x5C00;
	[sflag:s29] =	ssyncset.done $0x0  }
0x183: {  	s24 =	simm.s32 $0xA00;
	s21 =	simm.s32 $0x5C00;
	[sflag:s29] =	ssyncadd.s32 $0xFFFFEC00  }
0x184: {  	[spmem:s15] =	stream.indirect.scatter.add.f32 [tilespmem:s26], [sflag:$0x10], $0x80, s24, s7, $0xb8;
	[tilespmem:$0x1A880] =	vst v63  }
0x185: {  	s0 =	sadd.s32 s18, s3  }
0x186: {  	s0 =	sshrl.u32 s0, $0x3  }
0x187: {  	s24 =	simm.s32 $0x9;
	s0 =	sadd.s32 s6, s0  }
0x188: {  	[tilespmem:s4], [sflag:$0x4] =	stream.linear.gather [hbm4b:s0+s16], $0x28, $0x38;
	[tilespmem:$0x1A880] =	vst v63  }
0x189: {  	_ =	swait.ge [sflag:s24], $0x28  }
0x18a: {  	[sflag:s24] =	ssyncset.done $0x0;
	s26 =	sld [smem:$0x7F7]  }
0x18b: {  	s25 =	simm.s32 $0x180;
	s30 =	simm.s32 $0x400;
	[sflag:s24] =	ssyncadd.s32 $0xFFFFFFD8  }
0x18c: {  	[tilespmem:s12], [sflag:$0x4] =	stream.indirect.gather [hbm4b:s1+s7], $0x80, s25, s7, $0xb8;
	[tilespmem:$0x1A880] =	vst v63  }
.Ltmp8:
0x18d: {  	s8 =	sadd.s32 $0x190, s8;
	s0 =	sadd.s32 s18, s26;
	(pc) =	sbr.rel .LBB2_8-.Ltmp8, $4  }
0x18e: {  	s17 =	smov.u32 s3;
	s3 =	simm.s32 $0x0;
	s0 =	sshrl.u32 s0, $0x3  }
0x18f: {  	s19 =	simm.s32 $0x4800;
	s4 =	sadd.s32 $0x32, s22;
	s0 =	sadd.s32 s5, s0  }
0x190: {  	[tilespmem:s30], [sflag:$0xE] =	stream.linear.gather [hbm4b:s0+s16], $0x28, $0x38;
	[tilespmem:$0x1A880] =	vst v63  }
0x191: {  	s24 =	simm.s32 $0x400;
	s0 =	sadd.s32 $0x32, s2;
	s16 =	simm.s32 $0x980  }
.LBB2_11:
0x192: {  	_ =	sfence.sel $0x180000  }
0x193: {  	[bflag:$0x0] =	sbarrier.arrive $0xFFFF  }
0x194: {  	_ =	strace $0x9000004A  }
0x195: {  	s0 =	stileid.u32;
	[bflag:$0x2] =	sbarrier.arrive $0xFFFF  }
0x196: {  	p0 =	sne.s32 s0, $0x0;
	s0 =	rddreg [dreg:$0x3]  }
0x197: {  	s0 =	sadd.s32 @!p0 $0x100000, s0  }
0x198: {  	[sflag:s0] =	ssyncadd.tile.s32 @!p0 $0x1;
	_ =	shalt  }
.Lfunc_end2:
_tile_overlayer_lowered:
.L_overlay_start_2:
0x199: {  	(tag) =	ssettag $0x2  }
0x19a: {  	s0 =	rddreg [dreg:$0x0];
	s2 =	stileid.u32  }
0x19b: {  	s1 =	rddreg [dreg:$0x1];
	p0 =	sne.s32 s2, $0x0  }
0x19c: {  	s3 =	rddreg [dreg:$0x2];
	[bflag:$0x3] =	sbarrier.arrive $0xFFFF;
	s2 =	simm.s32 @!p0 $0x1C11  }
0x19d: {  	[timem:s3], [sflag:s2] =	dma.local @!p0 [hbm:s0], s1  }
0x19e: {  	s0 =	simm.s32 @!p0 $0x11  }
0x19f: {  	_ =	swait.ge @!p0 [sflag:s0], s1  }
0x1a0: {  	s1 =	ssub.s32 @!p0 $0x0, s1;
	[sflag:s0] =	ssyncset.done @!p0 $0x0  }
0x1a1: {  	[sflag:s0] =	ssyncadd.s32 @!p0 s1  }
0x1a2: {  	[bflag:$0x3] =	sbarrier.arrive $0xFFFF  }
0x1a3: {  	_ =	shalt  }

</sc_bundles>
